<compile_context>
chip_gen: v7x
topology: tpu7x:2x2x1
jax: 0.10.2.dev20260603
libtpu: 0.0.44.dev20260713+nightly
codegen_flags: <defaults>
</compile_context>

<pallas_src>
import functools

import jax
import jax.numpy as jnp
from jax import lax
from jax.experimental import pallas as pl
from jax.experimental.pallas import tpu as pltpu
from jax.experimental.pallas import tpu_sc as plsc

_N = 16384
_NSUB = 16
_EPT = _N // _NSUB
_NSLICE = 16
_SCOLS = 128

_mesh = plsc.VectorSubcoreMesh(core_axis_name="c", subcore_axis_name="s")
_params = pltpu.CompilerParams(needs_layout_passes=False)


@functools.partial(
    pl.kernel,
    out_type=[
        jax.ShapeDtypeStruct((16,), jnp.float32),
        jax.ShapeDtypeStruct((_NSLICE, _NSUB, _SCOLS), jnp.float32),
        jax.ShapeDtypeStruct((_NSUB, 32), jnp.float32),
    ],
    mesh=_mesh,
    scratch_types=[
        pltpu.VMEM((_EPT,), jnp.int32),
        pltpu.VMEM((_EPT,), jnp.int32),
        pltpu.VMEM((_NSLICE * _SCOLS,), jnp.float32),
        pltpu.VMEM((_NSUB, _SCOLS), jnp.float32),
        pltpu.VMEM((32,), jnp.float32),
        pltpu.VMEM((_NSUB, 32), jnp.float32),
        pltpu.VMEM((16,), jnp.float32),
        pltpu.SemaphoreType.DMA,
    ],
    compiler_params=_params,
)
def _prec_kernel(yt_hbm, yp_hbm, out_hbm, exch_hbm, parts_hbm,
                 yt_v, yp_v, hist_v, hv, part_v, loc_v, out_v, sem):
    cid = lax.axis_index("c")
    sid = lax.axis_index("s")

    @pl.when(cid == 0)
    def _():
        base = sid * _EPT
        cin = [pltpu.async_copy(yt_hbm.at[pl.ds(base, _EPT)], yt_v, sem),
               pltpu.async_copy(yp_hbm.at[pl.ds(base, _EPT)], yp_v, sem)]

        zeros16 = jnp.zeros((16,), jnp.float32)
        for g in range(_NSLICE * _SCOLS // 16):
            hist_v[pl.ds(g * 16, 16)] = zeros16

        for c in cin:
            c.wait()

        ones16 = jnp.ones((16,), jnp.float32)
        for i in range(_EPT // 16):
            yt = yt_v[pl.ds(i * 16, 16)]
            yp = yp_v[pl.ds(i * 16, 16)]
            hit = jnp.where(yt == yp, 64, 0).astype(jnp.int32)
            bin_ = yp + lax.bitwise_and(yp, -64) + hit
            plsc.addupdate_scatter(hist_v, [bin_], ones16)

        copies = [
            pltpu.async_copy(hist_v.at[pl.ds(s * _SCOLS, _SCOLS)],
                             exch_hbm.at[s, sid], sem)
            for s in range(_NSLICE)
        ]
        for c in copies:
            c.wait()

    plsc.subcore_barrier()

    @pl.when(cid == 0)
    def _():
        c1 = pltpu.async_copy(exch_hbm.at[sid, pl.ds(0, 8)],
                              hv.at[pl.ds(0, 8)], sem)
        c2 = pltpu.async_copy(exch_hbm.at[sid, pl.ds(8, 8)],
                              hv.at[pl.ds(8, 8)], sem)
        zeros16 = jnp.zeros((16,), jnp.float32)
        sumv = zeros16
        cntv = zeros16
        c1.wait()
        accs = []
        for g in range(4):
            miss = zeros16
            tp = zeros16
            for t in range(8):
                miss = miss + hv[t, pl.ds(g * 16, 16)]
                tp = tp + hv[t, pl.ds(64 + g * 16, 16)]
            accs.append((miss, tp))
        c2.wait()
        for g in range(4):
            miss, tp = accs[g]
            for t in range(8, _NSUB):
                miss = miss + hv[t, pl.ds(g * 16, 16)]
                tp = tp + hv[t, pl.ds(64 + g * 16, 16)]
            tot = miss + tp
            hit = tot > 0.0
            prec = jnp.where(hit, tp / jnp.where(hit, tot, 1.0), 0.0)
            sumv = sumv + prec
            cntv = cntv + jnp.where(hit, 1.0, 0.0)
        part_v[pl.ds(0, 16)] = sumv
        part_v[pl.ds(16, 16)] = cntv
        pltpu.sync_copy(part_v, parts_hbm.at[sid])

    plsc.subcore_barrier()

    @pl.when(jnp.logical_and(sid == 0, cid == 0))
    def _():
        pltpu.sync_copy(parts_hbm, loc_v)
        ts = jnp.zeros((16,), jnp.float32)
        tc = jnp.zeros((16,), jnp.float32)
        for t in range(_NSUB):
            ts = ts + loc_v[t, pl.ds(0, 16)]
            tc = tc + loc_v[t, pl.ds(16, 16)]
        total = jnp.sum(ts)
        cnt = jnp.sum(tc)
        out_v[...] = (jnp.full((16,), total, jnp.float32)
                      / jnp.full((16,), cnt, jnp.float32))
        pltpu.sync_copy(out_v, out_hbm)


def kernel(y_true, y_pred):
    out, _, _ = _prec_kernel(y_true.astype(jnp.int32),
                             y_pred.astype(jnp.int32))
    return out[0]

# --- scband reference (transcript-rebuilt; emitter-appended) ---
"""Pipeline reference for scband-precision-19232863552105 (READ-ONLY COPY).

The authoritative reference and input builder live on the scoring server;
editing this copy changes nothing except your own understanding.
"""

import jax, jax.numpy as jnp
import numpy as np

NUM_CLASSES = 1000
N = 16384


def setup_inputs(seed: int = 0) -> dict:
    key = jax.random.key(seed)
    k1, k2 = jax.random.split(key)
    y_true = jax.random.randint(k1, (N,), 0, NUM_CLASSES)
    y_pred = jax.random.randint(k2, (N,), 0, NUM_CLASSES)
    return {"y_true": y_true, "y_pred": y_pred}


def reference(y_true, y_pred):
    n = y_true.shape[0]
    rows = jnp.arange(n)
    # one-hot via scatter-overwrite, matching torch.zeros(...).scatter_(1, idx, 1)
    true_oh = jnp.zeros((n, NUM_CLASSES), dtype=jnp.float32).at[rows, y_true].set(1.0)
    pred_oh = jnp.zeros((n, NUM_CLASSES), dtype=jnp.float32).at[rows, y_pred].set(1.0)
    # use_mean=True branch
    tp = jnp.sum(true_oh * pred_oh, axis=0)
    # ~true_oh.bool() * pred_oh  ==  (1 - true_oh) * pred_oh for one-hot floats
    fp = jnp.sum((1.0 - true_oh) * pred_oh, axis=0)
    prec = tp / (tp + fp)  # classes with tp+fp==0 -> nan, excluded by nanmean
    return jnp.nanmean(prec)

if __name__ == "__main__":
    import jax
    _d = setup_inputs()
    print(jax.jit(kernel)(*tuple(_d.values())))

</pallas_src>

<mosaic_0001>
#map = affine_map<(d0, d1) -> (0)>
#map1 = affine_map<(d0, d1) -> (0, 0, 0)>
#map2 = affine_map<(d0, d1) -> (0, 0)>
module attributes {stable_mosaic.version = 14 : i64} {
  func.func @_prec_kernel(%arg0: i32, %arg1: i32, %arg2: memref<16384xi32, #tpu.memory_space<hbm>>, %arg3: memref<16384xi32, #tpu.memory_space<hbm>>, %arg4: memref<16xf32, #tpu.memory_space<hbm>>, %arg5: memref<16x16x128xf32, #tpu.memory_space<hbm>>, %arg6: memref<16x32xf32, #tpu.memory_space<hbm>>, %arg7: memref<1024xi32, #tpu.memory_space<vmem>>, %arg8: memref<1024xi32, #tpu.memory_space<vmem>>, %arg9: memref<2048xf32, #tpu.memory_space<vmem>>, %arg10: memref<16x128xf32, #tpu.memory_space<vmem>>, %arg11: memref<32xf32, #tpu.memory_space<vmem>>, %arg12: memref<16x32xf32, #tpu.memory_space<vmem>>, %arg13: memref<16xf32, #tpu.memory_space<vmem>>, %arg14: memref<!tpu.dma_semaphore, #tpu.memory_space<semaphore_mem>>) attributes {dimension_semantics = [#tpu.dimension_semantics<core_parallel>, #tpu.dimension_semantics<subcore_parallel>], iteration_bounds = array<i64: 2, 16>, scalar_prefetch = 0 : i64, scratch_operands = 8 : i64, tpu.core_type = #tpu.core_type<sc_vector_subcore>, window_params = [{transform_indices = #map}, {transform_indices = #map}, {transform_indices = #map}, {transform_indices = #map1}, {transform_indices = #map2}]} {
    %eq3A = arith.constant 0 : i32
    %eq3A_0 = arith.cmpi eq, %arg0, %eq3A : i32
    %convert_element_type3A = arith.extui %eq3A_0 : i1 to i32
    %cond3A = arith.constant 0 : i32
    %cond3A_1 = arith.cmpi ne, %convert_element_type3A, %cond3A : i32
    scf.if %cond3A_1 {
      %mul3A = arith.constant 1024 : i32
      %mul3A_15 = arith.muli %arg1, %mul3A : i32
      %dma_start3A = tpu.memref_slice %arg2[%mul3A_15] : memref<16384xi32, #tpu.memory_space<hbm>> -> memref<1024xi32, #tpu.memory_space<hbm>>
      %dma_start3A_16 = tpu.memref_slice %arg2[%mul3A_15] : memref<16384xi32, #tpu.memory_space<hbm>> -> memref<1024xi32, #tpu.memory_space<hbm>>
      tpu.enqueue_dma source(%dma_start3A_16 : memref<1024xi32, #tpu.memory_space<hbm>>) target(%arg7 : memref<1024xi32, #tpu.memory_space<vmem>>) target_semaphore(%arg14 : memref<!tpu.dma_semaphore, #tpu.memory_space<semaphore_mem>>)
      %dma_start3A_17 = tpu.memref_slice %arg3[%mul3A_15] : memref<16384xi32, #tpu.memory_space<hbm>> -> memref<1024xi32, #tpu.memory_space<hbm>>
      %dma_start3A_18 = tpu.memref_slice %arg3[%mul3A_15] : memref<16384xi32, #tpu.memory_space<hbm>> -> memref<1024xi32, #tpu.memory_space<hbm>>
      tpu.enqueue_dma source(%dma_start3A_18 : memref<1024xi32, #tpu.memory_space<hbm>>) target(%arg8 : memref<1024xi32, #tpu.memory_space<vmem>>) target_semaphore(%arg14 : memref<!tpu.dma_semaphore, #tpu.memory_space<semaphore_mem>>)
      %broadcast_in_dim3A = arith.constant 0.000000e+00 : f32
      %broadcast_in_dim3A_19 = vector.broadcast %broadcast_in_dim3A : f32 to vector<16xf32>
      %swap3A = arith.constant 0 : index
      %swap3A_20 = tpu.vector_load %arg9[%swap3A] {strides = array<i32>} : memref<2048xf32, #tpu.memory_space<vmem>>, vector<16xf32>,
      tpu.vector_store %arg9[%swap3A], %broadcast_in_dim3A_19 {strides = array<i32>} : memref<2048xf32, #tpu.memory_space<vmem>>, vector<16xf32>,
      %swap3A_21 = arith.constant 16 : index
      %swap3A_22 = tpu.vector_load %arg9[%swap3A_21] {strides = array<i32>} : memref<2048xf32, #tpu.memory_space<vmem>>, vector<16xf32>,
      tpu.vector_store %arg9[%swap3A_21], %broadcast_in_dim3A_19 {strides = array<i32>} : memref<2048xf32, #tpu.memory_space<vmem>>, vector<16xf32>,
      %swap3A_23 = arith.constant 32 : index
      %swap3A_24 = tpu.vector_load %arg9[%swap3A_23] {strides = array<i32>} : memref<2048xf32, #tpu.memory_space<vmem>>, vector<16xf32>,
      tpu.vector_store %arg9[%swap3A_23], %broadcast_in_dim3A_19 {strides = array<i32>} : memref<2048xf32, #tpu.memory_space<vmem>>, vector<16xf32>,
      %swap3A_25 = arith.constant 48 : index
      %swap3A_26 = tpu.vector_load %arg9[%swap3A_25] {strides = array<i32>} : memref<2048xf32, #tpu.memory_space<vmem>>, vector<16xf32>,
      tpu.vector_store %arg9[%swap3A_25], %broadcast_in_dim3A_19 {strides = array<i32>} : memref<2048xf32, #tpu.memory_space<vmem>>, vector<16xf32>,
      %swap3A_27 = arith.constant 64 : index
      %swap3A_28 = tpu.vector_load %arg9[%swap3A_27] {strides = array<i32>} : memref<2048xf32, #tpu.memory_space<vmem>>, vector<16xf32>,
      tpu.vector_store %arg9[%swap3A_27], %broadcast_in_dim3A_19 {strides = array<i32>} : memref<2048xf32, #tpu.memory_space<vmem>>, vector<16xf32>,
      %swap3A_29 = arith.constant 80 : index
      %swap3A_30 = tpu.vector_load %arg9[%swap3A_29] {strides = array<i32>} : memref<2048xf32, #tpu.memory_space<vmem>>, vector<16xf32>,
      tpu.vector_store %arg9[%swap3A_29], %broadcast_in_dim3A_19 {strides = array<i32>} : memref<2048xf32, #tpu.memory_space<vmem>>, vector<16xf32>,
      %swap3A_31 = arith.constant 96 : index
      %swap3A_32 = tpu.vector_load %arg9[%swap3A_31] {strides = array<i32>} : memref<2048xf32, #tpu.memory_space<vmem>>, vector<16xf32>,
      tpu.vector_store %arg9[%swap3A_31], %broadcast_in_dim3A_19 {strides = array<i32>} : memref<2048xf32, #tpu.memory_space<vmem>>, vector<16xf32>,
      %swap3A_33 = arith.constant 112 : index
      %swap3A_34 = tpu.vector_load %arg9[%swap3A_33] {strides = array<i32>} : memref<2048xf32, #tpu.memory_space<vmem>>, vector<16xf32>,
      tpu.vector_store %arg9[%swap3A_33], %broadcast_in_dim3A_19 {strides = array<i32>} : memref<2048xf32, #tpu.memory_space<vmem>>, vector<16xf32>,
      %swap3A_35 = arith.constant 128 : index
      %swap3A_36 = tpu.vector_load %arg9[%swap3A_35] {strides = array<i32>} : memref<2048xf32, #tpu.memory_space<vmem>>, vector<16xf32>,
      tpu.vector_store %arg9[%swap3A_35], %broadcast_in_dim3A_19 {strides = array<i32>} : memref<2048xf32, #tpu.memory_space<vmem>>, vector<16xf32>,
      %swap3A_37 = arith.constant 144 : index
      %swap3A_38 = tpu.vector_load %arg9[%swap3A_37] {strides = array<i32>} : memref<2048xf32, #tpu.memory_space<vmem>>, vector<16xf32>,
      tpu.vector_store %arg9[%swap3A_37], %broadcast_in_dim3A_19 {strides = array<i32>} : memref<2048xf32, #tpu.memory_space<vmem>>, vector<16xf32>,
      %swap3A_39 = arith.constant 160 : index
      %swap3A_40 = tpu.vector_load %arg9[%swap3A_39] {strides = array<i32>} : memref<2048xf32, #tpu.memory_space<vmem>>, vector<16xf32>,
      tpu.vector_store %arg9[%swap3A_39], %broadcast_in_dim3A_19 {strides = array<i32>} : memref<2048xf32, #tpu.memory_space<vmem>>, vector<16xf32>,
      %swap3A_41 = arith.constant 176 : index
      %swap3A_42 = tpu.vector_load %arg9[%swap3A_41] {strides = array<i32>} : memref<2048xf32, #tpu.memory_space<vmem>>, vector<16xf32>,
      tpu.vector_store %arg9[%swap3A_41], %broadcast_in_dim3A_19 {strides = array<i32>} : memref<2048xf32, #tpu.memory_space<vmem>>, vector<16xf32>,
      %swap3A_43 = arith.constant 192 : index
      %swap3A_44 = tpu.vector_load %arg9[%swap3A_43] {strides = array<i32>} : memref<2048xf32, #tpu.memory_space<vmem>>, vector<16xf32>,
      tpu.vector_store %arg9[%swap3A_43], %broadcast_in_dim3A_19 {strides = array<i32>} : memref<2048xf32, #tpu.memory_space<vmem>>, vector<16xf32>,
      %swap3A_45 = arith.constant 208 : index
      %swap3A_46 = tpu.vector_load %arg9[%swap3A_45] {strides = array<i32>} : memref<2048xf32, #tpu.memory_space<vmem>>, vector<16xf32>,
      tpu.vector_store %arg9[%swap3A_45], %broadcast_in_dim3A_19 {strides = array<i32>} : memref<2048xf32, #tpu.memory_space<vmem>>, vector<16xf32>,
      %swap3A_47 = arith.constant 224 : index
      %swap3A_48 = tpu.vector_load %arg9[%swap3A_47] {strides = array<i32>} : memref<2048xf32, #tpu.memory_space<vmem>>, vector<16xf32>,
      tpu.vector_store %arg9[%swap3A_47], %broadcast_in_dim3A_19 {strides = array<i32>} : memref<2048xf32, #tpu.memory_space<vmem>>, vector<16xf32>,
      %swap3A_49 = arith.constant 240 : index
      %swap3A_50 = tpu.vector_load %arg9[%swap3A_49] {strides = array<i32>} : memref<2048xf32, #tpu.memory_space<vmem>>, vector<16xf32>,
      tpu.vector_store %arg9[%swap3A_49], %broadcast_in_dim3A_19 {strides = array<i32>} : memref<2048xf32, #tpu.memory_space<vmem>>, vector<16xf32>,
      %swap3A_51 = arith.constant 256 : index
      %swap3A_52 = tpu.vector_load %arg9[%swap3A_51] {strides = array<i32>} : memref<2048xf32, #tpu.memory_space<vmem>>, vector<16xf32>,
      tpu.vector_store %arg9[%swap3A_51], %broadcast_in_dim3A_19 {strides = array<i32>} : memref<2048xf32, #tpu.memory_space<vmem>>, vector<16xf32>,
      %swap3A_53 = arith.constant 272 : index
      %swap3A_54 = tpu.vector_load %arg9[%swap3A_53] {strides = array<i32>} : memref<2048xf32, #tpu.memory_space<vmem>>, vector<16xf32>,
      tpu.vector_store %arg9[%swap3A_53], %broadcast_in_dim3A_19 {strides = array<i32>} : memref<2048xf32, #tpu.memory_space<vmem>>, vector<16xf32>,
      %swap3A_55 = arith.constant 288 : index
      %swap3A_56 = tpu.vector_load %arg9[%swap3A_55] {strides = array<i32>} : memref<2048xf32, #tpu.memory_space<vmem>>, vector<16xf32>,
      tpu.vector_store %arg9[%swap3A_55], %broadcast_in_dim3A_19 {strides = array<i32>} : memref<2048xf32, #tpu.memory_space<vmem>>, vector<16xf32>,
      %swap3A_57 = arith.constant 304 : index
      %swap3A_58 = tpu.vector_load %arg9[%swap3A_57] {strides = array<i32>} : memref<2048xf32, #tpu.memory_space<vmem>>, vector<16xf32>,
      tpu.vector_store %arg9[%swap3A_57], %broadcast_in_dim3A_19 {strides = array<i32>} : memref<2048xf32, #tpu.memory_space<vmem>>, vector<16xf32>,
      %swap3A_59 = arith.constant 320 : index
      %swap3A_60 = tpu.vector_load %arg9[%swap3A_59] {strides = array<i32>} : memref<2048xf32, #tpu.memory_space<vmem>>, vector<16xf32>,
      tpu.vector_store %arg9[%swap3A_59], %broadcast_in_dim3A_19 {strides = array<i32>} : memref<2048xf32, #tpu.memory_space<vmem>>, vector<16xf32>,
      %swap3A_61 = arith.constant 336 : index
      %swap3A_62 = tpu.vector_load %arg9[%swap3A_61] {strides = array<i32>} : memref<2048xf32, #tpu.memory_space<vmem>>, vector<16xf32>,
      tpu.vector_store %arg9[%swap3A_61], %broadcast_in_dim3A_19 {strides = array<i32>} : memref<2048xf32, #tpu.memory_space<vmem>>, vector<16xf32>,
      %swap3A_63 = arith.constant 352 : index
      %swap3A_64 = tpu.vector_load %arg9[%swap3A_63] {strides = array<i32>} : memref<2048xf32, #tpu.memory_space<vmem>>, vector<16xf32>,
      tpu.vector_store %arg9[%swap3A_63], %broadcast_in_dim3A_19 {strides = array<i32>} : memref<2048xf32, #tpu.memory_space<vmem>>, vector<16xf32>,
      %swap3A_65 = arith.constant 368 : index
      %swap3A_66 = tpu.vector_load %arg9[%swap3A_65] {strides = array<i32>} : memref<2048xf32, #tpu.memory_space<vmem>>, vector<16xf32>,
      tpu.vector_store %arg9[%swap3A_65], %broadcast_in_dim3A_19 {strides = array<i32>} : memref<2048xf32, #tpu.memory_space<vmem>>, vector<16xf32>,
      %swap3A_67 = arith.constant 384 : index
      %swap3A_68 = tpu.vector_load %arg9[%swap3A_67] {strides = array<i32>} : memref<2048xf32, #tpu.memory_space<vmem>>, vector<16xf32>,
      tpu.vector_store %arg9[%swap3A_67], %broadcast_in_dim3A_19 {strides = array<i32>} : memref<2048xf32, #tpu.memory_space<vmem>>, vector<16xf32>,
      %swap3A_69 = arith.constant 400 : index
      %swap3A_70 = tpu.vector_load %arg9[%swap3A_69] {strides = array<i32>} : memref<2048xf32, #tpu.memory_space<vmem>>, vector<16xf32>,
      tpu.vector_store %arg9[%swap3A_69], %broadcast_in_dim3A_19 {strides = array<i32>} : memref<2048xf32, #tpu.memory_space<vmem>>, vector<16xf32>,
      %swap3A_71 = arith.constant 416 : index
      %swap3A_72 = tpu.vector_load %arg9[%swap3A_71] {strides = array<i32>} : memref<2048xf32, #tpu.memory_space<vmem>>, vector<16xf32>,
      tpu.vector_store %arg9[%swap3A_71], %broadcast_in_dim3A_19 {strides = array<i32>} : memref<2048xf32, #tpu.memory_space<vmem>>, vector<16xf32>,
      %swap3A_73 = arith.constant 432 : index
      %swap3A_74 = tpu.vector_load %arg9[%swap3A_73] {strides = array<i32>} : memref<2048xf32, #tpu.memory_space<vmem>>, vector<16xf32>,
      tpu.vector_store %arg9[%swap3A_73], %broadcast_in_dim3A_19 {strides = array<i32>} : memref<2048xf32, #tpu.memory_space<vmem>>, vector<16xf32>,
      %swap3A_75 = arith.constant 448 : index
      %swap3A_76 = tpu.vector_load %arg9[%swap3A_75] {strides = array<i32>} : memref<2048xf32, #tpu.memory_space<vmem>>, vector<16xf32>,
      tpu.vector_store %arg9[%swap3A_75], %broadcast_in_dim3A_19 {strides = array<i32>} : memref<2048xf32, #tpu.memory_space<vmem>>, vector<16xf32>,
      %swap3A_77 = arith.constant 464 : index
      %swap3A_78 = tpu.vector_load %arg9[%swap3A_77] {strides = array<i32>} : memref<2048xf32, #tpu.memory_space<vmem>>, vector<16xf32>,
      tpu.vector_store %arg9[%swap3A_77], %broadcast_in_dim3A_19 {strides = array<i32>} : memref<2048xf32, #tpu.memory_space<vmem>>, vector<16xf32>,
      %swap3A_79 = arith.constant 480 : index
      %swap3A_80 = tpu.vector_load %arg9[%swap3A_79] {strides = array<i32>} : memref<2048xf32, #tpu.memory_space<vmem>>, vector<16xf32>,
      tpu.vector_store %arg9[%swap3A_79], %broadcast_in_dim3A_19 {strides = array<i32>} : memref<2048xf32, #tpu.memory_space<vmem>>, vector<16xf32>,
      %swap3A_81 = arith.constant 496 : index
      %swap3A_82 = tpu.vector_load %arg9[%swap3A_81] {strides = array<i32>} : memref<2048xf32, #tpu.memory_space<vmem>>, vector<16xf32>,
      tpu.vector_store %arg9[%swap3A_81], %broadcast_in_dim3A_19 {strides = array<i32>} : memref<2048xf32, #tpu.memory_space<vmem>>, vector<16xf32>,
      %swap3A_83 = arith.constant 512 : index
      %swap3A_84 = tpu.vector_load %arg9[%swap3A_83] {strides = array<i32>} : memref<2048xf32, #tpu.memory_space<vmem>>, vector<16xf32>,
      tpu.vector_store %arg9[%swap3A_83], %broadcast_in_dim3A_19 {strides = array<i32>} : memref<2048xf32, #tpu.memory_space<vmem>>, vector<16xf32>,
      %swap3A_85 = arith.constant 528 : index
      %swap3A_86 = tpu.vector_load %arg9[%swap3A_85] {strides = array<i32>} : memref<2048xf32, #tpu.memory_space<vmem>>, vector<16xf32>,
      tpu.vector_store %arg9[%swap3A_85], %broadcast_in_dim3A_19 {strides = array<i32>} : memref<2048xf32, #tpu.memory_space<vmem>>, vector<16xf32>,
      %swap3A_87 = arith.constant 544 : index
      %swap3A_88 = tpu.vector_load %arg9[%swap3A_87] {strides = array<i32>} : memref<2048xf32, #tpu.memory_space<vmem>>, vector<16xf32>,
      tpu.vector_store %arg9[%swap3A_87], %broadcast_in_dim3A_19 {strides = array<i32>} : memref<2048xf32, #tpu.memory_space<vmem>>, vector<16xf32>,
      %swap3A_89 = arith.constant 560 : index
      %swap3A_90 = tpu.vector_load %arg9[%swap3A_89] {strides = array<i32>} : memref<2048xf32, #tpu.memory_space<vmem>>, vector<16xf32>,
      tpu.vector_store %arg9[%swap3A_89], %broadcast_in_dim3A_19 {strides = array<i32>} : memref<2048xf32, #tpu.memory_space<vmem>>, vector<16xf32>,
      %swap3A_91 = arith.constant 576 : index
      %swap3A_92 = tpu.vector_load %arg9[%swap3A_91] {strides = array<i32>} : memref<2048xf32, #tpu.memory_space<vmem>>, vector<16xf32>,
      tpu.vector_store %arg9[%swap3A_91], %broadcast_in_dim3A_19 {strides = array<i32>} : memref<2048xf32, #tpu.memory_space<vmem>>, vector<16xf32>,
      %swap3A_93 = arith.constant 592 : index
      %swap3A_94 = tpu.vector_load %arg9[%swap3A_93] {strides = array<i32>} : memref<2048xf32, #tpu.memory_space<vmem>>, vector<16xf32>,
      tpu.vector_store %arg9[%swap3A_93], %broadcast_in_dim3A_19 {strides = array<i32>} : memref<2048xf32, #tpu.memory_space<vmem>>, vector<16xf32>,
      %swap3A_95 = arith.constant 608 : index
      %swap3A_96 = tpu.vector_load %arg9[%swap3A_95] {strides = array<i32>} : memref<2048xf32, #tpu.memory_space<vmem>>, vector<16xf32>,
      tpu.vector_store %arg9[%swap3A_95], %broadcast_in_dim3A_19 {strides = array<i32>} : memref<2048xf32, #tpu.memory_space<vmem>>, vector<16xf32>,
      %swap3A_97 = arith.constant 624 : index
      %swap3A_98 = tpu.vector_load %arg9[%swap3A_97] {strides = array<i32>} : memref<2048xf32, #tpu.memory_space<vmem>>, vector<16xf32>,
      tpu.vector_store %arg9[%swap3A_97], %broadcast_in_dim3A_19 {strides = array<i32>} : memref<2048xf32, #tpu.memory_space<vmem>>, vector<16xf32>,
      %swap3A_99 = arith.constant 640 : index
      %swap3A_100 = tpu.vector_load %arg9[%swap3A_99] {strides = array<i32>} : memref<2048xf32, #tpu.memory_space<vmem>>, vector<16xf32>,
      tpu.vector_store %arg9[%swap3A_99], %broadcast_in_dim3A_19 {strides = array<i32>} : memref<2048xf32, #tpu.memory_space<vmem>>, vector<16xf32>,
      %swap3A_101 = arith.constant 656 : index
      %swap3A_102 = tpu.vector_load %arg9[%swap3A_101] {strides = array<i32>} : memref<2048xf32, #tpu.memory_space<vmem>>, vector<16xf32>,
      tpu.vector_store %arg9[%swap3A_101], %broadcast_in_dim3A_19 {strides = array<i32>} : memref<2048xf32, #tpu.memory_space<vmem>>, vector<16xf32>,
      %swap3A_103 = arith.constant 672 : index
      %swap3A_104 = tpu.vector_load %arg9[%swap3A_103] {strides = array<i32>} : memref<2048xf32, #tpu.memory_space<vmem>>, vector<16xf32>,
      tpu.vector_store %arg9[%swap3A_103], %broadcast_in_dim3A_19 {strides = array<i32>} : memref<2048xf32, #tpu.memory_space<vmem>>, vector<16xf32>,
      %swap3A_105 = arith.constant 688 : index
      %swap3A_106 = tpu.vector_load %arg9[%swap3A_105] {strides = array<i32>} : memref<2048xf32, #tpu.memory_space<vmem>>, vector<16xf32>,
      tpu.vector_store %arg9[%swap3A_105], %broadcast_in_dim3A_19 {strides = array<i32>} : memref<2048xf32, #tpu.memory_space<vmem>>, vector<16xf32>,
      %swap3A_107 = arith.constant 704 : index
      %swap3A_108 = tpu.vector_load %arg9[%swap3A_107] {strides = array<i32>} : memref<2048xf32, #tpu.memory_space<vmem>>, vector<16xf32>,
      tpu.vector_store %arg9[%swap3A_107], %broadcast_in_dim3A_19 {strides = array<i32>} : memref<2048xf32, #tpu.memory_space<vmem>>, vector<16xf32>,
      %swap3A_109 = arith.constant 720 : index
      %swap3A_110 = tpu.vector_load %arg9[%swap3A_109] {strides = array<i32>} : memref<2048xf32, #tpu.memory_space<vmem>>, vector<16xf32>,
      tpu.vector_store %arg9[%swap3A_109], %broadcast_in_dim3A_19 {strides = array<i32>} : memref<2048xf32, #tpu.memory_space<vmem>>, vector<16xf32>,
      %swap3A_111 = arith.constant 736 : index
      %swap3A_112 = tpu.vector_load %arg9[%swap3A_111] {strides = array<i32>} : memref<2048xf32, #tpu.memory_space<vmem>>, vector<16xf32>,
      tpu.vector_store %arg9[%swap3A_111], %broadcast_in_dim3A_19 {strides = array<i32>} : memref<2048xf32, #tpu.memory_space<vmem>>, vector<16xf32>,
      %swap3A_113 = arith.constant 752 : index
      %swap3A_114 = tpu.vector_load %arg9[%swap3A_113] {strides = array<i32>} : memref<2048xf32, #tpu.memory_space<vmem>>, vector<16xf32>,
      tpu.vector_store %arg9[%swap3A_113], %broadcast_in_dim3A_19 {strides = array<i32>} : memref<2048xf32, #tpu.memory_space<vmem>>, vector<16xf32>,
      %swap3A_115 = arith.constant 768 : index
      %swap3A_116 = tpu.vector_load %arg9[%swap3A_115] {strides = array<i32>} : memref<2048xf32, #tpu.memory_space<vmem>>, vector<16xf32>,
      tpu.vector_store %arg9[%swap3A_115], %broadcast_in_dim3A_19 {strides = array<i32>} : memref<2048xf32, #tpu.memory_space<vmem>>, vector<16xf32>,
      %swap3A_117 = arith.constant 784 : index
      %swap3A_118 = tpu.vector_load %arg9[%swap3A_117] {strides = array<i32>} : memref<2048xf32, #tpu.memory_space<vmem>>, vector<16xf32>,
      tpu.vector_store %arg9[%swap3A_117], %broadcast_in_dim3A_19 {strides = array<i32>} : memref<2048xf32, #tpu.memory_space<vmem>>, vector<16xf32>,
      %swap3A_119 = arith.constant 800 : index
      %swap3A_120 = tpu.vector_load %arg9[%swap3A_119] {strides = array<i32>} : memref<2048xf32, #tpu.memory_space<vmem>>, vector<16xf32>,
      tpu.vector_store %arg9[%swap3A_119], %broadcast_in_dim3A_19 {strides = array<i32>} : memref<2048xf32, #tpu.memory_space<vmem>>, vector<16xf32>,
      %swap3A_121 = arith.constant 816 : index
      %swap3A_122 = tpu.vector_load %arg9[%swap3A_121] {strides = array<i32>} : memref<2048xf32, #tpu.memory_space<vmem>>, vector<16xf32>,
      tpu.vector_store %arg9[%swap3A_121], %broadcast_in_dim3A_19 {strides = array<i32>} : memref<2048xf32, #tpu.memory_space<vmem>>, vector<16xf32>,
      %swap3A_123 = arith.constant 832 : index
      %swap3A_124 = tpu.vector_load %arg9[%swap3A_123] {strides = array<i32>} : memref<2048xf32, #tpu.memory_space<vmem>>, vector<16xf32>,
      tpu.vector_store %arg9[%swap3A_123], %broadcast_in_dim3A_19 {strides = array<i32>} : memref<2048xf32, #tpu.memory_space<vmem>>, vector<16xf32>,
      %swap3A_125 = arith.constant 848 : index
      %swap3A_126 = tpu.vector_load %arg9[%swap3A_125] {strides = array<i32>} : memref<2048xf32, #tpu.memory_space<vmem>>, vector<16xf32>,
      tpu.vector_store %arg9[%swap3A_125], %broadcast_in_dim3A_19 {strides = array<i32>} : memref<2048xf32, #tpu.memory_space<vmem>>, vector<16xf32>,
      %swap3A_127 = arith.constant 864 : index
      %swap3A_128 = tpu.vector_load %arg9[%swap3A_127] {strides = array<i32>} : memref<2048xf32, #tpu.memory_space<vmem>>, vector<16xf32>,
      tpu.vector_store %arg9[%swap3A_127], %broadcast_in_dim3A_19 {strides = array<i32>} : memref<2048xf32, #tpu.memory_space<vmem>>, vector<16xf32>,
      %swap3A_129 = arith.constant 880 : index
      %swap3A_130 = tpu.vector_load %arg9[%swap3A_129] {strides = array<i32>} : memref<2048xf32, #tpu.memory_space<vmem>>, vector<16xf32>,
      tpu.vector_store %arg9[%swap3A_129], %broadcast_in_dim3A_19 {strides = array<i32>} : memref<2048xf32, #tpu.memory_space<vmem>>, vector<16xf32>,
      %swap3A_131 = arith.constant 896 : index
      %swap3A_132 = tpu.vector_load %arg9[%swap3A_131] {strides = array<i32>} : memref<2048xf32, #tpu.memory_space<vmem>>, vector<16xf32>,
      tpu.vector_store %arg9[%swap3A_131], %broadcast_in_dim3A_19 {strides = array<i32>} : memref<2048xf32, #tpu.memory_space<vmem>>, vector<16xf32>,
      %swap3A_133 = arith.constant 912 : index
      %swap3A_134 = tpu.vector_load %arg9[%swap3A_133] {strides = array<i32>} : memref<2048xf32, #tpu.memory_space<vmem>>, vector<16xf32>,
      tpu.vector_store %arg9[%swap3A_133], %broadcast_in_dim3A_19 {strides = array<i32>} : memref<2048xf32, #tpu.memory_space<vmem>>, vector<16xf32>,
      %swap3A_135 = arith.constant 928 : index
      %swap3A_136 = tpu.vector_load %arg9[%swap3A_135] {strides = array<i32>} : memref<2048xf32, #tpu.memory_space<vmem>>, vector<16xf32>,
      tpu.vector_store %arg9[%swap3A_135], %broadcast_in_dim3A_19 {strides = array<i32>} : memref<2048xf32, #tpu.memory_space<vmem>>, vector<16xf32>,
      %swap3A_137 = arith.constant 944 : index
      %swap3A_138 = tpu.vector_load %arg9[%swap3A_137] {strides = array<i32>} : memref<2048xf32, #tpu.memory_space<vmem>>, vector<16xf32>,
      tpu.vector_store %arg9[%swap3A_137], %broadcast_in_dim3A_19 {strides = array<i32>} : memref<2048xf32, #tpu.memory_space<vmem>>, vector<16xf32>,
      %swap3A_139 = arith.constant 960 : index
      %swap3A_140 = tpu.vector_load %arg9[%swap3A_139] {strides = array<i32>} : memref<2048xf32, #tpu.memory_space<vmem>>, vector<16xf32>,
      tpu.vector_store %arg9[%swap3A_139], %broadcast_in_dim3A_19 {strides = array<i32>} : memref<2048xf32, #tpu.memory_space<vmem>>, vector<16xf32>,
      %swap3A_141 = arith.constant 976 : index
      %swap3A_142 = tpu.vector_load %arg9[%swap3A_141] {strides = array<i32>} : memref<2048xf32, #tpu.memory_space<vmem>>, vector<16xf32>,
      tpu.vector_store %arg9[%swap3A_141], %broadcast_in_dim3A_19 {strides = array<i32>} : memref<2048xf32, #tpu.memory_space<vmem>>, vector<16xf32>,
      %swap3A_143 = arith.constant 992 : index
      %swap3A_144 = tpu.vector_load %arg9[%swap3A_143] {strides = array<i32>} : memref<2048xf32, #tpu.memory_space<vmem>>, vector<16xf32>,
      tpu.vector_store %arg9[%swap3A_143], %broadcast_in_dim3A_19 {strides = array<i32>} : memref<2048xf32, #tpu.memory_space<vmem>>, vector<16xf32>,
      %swap3A_145 = arith.constant 1008 : index
      %swap3A_146 = tpu.vector_load %arg9[%swap3A_145] {strides = array<i32>} : memref<2048xf32, #tpu.memory_space<vmem>>, vector<16xf32>,
      tpu.vector_store %arg9[%swap3A_145], %broadcast_in_dim3A_19 {strides = array<i32>} : memref<2048xf32, #tpu.memory_space<vmem>>, vector<16xf32>,
      %swap3A_147 = arith.constant 1024 : index
      %swap3A_148 = tpu.vector_load %arg9[%swap3A_147] {strides = array<i32>} : memref<2048xf32, #tpu.memory_space<vmem>>, vector<16xf32>,
      tpu.vector_store %arg9[%swap3A_147], %broadcast_in_dim3A_19 {strides = array<i32>} : memref<2048xf32, #tpu.memory_space<vmem>>, vector<16xf32>,
      %swap3A_149 = arith.constant 1040 : index
      %swap3A_150 = tpu.vector_load %arg9[%swap3A_149] {strides = array<i32>} : memref<2048xf32, #tpu.memory_space<vmem>>, vector<16xf32>,
      tpu.vector_store %arg9[%swap3A_149], %broadcast_in_dim3A_19 {strides = array<i32>} : memref<2048xf32, #tpu.memory_space<vmem>>, vector<16xf32>,
      %swap3A_151 = arith.constant 1056 : index
      %swap3A_152 = tpu.vector_load %arg9[%swap3A_151] {strides = array<i32>} : memref<2048xf32, #tpu.memory_space<vmem>>, vector<16xf32>,
      tpu.vector_store %arg9[%swap3A_151], %broadcast_in_dim3A_19 {strides = array<i32>} : memref<2048xf32, #tpu.memory_space<vmem>>, vector<16xf32>,
      %swap3A_153 = arith.constant 1072 : index
      %swap3A_154 = tpu.vector_load %arg9[%swap3A_153] {strides = array<i32>} : memref<2048xf32, #tpu.memory_space<vmem>>, vector<16xf32>,
      tpu.vector_store %arg9[%swap3A_153], %broadcast_in_dim3A_19 {strides = array<i32>} : memref<2048xf32, #tpu.memory_space<vmem>>, vector<16xf32>,
      %swap3A_155 = arith.constant 1088 : index
      %swap3A_156 = tpu.vector_load %arg9[%swap3A_155] {strides = array<i32>} : memref<2048xf32, #tpu.memory_space<vmem>>, vector<16xf32>,
      tpu.vector_store %arg9[%swap3A_155], %broadcast_in_dim3A_19 {strides = array<i32>} : memref<2048xf32, #tpu.memory_space<vmem>>, vector<16xf32>,
      %swap3A_157 = arith.constant 1104 : index
      %swap3A_158 = tpu.vector_load %arg9[%swap3A_157] {strides = array<i32>} : memref<2048xf32, #tpu.memory_space<vmem>>, vector<16xf32>,
      tpu.vector_store %arg9[%swap3A_157], %broadcast_in_dim3A_19 {strides = array<i32>} : memref<2048xf32, #tpu.memory_space<vmem>>, vector<16xf32>,
      %swap3A_159 = arith.constant 1120 : index
      %swap3A_160 = tpu.vector_load %arg9[%swap3A_159] {strides = array<i32>} : memref<2048xf32, #tpu.memory_space<vmem>>, vector<16xf32>,
      tpu.vector_store %arg9[%swap3A_159], %broadcast_in_dim3A_19 {strides = array<i32>} : memref<2048xf32, #tpu.memory_space<vmem>>, vector<16xf32>,
      %swap3A_161 = arith.constant 1136 : index
      %swap3A_162 = tpu.vector_load %arg9[%swap3A_161] {strides = array<i32>} : memref<2048xf32, #tpu.memory_space<vmem>>, vector<16xf32>,
      tpu.vector_store %arg9[%swap3A_161], %broadcast_in_dim3A_19 {strides = array<i32>} : memref<2048xf32, #tpu.memory_space<vmem>>, vector<16xf32>,
      %swap3A_163 = arith.constant 1152 : index
      %swap3A_164 = tpu.vector_load %arg9[%swap3A_163] {strides = array<i32>} : memref<2048xf32, #tpu.memory_space<vmem>>, vector<16xf32>,
      tpu.vector_store %arg9[%swap3A_163], %broadcast_in_dim3A_19 {strides = array<i32>} : memref<2048xf32, #tpu.memory_space<vmem>>, vector<16xf32>,
      %swap3A_165 = arith.constant 1168 : index
      %swap3A_166 = tpu.vector_load %arg9[%swap3A_165] {strides = array<i32>} : memref<2048xf32, #tpu.memory_space<vmem>>, vector<16xf32>,
      tpu.vector_store %arg9[%swap3A_165], %broadcast_in_dim3A_19 {strides = array<i32>} : memref<2048xf32, #tpu.memory_space<vmem>>, vector<16xf32>,
      %swap3A_167 = arith.constant 1184 : index
      %swap3A_168 = tpu.vector_load %arg9[%swap3A_167] {strides = array<i32>} : memref<2048xf32, #tpu.memory_space<vmem>>, vector<16xf32>,
      tpu.vector_store %arg9[%swap3A_167], %broadcast_in_dim3A_19 {strides = array<i32>} : memref<2048xf32, #tpu.memory_space<vmem>>, vector<16xf32>,
      %swap3A_169 = arith.constant 1200 : index
      %swap3A_170 = tpu.vector_load %arg9[%swap3A_169] {strides = array<i32>} : memref<2048xf32, #tpu.memory_space<vmem>>, vector<16xf32>,
      tpu.vector_store %arg9[%swap3A_169], %broadcast_in_dim3A_19 {strides = array<i32>} : memref<2048xf32, #tpu.memory_space<vmem>>, vector<16xf32>,
      %swap3A_171 = arith.constant 1216 : index
      %swap3A_172 = tpu.vector_load %arg9[%swap3A_171] {strides = array<i32>} : memref<2048xf32, #tpu.memory_space<vmem>>, vector<16xf32>,
      tpu.vector_store %arg9[%swap3A_171], %broadcast_in_dim3A_19 {strides = array<i32>} : memref<2048xf32, #tpu.memory_space<vmem>>, vector<16xf32>,
      %swap3A_173 = arith.constant 1232 : index
      %swap3A_174 = tpu.vector_load %arg9[%swap3A_173] {strides = array<i32>} : memref<2048xf32, #tpu.memory_space<vmem>>, vector<16xf32>,
      tpu.vector_store %arg9[%swap3A_173], %broadcast_in_dim3A_19 {strides = array<i32>} : memref<2048xf32, #tpu.memory_space<vmem>>, vector<16xf32>,
      %swap3A_175 = arith.constant 1248 : index
      %swap3A_176 = tpu.vector_load %arg9[%swap3A_175] {strides = array<i32>} : memref<2048xf32, #tpu.memory_space<vmem>>, vector<16xf32>,
      tpu.vector_store %arg9[%swap3A_175], %broadcast_in_dim3A_19 {strides = array<i32>} : memref<2048xf32, #tpu.memory_space<vmem>>, vector<16xf32>,
      %swap3A_177 = arith.constant 1264 : index
      %swap3A_178 = tpu.vector_load %arg9[%swap3A_177] {strides = array<i32>} : memref<2048xf32, #tpu.memory_space<vmem>>, vector<16xf32>,
      tpu.vector_store %arg9[%swap3A_177], %broadcast_in_dim3A_19 {strides = array<i32>} : memref<2048xf32, #tpu.memory_space<vmem>>, vector<16xf32>,
      %swap3A_179 = arith.constant 1280 : index
      %swap3A_180 = tpu.vector_load %arg9[%swap3A_179] {strides = array<i32>} : memref<2048xf32, #tpu.memory_space<vmem>>, vector<16xf32>,
      tpu.vector_store %arg9[%swap3A_179], %broadcast_in_dim3A_19 {strides = array<i32>} : memref<2048xf32, #tpu.memory_space<vmem>>, vector<16xf32>,
      %swap3A_181 = arith.constant 1296 : index
      %swap3A_182 = tpu.vector_load %arg9[%swap3A_181] {strides = array<i32>} : memref<2048xf32, #tpu.memory_space<vmem>>, vector<16xf32>,
      tpu.vector_store %arg9[%swap3A_181], %broadcast_in_dim3A_19 {strides = array<i32>} : memref<2048xf32, #tpu.memory_space<vmem>>, vector<16xf32>,
      %swap3A_183 = arith.constant 1312 : index
      %swap3A_184 = tpu.vector_load %arg9[%swap3A_183] {strides = array<i32>} : memref<2048xf32, #tpu.memory_space<vmem>>, vector<16xf32>,
      tpu.vector_store %arg9[%swap3A_183], %broadcast_in_dim3A_19 {strides = array<i32>} : memref<2048xf32, #tpu.memory_space<vmem>>, vector<16xf32>,
      %swap3A_185 = arith.constant 1328 : index
      %swap3A_186 = tpu.vector_load %arg9[%swap3A_185] {strides = array<i32>} : memref<2048xf32, #tpu.memory_space<vmem>>, vector<16xf32>,
      tpu.vector_store %arg9[%swap3A_185], %broadcast_in_dim3A_19 {strides = array<i32>} : memref<2048xf32, #tpu.memory_space<vmem>>, vector<16xf32>,
      %swap3A_187 = arith.constant 1344 : index
      %swap3A_188 = tpu.vector_load %arg9[%swap3A_187] {strides = array<i32>} : memref<2048xf32, #tpu.memory_space<vmem>>, vector<16xf32>,
      tpu.vector_store %arg9[%swap3A_187], %broadcast_in_dim3A_19 {strides = array<i32>} : memref<2048xf32, #tpu.memory_space<vmem>>, vector<16xf32>,
      %swap3A_189 = arith.constant 1360 : index
      %swap3A_190 = tpu.vector_load %arg9[%swap3A_189] {strides = array<i32>} : memref<2048xf32, #tpu.memory_space<vmem>>, vector<16xf32>,
      tpu.vector_store %arg9[%swap3A_189], %broadcast_in_dim3A_19 {strides = array<i32>} : memref<2048xf32, #tpu.memory_space<vmem>>, vector<16xf32>,
      %swap3A_191 = arith.constant 1376 : index
      %swap3A_192 = tpu.vector_load %arg9[%swap3A_191] {strides = array<i32>} : memref<2048xf32, #tpu.memory_space<vmem>>, vector<16xf32>,
      tpu.vector_store %arg9[%swap3A_191], %broadcast_in_dim3A_19 {strides = array<i32>} : memref<2048xf32, #tpu.memory_space<vmem>>, vector<16xf32>,
      %swap3A_193 = arith.constant 1392 : index
      %swap3A_194 = tpu.vector_load %arg9[%swap3A_193] {strides = array<i32>} : memref<2048xf32, #tpu.memory_space<vmem>>, vector<16xf32>,
      tpu.vector_store %arg9[%swap3A_193], %broadcast_in_dim3A_19 {strides = array<i32>} : memref<2048xf32, #tpu.memory_space<vmem>>, vector<16xf32>,
      %swap3A_195 = arith.constant 1408 : index
      %swap3A_196 = tpu.vector_load %arg9[%swap3A_195] {strides = array<i32>} : memref<2048xf32, #tpu.memory_space<vmem>>, vector<16xf32>,
      tpu.vector_store %arg9[%swap3A_195], %broadcast_in_dim3A_19 {strides = array<i32>} : memref<2048xf32, #tpu.memory_space<vmem>>, vector<16xf32>,
      %swap3A_197 = arith.constant 1424 : index
      %swap3A_198 = tpu.vector_load %arg9[%swap3A_197] {strides = array<i32>} : memref<2048xf32, #tpu.memory_space<vmem>>, vector<16xf32>,
      tpu.vector_store %arg9[%swap3A_197], %broadcast_in_dim3A_19 {strides = array<i32>} : memref<2048xf32, #tpu.memory_space<vmem>>, vector<16xf32>,
      %swap3A_199 = arith.constant 1440 : index
      %swap3A_200 = tpu.vector_load %arg9[%swap3A_199] {strides = array<i32>} : memref<2048xf32, #tpu.memory_space<vmem>>, vector<16xf32>,
      tpu.vector_store %arg9[%swap3A_199], %broadcast_in_dim3A_19 {strides = array<i32>} : memref<2048xf32, #tpu.memory_space<vmem>>, vector<16xf32>,
      %swap3A_201 = arith.constant 1456 : index
      %swap3A_202 = tpu.vector_load %arg9[%swap3A_201] {strides = array<i32>} : memref<2048xf32, #tpu.memory_space<vmem>>, vector<16xf32>,
      tpu.vector_store %arg9[%swap3A_201], %broadcast_in_dim3A_19 {strides = array<i32>} : memref<2048xf32, #tpu.memory_space<vmem>>, vector<16xf32>,
      %swap3A_203 = arith.constant 1472 : index
      %swap3A_204 = tpu.vector_load %arg9[%swap3A_203] {strides = array<i32>} : memref<2048xf32, #tpu.memory_space<vmem>>, vector<16xf32>,
      tpu.vector_store %arg9[%swap3A_203], %broadcast_in_dim3A_19 {strides = array<i32>} : memref<2048xf32, #tpu.memory_space<vmem>>, vector<16xf32>,
      %swap3A_205 = arith.constant 1488 : index
      %swap3A_206 = tpu.vector_load %arg9[%swap3A_205] {strides = array<i32>} : memref<2048xf32, #tpu.memory_space<vmem>>, vector<16xf32>,
      tpu.vector_store %arg9[%swap3A_205], %broadcast_in_dim3A_19 {strides = array<i32>} : memref<2048xf32, #tpu.memory_space<vmem>>, vector<16xf32>,
      %swap3A_207 = arith.constant 1504 : index
      %swap3A_208 = tpu.vector_load %arg9[%swap3A_207] {strides = array<i32>} : memref<2048xf32, #tpu.memory_space<vmem>>, vector<16xf32>,
      tpu.vector_store %arg9[%swap3A_207], %broadcast_in_dim3A_19 {strides = array<i32>} : memref<2048xf32, #tpu.memory_space<vmem>>, vector<16xf32>,
      %swap3A_209 = arith.constant 1520 : index
      %swap3A_210 = tpu.vector_load %arg9[%swap3A_209] {strides = array<i32>} : memref<2048xf32, #tpu.memory_space<vmem>>, vector<16xf32>,
      tpu.vector_store %arg9[%swap3A_209], %broadcast_in_dim3A_19 {strides = array<i32>} : memref<2048xf32, #tpu.memory_space<vmem>>, vector<16xf32>,
      %swap3A_211 = arith.constant 1536 : index
      %swap3A_212 = tpu.vector_load %arg9[%swap3A_211] {strides = array<i32>} : memref<2048xf32, #tpu.memory_space<vmem>>, vector<16xf32>,
      tpu.vector_store %arg9[%swap3A_211], %broadcast_in_dim3A_19 {strides = array<i32>} : memref<2048xf32, #tpu.memory_space<vmem>>, vector<16xf32>,
      %swap3A_213 = arith.constant 1552 : index
      %swap3A_214 = tpu.vector_load %arg9[%swap3A_213] {strides = array<i32>} : memref<2048xf32, #tpu.memory_space<vmem>>, vector<16xf32>,
      tpu.vector_store %arg9[%swap3A_213], %broadcast_in_dim3A_19 {strides = array<i32>} : memref<2048xf32, #tpu.memory_space<vmem>>, vector<16xf32>,
      %swap3A_215 = arith.constant 1568 : index
      %swap3A_216 = tpu.vector_load %arg9[%swap3A_215] {strides = array<i32>} : memref<2048xf32, #tpu.memory_space<vmem>>, vector<16xf32>,
      tpu.vector_store %arg9[%swap3A_215], %broadcast_in_dim3A_19 {strides = array<i32>} : memref<2048xf32, #tpu.memory_space<vmem>>, vector<16xf32>,
      %swap3A_217 = arith.constant 1584 : index
      %swap3A_218 = tpu.vector_load %arg9[%swap3A_217] {strides = array<i32>} : memref<2048xf32, #tpu.memory_space<vmem>>, vector<16xf32>,
      tpu.vector_store %arg9[%swap3A_217], %broadcast_in_dim3A_19 {strides = array<i32>} : memref<2048xf32, #tpu.memory_space<vmem>>, vector<16xf32>,
      %swap3A_219 = arith.constant 1600 : index
      %swap3A_220 = tpu.vector_load %arg9[%swap3A_219] {strides = array<i32>} : memref<2048xf32, #tpu.memory_space<vmem>>, vector<16xf32>,
      tpu.vector_store %arg9[%swap3A_219], %broadcast_in_dim3A_19 {strides = array<i32>} : memref<2048xf32, #tpu.memory_space<vmem>>, vector<16xf32>,
      %swap3A_221 = arith.constant 1616 : index
      %swap3A_222 = tpu.vector_load %arg9[%swap3A_221] {strides = array<i32>} : memref<2048xf32, #tpu.memory_space<vmem>>, vector<16xf32>,
      tpu.vector_store %arg9[%swap3A_221], %broadcast_in_dim3A_19 {strides = array<i32>} : memref<2048xf32, #tpu.memory_space<vmem>>, vector<16xf32>,
      %swap3A_223 = arith.constant 1632 : index
      %swap3A_224 = tpu.vector_load %arg9[%swap3A_223] {strides = array<i32>} : memref<2048xf32, #tpu.memory_space<vmem>>, vector<16xf32>,
      tpu.vector_store %arg9[%swap3A_223], %broadcast_in_dim3A_19 {strides = array<i32>} : memref<2048xf32, #tpu.memory_space<vmem>>, vector<16xf32>,
      %swap3A_225 = arith.constant 1648 : index
      %swap3A_226 = tpu.vector_load %arg9[%swap3A_225] {strides = array<i32>} : memref<2048xf32, #tpu.memory_space<vmem>>, vector<16xf32>,
      tpu.vector_store %arg9[%swap3A_225], %broadcast_in_dim3A_19 {strides = array<i32>} : memref<2048xf32, #tpu.memory_space<vmem>>, vector<16xf32>,
      %swap3A_227 = arith.constant 1664 : index
      %swap3A_228 = tpu.vector_load %arg9[%swap3A_227] {strides = array<i32>} : memref<2048xf32, #tpu.memory_space<vmem>>, vector<16xf32>,
      tpu.vector_store %arg9[%swap3A_227], %broadcast_in_dim3A_19 {strides = array<i32>} : memref<2048xf32, #tpu.memory_space<vmem>>, vector<16xf32>,
      %swap3A_229 = arith.constant 1680 : index
      %swap3A_230 = tpu.vector_load %arg9[%swap3A_229] {strides = array<i32>} : memref<2048xf32, #tpu.memory_space<vmem>>, vector<16xf32>,
      tpu.vector_store %arg9[%swap3A_229], %broadcast_in_dim3A_19 {strides = array<i32>} : memref<2048xf32, #tpu.memory_space<vmem>>, vector<16xf32>,
      %swap3A_231 = arith.constant 1696 : index
      %swap3A_232 = tpu.vector_load %arg9[%swap3A_231] {strides = array<i32>} : memref<2048xf32, #tpu.memory_space<vmem>>, vector<16xf32>,
      tpu.vector_store %arg9[%swap3A_231], %broadcast_in_dim3A_19 {strides = array<i32>} : memref<2048xf32, #tpu.memory_space<vmem>>, vector<16xf32>,
      %swap3A_233 = arith.constant 1712 : index
      %swap3A_234 = tpu.vector_load %arg9[%swap3A_233] {strides = array<i32>} : memref<2048xf32, #tpu.memory_space<vmem>>, vector<16xf32>,
      tpu.vector_store %arg9[%swap3A_233], %broadcast_in_dim3A_19 {strides = array<i32>} : memref<2048xf32, #tpu.memory_space<vmem>>, vector<16xf32>,
      %swap3A_235 = arith.constant 1728 : index
      %swap3A_236 = tpu.vector_load %arg9[%swap3A_235] {strides = array<i32>} : memref<2048xf32, #tpu.memory_space<vmem>>, vector<16xf32>,
      tpu.vector_store %arg9[%swap3A_235], %broadcast_in_dim3A_19 {strides = array<i32>} : memref<2048xf32, #tpu.memory_space<vmem>>, vector<16xf32>,
      %swap3A_237 = arith.constant 1744 : index
      %swap3A_238 = tpu.vector_load %arg9[%swap3A_237] {strides = array<i32>} : memref<2048xf32, #tpu.memory_space<vmem>>, vector<16xf32>,
      tpu.vector_store %arg9[%swap3A_237], %broadcast_in_dim3A_19 {strides = array<i32>} : memref<2048xf32, #tpu.memory_space<vmem>>, vector<16xf32>,
      %swap3A_239 = arith.constant 1760 : index
      %swap3A_240 = tpu.vector_load %arg9[%swap3A_239] {strides = array<i32>} : memref<2048xf32, #tpu.memory_space<vmem>>, vector<16xf32>,
      tpu.vector_store %arg9[%swap3A_239], %broadcast_in_dim3A_19 {strides = array<i32>} : memref<2048xf32, #tpu.memory_space<vmem>>, vector<16xf32>,
      %swap3A_241 = arith.constant 1776 : index
      %swap3A_242 = tpu.vector_load %arg9[%swap3A_241] {strides = array<i32>} : memref<2048xf32, #tpu.memory_space<vmem>>, vector<16xf32>,
      tpu.vector_store %arg9[%swap3A_241], %broadcast_in_dim3A_19 {strides = array<i32>} : memref<2048xf32, #tpu.memory_space<vmem>>, vector<16xf32>,
      %swap3A_243 = arith.constant 1792 : index
      %swap3A_244 = tpu.vector_load %arg9[%swap3A_243] {strides = array<i32>} : memref<2048xf32, #tpu.memory_space<vmem>>, vector<16xf32>,
      tpu.vector_store %arg9[%swap3A_243], %broadcast_in_dim3A_19 {strides = array<i32>} : memref<2048xf32, #tpu.memory_space<vmem>>, vector<16xf32>,
      %swap3A_245 = arith.constant 1808 : index
      %swap3A_246 = tpu.vector_load %arg9[%swap3A_245] {strides = array<i32>} : memref<2048xf32, #tpu.memory_space<vmem>>, vector<16xf32>,
      tpu.vector_store %arg9[%swap3A_245], %broadcast_in_dim3A_19 {strides = array<i32>} : memref<2048xf32, #tpu.memory_space<vmem>>, vector<16xf32>,
      %swap3A_247 = arith.constant 1824 : index
      %swap3A_248 = tpu.vector_load %arg9[%swap3A_247] {strides = array<i32>} : memref<2048xf32, #tpu.memory_space<vmem>>, vector<16xf32>,
      tpu.vector_store %arg9[%swap3A_247], %broadcast_in_dim3A_19 {strides = array<i32>} : memref<2048xf32, #tpu.memory_space<vmem>>, vector<16xf32>,
      %swap3A_249 = arith.constant 1840 : index
      %swap3A_250 = tpu.vector_load %arg9[%swap3A_249] {strides = array<i32>} : memref<2048xf32, #tpu.memory_space<vmem>>, vector<16xf32>,
      tpu.vector_store %arg9[%swap3A_249], %broadcast_in_dim3A_19 {strides = array<i32>} : memref<2048xf32, #tpu.memory_space<vmem>>, vector<16xf32>,
      %swap3A_251 = arith.constant 1856 : index
      %swap3A_252 = tpu.vector_load %arg9[%swap3A_251] {strides = array<i32>} : memref<2048xf32, #tpu.memory_space<vmem>>, vector<16xf32>,
      tpu.vector_store %arg9[%swap3A_251], %broadcast_in_dim3A_19 {strides = array<i32>} : memref<2048xf32, #tpu.memory_space<vmem>>, vector<16xf32>,
      %swap3A_253 = arith.constant 1872 : index
      %swap3A_254 = tpu.vector_load %arg9[%swap3A_253] {strides = array<i32>} : memref<2048xf32, #tpu.memory_space<vmem>>, vector<16xf32>,
      tpu.vector_store %arg9[%swap3A_253], %broadcast_in_dim3A_19 {strides = array<i32>} : memref<2048xf32, #tpu.memory_space<vmem>>, vector<16xf32>,
      %swap3A_255 = arith.constant 1888 : index
      %swap3A_256 = tpu.vector_load %arg9[%swap3A_255] {strides = array<i32>} : memref<2048xf32, #tpu.memory_space<vmem>>, vector<16xf32>,
      tpu.vector_store %arg9[%swap3A_255], %broadcast_in_dim3A_19 {strides = array<i32>} : memref<2048xf32, #tpu.memory_space<vmem>>, vector<16xf32>,
      %swap3A_257 = arith.constant 1904 : index
      %swap3A_258 = tpu.vector_load %arg9[%swap3A_257] {strides = array<i32>} : memref<2048xf32, #tpu.memory_space<vmem>>, vector<16xf32>,
      tpu.vector_store %arg9[%swap3A_257], %broadcast_in_dim3A_19 {strides = array<i32>} : memref<2048xf32, #tpu.memory_space<vmem>>, vector<16xf32>,
      %swap3A_259 = arith.constant 1920 : index
      %swap3A_260 = tpu.vector_load %arg9[%swap3A_259] {strides = array<i32>} : memref<2048xf32, #tpu.memory_space<vmem>>, vector<16xf32>,
      tpu.vector_store %arg9[%swap3A_259], %broadcast_in_dim3A_19 {strides = array<i32>} : memref<2048xf32, #tpu.memory_space<vmem>>, vector<16xf32>,
      %swap3A_261 = arith.constant 1936 : index
      %swap3A_262 = tpu.vector_load %arg9[%swap3A_261] {strides = array<i32>} : memref<2048xf32, #tpu.memory_space<vmem>>, vector<16xf32>,
      tpu.vector_store %arg9[%swap3A_261], %broadcast_in_dim3A_19 {strides = array<i32>} : memref<2048xf32, #tpu.memory_space<vmem>>, vector<16xf32>,
      %swap3A_263 = arith.constant 1952 : index
      %swap3A_264 = tpu.vector_load %arg9[%swap3A_263] {strides = array<i32>} : memref<2048xf32, #tpu.memory_space<vmem>>, vector<16xf32>,
      tpu.vector_store %arg9[%swap3A_263], %broadcast_in_dim3A_19 {strides = array<i32>} : memref<2048xf32, #tpu.memory_space<vmem>>, vector<16xf32>,
      %swap3A_265 = arith.constant 1968 : index
      %swap3A_266 = tpu.vector_load %arg9[%swap3A_265] {strides = array<i32>} : memref<2048xf32, #tpu.memory_space<vmem>>, vector<16xf32>,
      tpu.vector_store %arg9[%swap3A_265], %broadcast_in_dim3A_19 {strides = array<i32>} : memref<2048xf32, #tpu.memory_space<vmem>>, vector<16xf32>,
      %swap3A_267 = arith.constant 1984 : index
      %swap3A_268 = tpu.vector_load %arg9[%swap3A_267] {strides = array<i32>} : memref<2048xf32, #tpu.memory_space<vmem>>, vector<16xf32>,
      tpu.vector_store %arg9[%swap3A_267], %broadcast_in_dim3A_19 {strides = array<i32>} : memref<2048xf32, #tpu.memory_space<vmem>>, vector<16xf32>,
      %swap3A_269 = arith.constant 2000 : index
      %swap3A_270 = tpu.vector_load %arg9[%swap3A_269] {strides = array<i32>} : memref<2048xf32, #tpu.memory_space<vmem>>, vector<16xf32>,
      tpu.vector_store %arg9[%swap3A_269], %broadcast_in_dim3A_19 {strides = array<i32>} : memref<2048xf32, #tpu.memory_space<vmem>>, vector<16xf32>,
      %swap3A_271 = arith.constant 2016 : index
      %swap3A_272 = tpu.vector_load %arg9[%swap3A_271] {strides = array<i32>} : memref<2048xf32, #tpu.memory_space<vmem>>, vector<16xf32>,
      tpu.vector_store %arg9[%swap3A_271], %broadcast_in_dim3A_19 {strides = array<i32>} : memref<2048xf32, #tpu.memory_space<vmem>>, vector<16xf32>,
      %swap3A_273 = arith.constant 2032 : index
      %swap3A_274 = tpu.vector_load %arg9[%swap3A_273] {strides = array<i32>} : memref<2048xf32, #tpu.memory_space<vmem>>, vector<16xf32>,
      tpu.vector_store %arg9[%swap3A_273], %broadcast_in_dim3A_19 {strides = array<i32>} : memref<2048xf32, #tpu.memory_space<vmem>>, vector<16xf32>,
      %dma_wait3A = tpu.memref_slice %arg2[%mul3A_15] : memref<16384xi32, #tpu.memory_space<hbm>> -> memref<1024xi32, #tpu.memory_space<hbm>>
      %dma_wait3A_275 = tpu.memref_slice %arg2[%mul3A_15] : memref<16384xi32, #tpu.memory_space<hbm>> -> memref<1024xi32, #tpu.memory_space<hbm>>
      tpu.wait_dma2 semaphore(%arg14 : memref<!tpu.dma_semaphore, #tpu.memory_space<semaphore_mem>>) src(%dma_wait3A_275 : memref<1024xi32, #tpu.memory_space<hbm>>) dst(%arg7 : memref<1024xi32, #tpu.memory_space<vmem>>)
      %dma_wait3A_276 = tpu.memref_slice %arg3[%mul3A_15] : memref<16384xi32, #tpu.memory_space<hbm>> -> memref<1024xi32, #tpu.memory_space<hbm>>
      %dma_wait3A_277 = tpu.memref_slice %arg3[%mul3A_15] : memref<16384xi32, #tpu.memory_space<hbm>> -> memref<1024xi32, #tpu.memory_space<hbm>>
      tpu.wait_dma2 semaphore(%arg14 : memref<!tpu.dma_semaphore, #tpu.memory_space<semaphore_mem>>) src(%dma_wait3A_277 : memref<1024xi32, #tpu.memory_space<hbm>>) dst(%arg8 : memref<1024xi32, #tpu.memory_space<vmem>>)
      %broadcast_in_dim3A_278 = arith.constant 1.000000e+00 : f32
      %broadcast_in_dim3A_279 = vector.broadcast %broadcast_in_dim3A_278 : f32 to vector<16xf32>
      %get3A = arith.constant 0 : index
      %get3A_280 = tpu.vector_load %arg7[%get3A] {strides = array<i32>} : memref<1024xi32, #tpu.memory_space<vmem>>, vector<16xi32>,
      %get3A_281 = arith.constant 0 : index
      %get3A_282 = tpu.vector_load %arg8[%get3A_281] {strides = array<i32>} : memref<1024xi32, #tpu.memory_space<vmem>>, vector<16xi32>,
      %eq3A_283 = arith.cmpi eq, %get3A_280, %get3A_282 : vector<16xi32>
      %jit3A = arith.constant 64 : i32
      %jit3A_284 = arith.constant 0 : i32
      %broadcast_in_dim3A_285 = vector.broadcast %jit3A : i32 to vector<16xi32>
      %broadcast_in_dim3A_286 = vector.broadcast %jit3A_284 : i32 to vector<16xi32>
      %select_n3A = arith.select %eq3A_283, %broadcast_in_dim3A_285, %broadcast_in_dim3A_286 : vector<16xi1>, vector<16xi32>
      %and3A_287 = arith.constant -64 : i32
      %and3A_288 = vector.broadcast %and3A_287 : i32 to vector<16xi32>
      %and3A_289 = arith.andi %get3A_282, %and3A_288 : vector<16xi32>
      %add3A = arith.addi %get3A_282, %and3A_289 : vector<16xi32>
      %add3A_290 = arith.addi %add3A, %select_n3A : vector<16xi32>
      tpu.vector_store_idx %arg9[%add3A_290], %broadcast_in_dim3A_279 {add = true} : memref<2048xf32, #tpu.memory_space<vmem>>[vector<16xi32>], vector<16xf32>,
      %get3A_291 = arith.constant 16 : index
      %get3A_292 = tpu.vector_load %arg7[%get3A_291] {strides = array<i32>} : memref<1024xi32, #tpu.memory_space<vmem>>, vector<16xi32>,
      %get3A_293 = arith.constant 16 : index
      %get3A_294 = tpu.vector_load %arg8[%get3A_293] {strides = array<i32>} : memref<1024xi32, #tpu.memory_space<vmem>>, vector<16xi32>,
      %eq3A_295 = arith.cmpi eq, %get3A_292, %get3A_294 : vector<16xi32>
      %jit3A_296 = arith.constant 64 : i32
      %jit3A_297 = arith.constant 0 : i32
      %broadcast_in_dim3A_298 = vector.broadcast %jit3A_296 : i32 to vector<16xi32>
      %broadcast_in_dim3A_299 = vector.broadcast %jit3A_297 : i32 to vector<16xi32>
      %select_n3A_300 = arith.select %eq3A_295, %broadcast_in_dim3A_298, %broadcast_in_dim3A_299 : vector<16xi1>, vector<16xi32>
      %and3A_301 = arith.constant -64 : i32
      %and3A_302 = vector.broadcast %and3A_301 : i32 to vector<16xi32>
      %and3A_303 = arith.andi %get3A_294, %and3A_302 : vector<16xi32>
      %add3A_304 = arith.addi %get3A_294, %and3A_303 : vector<16xi32>
      %add3A_305 = arith.addi %add3A_304, %select_n3A_300 : vector<16xi32>
      tpu.vector_store_idx %arg9[%add3A_305], %broadcast_in_dim3A_279 {add = true} : memref<2048xf32, #tpu.memory_space<vmem>>[vector<16xi32>], vector<16xf32>,
      %get3A_306 = arith.constant 32 : index
      %get3A_307 = tpu.vector_load %arg7[%get3A_306] {strides = array<i32>} : memref<1024xi32, #tpu.memory_space<vmem>>, vector<16xi32>,
      %get3A_308 = arith.constant 32 : index
      %get3A_309 = tpu.vector_load %arg8[%get3A_308] {strides = array<i32>} : memref<1024xi32, #tpu.memory_space<vmem>>, vector<16xi32>,
      %eq3A_310 = arith.cmpi eq, %get3A_307, %get3A_309 : vector<16xi32>
      %jit3A_311 = arith.constant 64 : i32
      %jit3A_312 = arith.constant 0 : i32
      %broadcast_in_dim3A_313 = vector.broadcast %jit3A_311 : i32 to vector<16xi32>
      %broadcast_in_dim3A_314 = vector.broadcast %jit3A_312 : i32 to vector<16xi32>
      %select_n3A_315 = arith.select %eq3A_310, %broadcast_in_dim3A_313, %broadcast_in_dim3A_314 : vector<16xi1>, vector<16xi32>
      %and3A_316 = arith.constant -64 : i32
      %and3A_317 = vector.broadcast %and3A_316 : i32 to vector<16xi32>
      %and3A_318 = arith.andi %get3A_309, %and3A_317 : vector<16xi32>
      %add3A_319 = arith.addi %get3A_309, %and3A_318 : vector<16xi32>
      %add3A_320 = arith.addi %add3A_319, %select_n3A_315 : vector<16xi32>
      tpu.vector_store_idx %arg9[%add3A_320], %broadcast_in_dim3A_279 {add = true} : memref<2048xf32, #tpu.memory_space<vmem>>[vector<16xi32>], vector<16xf32>,
      %get3A_321 = arith.constant 48 : index
      %get3A_322 = tpu.vector_load %arg7[%get3A_321] {strides = array<i32>} : memref<1024xi32, #tpu.memory_space<vmem>>, vector<16xi32>,
      %get3A_323 = arith.constant 48 : index
      %get3A_324 = tpu.vector_load %arg8[%get3A_323] {strides = array<i32>} : memref<1024xi32, #tpu.memory_space<vmem>>, vector<16xi32>,
      %eq3A_325 = arith.cmpi eq, %get3A_322, %get3A_324 : vector<16xi32>
      %jit3A_326 = arith.constant 64 : i32
      %jit3A_327 = arith.constant 0 : i32
      %broadcast_in_dim3A_328 = vector.broadcast %jit3A_326 : i32 to vector<16xi32>
      %broadcast_in_dim3A_329 = vector.broadcast %jit3A_327 : i32 to vector<16xi32>
      %select_n3A_330 = arith.select %eq3A_325, %broadcast_in_dim3A_328, %broadcast_in_dim3A_329 : vector<16xi1>, vector<16xi32>
      %and3A_331 = arith.constant -64 : i32
      %and3A_332 = vector.broadcast %and3A_331 : i32 to vector<16xi32>
      %and3A_333 = arith.andi %get3A_324, %and3A_332 : vector<16xi32>
      %add3A_334 = arith.addi %get3A_324, %and3A_333 : vector<16xi32>
      %add3A_335 = arith.addi %add3A_334, %select_n3A_330 : vector<16xi32>
      tpu.vector_store_idx %arg9[%add3A_335], %broadcast_in_dim3A_279 {add = true} : memref<2048xf32, #tpu.memory_space<vmem>>[vector<16xi32>], vector<16xf32>,
      %get3A_336 = arith.constant 64 : index
      %get3A_337 = tpu.vector_load %arg7[%get3A_336] {strides = array<i32>} : memref<1024xi32, #tpu.memory_space<vmem>>, vector<16xi32>,
      %get3A_338 = arith.constant 64 : index
      %get3A_339 = tpu.vector_load %arg8[%get3A_338] {strides = array<i32>} : memref<1024xi32, #tpu.memory_space<vmem>>, vector<16xi32>,
      %eq3A_340 = arith.cmpi eq, %get3A_337, %get3A_339 : vector<16xi32>
      %jit3A_341 = arith.constant 64 : i32
      %jit3A_342 = arith.constant 0 : i32
      %broadcast_in_dim3A_343 = vector.broadcast %jit3A_341 : i32 to vector<16xi32>
      %broadcast_in_dim3A_344 = vector.broadcast %jit3A_342 : i32 to vector<16xi32>
      %select_n3A_345 = arith.select %eq3A_340, %broadcast_in_dim3A_343, %broadcast_in_dim3A_344 : vector<16xi1>, vector<16xi32>
      %and3A_346 = arith.constant -64 : i32
      %and3A_347 = vector.broadcast %and3A_346 : i32 to vector<16xi32>
      %and3A_348 = arith.andi %get3A_339, %and3A_347 : vector<16xi32>
      %add3A_349 = arith.addi %get3A_339, %and3A_348 : vector<16xi32>
      %add3A_350 = arith.addi %add3A_349, %select_n3A_345 : vector<16xi32>
      tpu.vector_store_idx %arg9[%add3A_350], %broadcast_in_dim3A_279 {add = true} : memref<2048xf32, #tpu.memory_space<vmem>>[vector<16xi32>], vector<16xf32>,
      %get3A_351 = arith.constant 80 : index
      %get3A_352 = tpu.vector_load %arg7[%get3A_351] {strides = array<i32>} : memref<1024xi32, #tpu.memory_space<vmem>>, vector<16xi32>,
      %get3A_353 = arith.constant 80 : index
      %get3A_354 = tpu.vector_load %arg8[%get3A_353] {strides = array<i32>} : memref<1024xi32, #tpu.memory_space<vmem>>, vector<16xi32>,
      %eq3A_355 = arith.cmpi eq, %get3A_352, %get3A_354 : vector<16xi32>
      %jit3A_356 = arith.constant 64 : i32
      %jit3A_357 = arith.constant 0 : i32
      %broadcast_in_dim3A_358 = vector.broadcast %jit3A_356 : i32 to vector<16xi32>
      %broadcast_in_dim3A_359 = vector.broadcast %jit3A_357 : i32 to vector<16xi32>
      %select_n3A_360 = arith.select %eq3A_355, %broadcast_in_dim3A_358, %broadcast_in_dim3A_359 : vector<16xi1>, vector<16xi32>
      %and3A_361 = arith.constant -64 : i32
      %and3A_362 = vector.broadcast %and3A_361 : i32 to vector<16xi32>
      %and3A_363 = arith.andi %get3A_354, %and3A_362 : vector<16xi32>
      %add3A_364 = arith.addi %get3A_354, %and3A_363 : vector<16xi32>
      %add3A_365 = arith.addi %add3A_364, %select_n3A_360 : vector<16xi32>
      tpu.vector_store_idx %arg9[%add3A_365], %broadcast_in_dim3A_279 {add = true} : memref<2048xf32, #tpu.memory_space<vmem>>[vector<16xi32>], vector<16xf32>,
      %get3A_366 = arith.constant 96 : index
      %get3A_367 = tpu.vector_load %arg7[%get3A_366] {strides = array<i32>} : memref<1024xi32, #tpu.memory_space<vmem>>, vector<16xi32>,
      %get3A_368 = arith.constant 96 : index
      %get3A_369 = tpu.vector_load %arg8[%get3A_368] {strides = array<i32>} : memref<1024xi32, #tpu.memory_space<vmem>>, vector<16xi32>,
      %eq3A_370 = arith.cmpi eq, %get3A_367, %get3A_369 : vector<16xi32>
      %jit3A_371 = arith.constant 64 : i32
      %jit3A_372 = arith.constant 0 : i32
      %broadcast_in_dim3A_373 = vector.broadcast %jit3A_371 : i32 to vector<16xi32>
      %broadcast_in_dim3A_374 = vector.broadcast %jit3A_372 : i32 to vector<16xi32>
      %select_n3A_375 = arith.select %eq3A_370, %broadcast_in_dim3A_373, %broadcast_in_dim3A_374 : vector<16xi1>, vector<16xi32>
      %and3A_376 = arith.constant -64 : i32
      %and3A_377 = vector.broadcast %and3A_376 : i32 to vector<16xi32>
      %and3A_378 = arith.andi %get3A_369, %and3A_377 : vector<16xi32>
      %add3A_379 = arith.addi %get3A_369, %and3A_378 : vector<16xi32>
      %add3A_380 = arith.addi %add3A_379, %select_n3A_375 : vector<16xi32>
      tpu.vector_store_idx %arg9[%add3A_380], %broadcast_in_dim3A_279 {add = true} : memref<2048xf32, #tpu.memory_space<vmem>>[vector<16xi32>], vector<16xf32>,
      %get3A_381 = arith.constant 112 : index
      %get3A_382 = tpu.vector_load %arg7[%get3A_381] {strides = array<i32>} : memref<1024xi32, #tpu.memory_space<vmem>>, vector<16xi32>,
      %get3A_383 = arith.constant 112 : index
      %get3A_384 = tpu.vector_load %arg8[%get3A_383] {strides = array<i32>} : memref<1024xi32, #tpu.memory_space<vmem>>, vector<16xi32>,
      %eq3A_385 = arith.cmpi eq, %get3A_382, %get3A_384 : vector<16xi32>
      %jit3A_386 = arith.constant 64 : i32
      %jit3A_387 = arith.constant 0 : i32
      %broadcast_in_dim3A_388 = vector.broadcast %jit3A_386 : i32 to vector<16xi32>
      %broadcast_in_dim3A_389 = vector.broadcast %jit3A_387 : i32 to vector<16xi32>
      %select_n3A_390 = arith.select %eq3A_385, %broadcast_in_dim3A_388, %broadcast_in_dim3A_389 : vector<16xi1>, vector<16xi32>
      %and3A_391 = arith.constant -64 : i32
      %and3A_392 = vector.broadcast %and3A_391 : i32 to vector<16xi32>
      %and3A_393 = arith.andi %get3A_384, %and3A_392 : vector<16xi32>
      %add3A_394 = arith.addi %get3A_384, %and3A_393 : vector<16xi32>
      %add3A_395 = arith.addi %add3A_394, %select_n3A_390 : vector<16xi32>
      tpu.vector_store_idx %arg9[%add3A_395], %broadcast_in_dim3A_279 {add = true} : memref<2048xf32, #tpu.memory_space<vmem>>[vector<16xi32>], vector<16xf32>,
      %get3A_396 = arith.constant 128 : index
      %get3A_397 = tpu.vector_load %arg7[%get3A_396] {strides = array<i32>} : memref<1024xi32, #tpu.memory_space<vmem>>, vector<16xi32>,
      %get3A_398 = arith.constant 128 : index
      %get3A_399 = tpu.vector_load %arg8[%get3A_398] {strides = array<i32>} : memref<1024xi32, #tpu.memory_space<vmem>>, vector<16xi32>,
      %eq3A_400 = arith.cmpi eq, %get3A_397, %get3A_399 : vector<16xi32>
      %jit3A_401 = arith.constant 64 : i32
      %jit3A_402 = arith.constant 0 : i32
      %broadcast_in_dim3A_403 = vector.broadcast %jit3A_401 : i32 to vector<16xi32>
      %broadcast_in_dim3A_404 = vector.broadcast %jit3A_402 : i32 to vector<16xi32>
      %select_n3A_405 = arith.select %eq3A_400, %broadcast_in_dim3A_403, %broadcast_in_dim3A_404 : vector<16xi1>, vector<16xi32>
      %and3A_406 = arith.constant -64 : i32
      %and3A_407 = vector.broadcast %and3A_406 : i32 to vector<16xi32>
      %and3A_408 = arith.andi %get3A_399, %and3A_407 : vector<16xi32>
      %add3A_409 = arith.addi %get3A_399, %and3A_408 : vector<16xi32>
      %add3A_410 = arith.addi %add3A_409, %select_n3A_405 : vector<16xi32>
      tpu.vector_store_idx %arg9[%add3A_410], %broadcast_in_dim3A_279 {add = true} : memref<2048xf32, #tpu.memory_space<vmem>>[vector<16xi32>], vector<16xf32>,
      %get3A_411 = arith.constant 144 : index
      %get3A_412 = tpu.vector_load %arg7[%get3A_411] {strides = array<i32>} : memref<1024xi32, #tpu.memory_space<vmem>>, vector<16xi32>,
      %get3A_413 = arith.constant 144 : index
      %get3A_414 = tpu.vector_load %arg8[%get3A_413] {strides = array<i32>} : memref<1024xi32, #tpu.memory_space<vmem>>, vector<16xi32>,
      %eq3A_415 = arith.cmpi eq, %get3A_412, %get3A_414 : vector<16xi32>
      %jit3A_416 = arith.constant 64 : i32
      %jit3A_417 = arith.constant 0 : i32
      %broadcast_in_dim3A_418 = vector.broadcast %jit3A_416 : i32 to vector<16xi32>
      %broadcast_in_dim3A_419 = vector.broadcast %jit3A_417 : i32 to vector<16xi32>
      %select_n3A_420 = arith.select %eq3A_415, %broadcast_in_dim3A_418, %broadcast_in_dim3A_419 : vector<16xi1>, vector<16xi32>
      %and3A_421 = arith.constant -64 : i32
      %and3A_422 = vector.broadcast %and3A_421 : i32 to vector<16xi32>
      %and3A_423 = arith.andi %get3A_414, %and3A_422 : vector<16xi32>
      %add3A_424 = arith.addi %get3A_414, %and3A_423 : vector<16xi32>
      %add3A_425 = arith.addi %add3A_424, %select_n3A_420 : vector<16xi32>
      tpu.vector_store_idx %arg9[%add3A_425], %broadcast_in_dim3A_279 {add = true} : memref<2048xf32, #tpu.memory_space<vmem>>[vector<16xi32>], vector<16xf32>,
      %get3A_426 = arith.constant 160 : index
      %get3A_427 = tpu.vector_load %arg7[%get3A_426] {strides = array<i32>} : memref<1024xi32, #tpu.memory_space<vmem>>, vector<16xi32>,
      %get3A_428 = arith.constant 160 : index
      %get3A_429 = tpu.vector_load %arg8[%get3A_428] {strides = array<i32>} : memref<1024xi32, #tpu.memory_space<vmem>>, vector<16xi32>,
      %eq3A_430 = arith.cmpi eq, %get3A_427, %get3A_429 : vector<16xi32>
      %jit3A_431 = arith.constant 64 : i32
      %jit3A_432 = arith.constant 0 : i32
      %broadcast_in_dim3A_433 = vector.broadcast %jit3A_431 : i32 to vector<16xi32>
      %broadcast_in_dim3A_434 = vector.broadcast %jit3A_432 : i32 to vector<16xi32>
      %select_n3A_435 = arith.select %eq3A_430, %broadcast_in_dim3A_433, %broadcast_in_dim3A_434 : vector<16xi1>, vector<16xi32>
      %and3A_436 = arith.constant -64 : i32
      %and3A_437 = vector.broadcast %and3A_436 : i32 to vector<16xi32>
      %and3A_438 = arith.andi %get3A_429, %and3A_437 : vector<16xi32>
      %add3A_439 = arith.addi %get3A_429, %and3A_438 : vector<16xi32>
      %add3A_440 = arith.addi %add3A_439, %select_n3A_435 : vector<16xi32>
      tpu.vector_store_idx %arg9[%add3A_440], %broadcast_in_dim3A_279 {add = true} : memref<2048xf32, #tpu.memory_space<vmem>>[vector<16xi32>], vector<16xf32>,
      %get3A_441 = arith.constant 176 : index
      %get3A_442 = tpu.vector_load %arg7[%get3A_441] {strides = array<i32>} : memref<1024xi32, #tpu.memory_space<vmem>>, vector<16xi32>,
      %get3A_443 = arith.constant 176 : index
      %get3A_444 = tpu.vector_load %arg8[%get3A_443] {strides = array<i32>} : memref<1024xi32, #tpu.memory_space<vmem>>, vector<16xi32>,
      %eq3A_445 = arith.cmpi eq, %get3A_442, %get3A_444 : vector<16xi32>
      %jit3A_446 = arith.constant 64 : i32
      %jit3A_447 = arith.constant 0 : i32
      %broadcast_in_dim3A_448 = vector.broadcast %jit3A_446 : i32 to vector<16xi32>
      %broadcast_in_dim3A_449 = vector.broadcast %jit3A_447 : i32 to vector<16xi32>
      %select_n3A_450 = arith.select %eq3A_445, %broadcast_in_dim3A_448, %broadcast_in_dim3A_449 : vector<16xi1>, vector<16xi32>
      %and3A_451 = arith.constant -64 : i32
      %and3A_452 = vector.broadcast %and3A_451 : i32 to vector<16xi32>
      %and3A_453 = arith.andi %get3A_444, %and3A_452 : vector<16xi32>
      %add3A_454 = arith.addi %get3A_444, %and3A_453 : vector<16xi32>
      %add3A_455 = arith.addi %add3A_454, %select_n3A_450 : vector<16xi32>
      tpu.vector_store_idx %arg9[%add3A_455], %broadcast_in_dim3A_279 {add = true} : memref<2048xf32, #tpu.memory_space<vmem>>[vector<16xi32>], vector<16xf32>,
      %get3A_456 = arith.constant 192 : index
      %get3A_457 = tpu.vector_load %arg7[%get3A_456] {strides = array<i32>} : memref<1024xi32, #tpu.memory_space<vmem>>, vector<16xi32>,
      %get3A_458 = arith.constant 192 : index
      %get3A_459 = tpu.vector_load %arg8[%get3A_458] {strides = array<i32>} : memref<1024xi32, #tpu.memory_space<vmem>>, vector<16xi32>,
      %eq3A_460 = arith.cmpi eq, %get3A_457, %get3A_459 : vector<16xi32>
      %jit3A_461 = arith.constant 64 : i32
      %jit3A_462 = arith.constant 0 : i32
      %broadcast_in_dim3A_463 = vector.broadcast %jit3A_461 : i32 to vector<16xi32>
      %broadcast_in_dim3A_464 = vector.broadcast %jit3A_462 : i32 to vector<16xi32>
      %select_n3A_465 = arith.select %eq3A_460, %broadcast_in_dim3A_463, %broadcast_in_dim3A_464 : vector<16xi1>, vector<16xi32>
      %and3A_466 = arith.constant -64 : i32
      %and3A_467 = vector.broadcast %and3A_466 : i32 to vector<16xi32>
      %and3A_468 = arith.andi %get3A_459, %and3A_467 : vector<16xi32>
      %add3A_469 = arith.addi %get3A_459, %and3A_468 : vector<16xi32>
      %add3A_470 = arith.addi %add3A_469, %select_n3A_465 : vector<16xi32>
      tpu.vector_store_idx %arg9[%add3A_470], %broadcast_in_dim3A_279 {add = true} : memref<2048xf32, #tpu.memory_space<vmem>>[vector<16xi32>], vector<16xf32>,
      %get3A_471 = arith.constant 208 : index
      %get3A_472 = tpu.vector_load %arg7[%get3A_471] {strides = array<i32>} : memref<1024xi32, #tpu.memory_space<vmem>>, vector<16xi32>,
      %get3A_473 = arith.constant 208 : index
      %get3A_474 = tpu.vector_load %arg8[%get3A_473] {strides = array<i32>} : memref<1024xi32, #tpu.memory_space<vmem>>, vector<16xi32>,
      %eq3A_475 = arith.cmpi eq, %get3A_472, %get3A_474 : vector<16xi32>
      %jit3A_476 = arith.constant 64 : i32
      %jit3A_477 = arith.constant 0 : i32
      %broadcast_in_dim3A_478 = vector.broadcast %jit3A_476 : i32 to vector<16xi32>
      %broadcast_in_dim3A_479 = vector.broadcast %jit3A_477 : i32 to vector<16xi32>
      %select_n3A_480 = arith.select %eq3A_475, %broadcast_in_dim3A_478, %broadcast_in_dim3A_479 : vector<16xi1>, vector<16xi32>
      %and3A_481 = arith.constant -64 : i32
      %and3A_482 = vector.broadcast %and3A_481 : i32 to vector<16xi32>
      %and3A_483 = arith.andi %get3A_474, %and3A_482 : vector<16xi32>
      %add3A_484 = arith.addi %get3A_474, %and3A_483 : vector<16xi32>
      %add3A_485 = arith.addi %add3A_484, %select_n3A_480 : vector<16xi32>
      tpu.vector_store_idx %arg9[%add3A_485], %broadcast_in_dim3A_279 {add = true} : memref<2048xf32, #tpu.memory_space<vmem>>[vector<16xi32>], vector<16xf32>,
      %get3A_486 = arith.constant 224 : index
      %get3A_487 = tpu.vector_load %arg7[%get3A_486] {strides = array<i32>} : memref<1024xi32, #tpu.memory_space<vmem>>, vector<16xi32>,
      %get3A_488 = arith.constant 224 : index
      %get3A_489 = tpu.vector_load %arg8[%get3A_488] {strides = array<i32>} : memref<1024xi32, #tpu.memory_space<vmem>>, vector<16xi32>,
      %eq3A_490 = arith.cmpi eq, %get3A_487, %get3A_489 : vector<16xi32>
      %jit3A_491 = arith.constant 64 : i32
      %jit3A_492 = arith.constant 0 : i32
      %broadcast_in_dim3A_493 = vector.broadcast %jit3A_491 : i32 to vector<16xi32>
      %broadcast_in_dim3A_494 = vector.broadcast %jit3A_492 : i32 to vector<16xi32>
      %select_n3A_495 = arith.select %eq3A_490, %broadcast_in_dim3A_493, %broadcast_in_dim3A_494 : vector<16xi1>, vector<16xi32>
      %and3A_496 = arith.constant -64 : i32
      %and3A_497 = vector.broadcast %and3A_496 : i32 to vector<16xi32>
      %and3A_498 = arith.andi %get3A_489, %and3A_497 : vector<16xi32>
      %add3A_499 = arith.addi %get3A_489, %and3A_498 : vector<16xi32>
      %add3A_500 = arith.addi %add3A_499, %select_n3A_495 : vector<16xi32>
      tpu.vector_store_idx %arg9[%add3A_500], %broadcast_in_dim3A_279 {add = true} : memref<2048xf32, #tpu.memory_space<vmem>>[vector<16xi32>], vector<16xf32>,
      %get3A_501 = arith.constant 240 : index
      %get3A_502 = tpu.vector_load %arg7[%get3A_501] {strides = array<i32>} : memref<1024xi32, #tpu.memory_space<vmem>>, vector<16xi32>,
      %get3A_503 = arith.constant 240 : index
      %get3A_504 = tpu.vector_load %arg8[%get3A_503] {strides = array<i32>} : memref<1024xi32, #tpu.memory_space<vmem>>, vector<16xi32>,
      %eq3A_505 = arith.cmpi eq, %get3A_502, %get3A_504 : vector<16xi32>
      %jit3A_506 = arith.constant 64 : i32
      %jit3A_507 = arith.constant 0 : i32
      %broadcast_in_dim3A_508 = vector.broadcast %jit3A_506 : i32 to vector<16xi32>
      %broadcast_in_dim3A_509 = vector.broadcast %jit3A_507 : i32 to vector<16xi32>
      %select_n3A_510 = arith.select %eq3A_505, %broadcast_in_dim3A_508, %broadcast_in_dim3A_509 : vector<16xi1>, vector<16xi32>
      %and3A_511 = arith.constant -64 : i32
      %and3A_512 = vector.broadcast %and3A_511 : i32 to vector<16xi32>
      %and3A_513 = arith.andi %get3A_504, %and3A_512 : vector<16xi32>
      %add3A_514 = arith.addi %get3A_504, %and3A_513 : vector<16xi32>
      %add3A_515 = arith.addi %add3A_514, %select_n3A_510 : vector<16xi32>
      tpu.vector_store_idx %arg9[%add3A_515], %broadcast_in_dim3A_279 {add = true} : memref<2048xf32, #tpu.memory_space<vmem>>[vector<16xi32>], vector<16xf32>,
      %get3A_516 = arith.constant 256 : index
      %get3A_517 = tpu.vector_load %arg7[%get3A_516] {strides = array<i32>} : memref<1024xi32, #tpu.memory_space<vmem>>, vector<16xi32>,
      %get3A_518 = arith.constant 256 : index
      %get3A_519 = tpu.vector_load %arg8[%get3A_518] {strides = array<i32>} : memref<1024xi32, #tpu.memory_space<vmem>>, vector<16xi32>,
      %eq3A_520 = arith.cmpi eq, %get3A_517, %get3A_519 : vector<16xi32>
      %jit3A_521 = arith.constant 64 : i32
      %jit3A_522 = arith.constant 0 : i32
      %broadcast_in_dim3A_523 = vector.broadcast %jit3A_521 : i32 to vector<16xi32>
      %broadcast_in_dim3A_524 = vector.broadcast %jit3A_522 : i32 to vector<16xi32>
      %select_n3A_525 = arith.select %eq3A_520, %broadcast_in_dim3A_523, %broadcast_in_dim3A_524 : vector<16xi1>, vector<16xi32>
      %and3A_526 = arith.constant -64 : i32
      %and3A_527 = vector.broadcast %and3A_526 : i32 to vector<16xi32>
      %and3A_528 = arith.andi %get3A_519, %and3A_527 : vector<16xi32>
      %add3A_529 = arith.addi %get3A_519, %and3A_528 : vector<16xi32>
      %add3A_530 = arith.addi %add3A_529, %select_n3A_525 : vector<16xi32>
      tpu.vector_store_idx %arg9[%add3A_530], %broadcast_in_dim3A_279 {add = true} : memref<2048xf32, #tpu.memory_space<vmem>>[vector<16xi32>], vector<16xf32>,
      %get3A_531 = arith.constant 272 : index
      %get3A_532 = tpu.vector_load %arg7[%get3A_531] {strides = array<i32>} : memref<1024xi32, #tpu.memory_space<vmem>>, vector<16xi32>,
      %get3A_533 = arith.constant 272 : index
      %get3A_534 = tpu.vector_load %arg8[%get3A_533] {strides = array<i32>} : memref<1024xi32, #tpu.memory_space<vmem>>, vector<16xi32>,
      %eq3A_535 = arith.cmpi eq, %get3A_532, %get3A_534 : vector<16xi32>
      %jit3A_536 = arith.constant 64 : i32
      %jit3A_537 = arith.constant 0 : i32
      %broadcast_in_dim3A_538 = vector.broadcast %jit3A_536 : i32 to vector<16xi32>
      %broadcast_in_dim3A_539 = vector.broadcast %jit3A_537 : i32 to vector<16xi32>
      %select_n3A_540 = arith.select %eq3A_535, %broadcast_in_dim3A_538, %broadcast_in_dim3A_539 : vector<16xi1>, vector<16xi32>
      %and3A_541 = arith.constant -64 : i32
      %and3A_542 = vector.broadcast %and3A_541 : i32 to vector<16xi32>
      %and3A_543 = arith.andi %get3A_534, %and3A_542 : vector<16xi32>
      %add3A_544 = arith.addi %get3A_534, %and3A_543 : vector<16xi32>
      %add3A_545 = arith.addi %add3A_544, %select_n3A_540 : vector<16xi32>
      tpu.vector_store_idx %arg9[%add3A_545], %broadcast_in_dim3A_279 {add = true} : memref<2048xf32, #tpu.memory_space<vmem>>[vector<16xi32>], vector<16xf32>,
      %get3A_546 = arith.constant 288 : index
      %get3A_547 = tpu.vector_load %arg7[%get3A_546] {strides = array<i32>} : memref<1024xi32, #tpu.memory_space<vmem>>, vector<16xi32>,
      %get3A_548 = arith.constant 288 : index
      %get3A_549 = tpu.vector_load %arg8[%get3A_548] {strides = array<i32>} : memref<1024xi32, #tpu.memory_space<vmem>>, vector<16xi32>,
      %eq3A_550 = arith.cmpi eq, %get3A_547, %get3A_549 : vector<16xi32>
      %jit3A_551 = arith.constant 64 : i32
      %jit3A_552 = arith.constant 0 : i32
      %broadcast_in_dim3A_553 = vector.broadcast %jit3A_551 : i32 to vector<16xi32>
      %broadcast_in_dim3A_554 = vector.broadcast %jit3A_552 : i32 to vector<16xi32>
      %select_n3A_555 = arith.select %eq3A_550, %broadcast_in_dim3A_553, %broadcast_in_dim3A_554 : vector<16xi1>, vector<16xi32>
      %and3A_556 = arith.constant -64 : i32
      %and3A_557 = vector.broadcast %and3A_556 : i32 to vector<16xi32>
      %and3A_558 = arith.andi %get3A_549, %and3A_557 : vector<16xi32>
      %add3A_559 = arith.addi %get3A_549, %and3A_558 : vector<16xi32>
      %add3A_560 = arith.addi %add3A_559, %select_n3A_555 : vector<16xi32>
      tpu.vector_store_idx %arg9[%add3A_560], %broadcast_in_dim3A_279 {add = true} : memref<2048xf32, #tpu.memory_space<vmem>>[vector<16xi32>], vector<16xf32>,
      %get3A_561 = arith.constant 304 : index
      %get3A_562 = tpu.vector_load %arg7[%get3A_561] {strides = array<i32>} : memref<1024xi32, #tpu.memory_space<vmem>>, vector<16xi32>,
      %get3A_563 = arith.constant 304 : index
      %get3A_564 = tpu.vector_load %arg8[%get3A_563] {strides = array<i32>} : memref<1024xi32, #tpu.memory_space<vmem>>, vector<16xi32>,
      %eq3A_565 = arith.cmpi eq, %get3A_562, %get3A_564 : vector<16xi32>
      %jit3A_566 = arith.constant 64 : i32
      %jit3A_567 = arith.constant 0 : i32
      %broadcast_in_dim3A_568 = vector.broadcast %jit3A_566 : i32 to vector<16xi32>
      %broadcast_in_dim3A_569 = vector.broadcast %jit3A_567 : i32 to vector<16xi32>
      %select_n3A_570 = arith.select %eq3A_565, %broadcast_in_dim3A_568, %broadcast_in_dim3A_569 : vector<16xi1>, vector<16xi32>
      %and3A_571 = arith.constant -64 : i32
      %and3A_572 = vector.broadcast %and3A_571 : i32 to vector<16xi32>
      %and3A_573 = arith.andi %get3A_564, %and3A_572 : vector<16xi32>
      %add3A_574 = arith.addi %get3A_564, %and3A_573 : vector<16xi32>
      %add3A_575 = arith.addi %add3A_574, %select_n3A_570 : vector<16xi32>
      tpu.vector_store_idx %arg9[%add3A_575], %broadcast_in_dim3A_279 {add = true} : memref<2048xf32, #tpu.memory_space<vmem>>[vector<16xi32>], vector<16xf32>,
      %get3A_576 = arith.constant 320 : index
      %get3A_577 = tpu.vector_load %arg7[%get3A_576] {strides = array<i32>} : memref<1024xi32, #tpu.memory_space<vmem>>, vector<16xi32>,
      %get3A_578 = arith.constant 320 : index
      %get3A_579 = tpu.vector_load %arg8[%get3A_578] {strides = array<i32>} : memref<1024xi32, #tpu.memory_space<vmem>>, vector<16xi32>,
      %eq3A_580 = arith.cmpi eq, %get3A_577, %get3A_579 : vector<16xi32>
      %jit3A_581 = arith.constant 64 : i32
      %jit3A_582 = arith.constant 0 : i32
      %broadcast_in_dim3A_583 = vector.broadcast %jit3A_581 : i32 to vector<16xi32>
      %broadcast_in_dim3A_584 = vector.broadcast %jit3A_582 : i32 to vector<16xi32>
      %select_n3A_585 = arith.select %eq3A_580, %broadcast_in_dim3A_583, %broadcast_in_dim3A_584 : vector<16xi1>, vector<16xi32>
      %and3A_586 = arith.constant -64 : i32
      %and3A_587 = vector.broadcast %and3A_586 : i32 to vector<16xi32>
      %and3A_588 = arith.andi %get3A_579, %and3A_587 : vector<16xi32>
      %add3A_589 = arith.addi %get3A_579, %and3A_588 : vector<16xi32>
      %add3A_590 = arith.addi %add3A_589, %select_n3A_585 : vector<16xi32>
      tpu.vector_store_idx %arg9[%add3A_590], %broadcast_in_dim3A_279 {add = true} : memref<2048xf32, #tpu.memory_space<vmem>>[vector<16xi32>], vector<16xf32>,
      %get3A_591 = arith.constant 336 : index
      %get3A_592 = tpu.vector_load %arg7[%get3A_591] {strides = array<i32>} : memref<1024xi32, #tpu.memory_space<vmem>>, vector<16xi32>,
      %get3A_593 = arith.constant 336 : index
      %get3A_594 = tpu.vector_load %arg8[%get3A_593] {strides = array<i32>} : memref<1024xi32, #tpu.memory_space<vmem>>, vector<16xi32>,
      %eq3A_595 = arith.cmpi eq, %get3A_592, %get3A_594 : vector<16xi32>
      %jit3A_596 = arith.constant 64 : i32
      %jit3A_597 = arith.constant 0 : i32
      %broadcast_in_dim3A_598 = vector.broadcast %jit3A_596 : i32 to vector<16xi32>
      %broadcast_in_dim3A_599 = vector.broadcast %jit3A_597 : i32 to vector<16xi32>
      %select_n3A_600 = arith.select %eq3A_595, %broadcast_in_dim3A_598, %broadcast_in_dim3A_599 : vector<16xi1>, vector<16xi32>
      %and3A_601 = arith.constant -64 : i32
      %and3A_602 = vector.broadcast %and3A_601 : i32 to vector<16xi32>
      %and3A_603 = arith.andi %get3A_594, %and3A_602 : vector<16xi32>
      %add3A_604 = arith.addi %get3A_594, %and3A_603 : vector<16xi32>
      %add3A_605 = arith.addi %add3A_604, %select_n3A_600 : vector<16xi32>
      tpu.vector_store_idx %arg9[%add3A_605], %broadcast_in_dim3A_279 {add = true} : memref<2048xf32, #tpu.memory_space<vmem>>[vector<16xi32>], vector<16xf32>,
      %get3A_606 = arith.constant 352 : index
      %get3A_607 = tpu.vector_load %arg7[%get3A_606] {strides = array<i32>} : memref<1024xi32, #tpu.memory_space<vmem>>, vector<16xi32>,
      %get3A_608 = arith.constant 352 : index
      %get3A_609 = tpu.vector_load %arg8[%get3A_608] {strides = array<i32>} : memref<1024xi32, #tpu.memory_space<vmem>>, vector<16xi32>,
      %eq3A_610 = arith.cmpi eq, %get3A_607, %get3A_609 : vector<16xi32>
      %jit3A_611 = arith.constant 64 : i32
      %jit3A_612 = arith.constant 0 : i32
      %broadcast_in_dim3A_613 = vector.broadcast %jit3A_611 : i32 to vector<16xi32>
      %broadcast_in_dim3A_614 = vector.broadcast %jit3A_612 : i32 to vector<16xi32>
      %select_n3A_615 = arith.select %eq3A_610, %broadcast_in_dim3A_613, %broadcast_in_dim3A_614 : vector<16xi1>, vector<16xi32>
      %and3A_616 = arith.constant -64 : i32
      %and3A_617 = vector.broadcast %and3A_616 : i32 to vector<16xi32>
      %and3A_618 = arith.andi %get3A_609, %and3A_617 : vector<16xi32>
      %add3A_619 = arith.addi %get3A_609, %and3A_618 : vector<16xi32>
      %add3A_620 = arith.addi %add3A_619, %select_n3A_615 : vector<16xi32>
      tpu.vector_store_idx %arg9[%add3A_620], %broadcast_in_dim3A_279 {add = true} : memref<2048xf32, #tpu.memory_space<vmem>>[vector<16xi32>], vector<16xf32>,
      %get3A_621 = arith.constant 368 : index
      %get3A_622 = tpu.vector_load %arg7[%get3A_621] {strides = array<i32>} : memref<1024xi32, #tpu.memory_space<vmem>>, vector<16xi32>,
      %get3A_623 = arith.constant 368 : index
      %get3A_624 = tpu.vector_load %arg8[%get3A_623] {strides = array<i32>} : memref<1024xi32, #tpu.memory_space<vmem>>, vector<16xi32>,
      %eq3A_625 = arith.cmpi eq, %get3A_622, %get3A_624 : vector<16xi32>
      %jit3A_626 = arith.constant 64 : i32
      %jit3A_627 = arith.constant 0 : i32
      %broadcast_in_dim3A_628 = vector.broadcast %jit3A_626 : i32 to vector<16xi32>
      %broadcast_in_dim3A_629 = vector.broadcast %jit3A_627 : i32 to vector<16xi32>
      %select_n3A_630 = arith.select %eq3A_625, %broadcast_in_dim3A_628, %broadcast_in_dim3A_629 : vector<16xi1>, vector<16xi32>
      %and3A_631 = arith.constant -64 : i32
      %and3A_632 = vector.broadcast %and3A_631 : i32 to vector<16xi32>
      %and3A_633 = arith.andi %get3A_624, %and3A_632 : vector<16xi32>
      %add3A_634 = arith.addi %get3A_624, %and3A_633 : vector<16xi32>
      %add3A_635 = arith.addi %add3A_634, %select_n3A_630 : vector<16xi32>
      tpu.vector_store_idx %arg9[%add3A_635], %broadcast_in_dim3A_279 {add = true} : memref<2048xf32, #tpu.memory_space<vmem>>[vector<16xi32>], vector<16xf32>,
      %get3A_636 = arith.constant 384 : index
      %get3A_637 = tpu.vector_load %arg7[%get3A_636] {strides = array<i32>} : memref<1024xi32, #tpu.memory_space<vmem>>, vector<16xi32>,
      %get3A_638 = arith.constant 384 : index
      %get3A_639 = tpu.vector_load %arg8[%get3A_638] {strides = array<i32>} : memref<1024xi32, #tpu.memory_space<vmem>>, vector<16xi32>,
      %eq3A_640 = arith.cmpi eq, %get3A_637, %get3A_639 : vector<16xi32>
      %jit3A_641 = arith.constant 64 : i32
      %jit3A_642 = arith.constant 0 : i32
      %broadcast_in_dim3A_643 = vector.broadcast %jit3A_641 : i32 to vector<16xi32>
      %broadcast_in_dim3A_644 = vector.broadcast %jit3A_642 : i32 to vector<16xi32>
      %select_n3A_645 = arith.select %eq3A_640, %broadcast_in_dim3A_643, %broadcast_in_dim3A_644 : vector<16xi1>, vector<16xi32>
      %and3A_646 = arith.constant -64 : i32
      %and3A_647 = vector.broadcast %and3A_646 : i32 to vector<16xi32>
      %and3A_648 = arith.andi %get3A_639, %and3A_647 : vector<16xi32>
      %add3A_649 = arith.addi %get3A_639, %and3A_648 : vector<16xi32>
      %add3A_650 = arith.addi %add3A_649, %select_n3A_645 : vector<16xi32>
      tpu.vector_store_idx %arg9[%add3A_650], %broadcast_in_dim3A_279 {add = true} : memref<2048xf32, #tpu.memory_space<vmem>>[vector<16xi32>], vector<16xf32>,
      %get3A_651 = arith.constant 400 : index
      %get3A_652 = tpu.vector_load %arg7[%get3A_651] {strides = array<i32>} : memref<1024xi32, #tpu.memory_space<vmem>>, vector<16xi32>,
      %get3A_653 = arith.constant 400 : index
      %get3A_654 = tpu.vector_load %arg8[%get3A_653] {strides = array<i32>} : memref<1024xi32, #tpu.memory_space<vmem>>, vector<16xi32>,
      %eq3A_655 = arith.cmpi eq, %get3A_652, %get3A_654 : vector<16xi32>
      %jit3A_656 = arith.constant 64 : i32
      %jit3A_657 = arith.constant 0 : i32
      %broadcast_in_dim3A_658 = vector.broadcast %jit3A_656 : i32 to vector<16xi32>
      %broadcast_in_dim3A_659 = vector.broadcast %jit3A_657 : i32 to vector<16xi32>
      %select_n3A_660 = arith.select %eq3A_655, %broadcast_in_dim3A_658, %broadcast_in_dim3A_659 : vector<16xi1>, vector<16xi32>
      %and3A_661 = arith.constant -64 : i32
      %and3A_662 = vector.broadcast %and3A_661 : i32 to vector<16xi32>
      %and3A_663 = arith.andi %get3A_654, %and3A_662 : vector<16xi32>
      %add3A_664 = arith.addi %get3A_654, %and3A_663 : vector<16xi32>
      %add3A_665 = arith.addi %add3A_664, %select_n3A_660 : vector<16xi32>
      tpu.vector_store_idx %arg9[%add3A_665], %broadcast_in_dim3A_279 {add = true} : memref<2048xf32, #tpu.memory_space<vmem>>[vector<16xi32>], vector<16xf32>,
      %get3A_666 = arith.constant 416 : index
      %get3A_667 = tpu.vector_load %arg7[%get3A_666] {strides = array<i32>} : memref<1024xi32, #tpu.memory_space<vmem>>, vector<16xi32>,
      %get3A_668 = arith.constant 416 : index
      %get3A_669 = tpu.vector_load %arg8[%get3A_668] {strides = array<i32>} : memref<1024xi32, #tpu.memory_space<vmem>>, vector<16xi32>,
      %eq3A_670 = arith.cmpi eq, %get3A_667, %get3A_669 : vector<16xi32>
      %jit3A_671 = arith.constant 64 : i32
      %jit3A_672 = arith.constant 0 : i32
      %broadcast_in_dim3A_673 = vector.broadcast %jit3A_671 : i32 to vector<16xi32>
      %broadcast_in_dim3A_674 = vector.broadcast %jit3A_672 : i32 to vector<16xi32>
      %select_n3A_675 = arith.select %eq3A_670, %broadcast_in_dim3A_673, %broadcast_in_dim3A_674 : vector<16xi1>, vector<16xi32>
      %and3A_676 = arith.constant -64 : i32
      %and3A_677 = vector.broadcast %and3A_676 : i32 to vector<16xi32>
      %and3A_678 = arith.andi %get3A_669, %and3A_677 : vector<16xi32>
      %add3A_679 = arith.addi %get3A_669, %and3A_678 : vector<16xi32>
      %add3A_680 = arith.addi %add3A_679, %select_n3A_675 : vector<16xi32>
      tpu.vector_store_idx %arg9[%add3A_680], %broadcast_in_dim3A_279 {add = true} : memref<2048xf32, #tpu.memory_space<vmem>>[vector<16xi32>], vector<16xf32>,
      %get3A_681 = arith.constant 432 : index
      %get3A_682 = tpu.vector_load %arg7[%get3A_681] {strides = array<i32>} : memref<1024xi32, #tpu.memory_space<vmem>>, vector<16xi32>,
      %get3A_683 = arith.constant 432 : index
      %get3A_684 = tpu.vector_load %arg8[%get3A_683] {strides = array<i32>} : memref<1024xi32, #tpu.memory_space<vmem>>, vector<16xi32>,
      %eq3A_685 = arith.cmpi eq, %get3A_682, %get3A_684 : vector<16xi32>
      %jit3A_686 = arith.constant 64 : i32
      %jit3A_687 = arith.constant 0 : i32
      %broadcast_in_dim3A_688 = vector.broadcast %jit3A_686 : i32 to vector<16xi32>
      %broadcast_in_dim3A_689 = vector.broadcast %jit3A_687 : i32 to vector<16xi32>
      %select_n3A_690 = arith.select %eq3A_685, %broadcast_in_dim3A_688, %broadcast_in_dim3A_689 : vector<16xi1>, vector<16xi32>
      %and3A_691 = arith.constant -64 : i32
      %and3A_692 = vector.broadcast %and3A_691 : i32 to vector<16xi32>
      %and3A_693 = arith.andi %get3A_684, %and3A_692 : vector<16xi32>
      %add3A_694 = arith.addi %get3A_684, %and3A_693 : vector<16xi32>
      %add3A_695 = arith.addi %add3A_694, %select_n3A_690 : vector<16xi32>
      tpu.vector_store_idx %arg9[%add3A_695], %broadcast_in_dim3A_279 {add = true} : memref<2048xf32, #tpu.memory_space<vmem>>[vector<16xi32>], vector<16xf32>,
      %get3A_696 = arith.constant 448 : index
      %get3A_697 = tpu.vector_load %arg7[%get3A_696] {strides = array<i32>} : memref<1024xi32, #tpu.memory_space<vmem>>, vector<16xi32>,
      %get3A_698 = arith.constant 448 : index
      %get3A_699 = tpu.vector_load %arg8[%get3A_698] {strides = array<i32>} : memref<1024xi32, #tpu.memory_space<vmem>>, vector<16xi32>,
      %eq3A_700 = arith.cmpi eq, %get3A_697, %get3A_699 : vector<16xi32>
      %jit3A_701 = arith.constant 64 : i32
      %jit3A_702 = arith.constant 0 : i32
      %broadcast_in_dim3A_703 = vector.broadcast %jit3A_701 : i32 to vector<16xi32>
      %broadcast_in_dim3A_704 = vector.broadcast %jit3A_702 : i32 to vector<16xi32>
      %select_n3A_705 = arith.select %eq3A_700, %broadcast_in_dim3A_703, %broadcast_in_dim3A_704 : vector<16xi1>, vector<16xi32>
      %and3A_706 = arith.constant -64 : i32
      %and3A_707 = vector.broadcast %and3A_706 : i32 to vector<16xi32>
      %and3A_708 = arith.andi %get3A_699, %and3A_707 : vector<16xi32>
      %add3A_709 = arith.addi %get3A_699, %and3A_708 : vector<16xi32>
      %add3A_710 = arith.addi %add3A_709, %select_n3A_705 : vector<16xi32>
      tpu.vector_store_idx %arg9[%add3A_710], %broadcast_in_dim3A_279 {add = true} : memref<2048xf32, #tpu.memory_space<vmem>>[vector<16xi32>], vector<16xf32>,
      %get3A_711 = arith.constant 464 : index
      %get3A_712 = tpu.vector_load %arg7[%get3A_711] {strides = array<i32>} : memref<1024xi32, #tpu.memory_space<vmem>>, vector<16xi32>,
      %get3A_713 = arith.constant 464 : index
      %get3A_714 = tpu.vector_load %arg8[%get3A_713] {strides = array<i32>} : memref<1024xi32, #tpu.memory_space<vmem>>, vector<16xi32>,
      %eq3A_715 = arith.cmpi eq, %get3A_712, %get3A_714 : vector<16xi32>
      %jit3A_716 = arith.constant 64 : i32
      %jit3A_717 = arith.constant 0 : i32
      %broadcast_in_dim3A_718 = vector.broadcast %jit3A_716 : i32 to vector<16xi32>
      %broadcast_in_dim3A_719 = vector.broadcast %jit3A_717 : i32 to vector<16xi32>
      %select_n3A_720 = arith.select %eq3A_715, %broadcast_in_dim3A_718, %broadcast_in_dim3A_719 : vector<16xi1>, vector<16xi32>
      %and3A_721 = arith.constant -64 : i32
      %and3A_722 = vector.broadcast %and3A_721 : i32 to vector<16xi32>
      %and3A_723 = arith.andi %get3A_714, %and3A_722 : vector<16xi32>
      %add3A_724 = arith.addi %get3A_714, %and3A_723 : vector<16xi32>
      %add3A_725 = arith.addi %add3A_724, %select_n3A_720 : vector<16xi32>
      tpu.vector_store_idx %arg9[%add3A_725], %broadcast_in_dim3A_279 {add = true} : memref<2048xf32, #tpu.memory_space<vmem>>[vector<16xi32>], vector<16xf32>,
      %get3A_726 = arith.constant 480 : index
      %get3A_727 = tpu.vector_load %arg7[%get3A_726] {strides = array<i32>} : memref<1024xi32, #tpu.memory_space<vmem>>, vector<16xi32>,
      %get3A_728 = arith.constant 480 : index
      %get3A_729 = tpu.vector_load %arg8[%get3A_728] {strides = array<i32>} : memref<1024xi32, #tpu.memory_space<vmem>>, vector<16xi32>,
      %eq3A_730 = arith.cmpi eq, %get3A_727, %get3A_729 : vector<16xi32>
      %jit3A_731 = arith.constant 64 : i32
      %jit3A_732 = arith.constant 0 : i32
      %broadcast_in_dim3A_733 = vector.broadcast %jit3A_731 : i32 to vector<16xi32>
      %broadcast_in_dim3A_734 = vector.broadcast %jit3A_732 : i32 to vector<16xi32>
      %select_n3A_735 = arith.select %eq3A_730, %broadcast_in_dim3A_733, %broadcast_in_dim3A_734 : vector<16xi1>, vector<16xi32>
      %and3A_736 = arith.constant -64 : i32
      %and3A_737 = vector.broadcast %and3A_736 : i32 to vector<16xi32>
      %and3A_738 = arith.andi %get3A_729, %and3A_737 : vector<16xi32>
      %add3A_739 = arith.addi %get3A_729, %and3A_738 : vector<16xi32>
      %add3A_740 = arith.addi %add3A_739, %select_n3A_735 : vector<16xi32>
      tpu.vector_store_idx %arg9[%add3A_740], %broadcast_in_dim3A_279 {add = true} : memref<2048xf32, #tpu.memory_space<vmem>>[vector<16xi32>], vector<16xf32>,
      %get3A_741 = arith.constant 496 : index
      %get3A_742 = tpu.vector_load %arg7[%get3A_741] {strides = array<i32>} : memref<1024xi32, #tpu.memory_space<vmem>>, vector<16xi32>,
      %get3A_743 = arith.constant 496 : index
      %get3A_744 = tpu.vector_load %arg8[%get3A_743] {strides = array<i32>} : memref<1024xi32, #tpu.memory_space<vmem>>, vector<16xi32>,
      %eq3A_745 = arith.cmpi eq, %get3A_742, %get3A_744 : vector<16xi32>
      %jit3A_746 = arith.constant 64 : i32
      %jit3A_747 = arith.constant 0 : i32
      %broadcast_in_dim3A_748 = vector.broadcast %jit3A_746 : i32 to vector<16xi32>
      %broadcast_in_dim3A_749 = vector.broadcast %jit3A_747 : i32 to vector<16xi32>
      %select_n3A_750 = arith.select %eq3A_745, %broadcast_in_dim3A_748, %broadcast_in_dim3A_749 : vector<16xi1>, vector<16xi32>
      %and3A_751 = arith.constant -64 : i32
      %and3A_752 = vector.broadcast %and3A_751 : i32 to vector<16xi32>
      %and3A_753 = arith.andi %get3A_744, %and3A_752 : vector<16xi32>
      %add3A_754 = arith.addi %get3A_744, %and3A_753 : vector<16xi32>
      %add3A_755 = arith.addi %add3A_754, %select_n3A_750 : vector<16xi32>
      tpu.vector_store_idx %arg9[%add3A_755], %broadcast_in_dim3A_279 {add = true} : memref<2048xf32, #tpu.memory_space<vmem>>[vector<16xi32>], vector<16xf32>,
      %get3A_756 = arith.constant 512 : index
      %get3A_757 = tpu.vector_load %arg7[%get3A_756] {strides = array<i32>} : memref<1024xi32, #tpu.memory_space<vmem>>, vector<16xi32>,
      %get3A_758 = arith.constant 512 : index
      %get3A_759 = tpu.vector_load %arg8[%get3A_758] {strides = array<i32>} : memref<1024xi32, #tpu.memory_space<vmem>>, vector<16xi32>,
      %eq3A_760 = arith.cmpi eq, %get3A_757, %get3A_759 : vector<16xi32>
      %jit3A_761 = arith.constant 64 : i32
      %jit3A_762 = arith.constant 0 : i32
      %broadcast_in_dim3A_763 = vector.broadcast %jit3A_761 : i32 to vector<16xi32>
      %broadcast_in_dim3A_764 = vector.broadcast %jit3A_762 : i32 to vector<16xi32>
      %select_n3A_765 = arith.select %eq3A_760, %broadcast_in_dim3A_763, %broadcast_in_dim3A_764 : vector<16xi1>, vector<16xi32>
      %and3A_766 = arith.constant -64 : i32
      %and3A_767 = vector.broadcast %and3A_766 : i32 to vector<16xi32>
      %and3A_768 = arith.andi %get3A_759, %and3A_767 : vector<16xi32>
      %add3A_769 = arith.addi %get3A_759, %and3A_768 : vector<16xi32>
      %add3A_770 = arith.addi %add3A_769, %select_n3A_765 : vector<16xi32>
      tpu.vector_store_idx %arg9[%add3A_770], %broadcast_in_dim3A_279 {add = true} : memref<2048xf32, #tpu.memory_space<vmem>>[vector<16xi32>], vector<16xf32>,
      %get3A_771 = arith.constant 528 : index
      %get3A_772 = tpu.vector_load %arg7[%get3A_771] {strides = array<i32>} : memref<1024xi32, #tpu.memory_space<vmem>>, vector<16xi32>,
      %get3A_773 = arith.constant 528 : index
      %get3A_774 = tpu.vector_load %arg8[%get3A_773] {strides = array<i32>} : memref<1024xi32, #tpu.memory_space<vmem>>, vector<16xi32>,
      %eq3A_775 = arith.cmpi eq, %get3A_772, %get3A_774 : vector<16xi32>
      %jit3A_776 = arith.constant 64 : i32
      %jit3A_777 = arith.constant 0 : i32
      %broadcast_in_dim3A_778 = vector.broadcast %jit3A_776 : i32 to vector<16xi32>
      %broadcast_in_dim3A_779 = vector.broadcast %jit3A_777 : i32 to vector<16xi32>
      %select_n3A_780 = arith.select %eq3A_775, %broadcast_in_dim3A_778, %broadcast_in_dim3A_779 : vector<16xi1>, vector<16xi32>
      %and3A_781 = arith.constant -64 : i32
      %and3A_782 = vector.broadcast %and3A_781 : i32 to vector<16xi32>
      %and3A_783 = arith.andi %get3A_774, %and3A_782 : vector<16xi32>
      %add3A_784 = arith.addi %get3A_774, %and3A_783 : vector<16xi32>
      %add3A_785 = arith.addi %add3A_784, %select_n3A_780 : vector<16xi32>
      tpu.vector_store_idx %arg9[%add3A_785], %broadcast_in_dim3A_279 {add = true} : memref<2048xf32, #tpu.memory_space<vmem>>[vector<16xi32>], vector<16xf32>,
      %get3A_786 = arith.constant 544 : index
      %get3A_787 = tpu.vector_load %arg7[%get3A_786] {strides = array<i32>} : memref<1024xi32, #tpu.memory_space<vmem>>, vector<16xi32>,
      %get3A_788 = arith.constant 544 : index
      %get3A_789 = tpu.vector_load %arg8[%get3A_788] {strides = array<i32>} : memref<1024xi32, #tpu.memory_space<vmem>>, vector<16xi32>,
      %eq3A_790 = arith.cmpi eq, %get3A_787, %get3A_789 : vector<16xi32>
      %jit3A_791 = arith.constant 64 : i32
      %jit3A_792 = arith.constant 0 : i32
      %broadcast_in_dim3A_793 = vector.broadcast %jit3A_791 : i32 to vector<16xi32>
      %broadcast_in_dim3A_794 = vector.broadcast %jit3A_792 : i32 to vector<16xi32>
      %select_n3A_795 = arith.select %eq3A_790, %broadcast_in_dim3A_793, %broadcast_in_dim3A_794 : vector<16xi1>, vector<16xi32>
      %and3A_796 = arith.constant -64 : i32
      %and3A_797 = vector.broadcast %and3A_796 : i32 to vector<16xi32>
      %and3A_798 = arith.andi %get3A_789, %and3A_797 : vector<16xi32>
      %add3A_799 = arith.addi %get3A_789, %and3A_798 : vector<16xi32>
      %add3A_800 = arith.addi %add3A_799, %select_n3A_795 : vector<16xi32>
      tpu.vector_store_idx %arg9[%add3A_800], %broadcast_in_dim3A_279 {add = true} : memref<2048xf32, #tpu.memory_space<vmem>>[vector<16xi32>], vector<16xf32>,
      %get3A_801 = arith.constant 560 : index
      %get3A_802 = tpu.vector_load %arg7[%get3A_801] {strides = array<i32>} : memref<1024xi32, #tpu.memory_space<vmem>>, vector<16xi32>,
      %get3A_803 = arith.constant 560 : index
      %get3A_804 = tpu.vector_load %arg8[%get3A_803] {strides = array<i32>} : memref<1024xi32, #tpu.memory_space<vmem>>, vector<16xi32>,
      %eq3A_805 = arith.cmpi eq, %get3A_802, %get3A_804 : vector<16xi32>
      %jit3A_806 = arith.constant 64 : i32
      %jit3A_807 = arith.constant 0 : i32
      %broadcast_in_dim3A_808 = vector.broadcast %jit3A_806 : i32 to vector<16xi32>
      %broadcast_in_dim3A_809 = vector.broadcast %jit3A_807 : i32 to vector<16xi32>
      %select_n3A_810 = arith.select %eq3A_805, %broadcast_in_dim3A_808, %broadcast_in_dim3A_809 : vector<16xi1>, vector<16xi32>
      %and3A_811 = arith.constant -64 : i32
      %and3A_812 = vector.broadcast %and3A_811 : i32 to vector<16xi32>
      %and3A_813 = arith.andi %get3A_804, %and3A_812 : vector<16xi32>
      %add3A_814 = arith.addi %get3A_804, %and3A_813 : vector<16xi32>
      %add3A_815 = arith.addi %add3A_814, %select_n3A_810 : vector<16xi32>
      tpu.vector_store_idx %arg9[%add3A_815], %broadcast_in_dim3A_279 {add = true} : memref<2048xf32, #tpu.memory_space<vmem>>[vector<16xi32>], vector<16xf32>,
      %get3A_816 = arith.constant 576 : index
      %get3A_817 = tpu.vector_load %arg7[%get3A_816] {strides = array<i32>} : memref<1024xi32, #tpu.memory_space<vmem>>, vector<16xi32>,
      %get3A_818 = arith.constant 576 : index
      %get3A_819 = tpu.vector_load %arg8[%get3A_818] {strides = array<i32>} : memref<1024xi32, #tpu.memory_space<vmem>>, vector<16xi32>,
      %eq3A_820 = arith.cmpi eq, %get3A_817, %get3A_819 : vector<16xi32>
      %jit3A_821 = arith.constant 64 : i32
      %jit3A_822 = arith.constant 0 : i32
      %broadcast_in_dim3A_823 = vector.broadcast %jit3A_821 : i32 to vector<16xi32>
      %broadcast_in_dim3A_824 = vector.broadcast %jit3A_822 : i32 to vector<16xi32>
      %select_n3A_825 = arith.select %eq3A_820, %broadcast_in_dim3A_823, %broadcast_in_dim3A_824 : vector<16xi1>, vector<16xi32>
      %and3A_826 = arith.constant -64 : i32
      %and3A_827 = vector.broadcast %and3A_826 : i32 to vector<16xi32>
      %and3A_828 = arith.andi %get3A_819, %and3A_827 : vector<16xi32>
      %add3A_829 = arith.addi %get3A_819, %and3A_828 : vector<16xi32>
      %add3A_830 = arith.addi %add3A_829, %select_n3A_825 : vector<16xi32>
      tpu.vector_store_idx %arg9[%add3A_830], %broadcast_in_dim3A_279 {add = true} : memref<2048xf32, #tpu.memory_space<vmem>>[vector<16xi32>], vector<16xf32>,
      %get3A_831 = arith.constant 592 : index
      %get3A_832 = tpu.vector_load %arg7[%get3A_831] {strides = array<i32>} : memref<1024xi32, #tpu.memory_space<vmem>>, vector<16xi32>,
      %get3A_833 = arith.constant 592 : index
      %get3A_834 = tpu.vector_load %arg8[%get3A_833] {strides = array<i32>} : memref<1024xi32, #tpu.memory_space<vmem>>, vector<16xi32>,
      %eq3A_835 = arith.cmpi eq, %get3A_832, %get3A_834 : vector<16xi32>
      %jit3A_836 = arith.constant 64 : i32
      %jit3A_837 = arith.constant 0 : i32
      %broadcast_in_dim3A_838 = vector.broadcast %jit3A_836 : i32 to vector<16xi32>
      %broadcast_in_dim3A_839 = vector.broadcast %jit3A_837 : i32 to vector<16xi32>
      %select_n3A_840 = arith.select %eq3A_835, %broadcast_in_dim3A_838, %broadcast_in_dim3A_839 : vector<16xi1>, vector<16xi32>
      %and3A_841 = arith.constant -64 : i32
      %and3A_842 = vector.broadcast %and3A_841 : i32 to vector<16xi32>
      %and3A_843 = arith.andi %get3A_834, %and3A_842 : vector<16xi32>
      %add3A_844 = arith.addi %get3A_834, %and3A_843 : vector<16xi32>
      %add3A_845 = arith.addi %add3A_844, %select_n3A_840 : vector<16xi32>
      tpu.vector_store_idx %arg9[%add3A_845], %broadcast_in_dim3A_279 {add = true} : memref<2048xf32, #tpu.memory_space<vmem>>[vector<16xi32>], vector<16xf32>,
      %get3A_846 = arith.constant 608 : index
      %get3A_847 = tpu.vector_load %arg7[%get3A_846] {strides = array<i32>} : memref<1024xi32, #tpu.memory_space<vmem>>, vector<16xi32>,
      %get3A_848 = arith.constant 608 : index
      %get3A_849 = tpu.vector_load %arg8[%get3A_848] {strides = array<i32>} : memref<1024xi32, #tpu.memory_space<vmem>>, vector<16xi32>,
      %eq3A_850 = arith.cmpi eq, %get3A_847, %get3A_849 : vector<16xi32>
      %jit3A_851 = arith.constant 64 : i32
      %jit3A_852 = arith.constant 0 : i32
      %broadcast_in_dim3A_853 = vector.broadcast %jit3A_851 : i32 to vector<16xi32>
      %broadcast_in_dim3A_854 = vector.broadcast %jit3A_852 : i32 to vector<16xi32>
      %select_n3A_855 = arith.select %eq3A_850, %broadcast_in_dim3A_853, %broadcast_in_dim3A_854 : vector<16xi1>, vector<16xi32>
      %and3A_856 = arith.constant -64 : i32
      %and3A_857 = vector.broadcast %and3A_856 : i32 to vector<16xi32>
      %and3A_858 = arith.andi %get3A_849, %and3A_857 : vector<16xi32>
      %add3A_859 = arith.addi %get3A_849, %and3A_858 : vector<16xi32>
      %add3A_860 = arith.addi %add3A_859, %select_n3A_855 : vector<16xi32>
      tpu.vector_store_idx %arg9[%add3A_860], %broadcast_in_dim3A_279 {add = true} : memref<2048xf32, #tpu.memory_space<vmem>>[vector<16xi32>], vector<16xf32>,
      %get3A_861 = arith.constant 624 : index
      %get3A_862 = tpu.vector_load %arg7[%get3A_861] {strides = array<i32>} : memref<1024xi32, #tpu.memory_space<vmem>>, vector<16xi32>,
      %get3A_863 = arith.constant 624 : index
      %get3A_864 = tpu.vector_load %arg8[%get3A_863] {strides = array<i32>} : memref<1024xi32, #tpu.memory_space<vmem>>, vector<16xi32>,
      %eq3A_865 = arith.cmpi eq, %get3A_862, %get3A_864 : vector<16xi32>
      %jit3A_866 = arith.constant 64 : i32
      %jit3A_867 = arith.constant 0 : i32
      %broadcast_in_dim3A_868 = vector.broadcast %jit3A_866 : i32 to vector<16xi32>
      %broadcast_in_dim3A_869 = vector.broadcast %jit3A_867 : i32 to vector<16xi32>
      %select_n3A_870 = arith.select %eq3A_865, %broadcast_in_dim3A_868, %broadcast_in_dim3A_869 : vector<16xi1>, vector<16xi32>
      %and3A_871 = arith.constant -64 : i32
      %and3A_872 = vector.broadcast %and3A_871 : i32 to vector<16xi32>
      %and3A_873 = arith.andi %get3A_864, %and3A_872 : vector<16xi32>
      %add3A_874 = arith.addi %get3A_864, %and3A_873 : vector<16xi32>
      %add3A_875 = arith.addi %add3A_874, %select_n3A_870 : vector<16xi32>
      tpu.vector_store_idx %arg9[%add3A_875], %broadcast_in_dim3A_279 {add = true} : memref<2048xf32, #tpu.memory_space<vmem>>[vector<16xi32>], vector<16xf32>,
      %get3A_876 = arith.constant 640 : index
      %get3A_877 = tpu.vector_load %arg7[%get3A_876] {strides = array<i32>} : memref<1024xi32, #tpu.memory_space<vmem>>, vector<16xi32>,
      %get3A_878 = arith.constant 640 : index
      %get3A_879 = tpu.vector_load %arg8[%get3A_878] {strides = array<i32>} : memref<1024xi32, #tpu.memory_space<vmem>>, vector<16xi32>,
      %eq3A_880 = arith.cmpi eq, %get3A_877, %get3A_879 : vector<16xi32>
      %jit3A_881 = arith.constant 64 : i32
      %jit3A_882 = arith.constant 0 : i32
      %broadcast_in_dim3A_883 = vector.broadcast %jit3A_881 : i32 to vector<16xi32>
      %broadcast_in_dim3A_884 = vector.broadcast %jit3A_882 : i32 to vector<16xi32>
      %select_n3A_885 = arith.select %eq3A_880, %broadcast_in_dim3A_883, %broadcast_in_dim3A_884 : vector<16xi1>, vector<16xi32>
      %and3A_886 = arith.constant -64 : i32
      %and3A_887 = vector.broadcast %and3A_886 : i32 to vector<16xi32>
      %and3A_888 = arith.andi %get3A_879, %and3A_887 : vector<16xi32>
      %add3A_889 = arith.addi %get3A_879, %and3A_888 : vector<16xi32>
      %add3A_890 = arith.addi %add3A_889, %select_n3A_885 : vector<16xi32>
      tpu.vector_store_idx %arg9[%add3A_890], %broadcast_in_dim3A_279 {add = true} : memref<2048xf32, #tpu.memory_space<vmem>>[vector<16xi32>], vector<16xf32>,
      %get3A_891 = arith.constant 656 : index
      %get3A_892 = tpu.vector_load %arg7[%get3A_891] {strides = array<i32>} : memref<1024xi32, #tpu.memory_space<vmem>>, vector<16xi32>,
      %get3A_893 = arith.constant 656 : index
      %get3A_894 = tpu.vector_load %arg8[%get3A_893] {strides = array<i32>} : memref<1024xi32, #tpu.memory_space<vmem>>, vector<16xi32>,
      %eq3A_895 = arith.cmpi eq, %get3A_892, %get3A_894 : vector<16xi32>
      %jit3A_896 = arith.constant 64 : i32
      %jit3A_897 = arith.constant 0 : i32
      %broadcast_in_dim3A_898 = vector.broadcast %jit3A_896 : i32 to vector<16xi32>
      %broadcast_in_dim3A_899 = vector.broadcast %jit3A_897 : i32 to vector<16xi32>
      %select_n3A_900 = arith.select %eq3A_895, %broadcast_in_dim3A_898, %broadcast_in_dim3A_899 : vector<16xi1>, vector<16xi32>
      %and3A_901 = arith.constant -64 : i32
      %and3A_902 = vector.broadcast %and3A_901 : i32 to vector<16xi32>
      %and3A_903 = arith.andi %get3A_894, %and3A_902 : vector<16xi32>
      %add3A_904 = arith.addi %get3A_894, %and3A_903 : vector<16xi32>
      %add3A_905 = arith.addi %add3A_904, %select_n3A_900 : vector<16xi32>
      tpu.vector_store_idx %arg9[%add3A_905], %broadcast_in_dim3A_279 {add = true} : memref<2048xf32, #tpu.memory_space<vmem>>[vector<16xi32>], vector<16xf32>,
      %get3A_906 = arith.constant 672 : index
      %get3A_907 = tpu.vector_load %arg7[%get3A_906] {strides = array<i32>} : memref<1024xi32, #tpu.memory_space<vmem>>, vector<16xi32>,
      %get3A_908 = arith.constant 672 : index
      %get3A_909 = tpu.vector_load %arg8[%get3A_908] {strides = array<i32>} : memref<1024xi32, #tpu.memory_space<vmem>>, vector<16xi32>,
      %eq3A_910 = arith.cmpi eq, %get3A_907, %get3A_909 : vector<16xi32>
      %jit3A_911 = arith.constant 64 : i32
      %jit3A_912 = arith.constant 0 : i32
      %broadcast_in_dim3A_913 = vector.broadcast %jit3A_911 : i32 to vector<16xi32>
      %broadcast_in_dim3A_914 = vector.broadcast %jit3A_912 : i32 to vector<16xi32>
      %select_n3A_915 = arith.select %eq3A_910, %broadcast_in_dim3A_913, %broadcast_in_dim3A_914 : vector<16xi1>, vector<16xi32>
      %and3A_916 = arith.constant -64 : i32
      %and3A_917 = vector.broadcast %and3A_916 : i32 to vector<16xi32>
      %and3A_918 = arith.andi %get3A_909, %and3A_917 : vector<16xi32>
      %add3A_919 = arith.addi %get3A_909, %and3A_918 : vector<16xi32>
      %add3A_920 = arith.addi %add3A_919, %select_n3A_915 : vector<16xi32>
      tpu.vector_store_idx %arg9[%add3A_920], %broadcast_in_dim3A_279 {add = true} : memref<2048xf32, #tpu.memory_space<vmem>>[vector<16xi32>], vector<16xf32>,
      %get3A_921 = arith.constant 688 : index
      %get3A_922 = tpu.vector_load %arg7[%get3A_921] {strides = array<i32>} : memref<1024xi32, #tpu.memory_space<vmem>>, vector<16xi32>,
      %get3A_923 = arith.constant 688 : index
      %get3A_924 = tpu.vector_load %arg8[%get3A_923] {strides = array<i32>} : memref<1024xi32, #tpu.memory_space<vmem>>, vector<16xi32>,
      %eq3A_925 = arith.cmpi eq, %get3A_922, %get3A_924 : vector<16xi32>
      %jit3A_926 = arith.constant 64 : i32
      %jit3A_927 = arith.constant 0 : i32
      %broadcast_in_dim3A_928 = vector.broadcast %jit3A_926 : i32 to vector<16xi32>
      %broadcast_in_dim3A_929 = vector.broadcast %jit3A_927 : i32 to vector<16xi32>
      %select_n3A_930 = arith.select %eq3A_925, %broadcast_in_dim3A_928, %broadcast_in_dim3A_929 : vector<16xi1>, vector<16xi32>
      %and3A_931 = arith.constant -64 : i32
      %and3A_932 = vector.broadcast %and3A_931 : i32 to vector<16xi32>
      %and3A_933 = arith.andi %get3A_924, %and3A_932 : vector<16xi32>
      %add3A_934 = arith.addi %get3A_924, %and3A_933 : vector<16xi32>
      %add3A_935 = arith.addi %add3A_934, %select_n3A_930 : vector<16xi32>
      tpu.vector_store_idx %arg9[%add3A_935], %broadcast_in_dim3A_279 {add = true} : memref<2048xf32, #tpu.memory_space<vmem>>[vector<16xi32>], vector<16xf32>,
      %get3A_936 = arith.constant 704 : index
      %get3A_937 = tpu.vector_load %arg7[%get3A_936] {strides = array<i32>} : memref<1024xi32, #tpu.memory_space<vmem>>, vector<16xi32>,
      %get3A_938 = arith.constant 704 : index
      %get3A_939 = tpu.vector_load %arg8[%get3A_938] {strides = array<i32>} : memref<1024xi32, #tpu.memory_space<vmem>>, vector<16xi32>,
      %eq3A_940 = arith.cmpi eq, %get3A_937, %get3A_939 : vector<16xi32>
      %jit3A_941 = arith.constant 64 : i32
      %jit3A_942 = arith.constant 0 : i32
      %broadcast_in_dim3A_943 = vector.broadcast %jit3A_941 : i32 to vector<16xi32>
      %broadcast_in_dim3A_944 = vector.broadcast %jit3A_942 : i32 to vector<16xi32>
      %select_n3A_945 = arith.select %eq3A_940, %broadcast_in_dim3A_943, %broadcast_in_dim3A_944 : vector<16xi1>, vector<16xi32>
      %and3A_946 = arith.constant -64 : i32
      %and3A_947 = vector.broadcast %and3A_946 : i32 to vector<16xi32>
      %and3A_948 = arith.andi %get3A_939, %and3A_947 : vector<16xi32>
      %add3A_949 = arith.addi %get3A_939, %and3A_948 : vector<16xi32>
      %add3A_950 = arith.addi %add3A_949, %select_n3A_945 : vector<16xi32>
      tpu.vector_store_idx %arg9[%add3A_950], %broadcast_in_dim3A_279 {add = true} : memref<2048xf32, #tpu.memory_space<vmem>>[vector<16xi32>], vector<16xf32>,
      %get3A_951 = arith.constant 720 : index
      %get3A_952 = tpu.vector_load %arg7[%get3A_951] {strides = array<i32>} : memref<1024xi32, #tpu.memory_space<vmem>>, vector<16xi32>,
      %get3A_953 = arith.constant 720 : index
      %get3A_954 = tpu.vector_load %arg8[%get3A_953] {strides = array<i32>} : memref<1024xi32, #tpu.memory_space<vmem>>, vector<16xi32>,
      %eq3A_955 = arith.cmpi eq, %get3A_952, %get3A_954 : vector<16xi32>
      %jit3A_956 = arith.constant 64 : i32
      %jit3A_957 = arith.constant 0 : i32
      %broadcast_in_dim3A_958 = vector.broadcast %jit3A_956 : i32 to vector<16xi32>
      %broadcast_in_dim3A_959 = vector.broadcast %jit3A_957 : i32 to vector<16xi32>
      %select_n3A_960 = arith.select %eq3A_955, %broadcast_in_dim3A_958, %broadcast_in_dim3A_959 : vector<16xi1>, vector<16xi32>
      %and3A_961 = arith.constant -64 : i32
      %and3A_962 = vector.broadcast %and3A_961 : i32 to vector<16xi32>
      %and3A_963 = arith.andi %get3A_954, %and3A_962 : vector<16xi32>
      %add3A_964 = arith.addi %get3A_954, %and3A_963 : vector<16xi32>
      %add3A_965 = arith.addi %add3A_964, %select_n3A_960 : vector<16xi32>
      tpu.vector_store_idx %arg9[%add3A_965], %broadcast_in_dim3A_279 {add = true} : memref<2048xf32, #tpu.memory_space<vmem>>[vector<16xi32>], vector<16xf32>,
      %get3A_966 = arith.constant 736 : index
      %get3A_967 = tpu.vector_load %arg7[%get3A_966] {strides = array<i32>} : memref<1024xi32, #tpu.memory_space<vmem>>, vector<16xi32>,
      %get3A_968 = arith.constant 736 : index
      %get3A_969 = tpu.vector_load %arg8[%get3A_968] {strides = array<i32>} : memref<1024xi32, #tpu.memory_space<vmem>>, vector<16xi32>,
      %eq3A_970 = arith.cmpi eq, %get3A_967, %get3A_969 : vector<16xi32>
      %jit3A_971 = arith.constant 64 : i32
      %jit3A_972 = arith.constant 0 : i32
      %broadcast_in_dim3A_973 = vector.broadcast %jit3A_971 : i32 to vector<16xi32>
      %broadcast_in_dim3A_974 = vector.broadcast %jit3A_972 : i32 to vector<16xi32>
      %select_n3A_975 = arith.select %eq3A_970, %broadcast_in_dim3A_973, %broadcast_in_dim3A_974 : vector<16xi1>, vector<16xi32>
      %and3A_976 = arith.constant -64 : i32
      %and3A_977 = vector.broadcast %and3A_976 : i32 to vector<16xi32>
      %and3A_978 = arith.andi %get3A_969, %and3A_977 : vector<16xi32>
      %add3A_979 = arith.addi %get3A_969, %and3A_978 : vector<16xi32>
      %add3A_980 = arith.addi %add3A_979, %select_n3A_975 : vector<16xi32>
      tpu.vector_store_idx %arg9[%add3A_980], %broadcast_in_dim3A_279 {add = true} : memref<2048xf32, #tpu.memory_space<vmem>>[vector<16xi32>], vector<16xf32>,
      %get3A_981 = arith.constant 752 : index
      %get3A_982 = tpu.vector_load %arg7[%get3A_981] {strides = array<i32>} : memref<1024xi32, #tpu.memory_space<vmem>>, vector<16xi32>,
      %get3A_983 = arith.constant 752 : index
      %get3A_984 = tpu.vector_load %arg8[%get3A_983] {strides = array<i32>} : memref<1024xi32, #tpu.memory_space<vmem>>, vector<16xi32>,
      %eq3A_985 = arith.cmpi eq, %get3A_982, %get3A_984 : vector<16xi32>
      %jit3A_986 = arith.constant 64 : i32
      %jit3A_987 = arith.constant 0 : i32
      %broadcast_in_dim3A_988 = vector.broadcast %jit3A_986 : i32 to vector<16xi32>
      %broadcast_in_dim3A_989 = vector.broadcast %jit3A_987 : i32 to vector<16xi32>
      %select_n3A_990 = arith.select %eq3A_985, %broadcast_in_dim3A_988, %broadcast_in_dim3A_989 : vector<16xi1>, vector<16xi32>
      %and3A_991 = arith.constant -64 : i32
      %and3A_992 = vector.broadcast %and3A_991 : i32 to vector<16xi32>
      %and3A_993 = arith.andi %get3A_984, %and3A_992 : vector<16xi32>
      %add3A_994 = arith.addi %get3A_984, %and3A_993 : vector<16xi32>
      %add3A_995 = arith.addi %add3A_994, %select_n3A_990 : vector<16xi32>
      tpu.vector_store_idx %arg9[%add3A_995], %broadcast_in_dim3A_279 {add = true} : memref<2048xf32, #tpu.memory_space<vmem>>[vector<16xi32>], vector<16xf32>,
      %get3A_996 = arith.constant 768 : index
      %get3A_997 = tpu.vector_load %arg7[%get3A_996] {strides = array<i32>} : memref<1024xi32, #tpu.memory_space<vmem>>, vector<16xi32>,
      %get3A_998 = arith.constant 768 : index
      %get3A_999 = tpu.vector_load %arg8[%get3A_998] {strides = array<i32>} : memref<1024xi32, #tpu.memory_space<vmem>>, vector<16xi32>,
      %eq3A_1000 = arith.cmpi eq, %get3A_997, %get3A_999 : vector<16xi32>
      %jit3A_1001 = arith.constant 64 : i32
      %jit3A_1002 = arith.constant 0 : i32
      %broadcast_in_dim3A_1003 = vector.broadcast %jit3A_1001 : i32 to vector<16xi32>
      %broadcast_in_dim3A_1004 = vector.broadcast %jit3A_1002 : i32 to vector<16xi32>
      %select_n3A_1005 = arith.select %eq3A_1000, %broadcast_in_dim3A_1003, %broadcast_in_dim3A_1004 : vector<16xi1>, vector<16xi32>
      %and3A_1006 = arith.constant -64 : i32
      %and3A_1007 = vector.broadcast %and3A_1006 : i32 to vector<16xi32>
      %and3A_1008 = arith.andi %get3A_999, %and3A_1007 : vector<16xi32>
      %add3A_1009 = arith.addi %get3A_999, %and3A_1008 : vector<16xi32>
      %add3A_1010 = arith.addi %add3A_1009, %select_n3A_1005 : vector<16xi32>
      tpu.vector_store_idx %arg9[%add3A_1010], %broadcast_in_dim3A_279 {add = true} : memref<2048xf32, #tpu.memory_space<vmem>>[vector<16xi32>], vector<16xf32>,
      %get3A_1011 = arith.constant 784 : index
      %get3A_1012 = tpu.vector_load %arg7[%get3A_1011] {strides = array<i32>} : memref<1024xi32, #tpu.memory_space<vmem>>, vector<16xi32>,
      %get3A_1013 = arith.constant 784 : index
      %get3A_1014 = tpu.vector_load %arg8[%get3A_1013] {strides = array<i32>} : memref<1024xi32, #tpu.memory_space<vmem>>, vector<16xi32>,
      %eq3A_1015 = arith.cmpi eq, %get3A_1012, %get3A_1014 : vector<16xi32>
      %jit3A_1016 = arith.constant 64 : i32
      %jit3A_1017 = arith.constant 0 : i32
      %broadcast_in_dim3A_1018 = vector.broadcast %jit3A_1016 : i32 to vector<16xi32>
      %broadcast_in_dim3A_1019 = vector.broadcast %jit3A_1017 : i32 to vector<16xi32>
      %select_n3A_1020 = arith.select %eq3A_1015, %broadcast_in_dim3A_1018, %broadcast_in_dim3A_1019 : vector<16xi1>, vector<16xi32>
      %and3A_1021 = arith.constant -64 : i32
      %and3A_1022 = vector.broadcast %and3A_1021 : i32 to vector<16xi32>
      %and3A_1023 = arith.andi %get3A_1014, %and3A_1022 : vector<16xi32>
      %add3A_1024 = arith.addi %get3A_1014, %and3A_1023 : vector<16xi32>
      %add3A_1025 = arith.addi %add3A_1024, %select_n3A_1020 : vector<16xi32>
      tpu.vector_store_idx %arg9[%add3A_1025], %broadcast_in_dim3A_279 {add = true} : memref<2048xf32, #tpu.memory_space<vmem>>[vector<16xi32>], vector<16xf32>,
      %get3A_1026 = arith.constant 800 : index
      %get3A_1027 = tpu.vector_load %arg7[%get3A_1026] {strides = array<i32>} : memref<1024xi32, #tpu.memory_space<vmem>>, vector<16xi32>,
      %get3A_1028 = arith.constant 800 : index
      %get3A_1029 = tpu.vector_load %arg8[%get3A_1028] {strides = array<i32>} : memref<1024xi32, #tpu.memory_space<vmem>>, vector<16xi32>,
      %eq3A_1030 = arith.cmpi eq, %get3A_1027, %get3A_1029 : vector<16xi32>
      %jit3A_1031 = arith.constant 64 : i32
      %jit3A_1032 = arith.constant 0 : i32
      %broadcast_in_dim3A_1033 = vector.broadcast %jit3A_1031 : i32 to vector<16xi32>
      %broadcast_in_dim3A_1034 = vector.broadcast %jit3A_1032 : i32 to vector<16xi32>
      %select_n3A_1035 = arith.select %eq3A_1030, %broadcast_in_dim3A_1033, %broadcast_in_dim3A_1034 : vector<16xi1>, vector<16xi32>
      %and3A_1036 = arith.constant -64 : i32
      %and3A_1037 = vector.broadcast %and3A_1036 : i32 to vector<16xi32>
      %and3A_1038 = arith.andi %get3A_1029, %and3A_1037 : vector<16xi32>
      %add3A_1039 = arith.addi %get3A_1029, %and3A_1038 : vector<16xi32>
      %add3A_1040 = arith.addi %add3A_1039, %select_n3A_1035 : vector<16xi32>
      tpu.vector_store_idx %arg9[%add3A_1040], %broadcast_in_dim3A_279 {add = true} : memref<2048xf32, #tpu.memory_space<vmem>>[vector<16xi32>], vector<16xf32>,
      %get3A_1041 = arith.constant 816 : index
      %get3A_1042 = tpu.vector_load %arg7[%get3A_1041] {strides = array<i32>} : memref<1024xi32, #tpu.memory_space<vmem>>, vector<16xi32>,
      %get3A_1043 = arith.constant 816 : index
      %get3A_1044 = tpu.vector_load %arg8[%get3A_1043] {strides = array<i32>} : memref<1024xi32, #tpu.memory_space<vmem>>, vector<16xi32>,
      %eq3A_1045 = arith.cmpi eq, %get3A_1042, %get3A_1044 : vector<16xi32>
      %jit3A_1046 = arith.constant 64 : i32
      %jit3A_1047 = arith.constant 0 : i32
      %broadcast_in_dim3A_1048 = vector.broadcast %jit3A_1046 : i32 to vector<16xi32>
      %broadcast_in_dim3A_1049 = vector.broadcast %jit3A_1047 : i32 to vector<16xi32>
      %select_n3A_1050 = arith.select %eq3A_1045, %broadcast_in_dim3A_1048, %broadcast_in_dim3A_1049 : vector<16xi1>, vector<16xi32>
      %and3A_1051 = arith.constant -64 : i32
      %and3A_1052 = vector.broadcast %and3A_1051 : i32 to vector<16xi32>
      %and3A_1053 = arith.andi %get3A_1044, %and3A_1052 : vector<16xi32>
      %add3A_1054 = arith.addi %get3A_1044, %and3A_1053 : vector<16xi32>
      %add3A_1055 = arith.addi %add3A_1054, %select_n3A_1050 : vector<16xi32>
      tpu.vector_store_idx %arg9[%add3A_1055], %broadcast_in_dim3A_279 {add = true} : memref<2048xf32, #tpu.memory_space<vmem>>[vector<16xi32>], vector<16xf32>,
      %get3A_1056 = arith.constant 832 : index
      %get3A_1057 = tpu.vector_load %arg7[%get3A_1056] {strides = array<i32>} : memref<1024xi32, #tpu.memory_space<vmem>>, vector<16xi32>,
      %get3A_1058 = arith.constant 832 : index
      %get3A_1059 = tpu.vector_load %arg8[%get3A_1058] {strides = array<i32>} : memref<1024xi32, #tpu.memory_space<vmem>>, vector<16xi32>,
      %eq3A_1060 = arith.cmpi eq, %get3A_1057, %get3A_1059 : vector<16xi32>
      %jit3A_1061 = arith.constant 64 : i32
      %jit3A_1062 = arith.constant 0 : i32
      %broadcast_in_dim3A_1063 = vector.broadcast %jit3A_1061 : i32 to vector<16xi32>
      %broadcast_in_dim3A_1064 = vector.broadcast %jit3A_1062 : i32 to vector<16xi32>
      %select_n3A_1065 = arith.select %eq3A_1060, %broadcast_in_dim3A_1063, %broadcast_in_dim3A_1064 : vector<16xi1>, vector<16xi32>
      %and3A_1066 = arith.constant -64 : i32
      %and3A_1067 = vector.broadcast %and3A_1066 : i32 to vector<16xi32>
      %and3A_1068 = arith.andi %get3A_1059, %and3A_1067 : vector<16xi32>
      %add3A_1069 = arith.addi %get3A_1059, %and3A_1068 : vector<16xi32>
      %add3A_1070 = arith.addi %add3A_1069, %select_n3A_1065 : vector<16xi32>
      tpu.vector_store_idx %arg9[%add3A_1070], %broadcast_in_dim3A_279 {add = true} : memref<2048xf32, #tpu.memory_space<vmem>>[vector<16xi32>], vector<16xf32>,
      %get3A_1071 = arith.constant 848 : index
      %get3A_1072 = tpu.vector_load %arg7[%get3A_1071] {strides = array<i32>} : memref<1024xi32, #tpu.memory_space<vmem>>, vector<16xi32>,
      %get3A_1073 = arith.constant 848 : index
      %get3A_1074 = tpu.vector_load %arg8[%get3A_1073] {strides = array<i32>} : memref<1024xi32, #tpu.memory_space<vmem>>, vector<16xi32>,
      %eq3A_1075 = arith.cmpi eq, %get3A_1072, %get3A_1074 : vector<16xi32>
      %jit3A_1076 = arith.constant 64 : i32
      %jit3A_1077 = arith.constant 0 : i32
      %broadcast_in_dim3A_1078 = vector.broadcast %jit3A_1076 : i32 to vector<16xi32>
      %broadcast_in_dim3A_1079 = vector.broadcast %jit3A_1077 : i32 to vector<16xi32>
      %select_n3A_1080 = arith.select %eq3A_1075, %broadcast_in_dim3A_1078, %broadcast_in_dim3A_1079 : vector<16xi1>, vector<16xi32>
      %and3A_1081 = arith.constant -64 : i32
      %and3A_1082 = vector.broadcast %and3A_1081 : i32 to vector<16xi32>
      %and3A_1083 = arith.andi %get3A_1074, %and3A_1082 : vector<16xi32>
      %add3A_1084 = arith.addi %get3A_1074, %and3A_1083 : vector<16xi32>
      %add3A_1085 = arith.addi %add3A_1084, %select_n3A_1080 : vector<16xi32>
      tpu.vector_store_idx %arg9[%add3A_1085], %broadcast_in_dim3A_279 {add = true} : memref<2048xf32, #tpu.memory_space<vmem>>[vector<16xi32>], vector<16xf32>,
      %get3A_1086 = arith.constant 864 : index
      %get3A_1087 = tpu.vector_load %arg7[%get3A_1086] {strides = array<i32>} : memref<1024xi32, #tpu.memory_space<vmem>>, vector<16xi32>,
      %get3A_1088 = arith.constant 864 : index
      %get3A_1089 = tpu.vector_load %arg8[%get3A_1088] {strides = array<i32>} : memref<1024xi32, #tpu.memory_space<vmem>>, vector<16xi32>,
      %eq3A_1090 = arith.cmpi eq, %get3A_1087, %get3A_1089 : vector<16xi32>
      %jit3A_1091 = arith.constant 64 : i32
      %jit3A_1092 = arith.constant 0 : i32
      %broadcast_in_dim3A_1093 = vector.broadcast %jit3A_1091 : i32 to vector<16xi32>
      %broadcast_in_dim3A_1094 = vector.broadcast %jit3A_1092 : i32 to vector<16xi32>
      %select_n3A_1095 = arith.select %eq3A_1090, %broadcast_in_dim3A_1093, %broadcast_in_dim3A_1094 : vector<16xi1>, vector<16xi32>
      %and3A_1096 = arith.constant -64 : i32
      %and3A_1097 = vector.broadcast %and3A_1096 : i32 to vector<16xi32>
      %and3A_1098 = arith.andi %get3A_1089, %and3A_1097 : vector<16xi32>
      %add3A_1099 = arith.addi %get3A_1089, %and3A_1098 : vector<16xi32>
      %add3A_1100 = arith.addi %add3A_1099, %select_n3A_1095 : vector<16xi32>
      tpu.vector_store_idx %arg9[%add3A_1100], %broadcast_in_dim3A_279 {add = true} : memref<2048xf32, #tpu.memory_space<vmem>>[vector<16xi32>], vector<16xf32>,
      %get3A_1101 = arith.constant 880 : index
      %get3A_1102 = tpu.vector_load %arg7[%get3A_1101] {strides = array<i32>} : memref<1024xi32, #tpu.memory_space<vmem>>, vector<16xi32>,
      %get3A_1103 = arith.constant 880 : index
      %get3A_1104 = tpu.vector_load %arg8[%get3A_1103] {strides = array<i32>} : memref<1024xi32, #tpu.memory_space<vmem>>, vector<16xi32>,
      %eq3A_1105 = arith.cmpi eq, %get3A_1102, %get3A_1104 : vector<16xi32>
      %jit3A_1106 = arith.constant 64 : i32
      %jit3A_1107 = arith.constant 0 : i32
      %broadcast_in_dim3A_1108 = vector.broadcast %jit3A_1106 : i32 to vector<16xi32>
      %broadcast_in_dim3A_1109 = vector.broadcast %jit3A_1107 : i32 to vector<16xi32>
      %select_n3A_1110 = arith.select %eq3A_1105, %broadcast_in_dim3A_1108, %broadcast_in_dim3A_1109 : vector<16xi1>, vector<16xi32>
      %and3A_1111 = arith.constant -64 : i32
      %and3A_1112 = vector.broadcast %and3A_1111 : i32 to vector<16xi32>
      %and3A_1113 = arith.andi %get3A_1104, %and3A_1112 : vector<16xi32>
      %add3A_1114 = arith.addi %get3A_1104, %and3A_1113 : vector<16xi32>
      %add3A_1115 = arith.addi %add3A_1114, %select_n3A_1110 : vector<16xi32>
      tpu.vector_store_idx %arg9[%add3A_1115], %broadcast_in_dim3A_279 {add = true} : memref<2048xf32, #tpu.memory_space<vmem>>[vector<16xi32>], vector<16xf32>,
      %get3A_1116 = arith.constant 896 : index
      %get3A_1117 = tpu.vector_load %arg7[%get3A_1116] {strides = array<i32>} : memref<1024xi32, #tpu.memory_space<vmem>>, vector<16xi32>,
      %get3A_1118 = arith.constant 896 : index
      %get3A_1119 = tpu.vector_load %arg8[%get3A_1118] {strides = array<i32>} : memref<1024xi32, #tpu.memory_space<vmem>>, vector<16xi32>,
      %eq3A_1120 = arith.cmpi eq, %get3A_1117, %get3A_1119 : vector<16xi32>
      %jit3A_1121 = arith.constant 64 : i32
      %jit3A_1122 = arith.constant 0 : i32
      %broadcast_in_dim3A_1123 = vector.broadcast %jit3A_1121 : i32 to vector<16xi32>
      %broadcast_in_dim3A_1124 = vector.broadcast %jit3A_1122 : i32 to vector<16xi32>
      %select_n3A_1125 = arith.select %eq3A_1120, %broadcast_in_dim3A_1123, %broadcast_in_dim3A_1124 : vector<16xi1>, vector<16xi32>
      %and3A_1126 = arith.constant -64 : i32
      %and3A_1127 = vector.broadcast %and3A_1126 : i32 to vector<16xi32>
      %and3A_1128 = arith.andi %get3A_1119, %and3A_1127 : vector<16xi32>
      %add3A_1129 = arith.addi %get3A_1119, %and3A_1128 : vector<16xi32>
      %add3A_1130 = arith.addi %add3A_1129, %select_n3A_1125 : vector<16xi32>
      tpu.vector_store_idx %arg9[%add3A_1130], %broadcast_in_dim3A_279 {add = true} : memref<2048xf32, #tpu.memory_space<vmem>>[vector<16xi32>], vector<16xf32>,
      %get3A_1131 = arith.constant 912 : index
      %get3A_1132 = tpu.vector_load %arg7[%get3A_1131] {strides = array<i32>} : memref<1024xi32, #tpu.memory_space<vmem>>, vector<16xi32>,
      %get3A_1133 = arith.constant 912 : index
      %get3A_1134 = tpu.vector_load %arg8[%get3A_1133] {strides = array<i32>} : memref<1024xi32, #tpu.memory_space<vmem>>, vector<16xi32>,
      %eq3A_1135 = arith.cmpi eq, %get3A_1132, %get3A_1134 : vector<16xi32>
      %jit3A_1136 = arith.constant 64 : i32
      %jit3A_1137 = arith.constant 0 : i32
      %broadcast_in_dim3A_1138 = vector.broadcast %jit3A_1136 : i32 to vector<16xi32>
      %broadcast_in_dim3A_1139 = vector.broadcast %jit3A_1137 : i32 to vector<16xi32>
      %select_n3A_1140 = arith.select %eq3A_1135, %broadcast_in_dim3A_1138, %broadcast_in_dim3A_1139 : vector<16xi1>, vector<16xi32>
      %and3A_1141 = arith.constant -64 : i32
      %and3A_1142 = vector.broadcast %and3A_1141 : i32 to vector<16xi32>
      %and3A_1143 = arith.andi %get3A_1134, %and3A_1142 : vector<16xi32>
      %add3A_1144 = arith.addi %get3A_1134, %and3A_1143 : vector<16xi32>
      %add3A_1145 = arith.addi %add3A_1144, %select_n3A_1140 : vector<16xi32>
      tpu.vector_store_idx %arg9[%add3A_1145], %broadcast_in_dim3A_279 {add = true} : memref<2048xf32, #tpu.memory_space<vmem>>[vector<16xi32>], vector<16xf32>,
      %get3A_1146 = arith.constant 928 : index
      %get3A_1147 = tpu.vector_load %arg7[%get3A_1146] {strides = array<i32>} : memref<1024xi32, #tpu.memory_space<vmem>>, vector<16xi32>,
      %get3A_1148 = arith.constant 928 : index
      %get3A_1149 = tpu.vector_load %arg8[%get3A_1148] {strides = array<i32>} : memref<1024xi32, #tpu.memory_space<vmem>>, vector<16xi32>,
      %eq3A_1150 = arith.cmpi eq, %get3A_1147, %get3A_1149 : vector<16xi32>
      %jit3A_1151 = arith.constant 64 : i32
      %jit3A_1152 = arith.constant 0 : i32
      %broadcast_in_dim3A_1153 = vector.broadcast %jit3A_1151 : i32 to vector<16xi32>
      %broadcast_in_dim3A_1154 = vector.broadcast %jit3A_1152 : i32 to vector<16xi32>
      %select_n3A_1155 = arith.select %eq3A_1150, %broadcast_in_dim3A_1153, %broadcast_in_dim3A_1154 : vector<16xi1>, vector<16xi32>
      %and3A_1156 = arith.constant -64 : i32
      %and3A_1157 = vector.broadcast %and3A_1156 : i32 to vector<16xi32>
      %and3A_1158 = arith.andi %get3A_1149, %and3A_1157 : vector<16xi32>
      %add3A_1159 = arith.addi %get3A_1149, %and3A_1158 : vector<16xi32>
      %add3A_1160 = arith.addi %add3A_1159, %select_n3A_1155 : vector<16xi32>
      tpu.vector_store_idx %arg9[%add3A_1160], %broadcast_in_dim3A_279 {add = true} : memref<2048xf32, #tpu.memory_space<vmem>>[vector<16xi32>], vector<16xf32>,
      %get3A_1161 = arith.constant 944 : index
      %get3A_1162 = tpu.vector_load %arg7[%get3A_1161] {strides = array<i32>} : memref<1024xi32, #tpu.memory_space<vmem>>, vector<16xi32>,
      %get3A_1163 = arith.constant 944 : index
      %get3A_1164 = tpu.vector_load %arg8[%get3A_1163] {strides = array<i32>} : memref<1024xi32, #tpu.memory_space<vmem>>, vector<16xi32>,
      %eq3A_1165 = arith.cmpi eq, %get3A_1162, %get3A_1164 : vector<16xi32>
      %jit3A_1166 = arith.constant 64 : i32
      %jit3A_1167 = arith.constant 0 : i32
      %broadcast_in_dim3A_1168 = vector.broadcast %jit3A_1166 : i32 to vector<16xi32>
      %broadcast_in_dim3A_1169 = vector.broadcast %jit3A_1167 : i32 to vector<16xi32>
      %select_n3A_1170 = arith.select %eq3A_1165, %broadcast_in_dim3A_1168, %broadcast_in_dim3A_1169 : vector<16xi1>, vector<16xi32>
      %and3A_1171 = arith.constant -64 : i32
      %and3A_1172 = vector.broadcast %and3A_1171 : i32 to vector<16xi32>
      %and3A_1173 = arith.andi %get3A_1164, %and3A_1172 : vector<16xi32>
      %add3A_1174 = arith.addi %get3A_1164, %and3A_1173 : vector<16xi32>
      %add3A_1175 = arith.addi %add3A_1174, %select_n3A_1170 : vector<16xi32>
      tpu.vector_store_idx %arg9[%add3A_1175], %broadcast_in_dim3A_279 {add = true} : memref<2048xf32, #tpu.memory_space<vmem>>[vector<16xi32>], vector<16xf32>,
      %get3A_1176 = arith.constant 960 : index
      %get3A_1177 = tpu.vector_load %arg7[%get3A_1176] {strides = array<i32>} : memref<1024xi32, #tpu.memory_space<vmem>>, vector<16xi32>,
      %get3A_1178 = arith.constant 960 : index
      %get3A_1179 = tpu.vector_load %arg8[%get3A_1178] {strides = array<i32>} : memref<1024xi32, #tpu.memory_space<vmem>>, vector<16xi32>,
      %eq3A_1180 = arith.cmpi eq, %get3A_1177, %get3A_1179 : vector<16xi32>
      %jit3A_1181 = arith.constant 64 : i32
      %jit3A_1182 = arith.constant 0 : i32
      %broadcast_in_dim3A_1183 = vector.broadcast %jit3A_1181 : i32 to vector<16xi32>
      %broadcast_in_dim3A_1184 = vector.broadcast %jit3A_1182 : i32 to vector<16xi32>
      %select_n3A_1185 = arith.select %eq3A_1180, %broadcast_in_dim3A_1183, %broadcast_in_dim3A_1184 : vector<16xi1>, vector<16xi32>
      %and3A_1186 = arith.constant -64 : i32
      %and3A_1187 = vector.broadcast %and3A_1186 : i32 to vector<16xi32>
      %and3A_1188 = arith.andi %get3A_1179, %and3A_1187 : vector<16xi32>
      %add3A_1189 = arith.addi %get3A_1179, %and3A_1188 : vector<16xi32>
      %add3A_1190 = arith.addi %add3A_1189, %select_n3A_1185 : vector<16xi32>
      tpu.vector_store_idx %arg9[%add3A_1190], %broadcast_in_dim3A_279 {add = true} : memref<2048xf32, #tpu.memory_space<vmem>>[vector<16xi32>], vector<16xf32>,
      %get3A_1191 = arith.constant 976 : index
      %get3A_1192 = tpu.vector_load %arg7[%get3A_1191] {strides = array<i32>} : memref<1024xi32, #tpu.memory_space<vmem>>, vector<16xi32>,
      %get3A_1193 = arith.constant 976 : index
      %get3A_1194 = tpu.vector_load %arg8[%get3A_1193] {strides = array<i32>} : memref<1024xi32, #tpu.memory_space<vmem>>, vector<16xi32>,
      %eq3A_1195 = arith.cmpi eq, %get3A_1192, %get3A_1194 : vector<16xi32>
      %jit3A_1196 = arith.constant 64 : i32
      %jit3A_1197 = arith.constant 0 : i32
      %broadcast_in_dim3A_1198 = vector.broadcast %jit3A_1196 : i32 to vector<16xi32>
      %broadcast_in_dim3A_1199 = vector.broadcast %jit3A_1197 : i32 to vector<16xi32>
      %select_n3A_1200 = arith.select %eq3A_1195, %broadcast_in_dim3A_1198, %broadcast_in_dim3A_1199 : vector<16xi1>, vector<16xi32>
      %and3A_1201 = arith.constant -64 : i32
      %and3A_1202 = vector.broadcast %and3A_1201 : i32 to vector<16xi32>
      %and3A_1203 = arith.andi %get3A_1194, %and3A_1202 : vector<16xi32>
      %add3A_1204 = arith.addi %get3A_1194, %and3A_1203 : vector<16xi32>
      %add3A_1205 = arith.addi %add3A_1204, %select_n3A_1200 : vector<16xi32>
      tpu.vector_store_idx %arg9[%add3A_1205], %broadcast_in_dim3A_279 {add = true} : memref<2048xf32, #tpu.memory_space<vmem>>[vector<16xi32>], vector<16xf32>,
      %get3A_1206 = arith.constant 992 : index
      %get3A_1207 = tpu.vector_load %arg7[%get3A_1206] {strides = array<i32>} : memref<1024xi32, #tpu.memory_space<vmem>>, vector<16xi32>,
      %get3A_1208 = arith.constant 992 : index
      %get3A_1209 = tpu.vector_load %arg8[%get3A_1208] {strides = array<i32>} : memref<1024xi32, #tpu.memory_space<vmem>>, vector<16xi32>,
      %eq3A_1210 = arith.cmpi eq, %get3A_1207, %get3A_1209 : vector<16xi32>
      %jit3A_1211 = arith.constant 64 : i32
      %jit3A_1212 = arith.constant 0 : i32
      %broadcast_in_dim3A_1213 = vector.broadcast %jit3A_1211 : i32 to vector<16xi32>
      %broadcast_in_dim3A_1214 = vector.broadcast %jit3A_1212 : i32 to vector<16xi32>
      %select_n3A_1215 = arith.select %eq3A_1210, %broadcast_in_dim3A_1213, %broadcast_in_dim3A_1214 : vector<16xi1>, vector<16xi32>
      %and3A_1216 = arith.constant -64 : i32
      %and3A_1217 = vector.broadcast %and3A_1216 : i32 to vector<16xi32>
      %and3A_1218 = arith.andi %get3A_1209, %and3A_1217 : vector<16xi32>
      %add3A_1219 = arith.addi %get3A_1209, %and3A_1218 : vector<16xi32>
      %add3A_1220 = arith.addi %add3A_1219, %select_n3A_1215 : vector<16xi32>
      tpu.vector_store_idx %arg9[%add3A_1220], %broadcast_in_dim3A_279 {add = true} : memref<2048xf32, #tpu.memory_space<vmem>>[vector<16xi32>], vector<16xf32>,
      %get3A_1221 = arith.constant 1008 : index
      %get3A_1222 = tpu.vector_load %arg7[%get3A_1221] {strides = array<i32>} : memref<1024xi32, #tpu.memory_space<vmem>>, vector<16xi32>,
      %get3A_1223 = arith.constant 1008 : index
      %get3A_1224 = tpu.vector_load %arg8[%get3A_1223] {strides = array<i32>} : memref<1024xi32, #tpu.memory_space<vmem>>, vector<16xi32>,
      %eq3A_1225 = arith.cmpi eq, %get3A_1222, %get3A_1224 : vector<16xi32>
      %jit3A_1226 = arith.constant 64 : i32
      %jit3A_1227 = arith.constant 0 : i32
      %broadcast_in_dim3A_1228 = vector.broadcast %jit3A_1226 : i32 to vector<16xi32>
      %broadcast_in_dim3A_1229 = vector.broadcast %jit3A_1227 : i32 to vector<16xi32>
      %select_n3A_1230 = arith.select %eq3A_1225, %broadcast_in_dim3A_1228, %broadcast_in_dim3A_1229 : vector<16xi1>, vector<16xi32>
      %and3A_1231 = arith.constant -64 : i32
      %and3A_1232 = vector.broadcast %and3A_1231 : i32 to vector<16xi32>
      %and3A_1233 = arith.andi %get3A_1224, %and3A_1232 : vector<16xi32>
      %add3A_1234 = arith.addi %get3A_1224, %and3A_1233 : vector<16xi32>
      %add3A_1235 = arith.addi %add3A_1234, %select_n3A_1230 : vector<16xi32>
      tpu.vector_store_idx %arg9[%add3A_1235], %broadcast_in_dim3A_279 {add = true} : memref<2048xf32, #tpu.memory_space<vmem>>[vector<16xi32>], vector<16xf32>,
      %dma_start3A_1236 = arith.constant 0 : i32
      %dma_start3A_1237 = arith.constant 0 : i32
      %dma_start3A_1238 = tpu.memref_slice %arg9[%dma_start3A_1237] : memref<2048xf32, #tpu.memory_space<vmem>> -> memref<128xf32, #tpu.memory_space<vmem>>
      %dma_start3A_1239 = arith.constant 0 : i32
      %dma_start3A_1240 = tpu.memref_slice %arg5[%dma_start3A_1236, %arg1, %dma_start3A_1239] : memref<16x16x128xf32, #tpu.memory_space<hbm>> -> memref<1x1x128xf32, #tpu.memory_space<hbm>>
      %dma_start3A_1241 = tpu.memref_squeeze %dma_start3A_1240 : memref<1x1x128xf32, #tpu.memory_space<hbm>> -> memref<128xf32, #tpu.memory_space<hbm>>
      %dma_start3A_1242 = arith.constant 0 : i32
      %dma_start3A_1243 = tpu.memref_slice %arg5[%dma_start3A_1236, %arg1, %dma_start3A_1242] : memref<16x16x128xf32, #tpu.memory_space<hbm>> -> memref<1x1x128xf32, #tpu.memory_space<hbm>>
      %dma_start3A_1244 = tpu.memref_squeeze %dma_start3A_1243 : memref<1x1x128xf32, #tpu.memory_space<hbm>> -> memref<128xf32, #tpu.memory_space<hbm>>
      %dma_start3A_1245 = arith.constant 0 : i32
      %dma_start3A_1246 = tpu.memref_slice %arg9[%dma_start3A_1245] : memref<2048xf32, #tpu.memory_space<vmem>> -> memref<128xf32, #tpu.memory_space<vmem>>
      tpu.enqueue_dma source(%dma_start3A_1246 : memref<128xf32, #tpu.memory_space<vmem>>) target(%dma_start3A_1244 : memref<128xf32, #tpu.memory_space<hbm>>) target_semaphore(%arg14 : memref<!tpu.dma_semaphore, #tpu.memory_space<semaphore_mem>>)
      %dma_start3A_1247 = arith.constant 1 : i32
      %dma_start3A_1248 = arith.constant 128 : i32
      %dma_start3A_1249 = tpu.memref_slice %arg9[%dma_start3A_1248] : memref<2048xf32, #tpu.memory_space<vmem>> -> memref<128xf32, #tpu.memory_space<vmem>>
      %dma_start3A_1250 = arith.constant 0 : i32
      %dma_start3A_1251 = tpu.memref_slice %arg5[%dma_start3A_1247, %arg1, %dma_start3A_1250] : memref<16x16x128xf32, #tpu.memory_space<hbm>> -> memref<1x1x128xf32, #tpu.memory_space<hbm>>
      %dma_start3A_1252 = tpu.memref_squeeze %dma_start3A_1251 : memref<1x1x128xf32, #tpu.memory_space<hbm>> -> memref<128xf32, #tpu.memory_space<hbm>>
      %dma_start3A_1253 = arith.constant 0 : i32
      %dma_start3A_1254 = tpu.memref_slice %arg5[%dma_start3A_1247, %arg1, %dma_start3A_1253] : memref<16x16x128xf32, #tpu.memory_space<hbm>> -> memref<1x1x128xf32, #tpu.memory_space<hbm>>
      %dma_start3A_1255 = tpu.memref_squeeze %dma_start3A_1254 : memref<1x1x128xf32, #tpu.memory_space<hbm>> -> memref<128xf32, #tpu.memory_space<hbm>>
      %dma_start3A_1256 = arith.constant 128 : i32
      %dma_start3A_1257 = tpu.memref_slice %arg9[%dma_start3A_1256] : memref<2048xf32, #tpu.memory_space<vmem>> -> memref<128xf32, #tpu.memory_space<vmem>>
      tpu.enqueue_dma source(%dma_start3A_1257 : memref<128xf32, #tpu.memory_space<vmem>>) target(%dma_start3A_1255 : memref<128xf32, #tpu.memory_space<hbm>>) target_semaphore(%arg14 : memref<!tpu.dma_semaphore, #tpu.memory_space<semaphore_mem>>)
      %dma_start3A_1258 = arith.constant 2 : i32
      %dma_start3A_1259 = arith.constant 256 : i32
      %dma_start3A_1260 = tpu.memref_slice %arg9[%dma_start3A_1259] : memref<2048xf32, #tpu.memory_space<vmem>> -> memref<128xf32, #tpu.memory_space<vmem>>
      %dma_start3A_1261 = arith.constant 0 : i32
      %dma_start3A_1262 = tpu.memref_slice %arg5[%dma_start3A_1258, %arg1, %dma_start3A_1261] : memref<16x16x128xf32, #tpu.memory_space<hbm>> -> memref<1x1x128xf32, #tpu.memory_space<hbm>>
      %dma_start3A_1263 = tpu.memref_squeeze %dma_start3A_1262 : memref<1x1x128xf32, #tpu.memory_space<hbm>> -> memref<128xf32, #tpu.memory_space<hbm>>
      %dma_start3A_1264 = arith.constant 0 : i32
      %dma_start3A_1265 = tpu.memref_slice %arg5[%dma_start3A_1258, %arg1, %dma_start3A_1264] : memref<16x16x128xf32, #tpu.memory_space<hbm>> -> memref<1x1x128xf32, #tpu.memory_space<hbm>>
      %dma_start3A_1266 = tpu.memref_squeeze %dma_start3A_1265 : memref<1x1x128xf32, #tpu.memory_space<hbm>> -> memref<128xf32, #tpu.memory_space<hbm>>
      %dma_start3A_1267 = arith.constant 256 : i32
      %dma_start3A_1268 = tpu.memref_slice %arg9[%dma_start3A_1267] : memref<2048xf32, #tpu.memory_space<vmem>> -> memref<128xf32, #tpu.memory_space<vmem>>
      tpu.enqueue_dma source(%dma_start3A_1268 : memref<128xf32, #tpu.memory_space<vmem>>) target(%dma_start3A_1266 : memref<128xf32, #tpu.memory_space<hbm>>) target_semaphore(%arg14 : memref<!tpu.dma_semaphore, #tpu.memory_space<semaphore_mem>>)
      %dma_start3A_1269 = arith.constant 3 : i32
      %dma_start3A_1270 = arith.constant 384 : i32
      %dma_start3A_1271 = tpu.memref_slice %arg9[%dma_start3A_1270] : memref<2048xf32, #tpu.memory_space<vmem>> -> memref<128xf32, #tpu.memory_space<vmem>>
      %dma_start3A_1272 = arith.constant 0 : i32
      %dma_start3A_1273 = tpu.memref_slice %arg5[%dma_start3A_1269, %arg1, %dma_start3A_1272] : memref<16x16x128xf32, #tpu.memory_space<hbm>> -> memref<1x1x128xf32, #tpu.memory_space<hbm>>
      %dma_start3A_1274 = tpu.memref_squeeze %dma_start3A_1273 : memref<1x1x128xf32, #tpu.memory_space<hbm>> -> memref<128xf32, #tpu.memory_space<hbm>>
      %dma_start3A_1275 = arith.constant 0 : i32
      %dma_start3A_1276 = tpu.memref_slice %arg5[%dma_start3A_1269, %arg1, %dma_start3A_1275] : memref<16x16x128xf32, #tpu.memory_space<hbm>> -> memref<1x1x128xf32, #tpu.memory_space<hbm>>
      %dma_start3A_1277 = tpu.memref_squeeze %dma_start3A_1276 : memref<1x1x128xf32, #tpu.memory_space<hbm>> -> memref<128xf32, #tpu.memory_space<hbm>>
      %dma_start3A_1278 = arith.constant 384 : i32
      %dma_start3A_1279 = tpu.memref_slice %arg9[%dma_start3A_1278] : memref<2048xf32, #tpu.memory_space<vmem>> -> memref<128xf32, #tpu.memory_space<vmem>>
      tpu.enqueue_dma source(%dma_start3A_1279 : memref<128xf32, #tpu.memory_space<vmem>>) target(%dma_start3A_1277 : memref<128xf32, #tpu.memory_space<hbm>>) target_semaphore(%arg14 : memref<!tpu.dma_semaphore, #tpu.memory_space<semaphore_mem>>)
      %dma_start3A_1280 = arith.constant 4 : i32
      %dma_start3A_1281 = arith.constant 512 : i32
      %dma_start3A_1282 = tpu.memref_slice %arg9[%dma_start3A_1281] : memref<2048xf32, #tpu.memory_space<vmem>> -> memref<128xf32, #tpu.memory_space<vmem>>
      %dma_start3A_1283 = arith.constant 0 : i32
      %dma_start3A_1284 = tpu.memref_slice %arg5[%dma_start3A_1280, %arg1, %dma_start3A_1283] : memref<16x16x128xf32, #tpu.memory_space<hbm>> -> memref<1x1x128xf32, #tpu.memory_space<hbm>>
      %dma_start3A_1285 = tpu.memref_squeeze %dma_start3A_1284 : memref<1x1x128xf32, #tpu.memory_space<hbm>> -> memref<128xf32, #tpu.memory_space<hbm>>
      %dma_start3A_1286 = arith.constant 0 : i32
      %dma_start3A_1287 = tpu.memref_slice %arg5[%dma_start3A_1280, %arg1, %dma_start3A_1286] : memref<16x16x128xf32, #tpu.memory_space<hbm>> -> memref<1x1x128xf32, #tpu.memory_space<hbm>>
      %dma_start3A_1288 = tpu.memref_squeeze %dma_start3A_1287 : memref<1x1x128xf32, #tpu.memory_space<hbm>> -> memref<128xf32, #tpu.memory_space<hbm>>
      %dma_start3A_1289 = arith.constant 512 : i32
      %dma_start3A_1290 = tpu.memref_slice %arg9[%dma_start3A_1289] : memref<2048xf32, #tpu.memory_space<vmem>> -> memref<128xf32, #tpu.memory_space<vmem>>
      tpu.enqueue_dma source(%dma_start3A_1290 : memref<128xf32, #tpu.memory_space<vmem>>) target(%dma_start3A_1288 : memref<128xf32, #tpu.memory_space<hbm>>) target_semaphore(%arg14 : memref<!tpu.dma_semaphore, #tpu.memory_space<semaphore_mem>>)
      %dma_start3A_1291 = arith.constant 5 : i32
      %dma_start3A_1292 = arith.constant 640 : i32
      %dma_start3A_1293 = tpu.memref_slice %arg9[%dma_start3A_1292] : memref<2048xf32, #tpu.memory_space<vmem>> -> memref<128xf32, #tpu.memory_space<vmem>>
      %dma_start3A_1294 = arith.constant 0 : i32
      %dma_start3A_1295 = tpu.memref_slice %arg5[%dma_start3A_1291, %arg1, %dma_start3A_1294] : memref<16x16x128xf32, #tpu.memory_space<hbm>> -> memref<1x1x128xf32, #tpu.memory_space<hbm>>
      %dma_start3A_1296 = tpu.memref_squeeze %dma_start3A_1295 : memref<1x1x128xf32, #tpu.memory_space<hbm>> -> memref<128xf32, #tpu.memory_space<hbm>>
      %dma_start3A_1297 = arith.constant 0 : i32
      %dma_start3A_1298 = tpu.memref_slice %arg5[%dma_start3A_1291, %arg1, %dma_start3A_1297] : memref<16x16x128xf32, #tpu.memory_space<hbm>> -> memref<1x1x128xf32, #tpu.memory_space<hbm>>
      %dma_start3A_1299 = tpu.memref_squeeze %dma_start3A_1298 : memref<1x1x128xf32, #tpu.memory_space<hbm>> -> memref<128xf32, #tpu.memory_space<hbm>>
      %dma_start3A_1300 = arith.constant 640 : i32
      %dma_start3A_1301 = tpu.memref_slice %arg9[%dma_start3A_1300] : memref<2048xf32, #tpu.memory_space<vmem>> -> memref<128xf32, #tpu.memory_space<vmem>>
      tpu.enqueue_dma source(%dma_start3A_1301 : memref<128xf32, #tpu.memory_space<vmem>>) target(%dma_start3A_1299 : memref<128xf32, #tpu.memory_space<hbm>>) target_semaphore(%arg14 : memref<!tpu.dma_semaphore, #tpu.memory_space<semaphore_mem>>)
      %dma_start3A_1302 = arith.constant 6 : i32
      %dma_start3A_1303 = arith.constant 768 : i32
      %dma_start3A_1304 = tpu.memref_slice %arg9[%dma_start3A_1303] : memref<2048xf32, #tpu.memory_space<vmem>> -> memref<128xf32, #tpu.memory_space<vmem>>
      %dma_start3A_1305 = arith.constant 0 : i32
      %dma_start3A_1306 = tpu.memref_slice %arg5[%dma_start3A_1302, %arg1, %dma_start3A_1305] : memref<16x16x128xf32, #tpu.memory_space<hbm>> -> memref<1x1x128xf32, #tpu.memory_space<hbm>>
      %dma_start3A_1307 = tpu.memref_squeeze %dma_start3A_1306 : memref<1x1x128xf32, #tpu.memory_space<hbm>> -> memref<128xf32, #tpu.memory_space<hbm>>
      %dma_start3A_1308 = arith.constant 0 : i32
      %dma_start3A_1309 = tpu.memref_slice %arg5[%dma_start3A_1302, %arg1, %dma_start3A_1308] : memref<16x16x128xf32, #tpu.memory_space<hbm>> -> memref<1x1x128xf32, #tpu.memory_space<hbm>>
      %dma_start3A_1310 = tpu.memref_squeeze %dma_start3A_1309 : memref<1x1x128xf32, #tpu.memory_space<hbm>> -> memref<128xf32, #tpu.memory_space<hbm>>
      %dma_start3A_1311 = arith.constant 768 : i32
      %dma_start3A_1312 = tpu.memref_slice %arg9[%dma_start3A_1311] : memref<2048xf32, #tpu.memory_space<vmem>> -> memref<128xf32, #tpu.memory_space<vmem>>
      tpu.enqueue_dma source(%dma_start3A_1312 : memref<128xf32, #tpu.memory_space<vmem>>) target(%dma_start3A_1310 : memref<128xf32, #tpu.memory_space<hbm>>) target_semaphore(%arg14 : memref<!tpu.dma_semaphore, #tpu.memory_space<semaphore_mem>>)
      %dma_start3A_1313 = arith.constant 7 : i32
      %dma_start3A_1314 = arith.constant 896 : i32
      %dma_start3A_1315 = tpu.memref_slice %arg9[%dma_start3A_1314] : memref<2048xf32, #tpu.memory_space<vmem>> -> memref<128xf32, #tpu.memory_space<vmem>>
      %dma_start3A_1316 = arith.constant 0 : i32
      %dma_start3A_1317 = tpu.memref_slice %arg5[%dma_start3A_1313, %arg1, %dma_start3A_1316] : memref<16x16x128xf32, #tpu.memory_space<hbm>> -> memref<1x1x128xf32, #tpu.memory_space<hbm>>
      %dma_start3A_1318 = tpu.memref_squeeze %dma_start3A_1317 : memref<1x1x128xf32, #tpu.memory_space<hbm>> -> memref<128xf32, #tpu.memory_space<hbm>>
      %dma_start3A_1319 = arith.constant 0 : i32
      %dma_start3A_1320 = tpu.memref_slice %arg5[%dma_start3A_1313, %arg1, %dma_start3A_1319] : memref<16x16x128xf32, #tpu.memory_space<hbm>> -> memref<1x1x128xf32, #tpu.memory_space<hbm>>
      %dma_start3A_1321 = tpu.memref_squeeze %dma_start3A_1320 : memref<1x1x128xf32, #tpu.memory_space<hbm>> -> memref<128xf32, #tpu.memory_space<hbm>>
      %dma_start3A_1322 = arith.constant 896 : i32
      %dma_start3A_1323 = tpu.memref_slice %arg9[%dma_start3A_1322] : memref<2048xf32, #tpu.memory_space<vmem>> -> memref<128xf32, #tpu.memory_space<vmem>>
      tpu.enqueue_dma source(%dma_start3A_1323 : memref<128xf32, #tpu.memory_space<vmem>>) target(%dma_start3A_1321 : memref<128xf32, #tpu.memory_space<hbm>>) target_semaphore(%arg14 : memref<!tpu.dma_semaphore, #tpu.memory_space<semaphore_mem>>)
      %dma_start3A_1324 = arith.constant 8 : i32
      %dma_start3A_1325 = arith.constant 1024 : i32
      %dma_start3A_1326 = tpu.memref_slice %arg9[%dma_start3A_1325] : memref<2048xf32, #tpu.memory_space<vmem>> -> memref<128xf32, #tpu.memory_space<vmem>>
      %dma_start3A_1327 = arith.constant 0 : i32
      %dma_start3A_1328 = tpu.memref_slice %arg5[%dma_start3A_1324, %arg1, %dma_start3A_1327] : memref<16x16x128xf32, #tpu.memory_space<hbm>> -> memref<1x1x128xf32, #tpu.memory_space<hbm>>
      %dma_start3A_1329 = tpu.memref_squeeze %dma_start3A_1328 : memref<1x1x128xf32, #tpu.memory_space<hbm>> -> memref<128xf32, #tpu.memory_space<hbm>>
      %dma_start3A_1330 = arith.constant 0 : i32
      %dma_start3A_1331 = tpu.memref_slice %arg5[%dma_start3A_1324, %arg1, %dma_start3A_1330] : memref<16x16x128xf32, #tpu.memory_space<hbm>> -> memref<1x1x128xf32, #tpu.memory_space<hbm>>
      %dma_start3A_1332 = tpu.memref_squeeze %dma_start3A_1331 : memref<1x1x128xf32, #tpu.memory_space<hbm>> -> memref<128xf32, #tpu.memory_space<hbm>>
      %dma_start3A_1333 = arith.constant 1024 : i32
      %dma_start3A_1334 = tpu.memref_slice %arg9[%dma_start3A_1333] : memref<2048xf32, #tpu.memory_space<vmem>> -> memref<128xf32, #tpu.memory_space<vmem>>
      tpu.enqueue_dma source(%dma_start3A_1334 : memref<128xf32, #tpu.memory_space<vmem>>) target(%dma_start3A_1332 : memref<128xf32, #tpu.memory_space<hbm>>) target_semaphore(%arg14 : memref<!tpu.dma_semaphore, #tpu.memory_space<semaphore_mem>>)
      %dma_start3A_1335 = arith.constant 9 : i32
      %dma_start3A_1336 = arith.constant 1152 : i32
      %dma_start3A_1337 = tpu.memref_slice %arg9[%dma_start3A_1336] : memref<2048xf32, #tpu.memory_space<vmem>> -> memref<128xf32, #tpu.memory_space<vmem>>
      %dma_start3A_1338 = arith.constant 0 : i32
      %dma_start3A_1339 = tpu.memref_slice %arg5[%dma_start3A_1335, %arg1, %dma_start3A_1338] : memref<16x16x128xf32, #tpu.memory_space<hbm>> -> memref<1x1x128xf32, #tpu.memory_space<hbm>>
      %dma_start3A_1340 = tpu.memref_squeeze %dma_start3A_1339 : memref<1x1x128xf32, #tpu.memory_space<hbm>> -> memref<128xf32, #tpu.memory_space<hbm>>
      %dma_start3A_1341 = arith.constant 0 : i32
      %dma_start3A_1342 = tpu.memref_slice %arg5[%dma_start3A_1335, %arg1, %dma_start3A_1341] : memref<16x16x128xf32, #tpu.memory_space<hbm>> -> memref<1x1x128xf32, #tpu.memory_space<hbm>>
      %dma_start3A_1343 = tpu.memref_squeeze %dma_start3A_1342 : memref<1x1x128xf32, #tpu.memory_space<hbm>> -> memref<128xf32, #tpu.memory_space<hbm>>
      %dma_start3A_1344 = arith.constant 1152 : i32
      %dma_start3A_1345 = tpu.memref_slice %arg9[%dma_start3A_1344] : memref<2048xf32, #tpu.memory_space<vmem>> -> memref<128xf32, #tpu.memory_space<vmem>>
      tpu.enqueue_dma source(%dma_start3A_1345 : memref<128xf32, #tpu.memory_space<vmem>>) target(%dma_start3A_1343 : memref<128xf32, #tpu.memory_space<hbm>>) target_semaphore(%arg14 : memref<!tpu.dma_semaphore, #tpu.memory_space<semaphore_mem>>)
      %dma_start3A_1346 = arith.constant 10 : i32
      %dma_start3A_1347 = arith.constant 1280 : i32
      %dma_start3A_1348 = tpu.memref_slice %arg9[%dma_start3A_1347] : memref<2048xf32, #tpu.memory_space<vmem>> -> memref<128xf32, #tpu.memory_space<vmem>>
      %dma_start3A_1349 = arith.constant 0 : i32
      %dma_start3A_1350 = tpu.memref_slice %arg5[%dma_start3A_1346, %arg1, %dma_start3A_1349] : memref<16x16x128xf32, #tpu.memory_space<hbm>> -> memref<1x1x128xf32, #tpu.memory_space<hbm>>
      %dma_start3A_1351 = tpu.memref_squeeze %dma_start3A_1350 : memref<1x1x128xf32, #tpu.memory_space<hbm>> -> memref<128xf32, #tpu.memory_space<hbm>>
      %dma_start3A_1352 = arith.constant 0 : i32
      %dma_start3A_1353 = tpu.memref_slice %arg5[%dma_start3A_1346, %arg1, %dma_start3A_1352] : memref<16x16x128xf32, #tpu.memory_space<hbm>> -> memref<1x1x128xf32, #tpu.memory_space<hbm>>
      %dma_start3A_1354 = tpu.memref_squeeze %dma_start3A_1353 : memref<1x1x128xf32, #tpu.memory_space<hbm>> -> memref<128xf32, #tpu.memory_space<hbm>>
      %dma_start3A_1355 = arith.constant 1280 : i32
      %dma_start3A_1356 = tpu.memref_slice %arg9[%dma_start3A_1355] : memref<2048xf32, #tpu.memory_space<vmem>> -> memref<128xf32, #tpu.memory_space<vmem>>
      tpu.enqueue_dma source(%dma_start3A_1356 : memref<128xf32, #tpu.memory_space<vmem>>) target(%dma_start3A_1354 : memref<128xf32, #tpu.memory_space<hbm>>) target_semaphore(%arg14 : memref<!tpu.dma_semaphore, #tpu.memory_space<semaphore_mem>>)
      %dma_start3A_1357 = arith.constant 11 : i32
      %dma_start3A_1358 = arith.constant 1408 : i32
      %dma_start3A_1359 = tpu.memref_slice %arg9[%dma_start3A_1358] : memref<2048xf32, #tpu.memory_space<vmem>> -> memref<128xf32, #tpu.memory_space<vmem>>
      %dma_start3A_1360 = arith.constant 0 : i32
      %dma_start3A_1361 = tpu.memref_slice %arg5[%dma_start3A_1357, %arg1, %dma_start3A_1360] : memref<16x16x128xf32, #tpu.memory_space<hbm>> -> memref<1x1x128xf32, #tpu.memory_space<hbm>>
      %dma_start3A_1362 = tpu.memref_squeeze %dma_start3A_1361 : memref<1x1x128xf32, #tpu.memory_space<hbm>> -> memref<128xf32, #tpu.memory_space<hbm>>
      %dma_start3A_1363 = arith.constant 0 : i32
      %dma_start3A_1364 = tpu.memref_slice %arg5[%dma_start3A_1357, %arg1, %dma_start3A_1363] : memref<16x16x128xf32, #tpu.memory_space<hbm>> -> memref<1x1x128xf32, #tpu.memory_space<hbm>>
      %dma_start3A_1365 = tpu.memref_squeeze %dma_start3A_1364 : memref<1x1x128xf32, #tpu.memory_space<hbm>> -> memref<128xf32, #tpu.memory_space<hbm>>
      %dma_start3A_1366 = arith.constant 1408 : i32
      %dma_start3A_1367 = tpu.memref_slice %arg9[%dma_start3A_1366] : memref<2048xf32, #tpu.memory_space<vmem>> -> memref<128xf32, #tpu.memory_space<vmem>>
      tpu.enqueue_dma source(%dma_start3A_1367 : memref<128xf32, #tpu.memory_space<vmem>>) target(%dma_start3A_1365 : memref<128xf32, #tpu.memory_space<hbm>>) target_semaphore(%arg14 : memref<!tpu.dma_semaphore, #tpu.memory_space<semaphore_mem>>)
      %dma_start3A_1368 = arith.constant 12 : i32
      %dma_start3A_1369 = arith.constant 1536 : i32
      %dma_start3A_1370 = tpu.memref_slice %arg9[%dma_start3A_1369] : memref<2048xf32, #tpu.memory_space<vmem>> -> memref<128xf32, #tpu.memory_space<vmem>>
      %dma_start3A_1371 = arith.constant 0 : i32
      %dma_start3A_1372 = tpu.memref_slice %arg5[%dma_start3A_1368, %arg1, %dma_start3A_1371] : memref<16x16x128xf32, #tpu.memory_space<hbm>> -> memref<1x1x128xf32, #tpu.memory_space<hbm>>
      %dma_start3A_1373 = tpu.memref_squeeze %dma_start3A_1372 : memref<1x1x128xf32, #tpu.memory_space<hbm>> -> memref<128xf32, #tpu.memory_space<hbm>>
      %dma_start3A_1374 = arith.constant 0 : i32
      %dma_start3A_1375 = tpu.memref_slice %arg5[%dma_start3A_1368, %arg1, %dma_start3A_1374] : memref<16x16x128xf32, #tpu.memory_space<hbm>> -> memref<1x1x128xf32, #tpu.memory_space<hbm>>
      %dma_start3A_1376 = tpu.memref_squeeze %dma_start3A_1375 : memref<1x1x128xf32, #tpu.memory_space<hbm>> -> memref<128xf32, #tpu.memory_space<hbm>>
      %dma_start3A_1377 = arith.constant 1536 : i32
      %dma_start3A_1378 = tpu.memref_slice %arg9[%dma_start3A_1377] : memref<2048xf32, #tpu.memory_space<vmem>> -> memref<128xf32, #tpu.memory_space<vmem>>
      tpu.enqueue_dma source(%dma_start3A_1378 : memref<128xf32, #tpu.memory_space<vmem>>) target(%dma_start3A_1376 : memref<128xf32, #tpu.memory_space<hbm>>) target_semaphore(%arg14 : memref<!tpu.dma_semaphore, #tpu.memory_space<semaphore_mem>>)
      %dma_start3A_1379 = arith.constant 13 : i32
      %dma_start3A_1380 = arith.constant 1664 : i32
      %dma_start3A_1381 = tpu.memref_slice %arg9[%dma_start3A_1380] : memref<2048xf32, #tpu.memory_space<vmem>> -> memref<128xf32, #tpu.memory_space<vmem>>
      %dma_start3A_1382 = arith.constant 0 : i32
      %dma_start3A_1383 = tpu.memref_slice %arg5[%dma_start3A_1379, %arg1, %dma_start3A_1382] : memref<16x16x128xf32, #tpu.memory_space<hbm>> -> memref<1x1x128xf32, #tpu.memory_space<hbm>>
      %dma_start3A_1384 = tpu.memref_squeeze %dma_start3A_1383 : memref<1x1x128xf32, #tpu.memory_space<hbm>> -> memref<128xf32, #tpu.memory_space<hbm>>
      %dma_start3A_1385 = arith.constant 0 : i32
      %dma_start3A_1386 = tpu.memref_slice %arg5[%dma_start3A_1379, %arg1, %dma_start3A_1385] : memref<16x16x128xf32, #tpu.memory_space<hbm>> -> memref<1x1x128xf32, #tpu.memory_space<hbm>>
      %dma_start3A_1387 = tpu.memref_squeeze %dma_start3A_1386 : memref<1x1x128xf32, #tpu.memory_space<hbm>> -> memref<128xf32, #tpu.memory_space<hbm>>
      %dma_start3A_1388 = arith.constant 1664 : i32
      %dma_start3A_1389 = tpu.memref_slice %arg9[%dma_start3A_1388] : memref<2048xf32, #tpu.memory_space<vmem>> -> memref<128xf32, #tpu.memory_space<vmem>>
      tpu.enqueue_dma source(%dma_start3A_1389 : memref<128xf32, #tpu.memory_space<vmem>>) target(%dma_start3A_1387 : memref<128xf32, #tpu.memory_space<hbm>>) target_semaphore(%arg14 : memref<!tpu.dma_semaphore, #tpu.memory_space<semaphore_mem>>)
      %dma_start3A_1390 = arith.constant 14 : i32
      %dma_start3A_1391 = arith.constant 1792 : i32
      %dma_start3A_1392 = tpu.memref_slice %arg9[%dma_start3A_1391] : memref<2048xf32, #tpu.memory_space<vmem>> -> memref<128xf32, #tpu.memory_space<vmem>>
      %dma_start3A_1393 = arith.constant 0 : i32
      %dma_start3A_1394 = tpu.memref_slice %arg5[%dma_start3A_1390, %arg1, %dma_start3A_1393] : memref<16x16x128xf32, #tpu.memory_space<hbm>> -> memref<1x1x128xf32, #tpu.memory_space<hbm>>
      %dma_start3A_1395 = tpu.memref_squeeze %dma_start3A_1394 : memref<1x1x128xf32, #tpu.memory_space<hbm>> -> memref<128xf32, #tpu.memory_space<hbm>>
      %dma_start3A_1396 = arith.constant 0 : i32
      %dma_start3A_1397 = tpu.memref_slice %arg5[%dma_start3A_1390, %arg1, %dma_start3A_1396] : memref<16x16x128xf32, #tpu.memory_space<hbm>> -> memref<1x1x128xf32, #tpu.memory_space<hbm>>
      %dma_start3A_1398 = tpu.memref_squeeze %dma_start3A_1397 : memref<1x1x128xf32, #tpu.memory_space<hbm>> -> memref<128xf32, #tpu.memory_space<hbm>>
      %dma_start3A_1399 = arith.constant 1792 : i32
      %dma_start3A_1400 = tpu.memref_slice %arg9[%dma_start3A_1399] : memref<2048xf32, #tpu.memory_space<vmem>> -> memref<128xf32, #tpu.memory_space<vmem>>
      tpu.enqueue_dma source(%dma_start3A_1400 : memref<128xf32, #tpu.memory_space<vmem>>) target(%dma_start3A_1398 : memref<128xf32, #tpu.memory_space<hbm>>) target_semaphore(%arg14 : memref<!tpu.dma_semaphore, #tpu.memory_space<semaphore_mem>>)
      %dma_start3A_1401 = arith.constant 15 : i32
      %dma_start3A_1402 = arith.constant 1920 : i32
      %dma_start3A_1403 = tpu.memref_slice %arg9[%dma_start3A_1402] : memref<2048xf32, #tpu.memory_space<vmem>> -> memref<128xf32, #tpu.memory_space<vmem>>
      %dma_start3A_1404 = arith.constant 0 : i32
      %dma_start3A_1405 = tpu.memref_slice %arg5[%dma_start3A_1401, %arg1, %dma_start3A_1404] : memref<16x16x128xf32, #tpu.memory_space<hbm>> -> memref<1x1x128xf32, #tpu.memory_space<hbm>>
      %dma_start3A_1406 = tpu.memref_squeeze %dma_start3A_1405 : memref<1x1x128xf32, #tpu.memory_space<hbm>> -> memref<128xf32, #tpu.memory_space<hbm>>
      %dma_start3A_1407 = arith.constant 0 : i32
      %dma_start3A_1408 = tpu.memref_slice %arg5[%dma_start3A_1401, %arg1, %dma_start3A_1407] : memref<16x16x128xf32, #tpu.memory_space<hbm>> -> memref<1x1x128xf32, #tpu.memory_space<hbm>>
      %dma_start3A_1409 = tpu.memref_squeeze %dma_start3A_1408 : memref<1x1x128xf32, #tpu.memory_space<hbm>> -> memref<128xf32, #tpu.memory_space<hbm>>
      %dma_start3A_1410 = arith.constant 1920 : i32
      %dma_start3A_1411 = tpu.memref_slice %arg9[%dma_start3A_1410] : memref<2048xf32, #tpu.memory_space<vmem>> -> memref<128xf32, #tpu.memory_space<vmem>>
      tpu.enqueue_dma source(%dma_start3A_1411 : memref<128xf32, #tpu.memory_space<vmem>>) target(%dma_start3A_1409 : memref<128xf32, #tpu.memory_space<hbm>>) target_semaphore(%arg14 : memref<!tpu.dma_semaphore, #tpu.memory_space<semaphore_mem>>)
      %dma_wait3A_1412 = arith.constant 0 : i32
      %dma_wait3A_1413 = arith.constant 0 : i32
      %dma_wait3A_1414 = tpu.memref_slice %arg9[%dma_wait3A_1413] : memref<2048xf32, #tpu.memory_space<vmem>> -> memref<128xf32, #tpu.memory_space<vmem>>
      %dma_wait3A_1415 = arith.constant 0 : i32
      %dma_wait3A_1416 = tpu.memref_slice %arg5[%dma_wait3A_1412, %arg1, %dma_wait3A_1415] : memref<16x16x128xf32, #tpu.memory_space<hbm>> -> memref<1x1x128xf32, #tpu.memory_space<hbm>>
      %dma_wait3A_1417 = tpu.memref_squeeze %dma_wait3A_1416 : memref<1x1x128xf32, #tpu.memory_space<hbm>> -> memref<128xf32, #tpu.memory_space<hbm>>
      %dma_wait3A_1418 = arith.constant 0 : i32
      %dma_wait3A_1419 = tpu.memref_slice %arg5[%dma_wait3A_1412, %arg1, %dma_wait3A_1418] : memref<16x16x128xf32, #tpu.memory_space<hbm>> -> memref<1x1x128xf32, #tpu.memory_space<hbm>>
      %dma_wait3A_1420 = tpu.memref_squeeze %dma_wait3A_1419 : memref<1x1x128xf32, #tpu.memory_space<hbm>> -> memref<128xf32, #tpu.memory_space<hbm>>
      %dma_wait3A_1421 = arith.constant 0 : i32
      %dma_wait3A_1422 = tpu.memref_slice %arg9[%dma_wait3A_1421] : memref<2048xf32, #tpu.memory_space<vmem>> -> memref<128xf32, #tpu.memory_space<vmem>>
      tpu.wait_dma2 semaphore(%arg14 : memref<!tpu.dma_semaphore, #tpu.memory_space<semaphore_mem>>) src(%dma_wait3A_1422 : memref<128xf32, #tpu.memory_space<vmem>>) dst(%dma_wait3A_1420 : memref<128xf32, #tpu.memory_space<hbm>>)
      %dma_wait3A_1423 = arith.constant 1 : i32
      %dma_wait3A_1424 = arith.constant 128 : i32
      %dma_wait3A_1425 = tpu.memref_slice %arg9[%dma_wait3A_1424] : memref<2048xf32, #tpu.memory_space<vmem>> -> memref<128xf32, #tpu.memory_space<vmem>>
      %dma_wait3A_1426 = arith.constant 0 : i32
      %dma_wait3A_1427 = tpu.memref_slice %arg5[%dma_wait3A_1423, %arg1, %dma_wait3A_1426] : memref<16x16x128xf32, #tpu.memory_space<hbm>> -> memref<1x1x128xf32, #tpu.memory_space<hbm>>
      %dma_wait3A_1428 = tpu.memref_squeeze %dma_wait3A_1427 : memref<1x1x128xf32, #tpu.memory_space<hbm>> -> memref<128xf32, #tpu.memory_space<hbm>>
      %dma_wait3A_1429 = arith.constant 0 : i32
      %dma_wait3A_1430 = tpu.memref_slice %arg5[%dma_wait3A_1423, %arg1, %dma_wait3A_1429] : memref<16x16x128xf32, #tpu.memory_space<hbm>> -> memref<1x1x128xf32, #tpu.memory_space<hbm>>
      %dma_wait3A_1431 = tpu.memref_squeeze %dma_wait3A_1430 : memref<1x1x128xf32, #tpu.memory_space<hbm>> -> memref<128xf32, #tpu.memory_space<hbm>>
      %dma_wait3A_1432 = arith.constant 128 : i32
      %dma_wait3A_1433 = tpu.memref_slice %arg9[%dma_wait3A_1432] : memref<2048xf32, #tpu.memory_space<vmem>> -> memref<128xf32, #tpu.memory_space<vmem>>
      tpu.wait_dma2 semaphore(%arg14 : memref<!tpu.dma_semaphore, #tpu.memory_space<semaphore_mem>>) src(%dma_wait3A_1433 : memref<128xf32, #tpu.memory_space<vmem>>) dst(%dma_wait3A_1431 : memref<128xf32, #tpu.memory_space<hbm>>)
      %dma_wait3A_1434 = arith.constant 2 : i32
      %dma_wait3A_1435 = arith.constant 256 : i32
      %dma_wait3A_1436 = tpu.memref_slice %arg9[%dma_wait3A_1435] : memref<2048xf32, #tpu.memory_space<vmem>> -> memref<128xf32, #tpu.memory_space<vmem>>
      %dma_wait3A_1437 = arith.constant 0 : i32
      %dma_wait3A_1438 = tpu.memref_slice %arg5[%dma_wait3A_1434, %arg1, %dma_wait3A_1437] : memref<16x16x128xf32, #tpu.memory_space<hbm>> -> memref<1x1x128xf32, #tpu.memory_space<hbm>>
      %dma_wait3A_1439 = tpu.memref_squeeze %dma_wait3A_1438 : memref<1x1x128xf32, #tpu.memory_space<hbm>> -> memref<128xf32, #tpu.memory_space<hbm>>
      %dma_wait3A_1440 = arith.constant 0 : i32
      %dma_wait3A_1441 = tpu.memref_slice %arg5[%dma_wait3A_1434, %arg1, %dma_wait3A_1440] : memref<16x16x128xf32, #tpu.memory_space<hbm>> -> memref<1x1x128xf32, #tpu.memory_space<hbm>>
      %dma_wait3A_1442 = tpu.memref_squeeze %dma_wait3A_1441 : memref<1x1x128xf32, #tpu.memory_space<hbm>> -> memref<128xf32, #tpu.memory_space<hbm>>
      %dma_wait3A_1443 = arith.constant 256 : i32
      %dma_wait3A_1444 = tpu.memref_slice %arg9[%dma_wait3A_1443] : memref<2048xf32, #tpu.memory_space<vmem>> -> memref<128xf32, #tpu.memory_space<vmem>>
      tpu.wait_dma2 semaphore(%arg14 : memref<!tpu.dma_semaphore, #tpu.memory_space<semaphore_mem>>) src(%dma_wait3A_1444 : memref<128xf32, #tpu.memory_space<vmem>>) dst(%dma_wait3A_1442 : memref<128xf32, #tpu.memory_space<hbm>>)
      %dma_wait3A_1445 = arith.constant 3 : i32
      %dma_wait3A_1446 = arith.constant 384 : i32
      %dma_wait3A_1447 = tpu.memref_slice %arg9[%dma_wait3A_1446] : memref<2048xf32, #tpu.memory_space<vmem>> -> memref<128xf32, #tpu.memory_space<vmem>>
      %dma_wait3A_1448 = arith.constant 0 : i32
      %dma_wait3A_1449 = tpu.memref_slice %arg5[%dma_wait3A_1445, %arg1, %dma_wait3A_1448] : memref<16x16x128xf32, #tpu.memory_space<hbm>> -> memref<1x1x128xf32, #tpu.memory_space<hbm>>
      %dma_wait3A_1450 = tpu.memref_squeeze %dma_wait3A_1449 : memref<1x1x128xf32, #tpu.memory_space<hbm>> -> memref<128xf32, #tpu.memory_space<hbm>>
      %dma_wait3A_1451 = arith.constant 0 : i32
      %dma_wait3A_1452 = tpu.memref_slice %arg5[%dma_wait3A_1445, %arg1, %dma_wait3A_1451] : memref<16x16x128xf32, #tpu.memory_space<hbm>> -> memref<1x1x128xf32, #tpu.memory_space<hbm>>
      %dma_wait3A_1453 = tpu.memref_squeeze %dma_wait3A_1452 : memref<1x1x128xf32, #tpu.memory_space<hbm>> -> memref<128xf32, #tpu.memory_space<hbm>>
      %dma_wait3A_1454 = arith.constant 384 : i32
      %dma_wait3A_1455 = tpu.memref_slice %arg9[%dma_wait3A_1454] : memref<2048xf32, #tpu.memory_space<vmem>> -> memref<128xf32, #tpu.memory_space<vmem>>
      tpu.wait_dma2 semaphore(%arg14 : memref<!tpu.dma_semaphore, #tpu.memory_space<semaphore_mem>>) src(%dma_wait3A_1455 : memref<128xf32, #tpu.memory_space<vmem>>) dst(%dma_wait3A_1453 : memref<128xf32, #tpu.memory_space<hbm>>)
      %dma_wait3A_1456 = arith.constant 4 : i32
      %dma_wait3A_1457 = arith.constant 512 : i32
      %dma_wait3A_1458 = tpu.memref_slice %arg9[%dma_wait3A_1457] : memref<2048xf32, #tpu.memory_space<vmem>> -> memref<128xf32, #tpu.memory_space<vmem>>
      %dma_wait3A_1459 = arith.constant 0 : i32
      %dma_wait3A_1460 = tpu.memref_slice %arg5[%dma_wait3A_1456, %arg1, %dma_wait3A_1459] : memref<16x16x128xf32, #tpu.memory_space<hbm>> -> memref<1x1x128xf32, #tpu.memory_space<hbm>>
      %dma_wait3A_1461 = tpu.memref_squeeze %dma_wait3A_1460 : memref<1x1x128xf32, #tpu.memory_space<hbm>> -> memref<128xf32, #tpu.memory_space<hbm>>
      %dma_wait3A_1462 = arith.constant 0 : i32
      %dma_wait3A_1463 = tpu.memref_slice %arg5[%dma_wait3A_1456, %arg1, %dma_wait3A_1462] : memref<16x16x128xf32, #tpu.memory_space<hbm>> -> memref<1x1x128xf32, #tpu.memory_space<hbm>>
      %dma_wait3A_1464 = tpu.memref_squeeze %dma_wait3A_1463 : memref<1x1x128xf32, #tpu.memory_space<hbm>> -> memref<128xf32, #tpu.memory_space<hbm>>
      %dma_wait3A_1465 = arith.constant 512 : i32
      %dma_wait3A_1466 = tpu.memref_slice %arg9[%dma_wait3A_1465] : memref<2048xf32, #tpu.memory_space<vmem>> -> memref<128xf32, #tpu.memory_space<vmem>>
      tpu.wait_dma2 semaphore(%arg14 : memref<!tpu.dma_semaphore, #tpu.memory_space<semaphore_mem>>) src(%dma_wait3A_1466 : memref<128xf32, #tpu.memory_space<vmem>>) dst(%dma_wait3A_1464 : memref<128xf32, #tpu.memory_space<hbm>>)
      %dma_wait3A_1467 = arith.constant 5 : i32
      %dma_wait3A_1468 = arith.constant 640 : i32
      %dma_wait3A_1469 = tpu.memref_slice %arg9[%dma_wait3A_1468] : memref<2048xf32, #tpu.memory_space<vmem>> -> memref<128xf32, #tpu.memory_space<vmem>>
      %dma_wait3A_1470 = arith.constant 0 : i32
      %dma_wait3A_1471 = tpu.memref_slice %arg5[%dma_wait3A_1467, %arg1, %dma_wait3A_1470] : memref<16x16x128xf32, #tpu.memory_space<hbm>> -> memref<1x1x128xf32, #tpu.memory_space<hbm>>
      %dma_wait3A_1472 = tpu.memref_squeeze %dma_wait3A_1471 : memref<1x1x128xf32, #tpu.memory_space<hbm>> -> memref<128xf32, #tpu.memory_space<hbm>>
      %dma_wait3A_1473 = arith.constant 0 : i32
      %dma_wait3A_1474 = tpu.memref_slice %arg5[%dma_wait3A_1467, %arg1, %dma_wait3A_1473] : memref<16x16x128xf32, #tpu.memory_space<hbm>> -> memref<1x1x128xf32, #tpu.memory_space<hbm>>
      %dma_wait3A_1475 = tpu.memref_squeeze %dma_wait3A_1474 : memref<1x1x128xf32, #tpu.memory_space<hbm>> -> memref<128xf32, #tpu.memory_space<hbm>>
      %dma_wait3A_1476 = arith.constant 640 : i32
      %dma_wait3A_1477 = tpu.memref_slice %arg9[%dma_wait3A_1476] : memref<2048xf32, #tpu.memory_space<vmem>> -> memref<128xf32, #tpu.memory_space<vmem>>
      tpu.wait_dma2 semaphore(%arg14 : memref<!tpu.dma_semaphore, #tpu.memory_space<semaphore_mem>>) src(%dma_wait3A_1477 : memref<128xf32, #tpu.memory_space<vmem>>) dst(%dma_wait3A_1475 : memref<128xf32, #tpu.memory_space<hbm>>)
      %dma_wait3A_1478 = arith.constant 6 : i32
      %dma_wait3A_1479 = arith.constant 768 : i32
      %dma_wait3A_1480 = tpu.memref_slice %arg9[%dma_wait3A_1479] : memref<2048xf32, #tpu.memory_space<vmem>> -> memref<128xf32, #tpu.memory_space<vmem>>
      %dma_wait3A_1481 = arith.constant 0 : i32
      %dma_wait3A_1482 = tpu.memref_slice %arg5[%dma_wait3A_1478, %arg1, %dma_wait3A_1481] : memref<16x16x128xf32, #tpu.memory_space<hbm>> -> memref<1x1x128xf32, #tpu.memory_space<hbm>>
      %dma_wait3A_1483 = tpu.memref_squeeze %dma_wait3A_1482 : memref<1x1x128xf32, #tpu.memory_space<hbm>> -> memref<128xf32, #tpu.memory_space<hbm>>
      %dma_wait3A_1484 = arith.constant 0 : i32
      %dma_wait3A_1485 = tpu.memref_slice %arg5[%dma_wait3A_1478, %arg1, %dma_wait3A_1484] : memref<16x16x128xf32, #tpu.memory_space<hbm>> -> memref<1x1x128xf32, #tpu.memory_space<hbm>>
      %dma_wait3A_1486 = tpu.memref_squeeze %dma_wait3A_1485 : memref<1x1x128xf32, #tpu.memory_space<hbm>> -> memref<128xf32, #tpu.memory_space<hbm>>
      %dma_wait3A_1487 = arith.constant 768 : i32
      %dma_wait3A_1488 = tpu.memref_slice %arg9[%dma_wait3A_1487] : memref<2048xf32, #tpu.memory_space<vmem>> -> memref<128xf32, #tpu.memory_space<vmem>>
      tpu.wait_dma2 semaphore(%arg14 : memref<!tpu.dma_semaphore, #tpu.memory_space<semaphore_mem>>) src(%dma_wait3A_1488 : memref<128xf32, #tpu.memory_space<vmem>>) dst(%dma_wait3A_1486 : memref<128xf32, #tpu.memory_space<hbm>>)
      %dma_wait3A_1489 = arith.constant 7 : i32
      %dma_wait3A_1490 = arith.constant 896 : i32
      %dma_wait3A_1491 = tpu.memref_slice %arg9[%dma_wait3A_1490] : memref<2048xf32, #tpu.memory_space<vmem>> -> memref<128xf32, #tpu.memory_space<vmem>>
      %dma_wait3A_1492 = arith.constant 0 : i32
      %dma_wait3A_1493 = tpu.memref_slice %arg5[%dma_wait3A_1489, %arg1, %dma_wait3A_1492] : memref<16x16x128xf32, #tpu.memory_space<hbm>> -> memref<1x1x128xf32, #tpu.memory_space<hbm>>
      %dma_wait3A_1494 = tpu.memref_squeeze %dma_wait3A_1493 : memref<1x1x128xf32, #tpu.memory_space<hbm>> -> memref<128xf32, #tpu.memory_space<hbm>>
      %dma_wait3A_1495 = arith.constant 0 : i32
      %dma_wait3A_1496 = tpu.memref_slice %arg5[%dma_wait3A_1489, %arg1, %dma_wait3A_1495] : memref<16x16x128xf32, #tpu.memory_space<hbm>> -> memref<1x1x128xf32, #tpu.memory_space<hbm>>
      %dma_wait3A_1497 = tpu.memref_squeeze %dma_wait3A_1496 : memref<1x1x128xf32, #tpu.memory_space<hbm>> -> memref<128xf32, #tpu.memory_space<hbm>>
      %dma_wait3A_1498 = arith.constant 896 : i32
      %dma_wait3A_1499 = tpu.memref_slice %arg9[%dma_wait3A_1498] : memref<2048xf32, #tpu.memory_space<vmem>> -> memref<128xf32, #tpu.memory_space<vmem>>
      tpu.wait_dma2 semaphore(%arg14 : memref<!tpu.dma_semaphore, #tpu.memory_space<semaphore_mem>>) src(%dma_wait3A_1499 : memref<128xf32, #tpu.memory_space<vmem>>) dst(%dma_wait3A_1497 : memref<128xf32, #tpu.memory_space<hbm>>)
      %dma_wait3A_1500 = arith.constant 8 : i32
      %dma_wait3A_1501 = arith.constant 1024 : i32
      %dma_wait3A_1502 = tpu.memref_slice %arg9[%dma_wait3A_1501] : memref<2048xf32, #tpu.memory_space<vmem>> -> memref<128xf32, #tpu.memory_space<vmem>>
      %dma_wait3A_1503 = arith.constant 0 : i32
      %dma_wait3A_1504 = tpu.memref_slice %arg5[%dma_wait3A_1500, %arg1, %dma_wait3A_1503] : memref<16x16x128xf32, #tpu.memory_space<hbm>> -> memref<1x1x128xf32, #tpu.memory_space<hbm>>
      %dma_wait3A_1505 = tpu.memref_squeeze %dma_wait3A_1504 : memref<1x1x128xf32, #tpu.memory_space<hbm>> -> memref<128xf32, #tpu.memory_space<hbm>>
      %dma_wait3A_1506 = arith.constant 0 : i32
      %dma_wait3A_1507 = tpu.memref_slice %arg5[%dma_wait3A_1500, %arg1, %dma_wait3A_1506] : memref<16x16x128xf32, #tpu.memory_space<hbm>> -> memref<1x1x128xf32, #tpu.memory_space<hbm>>
      %dma_wait3A_1508 = tpu.memref_squeeze %dma_wait3A_1507 : memref<1x1x128xf32, #tpu.memory_space<hbm>> -> memref<128xf32, #tpu.memory_space<hbm>>
      %dma_wait3A_1509 = arith.constant 1024 : i32
      %dma_wait3A_1510 = tpu.memref_slice %arg9[%dma_wait3A_1509] : memref<2048xf32, #tpu.memory_space<vmem>> -> memref<128xf32, #tpu.memory_space<vmem>>
      tpu.wait_dma2 semaphore(%arg14 : memref<!tpu.dma_semaphore, #tpu.memory_space<semaphore_mem>>) src(%dma_wait3A_1510 : memref<128xf32, #tpu.memory_space<vmem>>) dst(%dma_wait3A_1508 : memref<128xf32, #tpu.memory_space<hbm>>)
      %dma_wait3A_1511 = arith.constant 9 : i32
      %dma_wait3A_1512 = arith.constant 1152 : i32
      %dma_wait3A_1513 = tpu.memref_slice %arg9[%dma_wait3A_1512] : memref<2048xf32, #tpu.memory_space<vmem>> -> memref<128xf32, #tpu.memory_space<vmem>>
      %dma_wait3A_1514 = arith.constant 0 : i32
      %dma_wait3A_1515 = tpu.memref_slice %arg5[%dma_wait3A_1511, %arg1, %dma_wait3A_1514] : memref<16x16x128xf32, #tpu.memory_space<hbm>> -> memref<1x1x128xf32, #tpu.memory_space<hbm>>
      %dma_wait3A_1516 = tpu.memref_squeeze %dma_wait3A_1515 : memref<1x1x128xf32, #tpu.memory_space<hbm>> -> memref<128xf32, #tpu.memory_space<hbm>>
      %dma_wait3A_1517 = arith.constant 0 : i32
      %dma_wait3A_1518 = tpu.memref_slice %arg5[%dma_wait3A_1511, %arg1, %dma_wait3A_1517] : memref<16x16x128xf32, #tpu.memory_space<hbm>> -> memref<1x1x128xf32, #tpu.memory_space<hbm>>
      %dma_wait3A_1519 = tpu.memref_squeeze %dma_wait3A_1518 : memref<1x1x128xf32, #tpu.memory_space<hbm>> -> memref<128xf32, #tpu.memory_space<hbm>>
      %dma_wait3A_1520 = arith.constant 1152 : i32
      %dma_wait3A_1521 = tpu.memref_slice %arg9[%dma_wait3A_1520] : memref<2048xf32, #tpu.memory_space<vmem>> -> memref<128xf32, #tpu.memory_space<vmem>>
      tpu.wait_dma2 semaphore(%arg14 : memref<!tpu.dma_semaphore, #tpu.memory_space<semaphore_mem>>) src(%dma_wait3A_1521 : memref<128xf32, #tpu.memory_space<vmem>>) dst(%dma_wait3A_1519 : memref<128xf32, #tpu.memory_space<hbm>>)
      %dma_wait3A_1522 = arith.constant 10 : i32
      %dma_wait3A_1523 = arith.constant 1280 : i32
      %dma_wait3A_1524 = tpu.memref_slice %arg9[%dma_wait3A_1523] : memref<2048xf32, #tpu.memory_space<vmem>> -> memref<128xf32, #tpu.memory_space<vmem>>
      %dma_wait3A_1525 = arith.constant 0 : i32
      %dma_wait3A_1526 = tpu.memref_slice %arg5[%dma_wait3A_1522, %arg1, %dma_wait3A_1525] : memref<16x16x128xf32, #tpu.memory_space<hbm>> -> memref<1x1x128xf32, #tpu.memory_space<hbm>>
      %dma_wait3A_1527 = tpu.memref_squeeze %dma_wait3A_1526 : memref<1x1x128xf32, #tpu.memory_space<hbm>> -> memref<128xf32, #tpu.memory_space<hbm>>
      %dma_wait3A_1528 = arith.constant 0 : i32
      %dma_wait3A_1529 = tpu.memref_slice %arg5[%dma_wait3A_1522, %arg1, %dma_wait3A_1528] : memref<16x16x128xf32, #tpu.memory_space<hbm>> -> memref<1x1x128xf32, #tpu.memory_space<hbm>>
      %dma_wait3A_1530 = tpu.memref_squeeze %dma_wait3A_1529 : memref<1x1x128xf32, #tpu.memory_space<hbm>> -> memref<128xf32, #tpu.memory_space<hbm>>
      %dma_wait3A_1531 = arith.constant 1280 : i32
      %dma_wait3A_1532 = tpu.memref_slice %arg9[%dma_wait3A_1531] : memref<2048xf32, #tpu.memory_space<vmem>> -> memref<128xf32, #tpu.memory_space<vmem>>
      tpu.wait_dma2 semaphore(%arg14 : memref<!tpu.dma_semaphore, #tpu.memory_space<semaphore_mem>>) src(%dma_wait3A_1532 : memref<128xf32, #tpu.memory_space<vmem>>) dst(%dma_wait3A_1530 : memref<128xf32, #tpu.memory_space<hbm>>)
      %dma_wait3A_1533 = arith.constant 11 : i32
      %dma_wait3A_1534 = arith.constant 1408 : i32
      %dma_wait3A_1535 = tpu.memref_slice %arg9[%dma_wait3A_1534] : memref<2048xf32, #tpu.memory_space<vmem>> -> memref<128xf32, #tpu.memory_space<vmem>>
      %dma_wait3A_1536 = arith.constant 0 : i32
      %dma_wait3A_1537 = tpu.memref_slice %arg5[%dma_wait3A_1533, %arg1, %dma_wait3A_1536] : memref<16x16x128xf32, #tpu.memory_space<hbm>> -> memref<1x1x128xf32, #tpu.memory_space<hbm>>
      %dma_wait3A_1538 = tpu.memref_squeeze %dma_wait3A_1537 : memref<1x1x128xf32, #tpu.memory_space<hbm>> -> memref<128xf32, #tpu.memory_space<hbm>>
      %dma_wait3A_1539 = arith.constant 0 : i32
      %dma_wait3A_1540 = tpu.memref_slice %arg5[%dma_wait3A_1533, %arg1, %dma_wait3A_1539] : memref<16x16x128xf32, #tpu.memory_space<hbm>> -> memref<1x1x128xf32, #tpu.memory_space<hbm>>
      %dma_wait3A_1541 = tpu.memref_squeeze %dma_wait3A_1540 : memref<1x1x128xf32, #tpu.memory_space<hbm>> -> memref<128xf32, #tpu.memory_space<hbm>>
      %dma_wait3A_1542 = arith.constant 1408 : i32
      %dma_wait3A_1543 = tpu.memref_slice %arg9[%dma_wait3A_1542] : memref<2048xf32, #tpu.memory_space<vmem>> -> memref<128xf32, #tpu.memory_space<vmem>>
      tpu.wait_dma2 semaphore(%arg14 : memref<!tpu.dma_semaphore, #tpu.memory_space<semaphore_mem>>) src(%dma_wait3A_1543 : memref<128xf32, #tpu.memory_space<vmem>>) dst(%dma_wait3A_1541 : memref<128xf32, #tpu.memory_space<hbm>>)
      %dma_wait3A_1544 = arith.constant 12 : i32
      %dma_wait3A_1545 = arith.constant 1536 : i32
      %dma_wait3A_1546 = tpu.memref_slice %arg9[%dma_wait3A_1545] : memref<2048xf32, #tpu.memory_space<vmem>> -> memref<128xf32, #tpu.memory_space<vmem>>
      %dma_wait3A_1547 = arith.constant 0 : i32
      %dma_wait3A_1548 = tpu.memref_slice %arg5[%dma_wait3A_1544, %arg1, %dma_wait3A_1547] : memref<16x16x128xf32, #tpu.memory_space<hbm>> -> memref<1x1x128xf32, #tpu.memory_space<hbm>>
      %dma_wait3A_1549 = tpu.memref_squeeze %dma_wait3A_1548 : memref<1x1x128xf32, #tpu.memory_space<hbm>> -> memref<128xf32, #tpu.memory_space<hbm>>
      %dma_wait3A_1550 = arith.constant 0 : i32
      %dma_wait3A_1551 = tpu.memref_slice %arg5[%dma_wait3A_1544, %arg1, %dma_wait3A_1550] : memref<16x16x128xf32, #tpu.memory_space<hbm>> -> memref<1x1x128xf32, #tpu.memory_space<hbm>>
      %dma_wait3A_1552 = tpu.memref_squeeze %dma_wait3A_1551 : memref<1x1x128xf32, #tpu.memory_space<hbm>> -> memref<128xf32, #tpu.memory_space<hbm>>
      %dma_wait3A_1553 = arith.constant 1536 : i32
      %dma_wait3A_1554 = tpu.memref_slice %arg9[%dma_wait3A_1553] : memref<2048xf32, #tpu.memory_space<vmem>> -> memref<128xf32, #tpu.memory_space<vmem>>
      tpu.wait_dma2 semaphore(%arg14 : memref<!tpu.dma_semaphore, #tpu.memory_space<semaphore_mem>>) src(%dma_wait3A_1554 : memref<128xf32, #tpu.memory_space<vmem>>) dst(%dma_wait3A_1552 : memref<128xf32, #tpu.memory_space<hbm>>)
      %dma_wait3A_1555 = arith.constant 13 : i32
      %dma_wait3A_1556 = arith.constant 1664 : i32
      %dma_wait3A_1557 = tpu.memref_slice %arg9[%dma_wait3A_1556] : memref<2048xf32, #tpu.memory_space<vmem>> -> memref<128xf32, #tpu.memory_space<vmem>>
      %dma_wait3A_1558 = arith.constant 0 : i32
      %dma_wait3A_1559 = tpu.memref_slice %arg5[%dma_wait3A_1555, %arg1, %dma_wait3A_1558] : memref<16x16x128xf32, #tpu.memory_space<hbm>> -> memref<1x1x128xf32, #tpu.memory_space<hbm>>
      %dma_wait3A_1560 = tpu.memref_squeeze %dma_wait3A_1559 : memref<1x1x128xf32, #tpu.memory_space<hbm>> -> memref<128xf32, #tpu.memory_space<hbm>>
      %dma_wait3A_1561 = arith.constant 0 : i32
      %dma_wait3A_1562 = tpu.memref_slice %arg5[%dma_wait3A_1555, %arg1, %dma_wait3A_1561] : memref<16x16x128xf32, #tpu.memory_space<hbm>> -> memref<1x1x128xf32, #tpu.memory_space<hbm>>
      %dma_wait3A_1563 = tpu.memref_squeeze %dma_wait3A_1562 : memref<1x1x128xf32, #tpu.memory_space<hbm>> -> memref<128xf32, #tpu.memory_space<hbm>>
      %dma_wait3A_1564 = arith.constant 1664 : i32
      %dma_wait3A_1565 = tpu.memref_slice %arg9[%dma_wait3A_1564] : memref<2048xf32, #tpu.memory_space<vmem>> -> memref<128xf32, #tpu.memory_space<vmem>>
      tpu.wait_dma2 semaphore(%arg14 : memref<!tpu.dma_semaphore, #tpu.memory_space<semaphore_mem>>) src(%dma_wait3A_1565 : memref<128xf32, #tpu.memory_space<vmem>>) dst(%dma_wait3A_1563 : memref<128xf32, #tpu.memory_space<hbm>>)
      %dma_wait3A_1566 = arith.constant 14 : i32
      %dma_wait3A_1567 = arith.constant 1792 : i32
      %dma_wait3A_1568 = tpu.memref_slice %arg9[%dma_wait3A_1567] : memref<2048xf32, #tpu.memory_space<vmem>> -> memref<128xf32, #tpu.memory_space<vmem>>
      %dma_wait3A_1569 = arith.constant 0 : i32
      %dma_wait3A_1570 = tpu.memref_slice %arg5[%dma_wait3A_1566, %arg1, %dma_wait3A_1569] : memref<16x16x128xf32, #tpu.memory_space<hbm>> -> memref<1x1x128xf32, #tpu.memory_space<hbm>>
      %dma_wait3A_1571 = tpu.memref_squeeze %dma_wait3A_1570 : memref<1x1x128xf32, #tpu.memory_space<hbm>> -> memref<128xf32, #tpu.memory_space<hbm>>
      %dma_wait3A_1572 = arith.constant 0 : i32
      %dma_wait3A_1573 = tpu.memref_slice %arg5[%dma_wait3A_1566, %arg1, %dma_wait3A_1572] : memref<16x16x128xf32, #tpu.memory_space<hbm>> -> memref<1x1x128xf32, #tpu.memory_space<hbm>>
      %dma_wait3A_1574 = tpu.memref_squeeze %dma_wait3A_1573 : memref<1x1x128xf32, #tpu.memory_space<hbm>> -> memref<128xf32, #tpu.memory_space<hbm>>
      %dma_wait3A_1575 = arith.constant 1792 : i32
      %dma_wait3A_1576 = tpu.memref_slice %arg9[%dma_wait3A_1575] : memref<2048xf32, #tpu.memory_space<vmem>> -> memref<128xf32, #tpu.memory_space<vmem>>
      tpu.wait_dma2 semaphore(%arg14 : memref<!tpu.dma_semaphore, #tpu.memory_space<semaphore_mem>>) src(%dma_wait3A_1576 : memref<128xf32, #tpu.memory_space<vmem>>) dst(%dma_wait3A_1574 : memref<128xf32, #tpu.memory_space<hbm>>)
      %dma_wait3A_1577 = arith.constant 15 : i32
      %dma_wait3A_1578 = arith.constant 1920 : i32
      %dma_wait3A_1579 = tpu.memref_slice %arg9[%dma_wait3A_1578] : memref<2048xf32, #tpu.memory_space<vmem>> -> memref<128xf32, #tpu.memory_space<vmem>>
      %dma_wait3A_1580 = arith.constant 0 : i32
      %dma_wait3A_1581 = tpu.memref_slice %arg5[%dma_wait3A_1577, %arg1, %dma_wait3A_1580] : memref<16x16x128xf32, #tpu.memory_space<hbm>> -> memref<1x1x128xf32, #tpu.memory_space<hbm>>
      %dma_wait3A_1582 = tpu.memref_squeeze %dma_wait3A_1581 : memref<1x1x128xf32, #tpu.memory_space<hbm>> -> memref<128xf32, #tpu.memory_space<hbm>>
      %dma_wait3A_1583 = arith.constant 0 : i32
      %dma_wait3A_1584 = tpu.memref_slice %arg5[%dma_wait3A_1577, %arg1, %dma_wait3A_1583] : memref<16x16x128xf32, #tpu.memory_space<hbm>> -> memref<1x1x128xf32, #tpu.memory_space<hbm>>
      %dma_wait3A_1585 = tpu.memref_squeeze %dma_wait3A_1584 : memref<1x1x128xf32, #tpu.memory_space<hbm>> -> memref<128xf32, #tpu.memory_space<hbm>>
      %dma_wait3A_1586 = arith.constant 1920 : i32
      %dma_wait3A_1587 = tpu.memref_slice %arg9[%dma_wait3A_1586] : memref<2048xf32, #tpu.memory_space<vmem>> -> memref<128xf32, #tpu.memory_space<vmem>>
      tpu.wait_dma2 semaphore(%arg14 : memref<!tpu.dma_semaphore, #tpu.memory_space<semaphore_mem>>) src(%dma_wait3A_1587 : memref<128xf32, #tpu.memory_space<vmem>>) dst(%dma_wait3A_1585 : memref<128xf32, #tpu.memory_space<hbm>>)
    } else {
    }
    %barrier3A = arith.constant 0 : index
    tpu.barrier barrier_id(%barrier3A)
    %eq3A_2 = arith.constant 0 : i32
    %eq3A_3 = arith.cmpi eq, %arg0, %eq3A_2 : i32
    %convert_element_type3A_4 = arith.extui %eq3A_3 : i1 to i32
    %cond3A_5 = arith.constant 0 : i32
    %cond3A_6 = arith.cmpi ne, %convert_element_type3A_4, %cond3A_5 : i32
    scf.if %cond3A_6 {
      %dma_start3A = arith.constant 0 : i32
      %dma_start3A_15 = arith.constant 0 : i32
      %dma_start3A_16 = tpu.memref_slice %arg10[%dma_start3A, %dma_start3A_15] : memref<16x128xf32, #tpu.memory_space<vmem>> -> memref<8x128xf32, #tpu.memory_space<vmem>>
      %dma_start3A_17 = arith.constant 0 : i32
      %dma_start3A_18 = arith.constant 0 : i32
      %dma_start3A_19 = tpu.memref_slice %arg5[%arg1, %dma_start3A_17, %dma_start3A_18] : memref<16x16x128xf32, #tpu.memory_space<hbm>> -> memref<1x8x128xf32, #tpu.memory_space<hbm>>
      %dma_start3A_20 = tpu.memref_squeeze %dma_start3A_19 : memref<1x8x128xf32, #tpu.memory_space<hbm>> -> memref<8x128xf32, #tpu.memory_space<hbm>>
      %dma_start3A_21 = arith.constant 0 : i32
      %dma_start3A_22 = arith.constant 0 : i32
      %dma_start3A_23 = tpu.memref_slice %arg10[%dma_start3A_21, %dma_start3A_22] : memref<16x128xf32, #tpu.memory_space<vmem>> -> memref<8x128xf32, #tpu.memory_space<vmem>>
      %dma_start3A_24 = arith.constant 0 : i32
      %dma_start3A_25 = arith.constant 0 : i32
      %dma_start3A_26 = tpu.memref_slice %arg5[%arg1, %dma_start3A_24, %dma_start3A_25] : memref<16x16x128xf32, #tpu.memory_space<hbm>> -> memref<1x8x128xf32, #tpu.memory_space<hbm>>
      %dma_start3A_27 = tpu.memref_squeeze %dma_start3A_26 : memref<1x8x128xf32, #tpu.memory_space<hbm>> -> memref<8x128xf32, #tpu.memory_space<hbm>>
      tpu.enqueue_dma source(%dma_start3A_27 : memref<8x128xf32, #tpu.memory_space<hbm>>) target(%dma_start3A_23 : memref<8x128xf32, #tpu.memory_space<vmem>>) target_semaphore(%arg14 : memref<!tpu.dma_semaphore, #tpu.memory_space<semaphore_mem>>)
      %dma_start3A_28 = arith.constant 8 : i32
      %dma_start3A_29 = arith.constant 0 : i32
      %dma_start3A_30 = tpu.memref_slice %arg10[%dma_start3A_28, %dma_start3A_29] : memref<16x128xf32, #tpu.memory_space<vmem>> -> memref<8x128xf32, #tpu.memory_space<vmem>>
      %dma_start3A_31 = arith.constant 8 : i32
      %dma_start3A_32 = arith.constant 0 : i32
      %dma_start3A_33 = tpu.memref_slice %arg5[%arg1, %dma_start3A_31, %dma_start3A_32] : memref<16x16x128xf32, #tpu.memory_space<hbm>> -> memref<1x8x128xf32, #tpu.memory_space<hbm>>
      %dma_start3A_34 = tpu.memref_squeeze %dma_start3A_33 : memref<1x8x128xf32, #tpu.memory_space<hbm>> -> memref<8x128xf32, #tpu.memory_space<hbm>>
      %dma_start3A_35 = arith.constant 8 : i32
      %dma_start3A_36 = arith.constant 0 : i32
      %dma_start3A_37 = tpu.memref_slice %arg10[%dma_start3A_35, %dma_start3A_36] : memref<16x128xf32, #tpu.memory_space<vmem>> -> memref<8x128xf32, #tpu.memory_space<vmem>>
      %dma_start3A_38 = arith.constant 8 : i32
      %dma_start3A_39 = arith.constant 0 : i32
      %dma_start3A_40 = tpu.memref_slice %arg5[%arg1, %dma_start3A_38, %dma_start3A_39] : memref<16x16x128xf32, #tpu.memory_space<hbm>> -> memref<1x8x128xf32, #tpu.memory_space<hbm>>
      %dma_start3A_41 = tpu.memref_squeeze %dma_start3A_40 : memref<1x8x128xf32, #tpu.memory_space<hbm>> -> memref<8x128xf32, #tpu.memory_space<hbm>>
      tpu.enqueue_dma source(%dma_start3A_41 : memref<8x128xf32, #tpu.memory_space<hbm>>) target(%dma_start3A_37 : memref<8x128xf32, #tpu.memory_space<vmem>>) target_semaphore(%arg14 : memref<!tpu.dma_semaphore, #tpu.memory_space<semaphore_mem>>)
      %broadcast_in_dim3A = arith.constant 0.000000e+00 : f32
      %broadcast_in_dim3A_42 = vector.broadcast %broadcast_in_dim3A : f32 to vector<16xf32>
      %dma_wait3A = arith.constant 0 : i32
      %dma_wait3A_43 = arith.constant 0 : i32
      %dma_wait3A_44 = tpu.memref_slice %arg10[%dma_wait3A, %dma_wait3A_43] : memref<16x128xf32, #tpu.memory_space<vmem>> -> memref<8x128xf32, #tpu.memory_space<vmem>>
      %dma_wait3A_45 = arith.constant 0 : i32
      %dma_wait3A_46 = arith.constant 0 : i32
      %dma_wait3A_47 = tpu.memref_slice %arg5[%arg1, %dma_wait3A_45, %dma_wait3A_46] : memref<16x16x128xf32, #tpu.memory_space<hbm>> -> memref<1x8x128xf32, #tpu.memory_space<hbm>>
      %dma_wait3A_48 = tpu.memref_squeeze %dma_wait3A_47 : memref<1x8x128xf32, #tpu.memory_space<hbm>> -> memref<8x128xf32, #tpu.memory_space<hbm>>
      %dma_wait3A_49 = arith.constant 0 : i32
      %dma_wait3A_50 = arith.constant 0 : i32
      %dma_wait3A_51 = tpu.memref_slice %arg10[%dma_wait3A_49, %dma_wait3A_50] : memref<16x128xf32, #tpu.memory_space<vmem>> -> memref<8x128xf32, #tpu.memory_space<vmem>>
      %dma_wait3A_52 = arith.constant 0 : i32
      %dma_wait3A_53 = arith.constant 0 : i32
      %dma_wait3A_54 = tpu.memref_slice %arg5[%arg1, %dma_wait3A_52, %dma_wait3A_53] : memref<16x16x128xf32, #tpu.memory_space<hbm>> -> memref<1x8x128xf32, #tpu.memory_space<hbm>>
      %dma_wait3A_55 = tpu.memref_squeeze %dma_wait3A_54 : memref<1x8x128xf32, #tpu.memory_space<hbm>> -> memref<8x128xf32, #tpu.memory_space<hbm>>
      tpu.wait_dma2 semaphore(%arg14 : memref<!tpu.dma_semaphore, #tpu.memory_space<semaphore_mem>>) src(%dma_wait3A_55 : memref<8x128xf32, #tpu.memory_space<hbm>>) dst(%dma_wait3A_51 : memref<8x128xf32, #tpu.memory_space<vmem>>)
      %get3A = arith.constant 0 : i32
      %get3A_56 = arith.index_cast %get3A : i32 to index
      %get3A_57 = arith.constant 0 : index
      %get3A_58 = tpu.vector_load %arg10[%get3A_56, %get3A_57] {strides = array<i32>} : memref<16x128xf32, #tpu.memory_space<vmem>>, vector<16xf32>,
      %add3A = arith.addf %broadcast_in_dim3A_42, %get3A_58 : vector<16xf32>
      %get3A_59 = arith.constant 0 : i32
      %get3A_60 = arith.index_cast %get3A_59 : i32 to index
      %get3A_61 = arith.constant 64 : index
      %get3A_62 = tpu.vector_load %arg10[%get3A_60, %get3A_61] {strides = array<i32>} : memref<16x128xf32, #tpu.memory_space<vmem>>, vector<16xf32>,
      %add3A_63 = arith.addf %broadcast_in_dim3A_42, %get3A_62 : vector<16xf32>
      %get3A_64 = arith.constant 1 : i32
      %get3A_65 = arith.index_cast %get3A_64 : i32 to index
      %get3A_66 = arith.constant 0 : index
      %get3A_67 = tpu.vector_load %arg10[%get3A_65, %get3A_66] {strides = array<i32>} : memref<16x128xf32, #tpu.memory_space<vmem>>, vector<16xf32>,
      %add3A_68 = arith.addf %add3A, %get3A_67 : vector<16xf32>
      %get3A_69 = arith.constant 1 : i32
      %get3A_70 = arith.index_cast %get3A_69 : i32 to index
      %get3A_71 = arith.constant 64 : index
      %get3A_72 = tpu.vector_load %arg10[%get3A_70, %get3A_71] {strides = array<i32>} : memref<16x128xf32, #tpu.memory_space<vmem>>, vector<16xf32>,
      %add3A_73 = arith.addf %add3A_63, %get3A_72 : vector<16xf32>
      %get3A_74 = arith.constant 2 : i32
      %get3A_75 = arith.index_cast %get3A_74 : i32 to index
      %get3A_76 = arith.constant 0 : index
      %get3A_77 = tpu.vector_load %arg10[%get3A_75, %get3A_76] {strides = array<i32>} : memref<16x128xf32, #tpu.memory_space<vmem>>, vector<16xf32>,
      %add3A_78 = arith.addf %add3A_68, %get3A_77 : vector<16xf32>
      %get3A_79 = arith.constant 2 : i32
      %get3A_80 = arith.index_cast %get3A_79 : i32 to index
      %get3A_81 = arith.constant 64 : index
      %get3A_82 = tpu.vector_load %arg10[%get3A_80, %get3A_81] {strides = array<i32>} : memref<16x128xf32, #tpu.memory_space<vmem>>, vector<16xf32>,
      %add3A_83 = arith.addf %add3A_73, %get3A_82 : vector<16xf32>
      %get3A_84 = arith.constant 3 : i32
      %get3A_85 = arith.index_cast %get3A_84 : i32 to index
      %get3A_86 = arith.constant 0 : index
      %get3A_87 = tpu.vector_load %arg10[%get3A_85, %get3A_86] {strides = array<i32>} : memref<16x128xf32, #tpu.memory_space<vmem>>, vector<16xf32>,
      %add3A_88 = arith.addf %add3A_78, %get3A_87 : vector<16xf32>
      %get3A_89 = arith.constant 3 : i32
      %get3A_90 = arith.index_cast %get3A_89 : i32 to index
      %get3A_91 = arith.constant 64 : index
      %get3A_92 = tpu.vector_load %arg10[%get3A_90, %get3A_91] {strides = array<i32>} : memref<16x128xf32, #tpu.memory_space<vmem>>, vector<16xf32>,
      %add3A_93 = arith.addf %add3A_83, %get3A_92 : vector<16xf32>
      %get3A_94 = arith.constant 4 : i32
      %get3A_95 = arith.index_cast %get3A_94 : i32 to index
      %get3A_96 = arith.constant 0 : index
      %get3A_97 = tpu.vector_load %arg10[%get3A_95, %get3A_96] {strides = array<i32>} : memref<16x128xf32, #tpu.memory_space<vmem>>, vector<16xf32>,
      %add3A_98 = arith.addf %add3A_88, %get3A_97 : vector<16xf32>
      %get3A_99 = arith.constant 4 : i32
      %get3A_100 = arith.index_cast %get3A_99 : i32 to index
      %get3A_101 = arith.constant 64 : index
      %get3A_102 = tpu.vector_load %arg10[%get3A_100, %get3A_101] {strides = array<i32>} : memref<16x128xf32, #tpu.memory_space<vmem>>, vector<16xf32>,
      %add3A_103 = arith.addf %add3A_93, %get3A_102 : vector<16xf32>
      %get3A_104 = arith.constant 5 : i32
      %get3A_105 = arith.index_cast %get3A_104 : i32 to index
      %get3A_106 = arith.constant 0 : index
      %get3A_107 = tpu.vector_load %arg10[%get3A_105, %get3A_106] {strides = array<i32>} : memref<16x128xf32, #tpu.memory_space<vmem>>, vector<16xf32>,
      %add3A_108 = arith.addf %add3A_98, %get3A_107 : vector<16xf32>
      %get3A_109 = arith.constant 5 : i32
      %get3A_110 = arith.index_cast %get3A_109 : i32 to index
      %get3A_111 = arith.constant 64 : index
      %get3A_112 = tpu.vector_load %arg10[%get3A_110, %get3A_111] {strides = array<i32>} : memref<16x128xf32, #tpu.memory_space<vmem>>, vector<16xf32>,
      %add3A_113 = arith.addf %add3A_103, %get3A_112 : vector<16xf32>
      %get3A_114 = arith.constant 6 : i32
      %get3A_115 = arith.index_cast %get3A_114 : i32 to index
      %get3A_116 = arith.constant 0 : index
      %get3A_117 = tpu.vector_load %arg10[%get3A_115, %get3A_116] {strides = array<i32>} : memref<16x128xf32, #tpu.memory_space<vmem>>, vector<16xf32>,
      %add3A_118 = arith.addf %add3A_108, %get3A_117 : vector<16xf32>
      %get3A_119 = arith.constant 6 : i32
      %get3A_120 = arith.index_cast %get3A_119 : i32 to index
      %get3A_121 = arith.constant 64 : index
      %get3A_122 = tpu.vector_load %arg10[%get3A_120, %get3A_121] {strides = array<i32>} : memref<16x128xf32, #tpu.memory_space<vmem>>, vector<16xf32>,
      %add3A_123 = arith.addf %add3A_113, %get3A_122 : vector<16xf32>
      %get3A_124 = arith.constant 7 : i32
      %get3A_125 = arith.index_cast %get3A_124 : i32 to index
      %get3A_126 = arith.constant 0 : index
      %get3A_127 = tpu.vector_load %arg10[%get3A_125, %get3A_126] {strides = array<i32>} : memref<16x128xf32, #tpu.memory_space<vmem>>, vector<16xf32>,
      %add3A_128 = arith.addf %add3A_118, %get3A_127 : vector<16xf32>
      %get3A_129 = arith.constant 7 : i32
      %get3A_130 = arith.index_cast %get3A_129 : i32 to index
      %get3A_131 = arith.constant 64 : index
      %get3A_132 = tpu.vector_load %arg10[%get3A_130, %get3A_131] {strides = array<i32>} : memref<16x128xf32, #tpu.memory_space<vmem>>, vector<16xf32>,
      %add3A_133 = arith.addf %add3A_123, %get3A_132 : vector<16xf32>
      %get3A_134 = arith.constant 0 : i32
      %get3A_135 = arith.index_cast %get3A_134 : i32 to index
      %get3A_136 = arith.constant 16 : index
      %get3A_137 = tpu.vector_load %arg10[%get3A_135, %get3A_136] {strides = array<i32>} : memref<16x128xf32, #tpu.memory_space<vmem>>, vector<16xf32>,
      %add3A_138 = arith.addf %broadcast_in_dim3A_42, %get3A_137 : vector<16xf32>
      %get3A_139 = arith.constant 0 : i32
      %get3A_140 = arith.index_cast %get3A_139 : i32 to index
      %get3A_141 = arith.constant 80 : index
      %get3A_142 = tpu.vector_load %arg10[%get3A_140, %get3A_141] {strides = array<i32>} : memref<16x128xf32, #tpu.memory_space<vmem>>, vector<16xf32>,
      %add3A_143 = arith.addf %broadcast_in_dim3A_42, %get3A_142 : vector<16xf32>
      %get3A_144 = arith.constant 1 : i32
      %get3A_145 = arith.index_cast %get3A_144 : i32 to index
      %get3A_146 = arith.constant 16 : index
      %get3A_147 = tpu.vector_load %arg10[%get3A_145, %get3A_146] {strides = array<i32>} : memref<16x128xf32, #tpu.memory_space<vmem>>, vector<16xf32>,
      %add3A_148 = arith.addf %add3A_138, %get3A_147 : vector<16xf32>
      %get3A_149 = arith.constant 1 : i32
      %get3A_150 = arith.index_cast %get3A_149 : i32 to index
      %get3A_151 = arith.constant 80 : index
      %get3A_152 = tpu.vector_load %arg10[%get3A_150, %get3A_151] {strides = array<i32>} : memref<16x128xf32, #tpu.memory_space<vmem>>, vector<16xf32>,
      %add3A_153 = arith.addf %add3A_143, %get3A_152 : vector<16xf32>
      %get3A_154 = arith.constant 2 : i32
      %get3A_155 = arith.index_cast %get3A_154 : i32 to index
      %get3A_156 = arith.constant 16 : index
      %get3A_157 = tpu.vector_load %arg10[%get3A_155, %get3A_156] {strides = array<i32>} : memref<16x128xf32, #tpu.memory_space<vmem>>, vector<16xf32>,
      %add3A_158 = arith.addf %add3A_148, %get3A_157 : vector<16xf32>
      %get3A_159 = arith.constant 2 : i32
      %get3A_160 = arith.index_cast %get3A_159 : i32 to index
      %get3A_161 = arith.constant 80 : index
      %get3A_162 = tpu.vector_load %arg10[%get3A_160, %get3A_161] {strides = array<i32>} : memref<16x128xf32, #tpu.memory_space<vmem>>, vector<16xf32>,
      %add3A_163 = arith.addf %add3A_153, %get3A_162 : vector<16xf32>
      %get3A_164 = arith.constant 3 : i32
      %get3A_165 = arith.index_cast %get3A_164 : i32 to index
      %get3A_166 = arith.constant 16 : index
      %get3A_167 = tpu.vector_load %arg10[%get3A_165, %get3A_166] {strides = array<i32>} : memref<16x128xf32, #tpu.memory_space<vmem>>, vector<16xf32>,
      %add3A_168 = arith.addf %add3A_158, %get3A_167 : vector<16xf32>
      %get3A_169 = arith.constant 3 : i32
      %get3A_170 = arith.index_cast %get3A_169 : i32 to index
      %get3A_171 = arith.constant 80 : index
      %get3A_172 = tpu.vector_load %arg10[%get3A_170, %get3A_171] {strides = array<i32>} : memref<16x128xf32, #tpu.memory_space<vmem>>, vector<16xf32>,
      %add3A_173 = arith.addf %add3A_163, %get3A_172 : vector<16xf32>
      %get3A_174 = arith.constant 4 : i32
      %get3A_175 = arith.index_cast %get3A_174 : i32 to index
      %get3A_176 = arith.constant 16 : index
      %get3A_177 = tpu.vector_load %arg10[%get3A_175, %get3A_176] {strides = array<i32>} : memref<16x128xf32, #tpu.memory_space<vmem>>, vector<16xf32>,
      %add3A_178 = arith.addf %add3A_168, %get3A_177 : vector<16xf32>
      %get3A_179 = arith.constant 4 : i32
      %get3A_180 = arith.index_cast %get3A_179 : i32 to index
      %get3A_181 = arith.constant 80 : index
      %get3A_182 = tpu.vector_load %arg10[%get3A_180, %get3A_181] {strides = array<i32>} : memref<16x128xf32, #tpu.memory_space<vmem>>, vector<16xf32>,
      %add3A_183 = arith.addf %add3A_173, %get3A_182 : vector<16xf32>
      %get3A_184 = arith.constant 5 : i32
      %get3A_185 = arith.index_cast %get3A_184 : i32 to index
      %get3A_186 = arith.constant 16 : index
      %get3A_187 = tpu.vector_load %arg10[%get3A_185, %get3A_186] {strides = array<i32>} : memref<16x128xf32, #tpu.memory_space<vmem>>, vector<16xf32>,
      %add3A_188 = arith.addf %add3A_178, %get3A_187 : vector<16xf32>
      %get3A_189 = arith.constant 5 : i32
      %get3A_190 = arith.index_cast %get3A_189 : i32 to index
      %get3A_191 = arith.constant 80 : index
      %get3A_192 = tpu.vector_load %arg10[%get3A_190, %get3A_191] {strides = array<i32>} : memref<16x128xf32, #tpu.memory_space<vmem>>, vector<16xf32>,
      %add3A_193 = arith.addf %add3A_183, %get3A_192 : vector<16xf32>
      %get3A_194 = arith.constant 6 : i32
      %get3A_195 = arith.index_cast %get3A_194 : i32 to index
      %get3A_196 = arith.constant 16 : index
      %get3A_197 = tpu.vector_load %arg10[%get3A_195, %get3A_196] {strides = array<i32>} : memref<16x128xf32, #tpu.memory_space<vmem>>, vector<16xf32>,
      %add3A_198 = arith.addf %add3A_188, %get3A_197 : vector<16xf32>
      %get3A_199 = arith.constant 6 : i32
      %get3A_200 = arith.index_cast %get3A_199 : i32 to index
      %get3A_201 = arith.constant 80 : index
      %get3A_202 = tpu.vector_load %arg10[%get3A_200, %get3A_201] {strides = array<i32>} : memref<16x128xf32, #tpu.memory_space<vmem>>, vector<16xf32>,
      %add3A_203 = arith.addf %add3A_193, %get3A_202 : vector<16xf32>
      %get3A_204 = arith.constant 7 : i32
      %get3A_205 = arith.index_cast %get3A_204 : i32 to index
      %get3A_206 = arith.constant 16 : index
      %get3A_207 = tpu.vector_load %arg10[%get3A_205, %get3A_206] {strides = array<i32>} : memref<16x128xf32, #tpu.memory_space<vmem>>, vector<16xf32>,
      %add3A_208 = arith.addf %add3A_198, %get3A_207 : vector<16xf32>
      %get3A_209 = arith.constant 7 : i32
      %get3A_210 = arith.index_cast %get3A_209 : i32 to index
      %get3A_211 = arith.constant 80 : index
      %get3A_212 = tpu.vector_load %arg10[%get3A_210, %get3A_211] {strides = array<i32>} : memref<16x128xf32, #tpu.memory_space<vmem>>, vector<16xf32>,
      %add3A_213 = arith.addf %add3A_203, %get3A_212 : vector<16xf32>
      %get3A_214 = arith.constant 0 : i32
      %get3A_215 = arith.index_cast %get3A_214 : i32 to index
      %get3A_216 = arith.constant 32 : index
      %get3A_217 = tpu.vector_load %arg10[%get3A_215, %get3A_216] {strides = array<i32>} : memref<16x128xf32, #tpu.memory_space<vmem>>, vector<16xf32>,
      %add3A_218 = arith.addf %broadcast_in_dim3A_42, %get3A_217 : vector<16xf32>
      %get3A_219 = arith.constant 0 : i32
      %get3A_220 = arith.index_cast %get3A_219 : i32 to index
      %get3A_221 = arith.constant 96 : index
      %get3A_222 = tpu.vector_load %arg10[%get3A_220, %get3A_221] {strides = array<i32>} : memref<16x128xf32, #tpu.memory_space<vmem>>, vector<16xf32>,
      %add3A_223 = arith.addf %broadcast_in_dim3A_42, %get3A_222 : vector<16xf32>
      %get3A_224 = arith.constant 1 : i32
      %get3A_225 = arith.index_cast %get3A_224 : i32 to index
      %get3A_226 = arith.constant 32 : index
      %get3A_227 = tpu.vector_load %arg10[%get3A_225, %get3A_226] {strides = array<i32>} : memref<16x128xf32, #tpu.memory_space<vmem>>, vector<16xf32>,
      %add3A_228 = arith.addf %add3A_218, %get3A_227 : vector<16xf32>
      %get3A_229 = arith.constant 1 : i32
      %get3A_230 = arith.index_cast %get3A_229 : i32 to index
      %get3A_231 = arith.constant 96 : index
      %get3A_232 = tpu.vector_load %arg10[%get3A_230, %get3A_231] {strides = array<i32>} : memref<16x128xf32, #tpu.memory_space<vmem>>, vector<16xf32>,
      %add3A_233 = arith.addf %add3A_223, %get3A_232 : vector<16xf32>
      %get3A_234 = arith.constant 2 : i32
      %get3A_235 = arith.index_cast %get3A_234 : i32 to index
      %get3A_236 = arith.constant 32 : index
      %get3A_237 = tpu.vector_load %arg10[%get3A_235, %get3A_236] {strides = array<i32>} : memref<16x128xf32, #tpu.memory_space<vmem>>, vector<16xf32>,
      %add3A_238 = arith.addf %add3A_228, %get3A_237 : vector<16xf32>
      %get3A_239 = arith.constant 2 : i32
      %get3A_240 = arith.index_cast %get3A_239 : i32 to index
      %get3A_241 = arith.constant 96 : index
      %get3A_242 = tpu.vector_load %arg10[%get3A_240, %get3A_241] {strides = array<i32>} : memref<16x128xf32, #tpu.memory_space<vmem>>, vector<16xf32>,
      %add3A_243 = arith.addf %add3A_233, %get3A_242 : vector<16xf32>
      %get3A_244 = arith.constant 3 : i32
      %get3A_245 = arith.index_cast %get3A_244 : i32 to index
      %get3A_246 = arith.constant 32 : index
      %get3A_247 = tpu.vector_load %arg10[%get3A_245, %get3A_246] {strides = array<i32>} : memref<16x128xf32, #tpu.memory_space<vmem>>, vector<16xf32>,
      %add3A_248 = arith.addf %add3A_238, %get3A_247 : vector<16xf32>
      %get3A_249 = arith.constant 3 : i32
      %get3A_250 = arith.index_cast %get3A_249 : i32 to index
      %get3A_251 = arith.constant 96 : index
      %get3A_252 = tpu.vector_load %arg10[%get3A_250, %get3A_251] {strides = array<i32>} : memref<16x128xf32, #tpu.memory_space<vmem>>, vector<16xf32>,
      %add3A_253 = arith.addf %add3A_243, %get3A_252 : vector<16xf32>
      %get3A_254 = arith.constant 4 : i32
      %get3A_255 = arith.index_cast %get3A_254 : i32 to index
      %get3A_256 = arith.constant 32 : index
      %get3A_257 = tpu.vector_load %arg10[%get3A_255, %get3A_256] {strides = array<i32>} : memref<16x128xf32, #tpu.memory_space<vmem>>, vector<16xf32>,
      %add3A_258 = arith.addf %add3A_248, %get3A_257 : vector<16xf32>
      %get3A_259 = arith.constant 4 : i32
      %get3A_260 = arith.index_cast %get3A_259 : i32 to index
      %get3A_261 = arith.constant 96 : index
      %get3A_262 = tpu.vector_load %arg10[%get3A_260, %get3A_261] {strides = array<i32>} : memref<16x128xf32, #tpu.memory_space<vmem>>, vector<16xf32>,
      %add3A_263 = arith.addf %add3A_253, %get3A_262 : vector<16xf32>
      %get3A_264 = arith.constant 5 : i32
      %get3A_265 = arith.index_cast %get3A_264 : i32 to index
      %get3A_266 = arith.constant 32 : index
      %get3A_267 = tpu.vector_load %arg10[%get3A_265, %get3A_266] {strides = array<i32>} : memref<16x128xf32, #tpu.memory_space<vmem>>, vector<16xf32>,
      %add3A_268 = arith.addf %add3A_258, %get3A_267 : vector<16xf32>
      %get3A_269 = arith.constant 5 : i32
      %get3A_270 = arith.index_cast %get3A_269 : i32 to index
      %get3A_271 = arith.constant 96 : index
      %get3A_272 = tpu.vector_load %arg10[%get3A_270, %get3A_271] {strides = array<i32>} : memref<16x128xf32, #tpu.memory_space<vmem>>, vector<16xf32>,
      %add3A_273 = arith.addf %add3A_263, %get3A_272 : vector<16xf32>
      %get3A_274 = arith.constant 6 : i32
      %get3A_275 = arith.index_cast %get3A_274 : i32 to index
      %get3A_276 = arith.constant 32 : index
      %get3A_277 = tpu.vector_load %arg10[%get3A_275, %get3A_276] {strides = array<i32>} : memref<16x128xf32, #tpu.memory_space<vmem>>, vector<16xf32>,
      %add3A_278 = arith.addf %add3A_268, %get3A_277 : vector<16xf32>
      %get3A_279 = arith.constant 6 : i32
      %get3A_280 = arith.index_cast %get3A_279 : i32 to index
      %get3A_281 = arith.constant 96 : index
      %get3A_282 = tpu.vector_load %arg10[%get3A_280, %get3A_281] {strides = array<i32>} : memref<16x128xf32, #tpu.memory_space<vmem>>, vector<16xf32>,
      %add3A_283 = arith.addf %add3A_273, %get3A_282 : vector<16xf32>
      %get3A_284 = arith.constant 7 : i32
      %get3A_285 = arith.index_cast %get3A_284 : i32 to index
      %get3A_286 = arith.constant 32 : index
      %get3A_287 = tpu.vector_load %arg10[%get3A_285, %get3A_286] {strides = array<i32>} : memref<16x128xf32, #tpu.memory_space<vmem>>, vector<16xf32>,
      %add3A_288 = arith.addf %add3A_278, %get3A_287 : vector<16xf32>
      %get3A_289 = arith.constant 7 : i32
      %get3A_290 = arith.index_cast %get3A_289 : i32 to index
      %get3A_291 = arith.constant 96 : index
      %get3A_292 = tpu.vector_load %arg10[%get3A_290, %get3A_291] {strides = array<i32>} : memref<16x128xf32, #tpu.memory_space<vmem>>, vector<16xf32>,
      %add3A_293 = arith.addf %add3A_283, %get3A_292 : vector<16xf32>
      %get3A_294 = arith.constant 0 : i32
      %get3A_295 = arith.index_cast %get3A_294 : i32 to index
      %get3A_296 = arith.constant 48 : index
      %get3A_297 = tpu.vector_load %arg10[%get3A_295, %get3A_296] {strides = array<i32>} : memref<16x128xf32, #tpu.memory_space<vmem>>, vector<16xf32>,
      %add3A_298 = arith.addf %broadcast_in_dim3A_42, %get3A_297 : vector<16xf32>
      %get3A_299 = arith.constant 0 : i32
      %get3A_300 = arith.index_cast %get3A_299 : i32 to index
      %get3A_301 = arith.constant 112 : index
      %get3A_302 = tpu.vector_load %arg10[%get3A_300, %get3A_301] {strides = array<i32>} : memref<16x128xf32, #tpu.memory_space<vmem>>, vector<16xf32>,
      %add3A_303 = arith.addf %broadcast_in_dim3A_42, %get3A_302 : vector<16xf32>
      %get3A_304 = arith.constant 1 : i32
      %get3A_305 = arith.index_cast %get3A_304 : i32 to index
      %get3A_306 = arith.constant 48 : index
      %get3A_307 = tpu.vector_load %arg10[%get3A_305, %get3A_306] {strides = array<i32>} : memref<16x128xf32, #tpu.memory_space<vmem>>, vector<16xf32>,
      %add3A_308 = arith.addf %add3A_298, %get3A_307 : vector<16xf32>
      %get3A_309 = arith.constant 1 : i32
      %get3A_310 = arith.index_cast %get3A_309 : i32 to index
      %get3A_311 = arith.constant 112 : index
      %get3A_312 = tpu.vector_load %arg10[%get3A_310, %get3A_311] {strides = array<i32>} : memref<16x128xf32, #tpu.memory_space<vmem>>, vector<16xf32>,
      %add3A_313 = arith.addf %add3A_303, %get3A_312 : vector<16xf32>
      %get3A_314 = arith.constant 2 : i32
      %get3A_315 = arith.index_cast %get3A_314 : i32 to index
      %get3A_316 = arith.constant 48 : index
      %get3A_317 = tpu.vector_load %arg10[%get3A_315, %get3A_316] {strides = array<i32>} : memref<16x128xf32, #tpu.memory_space<vmem>>, vector<16xf32>,
      %add3A_318 = arith.addf %add3A_308, %get3A_317 : vector<16xf32>
      %get3A_319 = arith.constant 2 : i32
      %get3A_320 = arith.index_cast %get3A_319 : i32 to index
      %get3A_321 = arith.constant 112 : index
      %get3A_322 = tpu.vector_load %arg10[%get3A_320, %get3A_321] {strides = array<i32>} : memref<16x128xf32, #tpu.memory_space<vmem>>, vector<16xf32>,
      %add3A_323 = arith.addf %add3A_313, %get3A_322 : vector<16xf32>
      %get3A_324 = arith.constant 3 : i32
      %get3A_325 = arith.index_cast %get3A_324 : i32 to index
      %get3A_326 = arith.constant 48 : index
      %get3A_327 = tpu.vector_load %arg10[%get3A_325, %get3A_326] {strides = array<i32>} : memref<16x128xf32, #tpu.memory_space<vmem>>, vector<16xf32>,
      %add3A_328 = arith.addf %add3A_318, %get3A_327 : vector<16xf32>
      %get3A_329 = arith.constant 3 : i32
      %get3A_330 = arith.index_cast %get3A_329 : i32 to index
      %get3A_331 = arith.constant 112 : index
      %get3A_332 = tpu.vector_load %arg10[%get3A_330, %get3A_331] {strides = array<i32>} : memref<16x128xf32, #tpu.memory_space<vmem>>, vector<16xf32>,
      %add3A_333 = arith.addf %add3A_323, %get3A_332 : vector<16xf32>
      %get3A_334 = arith.constant 4 : i32
      %get3A_335 = arith.index_cast %get3A_334 : i32 to index
      %get3A_336 = arith.constant 48 : index
      %get3A_337 = tpu.vector_load %arg10[%get3A_335, %get3A_336] {strides = array<i32>} : memref<16x128xf32, #tpu.memory_space<vmem>>, vector<16xf32>,
      %add3A_338 = arith.addf %add3A_328, %get3A_337 : vector<16xf32>
      %get3A_339 = arith.constant 4 : i32
      %get3A_340 = arith.index_cast %get3A_339 : i32 to index
      %get3A_341 = arith.constant 112 : index
      %get3A_342 = tpu.vector_load %arg10[%get3A_340, %get3A_341] {strides = array<i32>} : memref<16x128xf32, #tpu.memory_space<vmem>>, vector<16xf32>,
      %add3A_343 = arith.addf %add3A_333, %get3A_342 : vector<16xf32>
      %get3A_344 = arith.constant 5 : i32
      %get3A_345 = arith.index_cast %get3A_344 : i32 to index
      %get3A_346 = arith.constant 48 : index
      %get3A_347 = tpu.vector_load %arg10[%get3A_345, %get3A_346] {strides = array<i32>} : memref<16x128xf32, #tpu.memory_space<vmem>>, vector<16xf32>,
      %add3A_348 = arith.addf %add3A_338, %get3A_347 : vector<16xf32>
      %get3A_349 = arith.constant 5 : i32
      %get3A_350 = arith.index_cast %get3A_349 : i32 to index
      %get3A_351 = arith.constant 112 : index
      %get3A_352 = tpu.vector_load %arg10[%get3A_350, %get3A_351] {strides = array<i32>} : memref<16x128xf32, #tpu.memory_space<vmem>>, vector<16xf32>,
      %add3A_353 = arith.addf %add3A_343, %get3A_352 : vector<16xf32>
      %get3A_354 = arith.constant 6 : i32
      %get3A_355 = arith.index_cast %get3A_354 : i32 to index
      %get3A_356 = arith.constant 48 : index
      %get3A_357 = tpu.vector_load %arg10[%get3A_355, %get3A_356] {strides = array<i32>} : memref<16x128xf32, #tpu.memory_space<vmem>>, vector<16xf32>,
      %add3A_358 = arith.addf %add3A_348, %get3A_357 : vector<16xf32>
      %get3A_359 = arith.constant 6 : i32
      %get3A_360 = arith.index_cast %get3A_359 : i32 to index
      %get3A_361 = arith.constant 112 : index
      %get3A_362 = tpu.vector_load %arg10[%get3A_360, %get3A_361] {strides = array<i32>} : memref<16x128xf32, #tpu.memory_space<vmem>>, vector<16xf32>,
      %add3A_363 = arith.addf %add3A_353, %get3A_362 : vector<16xf32>
      %get3A_364 = arith.constant 7 : i32
      %get3A_365 = arith.index_cast %get3A_364 : i32 to index
      %get3A_366 = arith.constant 48 : index
      %get3A_367 = tpu.vector_load %arg10[%get3A_365, %get3A_366] {strides = array<i32>} : memref<16x128xf32, #tpu.memory_space<vmem>>, vector<16xf32>,
      %add3A_368 = arith.addf %add3A_358, %get3A_367 : vector<16xf32>
      %get3A_369 = arith.constant 7 : i32
      %get3A_370 = arith.index_cast %get3A_369 : i32 to index
      %get3A_371 = arith.constant 112 : index
      %get3A_372 = tpu.vector_load %arg10[%get3A_370, %get3A_371] {strides = array<i32>} : memref<16x128xf32, #tpu.memory_space<vmem>>, vector<16xf32>,
      %add3A_373 = arith.addf %add3A_363, %get3A_372 : vector<16xf32>
      %dma_wait3A_374 = arith.constant 8 : i32
      %dma_wait3A_375 = arith.constant 0 : i32
      %dma_wait3A_376 = tpu.memref_slice %arg10[%dma_wait3A_374, %dma_wait3A_375] : memref<16x128xf32, #tpu.memory_space<vmem>> -> memref<8x128xf32, #tpu.memory_space<vmem>>
      %dma_wait3A_377 = arith.constant 8 : i32
      %dma_wait3A_378 = arith.constant 0 : i32
      %dma_wait3A_379 = tpu.memref_slice %arg5[%arg1, %dma_wait3A_377, %dma_wait3A_378] : memref<16x16x128xf32, #tpu.memory_space<hbm>> -> memref<1x8x128xf32, #tpu.memory_space<hbm>>
      %dma_wait3A_380 = tpu.memref_squeeze %dma_wait3A_379 : memref<1x8x128xf32, #tpu.memory_space<hbm>> -> memref<8x128xf32, #tpu.memory_space<hbm>>
      %dma_wait3A_381 = arith.constant 8 : i32
      %dma_wait3A_382 = arith.constant 0 : i32
      %dma_wait3A_383 = tpu.memref_slice %arg10[%dma_wait3A_381, %dma_wait3A_382] : memref<16x128xf32, #tpu.memory_space<vmem>> -> memref<8x128xf32, #tpu.memory_space<vmem>>
      %dma_wait3A_384 = arith.constant 8 : i32
      %dma_wait3A_385 = arith.constant 0 : i32
      %dma_wait3A_386 = tpu.memref_slice %arg5[%arg1, %dma_wait3A_384, %dma_wait3A_385] : memref<16x16x128xf32, #tpu.memory_space<hbm>> -> memref<1x8x128xf32, #tpu.memory_space<hbm>>
      %dma_wait3A_387 = tpu.memref_squeeze %dma_wait3A_386 : memref<1x8x128xf32, #tpu.memory_space<hbm>> -> memref<8x128xf32, #tpu.memory_space<hbm>>
      tpu.wait_dma2 semaphore(%arg14 : memref<!tpu.dma_semaphore, #tpu.memory_space<semaphore_mem>>) src(%dma_wait3A_387 : memref<8x128xf32, #tpu.memory_space<hbm>>) dst(%dma_wait3A_383 : memref<8x128xf32, #tpu.memory_space<vmem>>)
      %get3A_388 = arith.constant 8 : i32
      %get3A_389 = arith.index_cast %get3A_388 : i32 to index
      %get3A_390 = arith.constant 0 : index
      %get3A_391 = tpu.vector_load %arg10[%get3A_389, %get3A_390] {strides = array<i32>} : memref<16x128xf32, #tpu.memory_space<vmem>>, vector<16xf32>,
      %add3A_392 = arith.addf %add3A_128, %get3A_391 : vector<16xf32>
      %get3A_393 = arith.constant 8 : i32
      %get3A_394 = arith.index_cast %get3A_393 : i32 to index
      %get3A_395 = arith.constant 64 : index
      %get3A_396 = tpu.vector_load %arg10[%get3A_394, %get3A_395] {strides = array<i32>} : memref<16x128xf32, #tpu.memory_space<vmem>>, vector<16xf32>,
      %add3A_397 = arith.addf %add3A_133, %get3A_396 : vector<16xf32>
      %get3A_398 = arith.constant 9 : i32
      %get3A_399 = arith.index_cast %get3A_398 : i32 to index
      %get3A_400 = arith.constant 0 : index
      %get3A_401 = tpu.vector_load %arg10[%get3A_399, %get3A_400] {strides = array<i32>} : memref<16x128xf32, #tpu.memory_space<vmem>>, vector<16xf32>,
      %add3A_402 = arith.addf %add3A_392, %get3A_401 : vector<16xf32>
      %get3A_403 = arith.constant 9 : i32
      %get3A_404 = arith.index_cast %get3A_403 : i32 to index
      %get3A_405 = arith.constant 64 : index
      %get3A_406 = tpu.vector_load %arg10[%get3A_404, %get3A_405] {strides = array<i32>} : memref<16x128xf32, #tpu.memory_space<vmem>>, vector<16xf32>,
      %add3A_407 = arith.addf %add3A_397, %get3A_406 : vector<16xf32>
      %get3A_408 = arith.constant 10 : i32
      %get3A_409 = arith.index_cast %get3A_408 : i32 to index
      %get3A_410 = arith.constant 0 : index
      %get3A_411 = tpu.vector_load %arg10[%get3A_409, %get3A_410] {strides = array<i32>} : memref<16x128xf32, #tpu.memory_space<vmem>>, vector<16xf32>,
      %add3A_412 = arith.addf %add3A_402, %get3A_411 : vector<16xf32>
      %get3A_413 = arith.constant 10 : i32
      %get3A_414 = arith.index_cast %get3A_413 : i32 to index
      %get3A_415 = arith.constant 64 : index
      %get3A_416 = tpu.vector_load %arg10[%get3A_414, %get3A_415] {strides = array<i32>} : memref<16x128xf32, #tpu.memory_space<vmem>>, vector<16xf32>,
      %add3A_417 = arith.addf %add3A_407, %get3A_416 : vector<16xf32>
      %get3A_418 = arith.constant 11 : i32
      %get3A_419 = arith.index_cast %get3A_418 : i32 to index
      %get3A_420 = arith.constant 0 : index
      %get3A_421 = tpu.vector_load %arg10[%get3A_419, %get3A_420] {strides = array<i32>} : memref<16x128xf32, #tpu.memory_space<vmem>>, vector<16xf32>,
      %add3A_422 = arith.addf %add3A_412, %get3A_421 : vector<16xf32>
      %get3A_423 = arith.constant 11 : i32
      %get3A_424 = arith.index_cast %get3A_423 : i32 to index
      %get3A_425 = arith.constant 64 : index
      %get3A_426 = tpu.vector_load %arg10[%get3A_424, %get3A_425] {strides = array<i32>} : memref<16x128xf32, #tpu.memory_space<vmem>>, vector<16xf32>,
      %add3A_427 = arith.addf %add3A_417, %get3A_426 : vector<16xf32>
      %get3A_428 = arith.constant 12 : i32
      %get3A_429 = arith.index_cast %get3A_428 : i32 to index
      %get3A_430 = arith.constant 0 : index
      %get3A_431 = tpu.vector_load %arg10[%get3A_429, %get3A_430] {strides = array<i32>} : memref<16x128xf32, #tpu.memory_space<vmem>>, vector<16xf32>,
      %add3A_432 = arith.addf %add3A_422, %get3A_431 : vector<16xf32>
      %get3A_433 = arith.constant 12 : i32
      %get3A_434 = arith.index_cast %get3A_433 : i32 to index
      %get3A_435 = arith.constant 64 : index
      %get3A_436 = tpu.vector_load %arg10[%get3A_434, %get3A_435] {strides = array<i32>} : memref<16x128xf32, #tpu.memory_space<vmem>>, vector<16xf32>,
      %add3A_437 = arith.addf %add3A_427, %get3A_436 : vector<16xf32>
      %get3A_438 = arith.constant 13 : i32
      %get3A_439 = arith.index_cast %get3A_438 : i32 to index
      %get3A_440 = arith.constant 0 : index
      %get3A_441 = tpu.vector_load %arg10[%get3A_439, %get3A_440] {strides = array<i32>} : memref<16x128xf32, #tpu.memory_space<vmem>>, vector<16xf32>,
      %add3A_442 = arith.addf %add3A_432, %get3A_441 : vector<16xf32>
      %get3A_443 = arith.constant 13 : i32
      %get3A_444 = arith.index_cast %get3A_443 : i32 to index
      %get3A_445 = arith.constant 64 : index
      %get3A_446 = tpu.vector_load %arg10[%get3A_444, %get3A_445] {strides = array<i32>} : memref<16x128xf32, #tpu.memory_space<vmem>>, vector<16xf32>,
      %add3A_447 = arith.addf %add3A_437, %get3A_446 : vector<16xf32>
      %get3A_448 = arith.constant 14 : i32
      %get3A_449 = arith.index_cast %get3A_448 : i32 to index
      %get3A_450 = arith.constant 0 : index
      %get3A_451 = tpu.vector_load %arg10[%get3A_449, %get3A_450] {strides = array<i32>} : memref<16x128xf32, #tpu.memory_space<vmem>>, vector<16xf32>,
      %add3A_452 = arith.addf %add3A_442, %get3A_451 : vector<16xf32>
      %get3A_453 = arith.constant 14 : i32
      %get3A_454 = arith.index_cast %get3A_453 : i32 to index
      %get3A_455 = arith.constant 64 : index
      %get3A_456 = tpu.vector_load %arg10[%get3A_454, %get3A_455] {strides = array<i32>} : memref<16x128xf32, #tpu.memory_space<vmem>>, vector<16xf32>,
      %add3A_457 = arith.addf %add3A_447, %get3A_456 : vector<16xf32>
      %get3A_458 = arith.constant 15 : i32
      %get3A_459 = arith.index_cast %get3A_458 : i32 to index
      %get3A_460 = arith.constant 0 : index
      %get3A_461 = tpu.vector_load %arg10[%get3A_459, %get3A_460] {strides = array<i32>} : memref<16x128xf32, #tpu.memory_space<vmem>>, vector<16xf32>,
      %add3A_462 = arith.addf %add3A_452, %get3A_461 : vector<16xf32>
      %get3A_463 = arith.constant 15 : i32
      %get3A_464 = arith.index_cast %get3A_463 : i32 to index
      %get3A_465 = arith.constant 64 : index
      %get3A_466 = tpu.vector_load %arg10[%get3A_464, %get3A_465] {strides = array<i32>} : memref<16x128xf32, #tpu.memory_space<vmem>>, vector<16xf32>,
      %add3A_467 = arith.addf %add3A_457, %get3A_466 : vector<16xf32>
      %add3A_468 = arith.addf %add3A_462, %add3A_467 : vector<16xf32>
      %gt3A = arith.constant 0.000000e+00 : f32
      %gt3A_469 = vector.broadcast %gt3A : f32 to vector<16xf32>
      %gt3A_470 = arith.cmpf ogt, %add3A_468, %gt3A_469 : vector<16xf32>
      %jit3A = arith.constant 1.000000e+00 : f32
      %broadcast_in_dim3A_471 = vector.broadcast %jit3A : f32 to vector<16xf32>
      %select_n3A = arith.select %gt3A_470, %add3A_468, %broadcast_in_dim3A_471 : vector<16xi1>, vector<16xf32>
      %div3A = arith.divf %add3A_467, %select_n3A : vector<16xf32>
      %jit3A_472 = arith.constant 0.000000e+00 : f32
      %broadcast_in_dim3A_473 = vector.broadcast %jit3A_472 : f32 to vector<16xf32>
      %select_n3A_474 = arith.select %gt3A_470, %div3A, %broadcast_in_dim3A_473 : vector<16xi1>, vector<16xf32>
      %add3A_475 = arith.addf %broadcast_in_dim3A_42, %select_n3A_474 : vector<16xf32>
      %jit3A_476 = arith.constant 1.000000e+00 : f32
      %jit3A_477 = arith.constant 0.000000e+00 : f32
      %broadcast_in_dim3A_478 = vector.broadcast %jit3A_476 : f32 to vector<16xf32>
      %broadcast_in_dim3A_479 = vector.broadcast %jit3A_477 : f32 to vector<16xf32>
      %select_n3A_480 = arith.select %gt3A_470, %broadcast_in_dim3A_478, %broadcast_in_dim3A_479 : vector<16xi1>, vector<16xf32>
      %add3A_481 = arith.addf %broadcast_in_dim3A_42, %select_n3A_480 : vector<16xf32>
      %get3A_482 = arith.constant 8 : i32
      %get3A_483 = arith.index_cast %get3A_482 : i32 to index
      %get3A_484 = arith.constant 16 : index
      %get3A_485 = tpu.vector_load %arg10[%get3A_483, %get3A_484] {strides = array<i32>} : memref<16x128xf32, #tpu.memory_space<vmem>>, vector<16xf32>,
      %add3A_486 = arith.addf %add3A_208, %get3A_485 : vector<16xf32>
      %get3A_487 = arith.constant 8 : i32
      %get3A_488 = arith.index_cast %get3A_487 : i32 to index
      %get3A_489 = arith.constant 80 : index
      %get3A_490 = tpu.vector_load %arg10[%get3A_488, %get3A_489] {strides = array<i32>} : memref<16x128xf32, #tpu.memory_space<vmem>>, vector<16xf32>,
      %add3A_491 = arith.addf %add3A_213, %get3A_490 : vector<16xf32>
      %get3A_492 = arith.constant 9 : i32
      %get3A_493 = arith.index_cast %get3A_492 : i32 to index
      %get3A_494 = arith.constant 16 : index
      %get3A_495 = tpu.vector_load %arg10[%get3A_493, %get3A_494] {strides = array<i32>} : memref<16x128xf32, #tpu.memory_space<vmem>>, vector<16xf32>,
      %add3A_496 = arith.addf %add3A_486, %get3A_495 : vector<16xf32>
      %get3A_497 = arith.constant 9 : i32
      %get3A_498 = arith.index_cast %get3A_497 : i32 to index
      %get3A_499 = arith.constant 80 : index
      %get3A_500 = tpu.vector_load %arg10[%get3A_498, %get3A_499] {strides = array<i32>} : memref<16x128xf32, #tpu.memory_space<vmem>>, vector<16xf32>,
      %add3A_501 = arith.addf %add3A_491, %get3A_500 : vector<16xf32>
      %get3A_502 = arith.constant 10 : i32
      %get3A_503 = arith.index_cast %get3A_502 : i32 to index
      %get3A_504 = arith.constant 16 : index
      %get3A_505 = tpu.vector_load %arg10[%get3A_503, %get3A_504] {strides = array<i32>} : memref<16x128xf32, #tpu.memory_space<vmem>>, vector<16xf32>,
      %add3A_506 = arith.addf %add3A_496, %get3A_505 : vector<16xf32>
      %get3A_507 = arith.constant 10 : i32
      %get3A_508 = arith.index_cast %get3A_507 : i32 to index
      %get3A_509 = arith.constant 80 : index
      %get3A_510 = tpu.vector_load %arg10[%get3A_508, %get3A_509] {strides = array<i32>} : memref<16x128xf32, #tpu.memory_space<vmem>>, vector<16xf32>,
      %add3A_511 = arith.addf %add3A_501, %get3A_510 : vector<16xf32>
      %get3A_512 = arith.constant 11 : i32
      %get3A_513 = arith.index_cast %get3A_512 : i32 to index
      %get3A_514 = arith.constant 16 : index
      %get3A_515 = tpu.vector_load %arg10[%get3A_513, %get3A_514] {strides = array<i32>} : memref<16x128xf32, #tpu.memory_space<vmem>>, vector<16xf32>,
      %add3A_516 = arith.addf %add3A_506, %get3A_515 : vector<16xf32>
      %get3A_517 = arith.constant 11 : i32
      %get3A_518 = arith.index_cast %get3A_517 : i32 to index
      %get3A_519 = arith.constant 80 : index
      %get3A_520 = tpu.vector_load %arg10[%get3A_518, %get3A_519] {strides = array<i32>} : memref<16x128xf32, #tpu.memory_space<vmem>>, vector<16xf32>,
      %add3A_521 = arith.addf %add3A_511, %get3A_520 : vector<16xf32>
      %get3A_522 = arith.constant 12 : i32
      %get3A_523 = arith.index_cast %get3A_522 : i32 to index
      %get3A_524 = arith.constant 16 : index
      %get3A_525 = tpu.vector_load %arg10[%get3A_523, %get3A_524] {strides = array<i32>} : memref<16x128xf32, #tpu.memory_space<vmem>>, vector<16xf32>,
      %add3A_526 = arith.addf %add3A_516, %get3A_525 : vector<16xf32>
      %get3A_527 = arith.constant 12 : i32
      %get3A_528 = arith.index_cast %get3A_527 : i32 to index
      %get3A_529 = arith.constant 80 : index
      %get3A_530 = tpu.vector_load %arg10[%get3A_528, %get3A_529] {strides = array<i32>} : memref<16x128xf32, #tpu.memory_space<vmem>>, vector<16xf32>,
      %add3A_531 = arith.addf %add3A_521, %get3A_530 : vector<16xf32>
      %get3A_532 = arith.constant 13 : i32
      %get3A_533 = arith.index_cast %get3A_532 : i32 to index
      %get3A_534 = arith.constant 16 : index
      %get3A_535 = tpu.vector_load %arg10[%get3A_533, %get3A_534] {strides = array<i32>} : memref<16x128xf32, #tpu.memory_space<vmem>>, vector<16xf32>,
      %add3A_536 = arith.addf %add3A_526, %get3A_535 : vector<16xf32>
      %get3A_537 = arith.constant 13 : i32
      %get3A_538 = arith.index_cast %get3A_537 : i32 to index
      %get3A_539 = arith.constant 80 : index
      %get3A_540 = tpu.vector_load %arg10[%get3A_538, %get3A_539] {strides = array<i32>} : memref<16x128xf32, #tpu.memory_space<vmem>>, vector<16xf32>,
      %add3A_541 = arith.addf %add3A_531, %get3A_540 : vector<16xf32>
      %get3A_542 = arith.constant 14 : i32
      %get3A_543 = arith.index_cast %get3A_542 : i32 to index
      %get3A_544 = arith.constant 16 : index
      %get3A_545 = tpu.vector_load %arg10[%get3A_543, %get3A_544] {strides = array<i32>} : memref<16x128xf32, #tpu.memory_space<vmem>>, vector<16xf32>,
      %add3A_546 = arith.addf %add3A_536, %get3A_545 : vector<16xf32>
      %get3A_547 = arith.constant 14 : i32
      %get3A_548 = arith.index_cast %get3A_547 : i32 to index
      %get3A_549 = arith.constant 80 : index
      %get3A_550 = tpu.vector_load %arg10[%get3A_548, %get3A_549] {strides = array<i32>} : memref<16x128xf32, #tpu.memory_space<vmem>>, vector<16xf32>,
      %add3A_551 = arith.addf %add3A_541, %get3A_550 : vector<16xf32>
      %get3A_552 = arith.constant 15 : i32
      %get3A_553 = arith.index_cast %get3A_552 : i32 to index
      %get3A_554 = arith.constant 16 : index
      %get3A_555 = tpu.vector_load %arg10[%get3A_553, %get3A_554] {strides = array<i32>} : memref<16x128xf32, #tpu.memory_space<vmem>>, vector<16xf32>,
      %add3A_556 = arith.addf %add3A_546, %get3A_555 : vector<16xf32>
      %get3A_557 = arith.constant 15 : i32
      %get3A_558 = arith.index_cast %get3A_557 : i32 to index
      %get3A_559 = arith.constant 80 : index
      %get3A_560 = tpu.vector_load %arg10[%get3A_558, %get3A_559] {strides = array<i32>} : memref<16x128xf32, #tpu.memory_space<vmem>>, vector<16xf32>,
      %add3A_561 = arith.addf %add3A_551, %get3A_560 : vector<16xf32>
      %add3A_562 = arith.addf %add3A_556, %add3A_561 : vector<16xf32>
      %gt3A_563 = arith.constant 0.000000e+00 : f32
      %gt3A_564 = vector.broadcast %gt3A_563 : f32 to vector<16xf32>
      %gt3A_565 = arith.cmpf ogt, %add3A_562, %gt3A_564 : vector<16xf32>
      %jit3A_566 = arith.constant 1.000000e+00 : f32
      %broadcast_in_dim3A_567 = vector.broadcast %jit3A_566 : f32 to vector<16xf32>
      %select_n3A_568 = arith.select %gt3A_565, %add3A_562, %broadcast_in_dim3A_567 : vector<16xi1>, vector<16xf32>
      %div3A_569 = arith.divf %add3A_561, %select_n3A_568 : vector<16xf32>
      %jit3A_570 = arith.constant 0.000000e+00 : f32
      %broadcast_in_dim3A_571 = vector.broadcast %jit3A_570 : f32 to vector<16xf32>
      %select_n3A_572 = arith.select %gt3A_565, %div3A_569, %broadcast_in_dim3A_571 : vector<16xi1>, vector<16xf32>
      %add3A_573 = arith.addf %add3A_475, %select_n3A_572 : vector<16xf32>
      %jit3A_574 = arith.constant 1.000000e+00 : f32
      %jit3A_575 = arith.constant 0.000000e+00 : f32
      %broadcast_in_dim3A_576 = vector.broadcast %jit3A_574 : f32 to vector<16xf32>
      %broadcast_in_dim3A_577 = vector.broadcast %jit3A_575 : f32 to vector<16xf32>
      %select_n3A_578 = arith.select %gt3A_565, %broadcast_in_dim3A_576, %broadcast_in_dim3A_577 : vector<16xi1>, vector<16xf32>
      %add3A_579 = arith.addf %add3A_481, %select_n3A_578 : vector<16xf32>
      %get3A_580 = arith.constant 8 : i32
      %get3A_581 = arith.index_cast %get3A_580 : i32 to index
      %get3A_582 = arith.constant 32 : index
      %get3A_583 = tpu.vector_load %arg10[%get3A_581, %get3A_582] {strides = array<i32>} : memref<16x128xf32, #tpu.memory_space<vmem>>, vector<16xf32>,
      %add3A_584 = arith.addf %add3A_288, %get3A_583 : vector<16xf32>
      %get3A_585 = arith.constant 8 : i32
      %get3A_586 = arith.index_cast %get3A_585 : i32 to index
      %get3A_587 = arith.constant 96 : index
      %get3A_588 = tpu.vector_load %arg10[%get3A_586, %get3A_587] {strides = array<i32>} : memref<16x128xf32, #tpu.memory_space<vmem>>, vector<16xf32>,
      %add3A_589 = arith.addf %add3A_293, %get3A_588 : vector<16xf32>
      %get3A_590 = arith.constant 9 : i32
      %get3A_591 = arith.index_cast %get3A_590 : i32 to index
      %get3A_592 = arith.constant 32 : index
      %get3A_593 = tpu.vector_load %arg10[%get3A_591, %get3A_592] {strides = array<i32>} : memref<16x128xf32, #tpu.memory_space<vmem>>, vector<16xf32>,
      %add3A_594 = arith.addf %add3A_584, %get3A_593 : vector<16xf32>
      %get3A_595 = arith.constant 9 : i32
      %get3A_596 = arith.index_cast %get3A_595 : i32 to index
      %get3A_597 = arith.constant 96 : index
      %get3A_598 = tpu.vector_load %arg10[%get3A_596, %get3A_597] {strides = array<i32>} : memref<16x128xf32, #tpu.memory_space<vmem>>, vector<16xf32>,
      %add3A_599 = arith.addf %add3A_589, %get3A_598 : vector<16xf32>
      %get3A_600 = arith.constant 10 : i32
      %get3A_601 = arith.index_cast %get3A_600 : i32 to index
      %get3A_602 = arith.constant 32 : index
      %get3A_603 = tpu.vector_load %arg10[%get3A_601, %get3A_602] {strides = array<i32>} : memref<16x128xf32, #tpu.memory_space<vmem>>, vector<16xf32>,
      %add3A_604 = arith.addf %add3A_594, %get3A_603 : vector<16xf32>
      %get3A_605 = arith.constant 10 : i32
      %get3A_606 = arith.index_cast %get3A_605 : i32 to index
      %get3A_607 = arith.constant 96 : index
      %get3A_608 = tpu.vector_load %arg10[%get3A_606, %get3A_607] {strides = array<i32>} : memref<16x128xf32, #tpu.memory_space<vmem>>, vector<16xf32>,
      %add3A_609 = arith.addf %add3A_599, %get3A_608 : vector<16xf32>
      %get3A_610 = arith.constant 11 : i32
      %get3A_611 = arith.index_cast %get3A_610 : i32 to index
      %get3A_612 = arith.constant 32 : index
      %get3A_613 = tpu.vector_load %arg10[%get3A_611, %get3A_612] {strides = array<i32>} : memref<16x128xf32, #tpu.memory_space<vmem>>, vector<16xf32>,
      %add3A_614 = arith.addf %add3A_604, %get3A_613 : vector<16xf32>
      %get3A_615 = arith.constant 11 : i32
      %get3A_616 = arith.index_cast %get3A_615 : i32 to index
      %get3A_617 = arith.constant 96 : index
      %get3A_618 = tpu.vector_load %arg10[%get3A_616, %get3A_617] {strides = array<i32>} : memref<16x128xf32, #tpu.memory_space<vmem>>, vector<16xf32>,
      %add3A_619 = arith.addf %add3A_609, %get3A_618 : vector<16xf32>
      %get3A_620 = arith.constant 12 : i32
      %get3A_621 = arith.index_cast %get3A_620 : i32 to index
      %get3A_622 = arith.constant 32 : index
      %get3A_623 = tpu.vector_load %arg10[%get3A_621, %get3A_622] {strides = array<i32>} : memref<16x128xf32, #tpu.memory_space<vmem>>, vector<16xf32>,
      %add3A_624 = arith.addf %add3A_614, %get3A_623 : vector<16xf32>
      %get3A_625 = arith.constant 12 : i32
      %get3A_626 = arith.index_cast %get3A_625 : i32 to index
      %get3A_627 = arith.constant 96 : index
      %get3A_628 = tpu.vector_load %arg10[%get3A_626, %get3A_627] {strides = array<i32>} : memref<16x128xf32, #tpu.memory_space<vmem>>, vector<16xf32>,
      %add3A_629 = arith.addf %add3A_619, %get3A_628 : vector<16xf32>
      %get3A_630 = arith.constant 13 : i32
      %get3A_631 = arith.index_cast %get3A_630 : i32 to index
      %get3A_632 = arith.constant 32 : index
      %get3A_633 = tpu.vector_load %arg10[%get3A_631, %get3A_632] {strides = array<i32>} : memref<16x128xf32, #tpu.memory_space<vmem>>, vector<16xf32>,
      %add3A_634 = arith.addf %add3A_624, %get3A_633 : vector<16xf32>
      %get3A_635 = arith.constant 13 : i32
      %get3A_636 = arith.index_cast %get3A_635 : i32 to index
      %get3A_637 = arith.constant 96 : index
      %get3A_638 = tpu.vector_load %arg10[%get3A_636, %get3A_637] {strides = array<i32>} : memref<16x128xf32, #tpu.memory_space<vmem>>, vector<16xf32>,
      %add3A_639 = arith.addf %add3A_629, %get3A_638 : vector<16xf32>
      %get3A_640 = arith.constant 14 : i32
      %get3A_641 = arith.index_cast %get3A_640 : i32 to index
      %get3A_642 = arith.constant 32 : index
      %get3A_643 = tpu.vector_load %arg10[%get3A_641, %get3A_642] {strides = array<i32>} : memref<16x128xf32, #tpu.memory_space<vmem>>, vector<16xf32>,
      %add3A_644 = arith.addf %add3A_634, %get3A_643 : vector<16xf32>
      %get3A_645 = arith.constant 14 : i32
      %get3A_646 = arith.index_cast %get3A_645 : i32 to index
      %get3A_647 = arith.constant 96 : index
      %get3A_648 = tpu.vector_load %arg10[%get3A_646, %get3A_647] {strides = array<i32>} : memref<16x128xf32, #tpu.memory_space<vmem>>, vector<16xf32>,
      %add3A_649 = arith.addf %add3A_639, %get3A_648 : vector<16xf32>
      %get3A_650 = arith.constant 15 : i32
      %get3A_651 = arith.index_cast %get3A_650 : i32 to index
      %get3A_652 = arith.constant 32 : index
      %get3A_653 = tpu.vector_load %arg10[%get3A_651, %get3A_652] {strides = array<i32>} : memref<16x128xf32, #tpu.memory_space<vmem>>, vector<16xf32>,
      %add3A_654 = arith.addf %add3A_644, %get3A_653 : vector<16xf32>
      %get3A_655 = arith.constant 15 : i32
      %get3A_656 = arith.index_cast %get3A_655 : i32 to index
      %get3A_657 = arith.constant 96 : index
      %get3A_658 = tpu.vector_load %arg10[%get3A_656, %get3A_657] {strides = array<i32>} : memref<16x128xf32, #tpu.memory_space<vmem>>, vector<16xf32>,
      %add3A_659 = arith.addf %add3A_649, %get3A_658 : vector<16xf32>
      %add3A_660 = arith.addf %add3A_654, %add3A_659 : vector<16xf32>
      %gt3A_661 = arith.constant 0.000000e+00 : f32
      %gt3A_662 = vector.broadcast %gt3A_661 : f32 to vector<16xf32>
      %gt3A_663 = arith.cmpf ogt, %add3A_660, %gt3A_662 : vector<16xf32>
      %jit3A_664 = arith.constant 1.000000e+00 : f32
      %broadcast_in_dim3A_665 = vector.broadcast %jit3A_664 : f32 to vector<16xf32>
      %select_n3A_666 = arith.select %gt3A_663, %add3A_660, %broadcast_in_dim3A_665 : vector<16xi1>, vector<16xf32>
      %div3A_667 = arith.divf %add3A_659, %select_n3A_666 : vector<16xf32>
      %jit3A_668 = arith.constant 0.000000e+00 : f32
      %broadcast_in_dim3A_669 = vector.broadcast %jit3A_668 : f32 to vector<16xf32>
      %select_n3A_670 = arith.select %gt3A_663, %div3A_667, %broadcast_in_dim3A_669 : vector<16xi1>, vector<16xf32>
      %add3A_671 = arith.addf %add3A_573, %select_n3A_670 : vector<16xf32>
      %jit3A_672 = arith.constant 1.000000e+00 : f32
      %jit3A_673 = arith.constant 0.000000e+00 : f32
      %broadcast_in_dim3A_674 = vector.broadcast %jit3A_672 : f32 to vector<16xf32>
      %broadcast_in_dim3A_675 = vector.broadcast %jit3A_673 : f32 to vector<16xf32>
      %select_n3A_676 = arith.select %gt3A_663, %broadcast_in_dim3A_674, %broadcast_in_dim3A_675 : vector<16xi1>, vector<16xf32>
      %add3A_677 = arith.addf %add3A_579, %select_n3A_676 : vector<16xf32>
      %get3A_678 = arith.constant 8 : i32
      %get3A_679 = arith.index_cast %get3A_678 : i32 to index
      %get3A_680 = arith.constant 48 : index
      %get3A_681 = tpu.vector_load %arg10[%get3A_679, %get3A_680] {strides = array<i32>} : memref<16x128xf32, #tpu.memory_space<vmem>>, vector<16xf32>,
      %add3A_682 = arith.addf %add3A_368, %get3A_681 : vector<16xf32>
      %get3A_683 = arith.constant 8 : i32
      %get3A_684 = arith.index_cast %get3A_683 : i32 to index
      %get3A_685 = arith.constant 112 : index
      %get3A_686 = tpu.vector_load %arg10[%get3A_684, %get3A_685] {strides = array<i32>} : memref<16x128xf32, #tpu.memory_space<vmem>>, vector<16xf32>,
      %add3A_687 = arith.addf %add3A_373, %get3A_686 : vector<16xf32>
      %get3A_688 = arith.constant 9 : i32
      %get3A_689 = arith.index_cast %get3A_688 : i32 to index
      %get3A_690 = arith.constant 48 : index
      %get3A_691 = tpu.vector_load %arg10[%get3A_689, %get3A_690] {strides = array<i32>} : memref<16x128xf32, #tpu.memory_space<vmem>>, vector<16xf32>,
      %add3A_692 = arith.addf %add3A_682, %get3A_691 : vector<16xf32>
      %get3A_693 = arith.constant 9 : i32
      %get3A_694 = arith.index_cast %get3A_693 : i32 to index
      %get3A_695 = arith.constant 112 : index
      %get3A_696 = tpu.vector_load %arg10[%get3A_694, %get3A_695] {strides = array<i32>} : memref<16x128xf32, #tpu.memory_space<vmem>>, vector<16xf32>,
      %add3A_697 = arith.addf %add3A_687, %get3A_696 : vector<16xf32>
      %get3A_698 = arith.constant 10 : i32
      %get3A_699 = arith.index_cast %get3A_698 : i32 to index
      %get3A_700 = arith.constant 48 : index
      %get3A_701 = tpu.vector_load %arg10[%get3A_699, %get3A_700] {strides = array<i32>} : memref<16x128xf32, #tpu.memory_space<vmem>>, vector<16xf32>,
      %add3A_702 = arith.addf %add3A_692, %get3A_701 : vector<16xf32>
      %get3A_703 = arith.constant 10 : i32
      %get3A_704 = arith.index_cast %get3A_703 : i32 to index
      %get3A_705 = arith.constant 112 : index
      %get3A_706 = tpu.vector_load %arg10[%get3A_704, %get3A_705] {strides = array<i32>} : memref<16x128xf32, #tpu.memory_space<vmem>>, vector<16xf32>,
      %add3A_707 = arith.addf %add3A_697, %get3A_706 : vector<16xf32>
      %get3A_708 = arith.constant 11 : i32
      %get3A_709 = arith.index_cast %get3A_708 : i32 to index
      %get3A_710 = arith.constant 48 : index
      %get3A_711 = tpu.vector_load %arg10[%get3A_709, %get3A_710] {strides = array<i32>} : memref<16x128xf32, #tpu.memory_space<vmem>>, vector<16xf32>,
      %add3A_712 = arith.addf %add3A_702, %get3A_711 : vector<16xf32>
      %get3A_713 = arith.constant 11 : i32
      %get3A_714 = arith.index_cast %get3A_713 : i32 to index
      %get3A_715 = arith.constant 112 : index
      %get3A_716 = tpu.vector_load %arg10[%get3A_714, %get3A_715] {strides = array<i32>} : memref<16x128xf32, #tpu.memory_space<vmem>>, vector<16xf32>,
      %add3A_717 = arith.addf %add3A_707, %get3A_716 : vector<16xf32>
      %get3A_718 = arith.constant 12 : i32
      %get3A_719 = arith.index_cast %get3A_718 : i32 to index
      %get3A_720 = arith.constant 48 : index
      %get3A_721 = tpu.vector_load %arg10[%get3A_719, %get3A_720] {strides = array<i32>} : memref<16x128xf32, #tpu.memory_space<vmem>>, vector<16xf32>,
      %add3A_722 = arith.addf %add3A_712, %get3A_721 : vector<16xf32>
      %get3A_723 = arith.constant 12 : i32
      %get3A_724 = arith.index_cast %get3A_723 : i32 to index
      %get3A_725 = arith.constant 112 : index
      %get3A_726 = tpu.vector_load %arg10[%get3A_724, %get3A_725] {strides = array<i32>} : memref<16x128xf32, #tpu.memory_space<vmem>>, vector<16xf32>,
      %add3A_727 = arith.addf %add3A_717, %get3A_726 : vector<16xf32>
      %get3A_728 = arith.constant 13 : i32
      %get3A_729 = arith.index_cast %get3A_728 : i32 to index
      %get3A_730 = arith.constant 48 : index
      %get3A_731 = tpu.vector_load %arg10[%get3A_729, %get3A_730] {strides = array<i32>} : memref<16x128xf32, #tpu.memory_space<vmem>>, vector<16xf32>,
      %add3A_732 = arith.addf %add3A_722, %get3A_731 : vector<16xf32>
      %get3A_733 = arith.constant 13 : i32
      %get3A_734 = arith.index_cast %get3A_733 : i32 to index
      %get3A_735 = arith.constant 112 : index
      %get3A_736 = tpu.vector_load %arg10[%get3A_734, %get3A_735] {strides = array<i32>} : memref<16x128xf32, #tpu.memory_space<vmem>>, vector<16xf32>,
      %add3A_737 = arith.addf %add3A_727, %get3A_736 : vector<16xf32>
      %get3A_738 = arith.constant 14 : i32
      %get3A_739 = arith.index_cast %get3A_738 : i32 to index
      %get3A_740 = arith.constant 48 : index
      %get3A_741 = tpu.vector_load %arg10[%get3A_739, %get3A_740] {strides = array<i32>} : memref<16x128xf32, #tpu.memory_space<vmem>>, vector<16xf32>,
      %add3A_742 = arith.addf %add3A_732, %get3A_741 : vector<16xf32>
      %get3A_743 = arith.constant 14 : i32
      %get3A_744 = arith.index_cast %get3A_743 : i32 to index
      %get3A_745 = arith.constant 112 : index
      %get3A_746 = tpu.vector_load %arg10[%get3A_744, %get3A_745] {strides = array<i32>} : memref<16x128xf32, #tpu.memory_space<vmem>>, vector<16xf32>,
      %add3A_747 = arith.addf %add3A_737, %get3A_746 : vector<16xf32>
      %get3A_748 = arith.constant 15 : i32
      %get3A_749 = arith.index_cast %get3A_748 : i32 to index
      %get3A_750 = arith.constant 48 : index
      %get3A_751 = tpu.vector_load %arg10[%get3A_749, %get3A_750] {strides = array<i32>} : memref<16x128xf32, #tpu.memory_space<vmem>>, vector<16xf32>,
      %add3A_752 = arith.addf %add3A_742, %get3A_751 : vector<16xf32>
      %get3A_753 = arith.constant 15 : i32
      %get3A_754 = arith.index_cast %get3A_753 : i32 to index
      %get3A_755 = arith.constant 112 : index
      %get3A_756 = tpu.vector_load %arg10[%get3A_754, %get3A_755] {strides = array<i32>} : memref<16x128xf32, #tpu.memory_space<vmem>>, vector<16xf32>,
      %add3A_757 = arith.addf %add3A_747, %get3A_756 : vector<16xf32>
      %add3A_758 = arith.addf %add3A_752, %add3A_757 : vector<16xf32>
      %gt3A_759 = arith.constant 0.000000e+00 : f32
      %gt3A_760 = vector.broadcast %gt3A_759 : f32 to vector<16xf32>
      %gt3A_761 = arith.cmpf ogt, %add3A_758, %gt3A_760 : vector<16xf32>
      %jit3A_762 = arith.constant 1.000000e+00 : f32
      %broadcast_in_dim3A_763 = vector.broadcast %jit3A_762 : f32 to vector<16xf32>
      %select_n3A_764 = arith.select %gt3A_761, %add3A_758, %broadcast_in_dim3A_763 : vector<16xi1>, vector<16xf32>
      %div3A_765 = arith.divf %add3A_757, %select_n3A_764 : vector<16xf32>
      %jit3A_766 = arith.constant 0.000000e+00 : f32
      %broadcast_in_dim3A_767 = vector.broadcast %jit3A_766 : f32 to vector<16xf32>
      %select_n3A_768 = arith.select %gt3A_761, %div3A_765, %broadcast_in_dim3A_767 : vector<16xi1>, vector<16xf32>
      %add3A_769 = arith.addf %add3A_671, %select_n3A_768 : vector<16xf32>
      %jit3A_770 = arith.constant 1.000000e+00 : f32
      %jit3A_771 = arith.constant 0.000000e+00 : f32
      %broadcast_in_dim3A_772 = vector.broadcast %jit3A_770 : f32 to vector<16xf32>
      %broadcast_in_dim3A_773 = vector.broadcast %jit3A_771 : f32 to vector<16xf32>
      %select_n3A_774 = arith.select %gt3A_761, %broadcast_in_dim3A_772, %broadcast_in_dim3A_773 : vector<16xi1>, vector<16xf32>
      %add3A_775 = arith.addf %add3A_677, %select_n3A_774 : vector<16xf32>
      %swap3A = arith.constant 0 : index
      %swap3A_776 = tpu.vector_load %arg11[%swap3A] {strides = array<i32>} : memref<32xf32, #tpu.memory_space<vmem>>, vector<16xf32>,
      tpu.vector_store %arg11[%swap3A], %add3A_769 {strides = array<i32>} : memref<32xf32, #tpu.memory_space<vmem>>, vector<16xf32>,
      %swap3A_777 = arith.constant 16 : index
      %swap3A_778 = tpu.vector_load %arg11[%swap3A_777] {strides = array<i32>} : memref<32xf32, #tpu.memory_space<vmem>>, vector<16xf32>,
      tpu.vector_store %arg11[%swap3A_777], %add3A_775 {strides = array<i32>} : memref<32xf32, #tpu.memory_space<vmem>>, vector<16xf32>,
      "tpu.region"() ({
        %run_scoped3A = tpu.sem_alloc : memref<!tpu.dma_semaphore, #tpu.memory_space<semaphore_mem>>
        %dma_start3A_779 = arith.constant 0 : i32
        %dma_start3A_780 = tpu.memref_slice %arg6[%arg1, %dma_start3A_779] : memref<16x32xf32, #tpu.memory_space<hbm>> -> memref<1x32xf32, #tpu.memory_space<hbm>>
        %dma_start3A_781 = tpu.memref_squeeze %dma_start3A_780 : memref<1x32xf32, #tpu.memory_space<hbm>> -> memref<32xf32, #tpu.memory_space<hbm>>
        %dma_start3A_782 = arith.constant 0 : i32
        %dma_start3A_783 = tpu.memref_slice %arg6[%arg1, %dma_start3A_782] : memref<16x32xf32, #tpu.memory_space<hbm>> -> memref<1x32xf32, #tpu.memory_space<hbm>>
        %dma_start3A_784 = tpu.memref_squeeze %dma_start3A_783 : memref<1x32xf32, #tpu.memory_space<hbm>> -> memref<32xf32, #tpu.memory_space<hbm>>
        tpu.enqueue_dma source(%arg11 : memref<32xf32, #tpu.memory_space<vmem>>) target(%dma_start3A_784 : memref<32xf32, #tpu.memory_space<hbm>>) target_semaphore(%run_scoped3A : memref<!tpu.dma_semaphore, #tpu.memory_space<semaphore_mem>>)
        %dma_wait3A_785 = arith.constant 0 : i32
        %dma_wait3A_786 = tpu.memref_slice %arg6[%arg1, %dma_wait3A_785] : memref<16x32xf32, #tpu.memory_space<hbm>> -> memref<1x32xf32, #tpu.memory_space<hbm>>
        %dma_wait3A_787 = tpu.memref_squeeze %dma_wait3A_786 : memref<1x32xf32, #tpu.memory_space<hbm>> -> memref<32xf32, #tpu.memory_space<hbm>>
        %dma_wait3A_788 = arith.constant 0 : i32
        %dma_wait3A_789 = tpu.memref_slice %arg6[%arg1, %dma_wait3A_788] : memref<16x32xf32, #tpu.memory_space<hbm>> -> memref<1x32xf32, #tpu.memory_space<hbm>>
        %dma_wait3A_790 = tpu.memref_squeeze %dma_wait3A_789 : memref<1x32xf32, #tpu.memory_space<hbm>> -> memref<32xf32, #tpu.memory_space<hbm>>
        tpu.wait_dma2 semaphore(%run_scoped3A : memref<!tpu.dma_semaphore, #tpu.memory_space<semaphore_mem>>) src(%arg11 : memref<32xf32, #tpu.memory_space<vmem>>) dst(%dma_wait3A_790 : memref<32xf32, #tpu.memory_space<hbm>>)
        tpu.yield
      }) : () -> ()
    } else {
    }
    %barrier3A_7 = arith.constant 0 : index
    tpu.barrier barrier_id(%barrier3A_7)
    %eq3A_8 = arith.constant 0 : i32
    %eq3A_9 = arith.cmpi eq, %arg1, %eq3A_8 : i32
    %eq3A_10 = arith.constant 0 : i32
    %eq3A_11 = arith.cmpi eq, %arg0, %eq3A_10 : i32
    %and3A = arith.andi %eq3A_9, %eq3A_11 : i1
    %convert_element_type3A_12 = arith.extui %and3A : i1 to i32
    %cond3A_13 = arith.constant 0 : i32
    %cond3A_14 = arith.cmpi ne, %convert_element_type3A_12, %cond3A_13 : i32
    scf.if %cond3A_14 {
      "tpu.region"() ({
        %run_scoped3A = tpu.sem_alloc : memref<!tpu.dma_semaphore, #tpu.memory_space<semaphore_mem>>
        tpu.enqueue_dma source(%arg6 : memref<16x32xf32, #tpu.memory_space<hbm>>) target(%arg12 : memref<16x32xf32, #tpu.memory_space<vmem>>) target_semaphore(%run_scoped3A : memref<!tpu.dma_semaphore, #tpu.memory_space<semaphore_mem>>)
        tpu.wait_dma2 semaphore(%run_scoped3A : memref<!tpu.dma_semaphore, #tpu.memory_space<semaphore_mem>>) src(%arg6 : memref<16x32xf32, #tpu.memory_space<hbm>>) dst(%arg12 : memref<16x32xf32, #tpu.memory_space<vmem>>)
        tpu.yield
      }) : () -> ()
      %broadcast_in_dim3A = arith.constant 0.000000e+00 : f32
      %broadcast_in_dim3A_15 = vector.broadcast %broadcast_in_dim3A : f32 to vector<16xf32>
      %broadcast_in_dim3A_16 = arith.constant 0.000000e+00 : f32
      %broadcast_in_dim3A_17 = vector.broadcast %broadcast_in_dim3A_16 : f32 to vector<16xf32>
      %get3A = arith.constant 0 : i32
      %get3A_18 = arith.index_cast %get3A : i32 to index
      %get3A_19 = arith.constant 0 : index
      %get3A_20 = tpu.vector_load %arg12[%get3A_18, %get3A_19] {strides = array<i32>} : memref<16x32xf32, #tpu.memory_space<vmem>>, vector<16xf32>,
      %add3A = arith.addf %broadcast_in_dim3A_15, %get3A_20 : vector<16xf32>
      %get3A_21 = arith.constant 0 : i32
      %get3A_22 = arith.index_cast %get3A_21 : i32 to index
      %get3A_23 = arith.constant 16 : index
      %get3A_24 = tpu.vector_load %arg12[%get3A_22, %get3A_23] {strides = array<i32>} : memref<16x32xf32, #tpu.memory_space<vmem>>, vector<16xf32>,
      %add3A_25 = arith.addf %broadcast_in_dim3A_17, %get3A_24 : vector<16xf32>
      %get3A_26 = arith.constant 1 : i32
      %get3A_27 = arith.index_cast %get3A_26 : i32 to index
      %get3A_28 = arith.constant 0 : index
      %get3A_29 = tpu.vector_load %arg12[%get3A_27, %get3A_28] {strides = array<i32>} : memref<16x32xf32, #tpu.memory_space<vmem>>, vector<16xf32>,
      %add3A_30 = arith.addf %add3A, %get3A_29 : vector<16xf32>
      %get3A_31 = arith.constant 1 : i32
      %get3A_32 = arith.index_cast %get3A_31 : i32 to index
      %get3A_33 = arith.constant 16 : index
      %get3A_34 = tpu.vector_load %arg12[%get3A_32, %get3A_33] {strides = array<i32>} : memref<16x32xf32, #tpu.memory_space<vmem>>, vector<16xf32>,
      %add3A_35 = arith.addf %add3A_25, %get3A_34 : vector<16xf32>
      %get3A_36 = arith.constant 2 : i32
      %get3A_37 = arith.index_cast %get3A_36 : i32 to index
      %get3A_38 = arith.constant 0 : index
      %get3A_39 = tpu.vector_load %arg12[%get3A_37, %get3A_38] {strides = array<i32>} : memref<16x32xf32, #tpu.memory_space<vmem>>, vector<16xf32>,
      %add3A_40 = arith.addf %add3A_30, %get3A_39 : vector<16xf32>
      %get3A_41 = arith.constant 2 : i32
      %get3A_42 = arith.index_cast %get3A_41 : i32 to index
      %get3A_43 = arith.constant 16 : index
      %get3A_44 = tpu.vector_load %arg12[%get3A_42, %get3A_43] {strides = array<i32>} : memref<16x32xf32, #tpu.memory_space<vmem>>, vector<16xf32>,
      %add3A_45 = arith.addf %add3A_35, %get3A_44 : vector<16xf32>
      %get3A_46 = arith.constant 3 : i32
      %get3A_47 = arith.index_cast %get3A_46 : i32 to index
      %get3A_48 = arith.constant 0 : index
      %get3A_49 = tpu.vector_load %arg12[%get3A_47, %get3A_48] {strides = array<i32>} : memref<16x32xf32, #tpu.memory_space<vmem>>, vector<16xf32>,
      %add3A_50 = arith.addf %add3A_40, %get3A_49 : vector<16xf32>
      %get3A_51 = arith.constant 3 : i32
      %get3A_52 = arith.index_cast %get3A_51 : i32 to index
      %get3A_53 = arith.constant 16 : index
      %get3A_54 = tpu.vector_load %arg12[%get3A_52, %get3A_53] {strides = array<i32>} : memref<16x32xf32, #tpu.memory_space<vmem>>, vector<16xf32>,
      %add3A_55 = arith.addf %add3A_45, %get3A_54 : vector<16xf32>
      %get3A_56 = arith.constant 4 : i32
      %get3A_57 = arith.index_cast %get3A_56 : i32 to index
      %get3A_58 = arith.constant 0 : index
      %get3A_59 = tpu.vector_load %arg12[%get3A_57, %get3A_58] {strides = array<i32>} : memref<16x32xf32, #tpu.memory_space<vmem>>, vector<16xf32>,
      %add3A_60 = arith.addf %add3A_50, %get3A_59 : vector<16xf32>
      %get3A_61 = arith.constant 4 : i32
      %get3A_62 = arith.index_cast %get3A_61 : i32 to index
      %get3A_63 = arith.constant 16 : index
      %get3A_64 = tpu.vector_load %arg12[%get3A_62, %get3A_63] {strides = array<i32>} : memref<16x32xf32, #tpu.memory_space<vmem>>, vector<16xf32>,
      %add3A_65 = arith.addf %add3A_55, %get3A_64 : vector<16xf32>
      %get3A_66 = arith.constant 5 : i32
      %get3A_67 = arith.index_cast %get3A_66 : i32 to index
      %get3A_68 = arith.constant 0 : index
      %get3A_69 = tpu.vector_load %arg12[%get3A_67, %get3A_68] {strides = array<i32>} : memref<16x32xf32, #tpu.memory_space<vmem>>, vector<16xf32>,
      %add3A_70 = arith.addf %add3A_60, %get3A_69 : vector<16xf32>
      %get3A_71 = arith.constant 5 : i32
      %get3A_72 = arith.index_cast %get3A_71 : i32 to index
      %get3A_73 = arith.constant 16 : index
      %get3A_74 = tpu.vector_load %arg12[%get3A_72, %get3A_73] {strides = array<i32>} : memref<16x32xf32, #tpu.memory_space<vmem>>, vector<16xf32>,
      %add3A_75 = arith.addf %add3A_65, %get3A_74 : vector<16xf32>
      %get3A_76 = arith.constant 6 : i32
      %get3A_77 = arith.index_cast %get3A_76 : i32 to index
      %get3A_78 = arith.constant 0 : index
      %get3A_79 = tpu.vector_load %arg12[%get3A_77, %get3A_78] {strides = array<i32>} : memref<16x32xf32, #tpu.memory_space<vmem>>, vector<16xf32>,
      %add3A_80 = arith.addf %add3A_70, %get3A_79 : vector<16xf32>
      %get3A_81 = arith.constant 6 : i32
      %get3A_82 = arith.index_cast %get3A_81 : i32 to index
      %get3A_83 = arith.constant 16 : index
      %get3A_84 = tpu.vector_load %arg12[%get3A_82, %get3A_83] {strides = array<i32>} : memref<16x32xf32, #tpu.memory_space<vmem>>, vector<16xf32>,
      %add3A_85 = arith.addf %add3A_75, %get3A_84 : vector<16xf32>
      %get3A_86 = arith.constant 7 : i32
      %get3A_87 = arith.index_cast %get3A_86 : i32 to index
      %get3A_88 = arith.constant 0 : index
      %get3A_89 = tpu.vector_load %arg12[%get3A_87, %get3A_88] {strides = array<i32>} : memref<16x32xf32, #tpu.memory_space<vmem>>, vector<16xf32>,
      %add3A_90 = arith.addf %add3A_80, %get3A_89 : vector<16xf32>
      %get3A_91 = arith.constant 7 : i32
      %get3A_92 = arith.index_cast %get3A_91 : i32 to index
      %get3A_93 = arith.constant 16 : index
      %get3A_94 = tpu.vector_load %arg12[%get3A_92, %get3A_93] {strides = array<i32>} : memref<16x32xf32, #tpu.memory_space<vmem>>, vector<16xf32>,
      %add3A_95 = arith.addf %add3A_85, %get3A_94 : vector<16xf32>
      %get3A_96 = arith.constant 8 : i32
      %get3A_97 = arith.index_cast %get3A_96 : i32 to index
      %get3A_98 = arith.constant 0 : index
      %get3A_99 = tpu.vector_load %arg12[%get3A_97, %get3A_98] {strides = array<i32>} : memref<16x32xf32, #tpu.memory_space<vmem>>, vector<16xf32>,
      %add3A_100 = arith.addf %add3A_90, %get3A_99 : vector<16xf32>
      %get3A_101 = arith.constant 8 : i32
      %get3A_102 = arith.index_cast %get3A_101 : i32 to index
      %get3A_103 = arith.constant 16 : index
      %get3A_104 = tpu.vector_load %arg12[%get3A_102, %get3A_103] {strides = array<i32>} : memref<16x32xf32, #tpu.memory_space<vmem>>, vector<16xf32>,
      %add3A_105 = arith.addf %add3A_95, %get3A_104 : vector<16xf32>
      %get3A_106 = arith.constant 9 : i32
      %get3A_107 = arith.index_cast %get3A_106 : i32 to index
      %get3A_108 = arith.constant 0 : index
      %get3A_109 = tpu.vector_load %arg12[%get3A_107, %get3A_108] {strides = array<i32>} : memref<16x32xf32, #tpu.memory_space<vmem>>, vector<16xf32>,
      %add3A_110 = arith.addf %add3A_100, %get3A_109 : vector<16xf32>
      %get3A_111 = arith.constant 9 : i32
      %get3A_112 = arith.index_cast %get3A_111 : i32 to index
      %get3A_113 = arith.constant 16 : index
      %get3A_114 = tpu.vector_load %arg12[%get3A_112, %get3A_113] {strides = array<i32>} : memref<16x32xf32, #tpu.memory_space<vmem>>, vector<16xf32>,
      %add3A_115 = arith.addf %add3A_105, %get3A_114 : vector<16xf32>
      %get3A_116 = arith.constant 10 : i32
      %get3A_117 = arith.index_cast %get3A_116 : i32 to index
      %get3A_118 = arith.constant 0 : index
      %get3A_119 = tpu.vector_load %arg12[%get3A_117, %get3A_118] {strides = array<i32>} : memref<16x32xf32, #tpu.memory_space<vmem>>, vector<16xf32>,
      %add3A_120 = arith.addf %add3A_110, %get3A_119 : vector<16xf32>
      %get3A_121 = arith.constant 10 : i32
      %get3A_122 = arith.index_cast %get3A_121 : i32 to index
      %get3A_123 = arith.constant 16 : index
      %get3A_124 = tpu.vector_load %arg12[%get3A_122, %get3A_123] {strides = array<i32>} : memref<16x32xf32, #tpu.memory_space<vmem>>, vector<16xf32>,
      %add3A_125 = arith.addf %add3A_115, %get3A_124 : vector<16xf32>
      %get3A_126 = arith.constant 11 : i32
      %get3A_127 = arith.index_cast %get3A_126 : i32 to index
      %get3A_128 = arith.constant 0 : index
      %get3A_129 = tpu.vector_load %arg12[%get3A_127, %get3A_128] {strides = array<i32>} : memref<16x32xf32, #tpu.memory_space<vmem>>, vector<16xf32>,
      %add3A_130 = arith.addf %add3A_120, %get3A_129 : vector<16xf32>
      %get3A_131 = arith.constant 11 : i32
      %get3A_132 = arith.index_cast %get3A_131 : i32 to index
      %get3A_133 = arith.constant 16 : index
      %get3A_134 = tpu.vector_load %arg12[%get3A_132, %get3A_133] {strides = array<i32>} : memref<16x32xf32, #tpu.memory_space<vmem>>, vector<16xf32>,
      %add3A_135 = arith.addf %add3A_125, %get3A_134 : vector<16xf32>
      %get3A_136 = arith.constant 12 : i32
      %get3A_137 = arith.index_cast %get3A_136 : i32 to index
      %get3A_138 = arith.constant 0 : index
      %get3A_139 = tpu.vector_load %arg12[%get3A_137, %get3A_138] {strides = array<i32>} : memref<16x32xf32, #tpu.memory_space<vmem>>, vector<16xf32>,
      %add3A_140 = arith.addf %add3A_130, %get3A_139 : vector<16xf32>
      %get3A_141 = arith.constant 12 : i32
      %get3A_142 = arith.index_cast %get3A_141 : i32 to index
      %get3A_143 = arith.constant 16 : index
      %get3A_144 = tpu.vector_load %arg12[%get3A_142, %get3A_143] {strides = array<i32>} : memref<16x32xf32, #tpu.memory_space<vmem>>, vector<16xf32>,
      %add3A_145 = arith.addf %add3A_135, %get3A_144 : vector<16xf32>
      %get3A_146 = arith.constant 13 : i32
      %get3A_147 = arith.index_cast %get3A_146 : i32 to index
      %get3A_148 = arith.constant 0 : index
      %get3A_149 = tpu.vector_load %arg12[%get3A_147, %get3A_148] {strides = array<i32>} : memref<16x32xf32, #tpu.memory_space<vmem>>, vector<16xf32>,
      %add3A_150 = arith.addf %add3A_140, %get3A_149 : vector<16xf32>
      %get3A_151 = arith.constant 13 : i32
      %get3A_152 = arith.index_cast %get3A_151 : i32 to index
      %get3A_153 = arith.constant 16 : index
      %get3A_154 = tpu.vector_load %arg12[%get3A_152, %get3A_153] {strides = array<i32>} : memref<16x32xf32, #tpu.memory_space<vmem>>, vector<16xf32>,
      %add3A_155 = arith.addf %add3A_145, %get3A_154 : vector<16xf32>
      %get3A_156 = arith.constant 14 : i32
      %get3A_157 = arith.index_cast %get3A_156 : i32 to index
      %get3A_158 = arith.constant 0 : index
      %get3A_159 = tpu.vector_load %arg12[%get3A_157, %get3A_158] {strides = array<i32>} : memref<16x32xf32, #tpu.memory_space<vmem>>, vector<16xf32>,
      %add3A_160 = arith.addf %add3A_150, %get3A_159 : vector<16xf32>
      %get3A_161 = arith.constant 14 : i32
      %get3A_162 = arith.index_cast %get3A_161 : i32 to index
      %get3A_163 = arith.constant 16 : index
      %get3A_164 = tpu.vector_load %arg12[%get3A_162, %get3A_163] {strides = array<i32>} : memref<16x32xf32, #tpu.memory_space<vmem>>, vector<16xf32>,
      %add3A_165 = arith.addf %add3A_155, %get3A_164 : vector<16xf32>
      %get3A_166 = arith.constant 15 : i32
      %get3A_167 = arith.index_cast %get3A_166 : i32 to index
      %get3A_168 = arith.constant 0 : index
      %get3A_169 = tpu.vector_load %arg12[%get3A_167, %get3A_168] {strides = array<i32>} : memref<16x32xf32, #tpu.memory_space<vmem>>, vector<16xf32>,
      %add3A_170 = arith.addf %add3A_160, %get3A_169 : vector<16xf32>
      %get3A_171 = arith.constant 15 : i32
      %get3A_172 = arith.index_cast %get3A_171 : i32 to index
      %get3A_173 = arith.constant 16 : index
      %get3A_174 = tpu.vector_load %arg12[%get3A_172, %get3A_173] {strides = array<i32>} : memref<16x32xf32, #tpu.memory_space<vmem>>, vector<16xf32>,
      %add3A_175 = arith.addf %add3A_165, %get3A_174 : vector<16xf32>
      %reduce_sum3A = arith.constant true
      %reduce_sum3A_176 = vector.broadcast %reduce_sum3A : i1 to vector<16xi1>
      %reduce_sum3A_177 = tpu.scan <sum>, %add3A_170 masked %reduce_sum3A_176 : vector<16xf32>, vector<16xi1> -> vector<16xf32>
      %reduce_sum3A_178 = vector.extract %reduce_sum3A_177[15] : f32 from vector<16xf32>
      %reduce_sum3A_179 = arith.constant true
      %reduce_sum3A_180 = vector.broadcast %reduce_sum3A_179 : i1 to vector<16xi1>
      %reduce_sum3A_181 = tpu.scan <sum>, %add3A_175 masked %reduce_sum3A_180 : vector<16xf32>, vector<16xi1> -> vector<16xf32>
      %reduce_sum3A_182 = vector.extract %reduce_sum3A_181[15] : f32 from vector<16xf32>
      %broadcast_in_dim3A_183 = vector.broadcast %reduce_sum3A_178 : f32 to vector<16xf32>
      %broadcast_in_dim3A_184 = vector.broadcast %reduce_sum3A_182 : f32 to vector<16xf32>
      %div3A = arith.divf %broadcast_in_dim3A_183, %broadcast_in_dim3A_184 : vector<16xf32>
      %swap3A = arith.constant 0 : index
      %swap3A_185 = tpu.vector_load %arg13[%swap3A] {strides = array<i32>} : memref<16xf32, #tpu.memory_space<vmem>>, vector<16xf32>,
      tpu.vector_store %arg13[%swap3A], %div3A {strides = array<i32>} : memref<16xf32, #tpu.memory_space<vmem>>, vector<16xf32>,
      "tpu.region"() ({
        %run_scoped3A = tpu.sem_alloc : memref<!tpu.dma_semaphore, #tpu.memory_space<semaphore_mem>>
        tpu.enqueue_dma source(%arg13 : memref<16xf32, #tpu.memory_space<vmem>>) target(%arg4 : memref<16xf32, #tpu.memory_space<hbm>>) target_semaphore(%run_scoped3A : memref<!tpu.dma_semaphore, #tpu.memory_space<semaphore_mem>>)
        tpu.wait_dma2 semaphore(%run_scoped3A : memref<!tpu.dma_semaphore, #tpu.memory_space<semaphore_mem>>) src(%arg13 : memref<16xf32, #tpu.memory_space<vmem>>) dst(%arg4 : memref<16xf32, #tpu.memory_space<hbm>>)
        tpu.yield
      }) : () -> ()
    } else {
    }
    return
  }
}

</mosaic_0001>

<sc_bundles>
// kernel: kernel.3.cloned.1.call-start
scs
__scs_entry_jumppad:
0x0: {  	(pc) =	sbr.rel $0x88, $3  }
0x1: {  	(tag) =	ssettag $0x0;
	lr =	simm.s32 $0x1  }
0x2: {  	[smem:$0x3F9F] =	sst lr;
	_ =	strace $0xD0000000  }
0x3: {  	_ = 	snop  }
0x4: {  	_ = 	snop  }
0x5: {  	_ = 	snop  }
0x6: {  	_ = 	snop  }
0x7: {  	_ = 	snop  }
__scs_overlays_trampoline_lowered:
0x8: {  	[smem:$0x3FAE] =	sst s0  }
0x9: {  	[smem:$0x3FAF] =	sst s1  }
0xa: {  	[smem:$0x3FB0] =	sst s2  }
0xb: {  	[smem:$0x3FB1] =	sst s3  }
0xc: {  	[smem:$0x3FB2] =	sst s4  }
0xd: {  	[smem:$0x3FB3] =	sst s5  }
0xe: {  	[smem:$0x3FB4] =	sst s6  }
0xf: {  	[smem:$0x3FB5] =	sst s7  }
0x10: {  	[smem:$0x3FB6] =	sst s8  }
0x11: {  	[smem:$0x3FB7] =	sst s9;
	s0 =	simm.s32 @!p0 $0x0  }
0x12: {  	s1 =	sld [smem:$0x3F9D];
	s0 =	simm.s32 @p0 $0x1  }
0x13: {  	[smem:$0x3FB8] =	sst s0;
	s0 =	simm.s32 @!p1 $0x0  }
0x14: {  	s2 =	sld [smem:$0x3F9C];
	s0 =	simm.s32 @p1 $0x1  }
0x15: {  	[smem:$0x3FB9] =	sst s0;
	s0 =	simm.s32 @!p2 $0x0  }
0x16: {  	s3 =	sld [smem:$0x3FDB];
	s0 =	simm.s32 @p2 $0x1  }
0x17: {  	s4 =	simm.s32 $0x1BF5;
	[smem:$0x3FBB] =	sst s0  }
0x18: {  	s0 =	sld [smem:$0x3F9E];
	_ =	swait.ge [sflag:s4], $0x0  }
0x19: {  	s7 =	sld [smem:$0x3F9F]  }
0x1a: {  	s8 =	sadd.s32 $0xFFFFE003, lr  }
0x1b: {  	s9 =	sadd.s32 $0xFFFFFEF7, lr;
	s5 =	simm.s32 $0xFFFFFFFF;
	p2 =	slt.u32 s8, $0xFFFFF086  }
0x1c: {  	p1 =	slt.u32 s9, $0xF7A;
	s5 =	simm.s32 @!p2 $0x0  }
0x1d: {  	s5 =	simm.s32 @p1 $0x1;
	p0 =	seq.s32 s7, s2  }
0x1e: {  	s7 =	smul.u32 @!p0 $0xF7A, s2;
	p2 =	seq.s32 @!p0 s5, $0x0  }
0x1f: {  	s9 =	smul.u32 $0xF7A, s1;
	s8 =	simm.s32 @!p0 $0x1BF5;
	p2 =	por !p2, p0  }
0x20: {  	[sflag:s8] =	ssyncset.s32 @!p0 $0xFFFFF086;
	s6 =	sadd.s32 @!p0 s3, s7;
	s7 =	simm.s32 @!p0 $0x108  }
0x21: {  	s3 =	sadd.s32 s3, s9;
	s6 =	sadd.s32 @!p0 $0x88, s6;
	s7 =	simm.s32 @p2 $0x1082  }
0x22: {  	[simem:s7], [sflag:s8] =	dma.local @!p0 [hbm:s6], $0xF7A  }
0x23: {  	s9 =	sor.u32 $0xD0000000, s2;
	s6 =	simm.s32 $0x108;
	_ =	swait.ge @!p0 [sflag:s8], $0x0  }
0x24: {  	s3 =	sadd.s32 $0x88, s3;
	s6 =	simm.s32 @!p1 $0x1082;
	[sflag:s4] =	ssyncset.s32 $0xFFFFF086  }
0x25: {  	[simem:s6], [sflag:s4] =	dma.local [hbm:s3], $0xF7A  }
0x26: {  	[smem:$0x3F9F] =	sst s1;
	(tag) =	ssettag s2;
	_ =	strace s9  }
0x27: {  	s1 =	sld [smem:$0x3FAF]  }
0x28: {  	s2 =	sld [smem:$0x3FB0]  }
0x29: {  	s4 =	sld [smem:$0x3FB2]  }
0x2a: {  	p0 =	seq.s32 s5, $0x0;
	s5 =	sld [smem:$0x3FB3]  }
0x2b: {  	s6 =	sld [smem:$0x3FB4]  }
0x2c: {  	s7 =	sld [smem:$0x3FB5]  }
0x2d: {  	s3 =	simm.s32 $0x108;
	s8 =	sld [smem:$0x3FB6]  }
0x2e: {  	s3 =	simm.s32 @!p0 $0x1082;
	s9 =	sld [smem:$0x3FB7]  }
0x2f: {  	lr =	sadd.s32 s0, s3;
	s0 =	sld [smem:$0x3FAE]  }
0x30: {  	s3 =	sld [smem:$0x3FB1]  }
0x31: {  	[smem:$0x3FBA] =	sst s10  }
0x32: {  	s10 =	sld [smem:$0x3FB8];
	_ =	sdelay $0x3  }
0x33: {  	p0 =	seq.s32 s10, $0x1;
	s10 =	sld [smem:$0x3FBA];
	_ =	sdelay $0x3  }
0x34: {  	[smem:$0x3FBA] =	sst s10  }
0x35: {  	s10 =	sld [smem:$0x3FB9];
	_ =	sdelay $0x3  }
0x36: {  	p1 =	seq.s32 s10, $0x1;
	s10 =	sld [smem:$0x3FBA];
	_ =	sdelay $0x3  }
0x37: {  	[smem:$0x3FBA] =	sst s10  }
0x38: {  	s10 =	sld [smem:$0x3FBB]  }
0x39: {  	_ = 	snop;
	(pc) =	sbr.ind lr, $3  }
0x3a: {  	_ = 	snop  }
0x3b: {  	_ = 	snop  }
0x3c: {  	p2 =	seq.s32 s10, $0x1;
	s10 =	sld [smem:$0x3FBA]  }
0x3d: {  	_ =	shalt  }
0x3e: {  	_ =	shalt  }
0x3f: {  	_ =	shalt  }
0x40: {  	_ =	shalt  }
0x41: {  	_ =	shalt  }
0x42: {  	_ =	shalt  }
0x43: {  	_ =	shalt  }
0x44: {  	_ =	shalt  }
0x45: {  	_ =	shalt  }
0x46: {  	_ =	shalt  }
0x47: {  	_ =	shalt  }
0x48: {  	_ =	shalt  }
0x49: {  	_ =	shalt  }
0x4a: {  	_ =	shalt  }
0x4b: {  	_ =	shalt  }
0x4c: {  	_ =	shalt  }
0x4d: {  	_ =	shalt  }
0x4e: {  	_ =	shalt  }
0x4f: {  	_ =	shalt  }
0x50: {  	_ =	shalt  }
0x51: {  	_ =	shalt  }
0x52: {  	_ =	shalt  }
0x53: {  	_ =	shalt  }
0x54: {  	_ =	shalt  }
0x55: {  	_ =	shalt  }
0x56: {  	_ =	shalt  }
0x57: {  	_ =	shalt  }
0x58: {  	_ =	shalt  }
0x59: {  	_ =	shalt  }
0x5a: {  	_ =	shalt  }
0x5b: {  	_ =	shalt  }
0x5c: {  	_ =	shalt  }
0x5d: {  	_ =	shalt  }
0x5e: {  	_ =	shalt  }
0x5f: {  	_ =	shalt  }
0x60: {  	_ =	shalt  }
0x61: {  	_ =	shalt  }
0x62: {  	_ =	shalt  }
0x63: {  	_ =	shalt  }
0x64: {  	_ =	shalt  }
0x65: {  	_ =	shalt  }
0x66: {  	_ =	shalt  }
0x67: {  	_ =	shalt  }
0x68: {  	_ =	shalt  }
0x69: {  	_ =	shalt  }
0x6a: {  	_ =	shalt  }
0x6b: {  	_ =	shalt  }
0x6c: {  	_ =	shalt  }
0x6d: {  	_ =	shalt  }
0x6e: {  	_ =	shalt  }
0x6f: {  	_ =	shalt  }
0x70: {  	_ =	shalt  }
0x71: {  	_ =	shalt  }
0x72: {  	_ =	shalt  }
0x73: {  	_ =	shalt  }
0x74: {  	_ =	shalt  }
0x75: {  	_ =	shalt  }
0x76: {  	_ =	shalt  }
0x77: {  	_ =	shalt  }
0x78: {  	_ =	shalt  }
0x79: {  	_ =	shalt  }
0x7a: {  	_ =	shalt  }
0x7b: {  	_ =	shalt  }
0x7c: {  	_ =	shalt  }
0x7d: {  	_ =	shalt  }
0x7e: {  	_ =	shalt  }
0x7f: {  	_ =	shalt  }
0x80: {  	_ =	shalt  }
0x81: {  	_ =	shalt  }
0x82: {  	_ =	shalt  }
0x83: {  	_ =	shalt  }
0x84: {  	_ =	shalt  }
0x85: {  	_ =	shalt  }
0x86: {  	_ =	shalt  }
0x87: {  	_ =	shalt  }
.Lfunc_end0:
.L_simem_size_0:
called_computation_lowered:
.L_overlay_start_0:
0x88: {  	s2 =	sld [smem:$0x3FD9]  }
0x89: {  	s3 =	sld [smem:$0x3FFE];
	_ =	sdelay $0x1  }
0x8a: {  	s1 =	srdreg.scid  }
0x8b: {  	s0 =	sand.u32 $0x1, s1  }
0x8c: {  	s17 =	sshll.u32 s0, $0xA;
	s2 =	sadd.s32 s3, s2  }
0x8d: {  	s2 =	sadd.s32 s2, s17  }
0x8e: {  	[smem:$0x3FC6] =	sst s2  }
0x8f: {  	_ = 	snop  }
0x90: {  	s2 =	sld [smem:$0x3FC9]  }
0x91: {  	s18 =	sld [smem:$0x3FC8]  }
0x92: {  	s4 =	sld [smem:$0x3FD0];
	(tm) =	ssettm $0x1  }
0x93: {  	s5 =	sld [smem:$0x3FFB];
	_ =	sdelay $0x3  }
0x94: {  	_ =	strace s5  }
0x95: {  	s5 =	sld [smem:$0x3FFC];
	_ =	sdelay $0x3  }
0x96: {  	_ =	strace s5  }
0x97: {  	s5 =	sld [smem:$0x3FFD];
	_ =	sdelay $0x3  }
0x98: {  	_ =	strace s5  }
0x99: {  	_ =	strace $0x8FFFFFFF  }
0x9a: {  	s19 =	sld [smem:$0x3FDB];
	_ =	sdelay $0x1  }
0x9b: {  	s6 =	simm.s32 $_scs_section_size  }
0x9c: {  	s7 =	simm.s32 $_size__tile_overlayer_lowered;
	s8 =	simm.s32 $_tile_overlayer_lowered  }
0x9d: {  	s22 =	simm.s32 $0x1BFF;
	s21 =	sshll.u32 s8, $0x1;
	s5 =	sadd.s32 s6, s19  }
0x9e: {  	s9 =	simm.s32 $0x0;
	s20 =	sshll.u32 s7, $0x1;
	s7 =	sadd.s32 s21, s5  }
0x9f: {  	[timem:s9], [sflag:s22] =	dma.local [hbm:s7], s20  }
0xa0: {  	_ =	swait.ge [sflag:s22], s20  }
0xa1: {  	s6 =	ssub.s32 $0x0, s20;
	[sflag:s22] =	ssyncset.done $0x0  }
0xa2: {  	[sflag:s22] =	ssyncadd.s32 s6;
	_ =	sdelay $0x1  }
0xa3: {  	s23 =	simm.s32 $0x1B8B  }
0xa4: {  	_ =	swait.ge [sflag:s23], $0x1  }
0xa5: {  	[sflag:s23] =	ssyncset.done $0x0  }
0xa6: {  	s25 =	simm.s32 $0x1B8E;
	s24 =	sld [smem:$0x3FFE];
	[sflag:s23] =	ssyncadd.s32 $0xFFFFFFFF  }
0xa7: {  	s26 =	simm.s32 $execute0_lowered;
	[smem:$0x3FD2] =	sst s25  }
0xa8: {  	s7 =	sshll.u32 s26, $0x1;
	_ =	strace $0x80000046;
	[dreg:$0x1] =	wrdreg $0xFFFFFFFF  }
0xa9: {  	s28 =	simm.s32 $_size_execute0_lowered;
	s5 =	sadd.s32 s5, s7;
	[dreg:$0x0] =	wrdreg $0x0  }
0xaa: {  	s7 =	sshll.u32 s28, $0x1;
	[dreg:$0x2] =	wrdreg s5  }
0xab: {  	[dreg:$0x3] =	wrdreg s7  }
0xac: {  	[dreg:$0x4] =	wrdreg $0xC0  }
0xad: {  	_ =	task [dreg:s9], $0x5FFFF  }
0xae: {  	[dreg:$0x1] =	wrdreg $0xFFFFFFFF  }
0xaf: {  	[dreg:$0x0] =	wrdreg $0x60  }
0xb0: {  	[dreg:$0x2] =	wrdreg s2  }
0xb1: {  	[dreg:$0x3] =	wrdreg s18  }
0xb2: {  	[dreg:$0x4] =	wrdreg s4  }
0xb3: {  	[dreg:$0x5] =	wrdreg s24  }
0xb4: {  	[dreg:$0x6] =	wrdreg $0x9  }
0xb5: {  	_ =	task.clear_ibuf [dreg:s9], $0x7FFFF;
	_ =	strace $0x90000046  }
0xb6: {  	s29 =	simm.s32 $0x9;
	_ =	strace $0x80000048  }
0xb7: {  	_ =	swait.ge [sflag:s29], $0x1  }
0xb8: {  	[sflag:s29] =	ssyncadd.s32 $0xFFFFFFFF  }
0xb9: {  	_ =	strace $0x90000048  }
0xba: {  	_ =	sfence  }
0xbb: {  	s30 =	sld [smem:$0x0];
	_ =	sdelay $0x2  }
0xbc: {  	s31 =	sshll.u32 s1, $0xD;
	s1 =	sshrl.u32 s1, $0x2  }
0xbd: {  	s3 =	sand.u32 $0x4000, s31;
	s1 =	sadd.s32 s1, s30  }
0xbe: {  	s0 =	sor.u32 s3, s0;
	s1 =	sshll.u32 s1, $0x11  }
0xbf: {  	s0 =	sor.u32 s1, s0  }
0xc0: {  	s0 =	sadd.s32 $0x8F2B, s0  }
0xc1: {  	[sflag:s0] =	ssyncadd.remote.s32 $0x1  }
0xc2: {  	_ =	sfence.sel $0xFFFF  }
0xc3: {  	[dreg:$0x0] =	wrdreg $0xFFFFFFFF;
	(pc) =	sbr.abs _section_cstart, $3  }
0xc4: {  	[dreg:$0x1] =	wrdreg $0xFFFFFFFF  }
0xc5: {  	_ =	task.clear_ibuf [dreg:s9], $0x2FFFF;
	_ =	strace $0x9FFFFFFF  }
0xc6: {  	(tm) =	ssettm $0x7FFFFFFF  }
0xc7: {  	_ =	shalt  }
tec
execute0_lowered:
.L_overlay_start_1:
0x0: {  	(tag) =	ssettag $0x1  }
0x1: {  	s0 =	rddreg [dreg:$0x0]  }
0x2: {  	s1 =	rddreg [dreg:$0x1]  }
0x3: {  	s3 =	rddreg [dreg:$0x3];
	s2 =	simm.s32 $0x0  }
0x4: {  	s4 =	srdreg.scid;
	s23 =	stileid.u32;
	s29 =	simm.s32 $0x1  }
0x5: {  	s30 =	simm.s32 $0x800;
	s31 =	simm.s32 $0x2080;
	[smem:$0x7FF] =	sst s2  }
0x6: {  	s21 =	sadd.s32 $0x800, s3;
	s22 =	sand.u32 $0x1, s4;
	s4 =	sadd.s32 $0x1800, s3  }
0x7: {  	s7 =	sshll.u32 s23, $0x7;
	s24 =	sshll.u32 s23, $0x4;
	s26 =	sshll.u32 s23, $0x8  }
0x8: {  	_ =	strace $0x80000047;
	s25 =	ssub.s32 $0x2, s22;
	s6 =	sadd.s32 s21, s24  }
0x9: {  	s21 =	sadd.s32 s21, s26;
	s28 =	sor.u32 s22, s23;
	p0 =	sne.s32 s22, $0x0  }
0xa: {  	s24 =	sadd.s32 s4, s24;
	s5 =	sshrl.u32 s25, $0x1;
	s8 =	sadd.s32 $0x100, s6  }
0xb: {  	s9 =	sadd.s32 $0x200, s6;
	s10 =	sadd.s32 $0x300, s6;
	s11 =	sadd.s32 $0x400, s6  }
0xc: {  	s12 =	sadd.s32 $0x500, s6;
	s13 =	sadd.s32 $0x600, s6;
	s14 =	sadd.s32 $0x700, s6  }
0xd: {  	s15 =	sadd.s32 $0x800, s6;
	s16 =	sadd.s32 $0x900, s6;
	s17 =	sadd.s32 $0xA00, s6  }
.Ltmp0:
0xe: {  	s18 =	sadd.s32 $0xB00, s6;
	s19 =	sadd.s32 $0xC00, s6;
	(pc) =	sbr.rel .LBB2_1-.Ltmp0, $4  }
0xf: {  	s20 =	sadd.s32 $0xD00, s6;
	s22 =	sadd.s32 $0xE00, s6;
	p1 =	sne.s32 s28, $0x0  }
0x10: {  	s23 =	sadd.s32 $0xF00, s6;
	s26 =	sadd.s32 $0x80, s21;
	s3 =	ssub.s32 s25, s5  }
0x11: {  	s5 =	sadd.s32 s0, s7;
	s7 =	sadd.s32 s1, s7;
	s0 =	simm.s32 $0x1400  }
0x12: {  	v0 =	vimm.f32 $0.0e+00;
	v1 =	vimm.s32 $0x0;
	v2 =	vimm.f32 $1.000000000e+00;
	s1 =	simm.s32 $0x2;
	s25 =	smax.u32 s3, $0x1;
	s3 =	simm.s32 $0x1800  }
.LBB2_6:
0x13: {  	s25 =	sadd.s32 $0xFFFFFFFF, s25  }
0x14: {  	p2 =	sne.s32 s25, $0x0  }
.Ltmp1:
0x15: {  	_ = 	snop;
	(pc) =	sbr.rel @!p2 .LBB2_7-.Ltmp1, $1  }
0x16: {  	_ =	sdelay $0x3  }
.LBB2_1:
.Ltmp2:
0x17: {  	(pc) =	sbr.rel @p0 .LBB2_3-.Ltmp2, $1  }
0x18: {  	_ =	sdelay $0x3  }
0x19: {  	[tilespmem:s2], [sflag:$0x1] =	stream.linear.gather [hbm4b:s5+s2], $0x400, $0x38;
	[tilespmem:$0x2100] =	vst v63  }
0x1a: {  	s28 =	simm.s32 $0x400  }
0x1b: {  	[tilespmem:s28], [sflag:$0x1] =	stream.linear.gather [hbm4b:s7+s2], $0x400, $0x38;
	[tilespmem:$0x2100] =	vst v63  }
0x1c: {  	[tilespmem:$0x800] =	vst v0  }
0x1d: {  	[tilespmem:$0x810] =	vst v0  }
0x1e: {  	[tilespmem:$0x820] =	vst v0  }
0x1f: {  	[tilespmem:$0x830] =	vst v0  }
0x20: {  	[tilespmem:$0x840] =	vst v0  }
0x21: {  	[tilespmem:$0x850] =	vst v0  }
0x22: {  	[tilespmem:$0x860] =	vst v0  }
0x23: {  	[tilespmem:$0x870] =	vst v0  }
0x24: {  	[tilespmem:$0x880] =	vst v0  }
0x25: {  	[tilespmem:$0x890] =	vst v0  }
0x26: {  	[tilespmem:$0x8A0] =	vst v0  }
0x27: {  	[tilespmem:$0x8B0] =	vst v0  }
0x28: {  	[tilespmem:$0x8C0] =	vst v0  }
0x29: {  	[tilespmem:$0x8D0] =	vst v0  }
0x2a: {  	[tilespmem:$0x8E0] =	vst v0  }
0x2b: {  	[tilespmem:$0x8F0] =	vst v0  }
0x2c: {  	[tilespmem:$0x900] =	vst v0  }
0x2d: {  	[tilespmem:$0x910] =	vst v0  }
0x2e: {  	[tilespmem:$0x920] =	vst v0  }
0x2f: {  	[tilespmem:$0x930] =	vst v0  }
0x30: {  	[tilespmem:$0x940] =	vst v0  }
0x31: {  	[tilespmem:$0x950] =	vst v0  }
0x32: {  	[tilespmem:$0x960] =	vst v0  }
0x33: {  	[tilespmem:$0x970] =	vst v0  }
0x34: {  	[tilespmem:$0x980] =	vst v0  }
0x35: {  	[tilespmem:$0x990] =	vst v0  }
0x36: {  	[tilespmem:$0x9A0] =	vst v0  }
0x37: {  	[tilespmem:$0x9B0] =	vst v0  }
0x38: {  	[tilespmem:$0x9C0] =	vst v0  }
0x39: {  	[tilespmem:$0x9D0] =	vst v0  }
0x3a: {  	[tilespmem:$0x9E0] =	vst v0  }
0x3b: {  	[tilespmem:$0x9F0] =	vst v0  }
0x3c: {  	[tilespmem:$0xA00] =	vst v0  }
0x3d: {  	[tilespmem:$0xA10] =	vst v0  }
0x3e: {  	[tilespmem:$0xA20] =	vst v0  }
0x3f: {  	[tilespmem:$0xA30] =	vst v0  }
0x40: {  	[tilespmem:$0xA40] =	vst v0  }
0x41: {  	[tilespmem:$0xA50] =	vst v0  }
0x42: {  	[tilespmem:$0xA60] =	vst v0  }
0x43: {  	[tilespmem:$0xA70] =	vst v0  }
0x44: {  	[tilespmem:$0xA80] =	vst v0  }
0x45: {  	[tilespmem:$0xA90] =	vst v0  }
0x46: {  	[tilespmem:$0xAA0] =	vst v0  }
0x47: {  	[tilespmem:$0xAB0] =	vst v0  }
0x48: {  	[tilespmem:$0xAC0] =	vst v0  }
0x49: {  	[tilespmem:$0xAD0] =	vst v0  }
0x4a: {  	[tilespmem:$0xAE0] =	vst v0  }
0x4b: {  	[tilespmem:$0xAF0] =	vst v0  }
0x4c: {  	[tilespmem:$0xB00] =	vst v0  }
0x4d: {  	[tilespmem:$0xB10] =	vst v0  }
0x4e: {  	[tilespmem:$0xB20] =	vst v0  }
0x4f: {  	[tilespmem:$0xB30] =	vst v0  }
0x50: {  	[tilespmem:$0xB40] =	vst v0  }
0x51: {  	[tilespmem:$0xB50] =	vst v0  }
0x52: {  	[tilespmem:$0xB60] =	vst v0  }
0x53: {  	[tilespmem:$0xB70] =	vst v0  }
0x54: {  	[tilespmem:$0xB80] =	vst v0  }
0x55: {  	[tilespmem:$0xB90] =	vst v0  }
0x56: {  	[tilespmem:$0xBA0] =	vst v0  }
0x57: {  	[tilespmem:$0xBB0] =	vst v0  }
0x58: {  	[tilespmem:$0xBC0] =	vst v0  }
0x59: {  	[tilespmem:$0xBD0] =	vst v0  }
0x5a: {  	[tilespmem:$0xBE0] =	vst v0  }
0x5b: {  	[tilespmem:$0xBF0] =	vst v0  }
0x5c: {  	[tilespmem:$0xC00] =	vst v0  }
0x5d: {  	[tilespmem:$0xC10] =	vst v0  }
0x5e: {  	[tilespmem:$0xC20] =	vst v0  }
0x5f: {  	[tilespmem:$0xC30] =	vst v0  }
0x60: {  	[tilespmem:$0xC40] =	vst v0  }
0x61: {  	[tilespmem:$0xC50] =	vst v0  }
0x62: {  	[tilespmem:$0xC60] =	vst v0  }
0x63: {  	[tilespmem:$0xC70] =	vst v0  }
0x64: {  	[tilespmem:$0xC80] =	vst v0  }
0x65: {  	[tilespmem:$0xC90] =	vst v0  }
0x66: {  	[tilespmem:$0xCA0] =	vst v0  }
0x67: {  	[tilespmem:$0xCB0] =	vst v0  }
0x68: {  	[tilespmem:$0xCC0] =	vst v0  }
0x69: {  	[tilespmem:$0xCD0] =	vst v0  }
0x6a: {  	[tilespmem:$0xCE0] =	vst v0  }
0x6b: {  	[tilespmem:$0xCF0] =	vst v0  }
0x6c: {  	[tilespmem:$0xD00] =	vst v0  }
0x6d: {  	[tilespmem:$0xD10] =	vst v0  }
0x6e: {  	[tilespmem:$0xD20] =	vst v0  }
0x6f: {  	[tilespmem:$0xD30] =	vst v0  }
0x70: {  	[tilespmem:$0xD40] =	vst v0  }
0x71: {  	[tilespmem:$0xD50] =	vst v0  }
0x72: {  	[tilespmem:$0xD60] =	vst v0  }
0x73: {  	[tilespmem:$0xD70] =	vst v0  }
0x74: {  	[tilespmem:$0xD80] =	vst v0  }
0x75: {  	[tilespmem:$0xD90] =	vst v0  }
0x76: {  	[tilespmem:$0xDA0] =	vst v0  }
0x77: {  	[tilespmem:$0xDB0] =	vst v0  }
0x78: {  	[tilespmem:$0xDC0] =	vst v0  }
0x79: {  	[tilespmem:$0xDD0] =	vst v0  }
0x7a: {  	[tilespmem:$0xDE0] =	vst v0  }
0x7b: {  	[tilespmem:$0xDF0] =	vst v0  }
0x7c: {  	[tilespmem:$0xE00] =	vst v0  }
0x7d: {  	[tilespmem:$0xE10] =	vst v0  }
0x7e: {  	[tilespmem:$0xE20] =	vst v0  }
0x7f: {  	[tilespmem:$0xE30] =	vst v0  }
0x80: {  	[tilespmem:$0xE40] =	vst v0  }
0x81: {  	[tilespmem:$0xE50] =	vst v0  }
0x82: {  	[tilespmem:$0xE60] =	vst v0  }
0x83: {  	[tilespmem:$0xE70] =	vst v0  }
0x84: {  	[tilespmem:$0xE80] =	vst v0  }
0x85: {  	[tilespmem:$0xE90] =	vst v0  }
0x86: {  	[tilespmem:$0xEA0] =	vst v0  }
0x87: {  	[tilespmem:$0xEB0] =	vst v0  }
0x88: {  	[tilespmem:$0xEC0] =	vst v0  }
0x89: {  	[tilespmem:$0xED0] =	vst v0  }
0x8a: {  	[tilespmem:$0xEE0] =	vst v0  }
0x8b: {  	[tilespmem:$0xEF0] =	vst v0  }
0x8c: {  	[tilespmem:$0xF00] =	vst v0  }
0x8d: {  	[tilespmem:$0xF10] =	vst v0  }
0x8e: {  	[tilespmem:$0xF20] =	vst v0  }
0x8f: {  	[tilespmem:$0xF30] =	vst v0  }
0x90: {  	[tilespmem:$0xF40] =	vst v0  }
0x91: {  	[tilespmem:$0xF50] =	vst v0  }
0x92: {  	[tilespmem:$0xF60] =	vst v0  }
0x93: {  	[tilespmem:$0xF70] =	vst v0  }
0x94: {  	[tilespmem:$0xF80] =	vst v0  }
0x95: {  	[tilespmem:$0xF90] =	vst v0  }
0x96: {  	[tilespmem:$0xFA0] =	vst v0  }
0x97: {  	[tilespmem:$0xFB0] =	vst v0  }
0x98: {  	[tilespmem:$0xFC0] =	vst v0  }
0x99: {  	[tilespmem:$0xFD0] =	vst v0  }
0x9a: {  	[tilespmem:$0xFE0] =	vst v0  }
0x9b: {  	[tilespmem:$0xFF0] =	vst v0  }
0x9c: {  	_ =	swait.ge [sflag:s29], $0x400  }
0x9d: {  	[sflag:s29] =	ssyncset.done $0x0  }
0x9e: {  	[sflag:s29] =	ssyncadd.s32 $0xFFFFFC00  }
0x9f: {  	_ =	swait.ge [sflag:s29], $0x400  }
0xa0: {  	[sflag:s29] =	ssyncset.done $0x0  }
0xa1: {  	[sflag:s29] =	ssyncadd.s32 $0xFFFFFC00  }
0xa2: {  	v3 =	vld [tilespmem:$0x0]  }
0xa3: {  	v4 =	vld [tilespmem:$0x400];
	_ =	sdelay $0x4  }
0xa4: {  	vm0 =	veq.s32 v3, v4;
	v3 =	vand.u32 $0xFFFFFFC0, v4  }
0xa5: {  	v5 =	vsel vm0, $0x40, v1;
	v3 =	vadd.s32 v4, v3  }
0xa6: {  	v3 =	vadd.s32 v5, v3;
	_ =	sdelay $0x4  }
0xa7: {  	[tilespmem:v3+s30+$0x0] =	vst.idx.add.f32.msk $0xffff, v2  }
0xa8: {  	v3 =	vld [tilespmem:$0x10]  }
0xa9: {  	v47 =	vld [tilespmem:$0x410];
	_ =	sdelay $0x4  }
0xaa: {  	vm12 =	veq.s32 v3, v47;
	v3 =	vand.u32 $0xFFFFFFC0, v47  }
0xab: {  	v48 =	vsel vm12, $0x40, v1;
	v3 =	vadd.s32 v47, v3  }
0xac: {  	v3 =	vadd.s32 v48, v3;
	_ =	sdelay $0x4  }
0xad: {  	[tilespmem:v3+s30+$0x0] =	vst.idx.add.f32.msk $0xffff, v2  }
0xae: {  	v3 =	vld [tilespmem:$0x20]  }
0xaf: {  	v49 =	vld [tilespmem:$0x420];
	_ =	sdelay $0x4  }
0xb0: {  	vm13 =	veq.s32 v3, v49;
	v3 =	vand.u32 $0xFFFFFFC0, v49  }
0xb1: {  	v50 =	vsel vm13, $0x40, v1;
	v3 =	vadd.s32 v49, v3  }
0xb2: {  	v3 =	vadd.s32 v50, v3;
	_ =	sdelay $0x4  }
0xb3: {  	[tilespmem:v3+s30+$0x0] =	vst.idx.add.f32.msk $0xffff, v2  }
0xb4: {  	v3 =	vld [tilespmem:$0x30]  }
0xb5: {  	v51 =	vld [tilespmem:$0x430];
	_ =	sdelay $0x4  }
0xb6: {  	vm14 =	veq.s32 v3, v51;
	v3 =	vand.u32 $0xFFFFFFC0, v51  }
0xb7: {  	v52 =	vsel vm14, $0x40, v1;
	v3 =	vadd.s32 v51, v3  }
0xb8: {  	v3 =	vadd.s32 v52, v3;
	_ =	sdelay $0x4  }
0xb9: {  	[tilespmem:v3+s30+$0x0] =	vst.idx.add.f32.msk $0xffff, v2  }
0xba: {  	v3 =	vld [tilespmem:$0x40]  }
0xbb: {  	v53 =	vld [tilespmem:$0x440];
	_ =	sdelay $0x4  }
0xbc: {  	vm15 =	veq.s32 v3, v53;
	v3 =	vand.u32 $0xFFFFFFC0, v53  }
0xbd: {  	v54 =	vsel vm15, $0x40, v1;
	v3 =	vadd.s32 v53, v3  }
0xbe: {  	v3 =	vadd.s32 v54, v3;
	_ =	sdelay $0x4  }
0xbf: {  	[tilespmem:v3+s30+$0x0] =	vst.idx.add.f32.msk $0xffff, v2  }
0xc0: {  	v3 =	vld [tilespmem:$0x50]  }
0xc1: {  	v55 =	vld [tilespmem:$0x450];
	_ =	sdelay $0x4  }
0xc2: {  	vm4 =	veq.s32 v3, v55;
	v3 =	vand.u32 $0xFFFFFFC0, v55  }
0xc3: {  	v56 =	vsel vm4, $0x40, v1;
	v3 =	vadd.s32 v55, v3  }
0xc4: {  	v3 =	vadd.s32 v56, v3;
	_ =	sdelay $0x4  }
0xc5: {  	[tilespmem:v3+s30+$0x0] =	vst.idx.add.f32.msk $0xffff, v2  }
0xc6: {  	v3 =	vld [tilespmem:$0x60]  }
0xc7: {  	v57 =	vld [tilespmem:$0x460];
	_ =	sdelay $0x4  }
0xc8: {  	vm5 =	veq.s32 v3, v57;
	v3 =	vand.u32 $0xFFFFFFC0, v57  }
0xc9: {  	v58 =	vsel vm5, $0x40, v1;
	v3 =	vadd.s32 v57, v3  }
0xca: {  	v3 =	vadd.s32 v58, v3;
	_ =	sdelay $0x4  }
0xcb: {  	[tilespmem:v3+s30+$0x0] =	vst.idx.add.f32.msk $0xffff, v2  }
0xcc: {  	v3 =	vld [tilespmem:$0x70]  }
0xcd: {  	v59 =	vld [tilespmem:$0x470];
	_ =	sdelay $0x4  }
0xce: {  	vm6 =	veq.s32 v3, v59;
	v3 =	vand.u32 $0xFFFFFFC0, v59  }
0xcf: {  	v60 =	vsel vm6, $0x40, v1;
	v3 =	vadd.s32 v59, v3  }
0xd0: {  	v3 =	vadd.s32 v60, v3;
	_ =	sdelay $0x4  }
0xd1: {  	[tilespmem:v3+s30+$0x0] =	vst.idx.add.f32.msk $0xffff, v2  }
0xd2: {  	v3 =	vld [tilespmem:$0x80]  }
0xd3: {  	v61 =	vld [tilespmem:$0x480];
	_ =	sdelay $0x4  }
0xd4: {  	vm7 =	veq.s32 v3, v61;
	v3 =	vand.u32 $0xFFFFFFC0, v61  }
0xd5: {  	v62 =	vsel vm7, $0x40, v1;
	v3 =	vadd.s32 v61, v3  }
0xd6: {  	v3 =	vadd.s32 v62, v3;
	_ =	sdelay $0x4  }
0xd7: {  	[tilespmem:v3+s30+$0x0] =	vst.idx.add.f32.msk $0xffff, v2  }
0xd8: {  	v3 =	vld [tilespmem:$0x90]  }
0xd9: {  	v63 =	vld [tilespmem:$0x490];
	_ =	sdelay $0x4  }
0xda: {  	vm8 =	veq.s32 v3, v63;
	v3 =	vand.u32 $0xFFFFFFC0, v63  }
0xdb: {  	v8 =	vsel vm8, $0x40, v1;
	v3 =	vadd.s32 v63, v3  }
0xdc: {  	v3 =	vadd.s32 v8, v3;
	_ =	sdelay $0x4  }
0xdd: {  	[tilespmem:v3+s30+$0x0] =	vst.idx.add.f32.msk $0xffff, v2  }
0xde: {  	v3 =	vld [tilespmem:$0xA0]  }
0xdf: {  	v9 =	vld [tilespmem:$0x4A0];
	_ =	sdelay $0x4  }
0xe0: {  	vm9 =	veq.s32 v3, v9;
	v3 =	vand.u32 $0xFFFFFFC0, v9  }
0xe1: {  	v10 =	vsel vm9, $0x40, v1;
	v3 =	vadd.s32 v9, v3  }
0xe2: {  	v3 =	vadd.s32 v10, v3;
	_ =	sdelay $0x4  }
0xe3: {  	[tilespmem:v3+s30+$0x0] =	vst.idx.add.f32.msk $0xffff, v2  }
0xe4: {  	v3 =	vld [tilespmem:$0xB0]  }
0xe5: {  	v11 =	vld [tilespmem:$0x4B0];
	_ =	sdelay $0x4  }
0xe6: {  	vm10 =	veq.s32 v3, v11;
	v3 =	vand.u32 $0xFFFFFFC0, v11  }
0xe7: {  	v12 =	vsel vm10, $0x40, v1;
	v3 =	vadd.s32 v11, v3  }
0xe8: {  	v3 =	vadd.s32 v12, v3;
	_ =	sdelay $0x4  }
0xe9: {  	[tilespmem:v3+s30+$0x0] =	vst.idx.add.f32.msk $0xffff, v2  }
0xea: {  	v3 =	vld [tilespmem:$0xC0]  }
0xeb: {  	v13 =	vld [tilespmem:$0x4C0];
	_ =	sdelay $0x4  }
0xec: {  	vm11 =	veq.s32 v3, v13;
	v3 =	vand.u32 $0xFFFFFFC0, v13  }
0xed: {  	v14 =	vsel vm11, $0x40, v1;
	v3 =	vadd.s32 v13, v3  }
0xee: {  	v3 =	vadd.s32 v14, v3;
	_ =	sdelay $0x4  }
0xef: {  	[tilespmem:v3+s30+$0x0] =	vst.idx.add.f32.msk $0xffff, v2  }
0xf0: {  	v3 =	vld [tilespmem:$0xD0]  }
0xf1: {  	v15 =	vld [tilespmem:$0x4D0];
	_ =	sdelay $0x4  }
0xf2: {  	vm12 =	veq.s32 v3, v15;
	v3 =	vand.u32 $0xFFFFFFC0, v15  }
0xf3: {  	v16 =	vsel vm12, $0x40, v1;
	v3 =	vadd.s32 v15, v3  }
0xf4: {  	v3 =	vadd.s32 v16, v3;
	_ =	sdelay $0x4  }
0xf5: {  	[tilespmem:v3+s30+$0x0] =	vst.idx.add.f32.msk $0xffff, v2  }
0xf6: {  	v3 =	vld [tilespmem:$0xE0]  }
0xf7: {  	v17 =	vld [tilespmem:$0x4E0];
	_ =	sdelay $0x4  }
0xf8: {  	vm13 =	veq.s32 v3, v17;
	v3 =	vand.u32 $0xFFFFFFC0, v17  }
0xf9: {  	v18 =	vsel vm13, $0x40, v1;
	v3 =	vadd.s32 v17, v3  }
0xfa: {  	v3 =	vadd.s32 v18, v3;
	_ =	sdelay $0x4  }
0xfb: {  	[tilespmem:v3+s30+$0x0] =	vst.idx.add.f32.msk $0xffff, v2  }
0xfc: {  	v3 =	vld [tilespmem:$0xF0]  }
0xfd: {  	v19 =	vld [tilespmem:$0x4F0];
	_ =	sdelay $0x4  }
0xfe: {  	vm14 =	veq.s32 v3, v19;
	v3 =	vand.u32 $0xFFFFFFC0, v19  }
0xff: {  	v20 =	vsel vm14, $0x40, v1;
	v3 =	vadd.s32 v19, v3  }
0x100: {  	v3 =	vadd.s32 v20, v3;
	_ =	sdelay $0x4  }
0x101: {  	[tilespmem:v3+s30+$0x0] =	vst.idx.add.f32.msk $0xffff, v2  }
0x102: {  	v3 =	vld [tilespmem:$0x100]  }
0x103: {  	v21 =	vld [tilespmem:$0x500];
	_ =	sdelay $0x4  }
0x104: {  	vm15 =	veq.s32 v3, v21;
	v3 =	vand.u32 $0xFFFFFFC0, v21  }
0x105: {  	v22 =	vsel vm15, $0x40, v1;
	v3 =	vadd.s32 v21, v3  }
0x106: {  	v3 =	vadd.s32 v22, v3;
	_ =	sdelay $0x4  }
0x107: {  	[tilespmem:v3+s30+$0x0] =	vst.idx.add.f32.msk $0xffff, v2  }
0x108: {  	v3 =	vld [tilespmem:$0x110]  }
0x109: {  	v23 =	vld [tilespmem:$0x510];
	_ =	sdelay $0x4  }
0x10a: {  	vm4 =	veq.s32 v3, v23;
	v3 =	vand.u32 $0xFFFFFFC0, v23  }
0x10b: {  	v24 =	vsel vm4, $0x40, v1;
	v3 =	vadd.s32 v23, v3  }
0x10c: {  	v3 =	vadd.s32 v24, v3;
	_ =	sdelay $0x4  }
0x10d: {  	[tilespmem:v3+s30+$0x0] =	vst.idx.add.f32.msk $0xffff, v2  }
0x10e: {  	v3 =	vld [tilespmem:$0x120]  }
0x10f: {  	v25 =	vld [tilespmem:$0x520];
	_ =	sdelay $0x4  }
0x110: {  	vm5 =	veq.s32 v3, v25;
	v3 =	vand.u32 $0xFFFFFFC0, v25  }
0x111: {  	v26 =	vsel vm5, $0x40, v1;
	v3 =	vadd.s32 v25, v3  }
0x112: {  	v3 =	vadd.s32 v26, v3;
	_ =	sdelay $0x4  }
0x113: {  	[tilespmem:v3+s30+$0x0] =	vst.idx.add.f32.msk $0xffff, v2  }
0x114: {  	v3 =	vld [tilespmem:$0x130]  }
0x115: {  	v27 =	vld [tilespmem:$0x530];
	_ =	sdelay $0x4  }
0x116: {  	vm6 =	veq.s32 v3, v27;
	v3 =	vand.u32 $0xFFFFFFC0, v27  }
0x117: {  	v28 =	vsel vm6, $0x40, v1;
	v3 =	vadd.s32 v27, v3  }
0x118: {  	v3 =	vadd.s32 v28, v3;
	_ =	sdelay $0x4  }
0x119: {  	[tilespmem:v3+s30+$0x0] =	vst.idx.add.f32.msk $0xffff, v2  }
0x11a: {  	v3 =	vld [tilespmem:$0x140]  }
0x11b: {  	v29 =	vld [tilespmem:$0x540];
	_ =	sdelay $0x4  }
0x11c: {  	vm7 =	veq.s32 v3, v29;
	v3 =	vand.u32 $0xFFFFFFC0, v29  }
0x11d: {  	v30 =	vsel vm7, $0x40, v1;
	v3 =	vadd.s32 v29, v3  }
0x11e: {  	v3 =	vadd.s32 v30, v3;
	_ =	sdelay $0x4  }
0x11f: {  	[tilespmem:v3+s30+$0x0] =	vst.idx.add.f32.msk $0xffff, v2  }
0x120: {  	v3 =	vld [tilespmem:$0x150]  }
0x121: {  	v31 =	vld [tilespmem:$0x550];
	_ =	sdelay $0x4  }
0x122: {  	vm8 =	veq.s32 v3, v31;
	v3 =	vand.u32 $0xFFFFFFC0, v31  }
0x123: {  	v32 =	vsel vm8, $0x40, v1;
	v3 =	vadd.s32 v31, v3  }
0x124: {  	v3 =	vadd.s32 v32, v3;
	_ =	sdelay $0x4  }
0x125: {  	[tilespmem:v3+s30+$0x0] =	vst.idx.add.f32.msk $0xffff, v2  }
0x126: {  	v3 =	vld [tilespmem:$0x160]  }
0x127: {  	v33 =	vld [tilespmem:$0x560];
	_ =	sdelay $0x4  }
0x128: {  	vm9 =	veq.s32 v3, v33;
	v3 =	vand.u32 $0xFFFFFFC0, v33  }
0x129: {  	v34 =	vsel vm9, $0x40, v1;
	v3 =	vadd.s32 v33, v3  }
0x12a: {  	v3 =	vadd.s32 v34, v3;
	_ =	sdelay $0x4  }
0x12b: {  	[tilespmem:v3+s30+$0x0] =	vst.idx.add.f32.msk $0xffff, v2  }
0x12c: {  	v3 =	vld [tilespmem:$0x170]  }
0x12d: {  	v35 =	vld [tilespmem:$0x570];
	_ =	sdelay $0x4  }
0x12e: {  	vm10 =	veq.s32 v3, v35;
	v3 =	vand.u32 $0xFFFFFFC0, v35  }
0x12f: {  	v36 =	vsel vm10, $0x40, v1;
	v3 =	vadd.s32 v35, v3  }
0x130: {  	v3 =	vadd.s32 v36, v3;
	_ =	sdelay $0x4  }
0x131: {  	[tilespmem:v3+s30+$0x0] =	vst.idx.add.f32.msk $0xffff, v2  }
0x132: {  	v3 =	vld [tilespmem:$0x180]  }
0x133: {  	v37 =	vld [tilespmem:$0x580];
	_ =	sdelay $0x4  }
0x134: {  	vm11 =	veq.s32 v3, v37;
	v3 =	vand.u32 $0xFFFFFFC0, v37  }
0x135: {  	v38 =	vsel vm11, $0x40, v1;
	v3 =	vadd.s32 v37, v3  }
0x136: {  	v3 =	vadd.s32 v38, v3;
	_ =	sdelay $0x4  }
0x137: {  	[tilespmem:v3+s30+$0x0] =	vst.idx.add.f32.msk $0xffff, v2  }
0x138: {  	v3 =	vld [tilespmem:$0x190]  }
0x139: {  	v39 =	vld [tilespmem:$0x590];
	_ =	sdelay $0x4  }
0x13a: {  	vm12 =	veq.s32 v3, v39;
	v3 =	vand.u32 $0xFFFFFFC0, v39  }
0x13b: {  	v40 =	vsel vm12, $0x40, v1;
	v3 =	vadd.s32 v39, v3  }
0x13c: {  	v3 =	vadd.s32 v40, v3;
	_ =	sdelay $0x4  }
0x13d: {  	[tilespmem:v3+s30+$0x0] =	vst.idx.add.f32.msk $0xffff, v2  }
0x13e: {  	v3 =	vld [tilespmem:$0x1A0]  }
0x13f: {  	v41 =	vld [tilespmem:$0x5A0];
	_ =	sdelay $0x4  }
0x140: {  	vm13 =	veq.s32 v3, v41;
	v3 =	vand.u32 $0xFFFFFFC0, v41  }
0x141: {  	v42 =	vsel vm13, $0x40, v1;
	v3 =	vadd.s32 v41, v3  }
0x142: {  	v3 =	vadd.s32 v42, v3;
	_ =	sdelay $0x4  }
0x143: {  	[tilespmem:v3+s30+$0x0] =	vst.idx.add.f32.msk $0xffff, v2  }
0x144: {  	v3 =	vld [tilespmem:$0x1B0]  }
0x145: {  	v43 =	vld [tilespmem:$0x5B0];
	_ =	sdelay $0x4  }
0x146: {  	vm14 =	veq.s32 v3, v43;
	v3 =	vand.u32 $0xFFFFFFC0, v43  }
0x147: {  	v44 =	vsel vm14, $0x40, v1;
	v3 =	vadd.s32 v43, v3  }
0x148: {  	v3 =	vadd.s32 v44, v3;
	_ =	sdelay $0x4  }
0x149: {  	[tilespmem:v3+s30+$0x0] =	vst.idx.add.f32.msk $0xffff, v2  }
0x14a: {  	v3 =	vld [tilespmem:$0x1C0]  }
0x14b: {  	v45 =	vld [tilespmem:$0x5C0];
	_ =	sdelay $0x4  }
0x14c: {  	vm15 =	veq.s32 v3, v45;
	v3 =	vand.u32 $0xFFFFFFC0, v45  }
0x14d: {  	v46 =	vsel vm15, $0x40, v1;
	v3 =	vadd.s32 v45, v3  }
0x14e: {  	v3 =	vadd.s32 v46, v3;
	_ =	sdelay $0x4  }
0x14f: {  	[tilespmem:v3+s30+$0x0] =	vst.idx.add.f32.msk $0xffff, v2  }
0x150: {  	v3 =	vld [tilespmem:$0x1D0]  }
0x151: {  	v47 =	vld [tilespmem:$0x5D0];
	_ =	sdelay $0x4  }
0x152: {  	vm4 =	veq.s32 v3, v47;
	v3 =	vand.u32 $0xFFFFFFC0, v47  }
0x153: {  	v48 =	vsel vm4, $0x40, v1;
	v3 =	vadd.s32 v47, v3  }
0x154: {  	v3 =	vadd.s32 v48, v3;
	_ =	sdelay $0x4  }
0x155: {  	[tilespmem:v3+s30+$0x0] =	vst.idx.add.f32.msk $0xffff, v2  }
0x156: {  	v3 =	vld [tilespmem:$0x1E0]  }
0x157: {  	v49 =	vld [tilespmem:$0x5E0];
	_ =	sdelay $0x4  }
0x158: {  	vm5 =	veq.s32 v3, v49;
	v3 =	vand.u32 $0xFFFFFFC0, v49  }
0x159: {  	v50 =	vsel vm5, $0x40, v1;
	v3 =	vadd.s32 v49, v3  }
0x15a: {  	v3 =	vadd.s32 v50, v3;
	_ =	sdelay $0x4  }
0x15b: {  	[tilespmem:v3+s30+$0x0] =	vst.idx.add.f32.msk $0xffff, v2  }
0x15c: {  	v3 =	vld [tilespmem:$0x1F0]  }
0x15d: {  	v51 =	vld [tilespmem:$0x5F0];
	_ =	sdelay $0x4  }
0x15e: {  	vm6 =	veq.s32 v3, v51;
	v3 =	vand.u32 $0xFFFFFFC0, v51  }
0x15f: {  	v52 =	vsel vm6, $0x40, v1;
	v3 =	vadd.s32 v51, v3  }
0x160: {  	v3 =	vadd.s32 v52, v3;
	_ =	sdelay $0x4  }
0x161: {  	[tilespmem:v3+s30+$0x0] =	vst.idx.add.f32.msk $0xffff, v2  }
0x162: {  	v3 =	vld [tilespmem:$0x200]  }
0x163: {  	v53 =	vld [tilespmem:$0x600];
	_ =	sdelay $0x4  }
0x164: {  	vm7 =	veq.s32 v3, v53;
	v3 =	vand.u32 $0xFFFFFFC0, v53  }
0x165: {  	v54 =	vsel vm7, $0x40, v1;
	v3 =	vadd.s32 v53, v3  }
0x166: {  	v3 =	vadd.s32 v54, v3;
	_ =	sdelay $0x4  }
0x167: {  	[tilespmem:v3+s30+$0x0] =	vst.idx.add.f32.msk $0xffff, v2  }
0x168: {  	v3 =	vld [tilespmem:$0x210]  }
0x169: {  	v55 =	vld [tilespmem:$0x610];
	_ =	sdelay $0x4  }
0x16a: {  	vm8 =	veq.s32 v3, v55;
	v3 =	vand.u32 $0xFFFFFFC0, v55  }
0x16b: {  	v56 =	vsel vm8, $0x40, v1;
	v3 =	vadd.s32 v55, v3  }
0x16c: {  	v3 =	vadd.s32 v56, v3;
	_ =	sdelay $0x4  }
0x16d: {  	[tilespmem:v3+s30+$0x0] =	vst.idx.add.f32.msk $0xffff, v2  }
0x16e: {  	v3 =	vld [tilespmem:$0x220]  }
0x16f: {  	v57 =	vld [tilespmem:$0x620];
	_ =	sdelay $0x4  }
0x170: {  	vm9 =	veq.s32 v3, v57;
	v3 =	vand.u32 $0xFFFFFFC0, v57  }
0x171: {  	v58 =	vsel vm9, $0x40, v1;
	v3 =	vadd.s32 v57, v3  }
0x172: {  	v3 =	vadd.s32 v58, v3;
	_ =	sdelay $0x4  }
0x173: {  	[tilespmem:v3+s30+$0x0] =	vst.idx.add.f32.msk $0xffff, v2  }
0x174: {  	v3 =	vld [tilespmem:$0x230]  }
0x175: {  	v59 =	vld [tilespmem:$0x630];
	_ =	sdelay $0x4  }
0x176: {  	vm10 =	veq.s32 v3, v59;
	v3 =	vand.u32 $0xFFFFFFC0, v59  }
0x177: {  	v60 =	vsel vm10, $0x40, v1;
	v3 =	vadd.s32 v59, v3  }
0x178: {  	v3 =	vadd.s32 v60, v3;
	_ =	sdelay $0x4  }
0x179: {  	[tilespmem:v3+s30+$0x0] =	vst.idx.add.f32.msk $0xffff, v2  }
0x17a: {  	v3 =	vld [tilespmem:$0x240]  }
0x17b: {  	v61 =	vld [tilespmem:$0x640];
	_ =	sdelay $0x4  }
0x17c: {  	vm11 =	veq.s32 v3, v61;
	v3 =	vand.u32 $0xFFFFFFC0, v61  }
0x17d: {  	v62 =	vsel vm11, $0x40, v1;
	v3 =	vadd.s32 v61, v3  }
0x17e: {  	v3 =	vadd.s32 v62, v3;
	_ =	sdelay $0x4  }
0x17f: {  	[tilespmem:v3+s30+$0x0] =	vst.idx.add.f32.msk $0xffff, v2  }
0x180: {  	v3 =	vld [tilespmem:$0x250]  }
0x181: {  	v63 =	vld [tilespmem:$0x650];
	_ =	sdelay $0x4  }
0x182: {  	vm12 =	veq.s32 v3, v63;
	v3 =	vand.u32 $0xFFFFFFC0, v63  }
0x183: {  	v8 =	vsel vm12, $0x40, v1;
	v3 =	vadd.s32 v63, v3  }
0x184: {  	v3 =	vadd.s32 v8, v3;
	_ =	sdelay $0x4  }
0x185: {  	[tilespmem:v3+s30+$0x0] =	vst.idx.add.f32.msk $0xffff, v2  }
0x186: {  	v3 =	vld [tilespmem:$0x260]  }
0x187: {  	v9 =	vld [tilespmem:$0x660];
	_ =	sdelay $0x4  }
0x188: {  	vm13 =	veq.s32 v3, v9;
	v3 =	vand.u32 $0xFFFFFFC0, v9  }
0x189: {  	v10 =	vsel vm13, $0x40, v1;
	v3 =	vadd.s32 v9, v3  }
0x18a: {  	v3 =	vadd.s32 v10, v3;
	_ =	sdelay $0x4  }
0x18b: {  	[tilespmem:v3+s30+$0x0] =	vst.idx.add.f32.msk $0xffff, v2  }
0x18c: {  	v3 =	vld [tilespmem:$0x270]  }
0x18d: {  	v11 =	vld [tilespmem:$0x670];
	_ =	sdelay $0x4  }
0x18e: {  	vm14 =	veq.s32 v3, v11;
	v3 =	vand.u32 $0xFFFFFFC0, v11  }
0x18f: {  	v12 =	vsel vm14, $0x40, v1;
	v3 =	vadd.s32 v11, v3  }
0x190: {  	v3 =	vadd.s32 v12, v3;
	_ =	sdelay $0x4  }
0x191: {  	[tilespmem:v3+s30+$0x0] =	vst.idx.add.f32.msk $0xffff, v2  }
0x192: {  	v3 =	vld [tilespmem:$0x280]  }
0x193: {  	v13 =	vld [tilespmem:$0x680];
	_ =	sdelay $0x4  }
0x194: {  	vm15 =	veq.s32 v3, v13;
	v3 =	vand.u32 $0xFFFFFFC0, v13  }
0x195: {  	v14 =	vsel vm15, $0x40, v1;
	v3 =	vadd.s32 v13, v3  }
0x196: {  	v3 =	vadd.s32 v14, v3;
	_ =	sdelay $0x4  }
0x197: {  	[tilespmem:v3+s30+$0x0] =	vst.idx.add.f32.msk $0xffff, v2  }
0x198: {  	v3 =	vld [tilespmem:$0x290]  }
0x199: {  	v15 =	vld [tilespmem:$0x690];
	_ =	sdelay $0x4  }
0x19a: {  	vm4 =	veq.s32 v3, v15;
	v3 =	vand.u32 $0xFFFFFFC0, v15  }
0x19b: {  	v16 =	vsel vm4, $0x40, v1;
	v3 =	vadd.s32 v15, v3  }
0x19c: {  	v3 =	vadd.s32 v16, v3;
	_ =	sdelay $0x4  }
0x19d: {  	[tilespmem:v3+s30+$0x0] =	vst.idx.add.f32.msk $0xffff, v2  }
0x19e: {  	v3 =	vld [tilespmem:$0x2A0]  }
0x19f: {  	v17 =	vld [tilespmem:$0x6A0];
	_ =	sdelay $0x4  }
0x1a0: {  	vm5 =	veq.s32 v3, v17;
	v3 =	vand.u32 $0xFFFFFFC0, v17  }
0x1a1: {  	v18 =	vsel vm5, $0x40, v1;
	v3 =	vadd.s32 v17, v3  }
0x1a2: {  	v3 =	vadd.s32 v18, v3;
	_ =	sdelay $0x4  }
0x1a3: {  	[tilespmem:v3+s30+$0x0] =	vst.idx.add.f32.msk $0xffff, v2  }
0x1a4: {  	v3 =	vld [tilespmem:$0x2B0]  }
0x1a5: {  	v19 =	vld [tilespmem:$0x6B0];
	_ =	sdelay $0x4  }
0x1a6: {  	vm6 =	veq.s32 v3, v19;
	v3 =	vand.u32 $0xFFFFFFC0, v19  }
0x1a7: {  	v20 =	vsel vm6, $0x40, v1;
	v3 =	vadd.s32 v19, v3  }
0x1a8: {  	v3 =	vadd.s32 v20, v3;
	_ =	sdelay $0x4  }
0x1a9: {  	[tilespmem:v3+s30+$0x0] =	vst.idx.add.f32.msk $0xffff, v2  }
0x1aa: {  	v3 =	vld [tilespmem:$0x2C0]  }
0x1ab: {  	v21 =	vld [tilespmem:$0x6C0];
	_ =	sdelay $0x4  }
0x1ac: {  	vm7 =	veq.s32 v3, v21;
	v3 =	vand.u32 $0xFFFFFFC0, v21  }
0x1ad: {  	v22 =	vsel vm7, $0x40, v1;
	v3 =	vadd.s32 v21, v3  }
0x1ae: {  	v3 =	vadd.s32 v22, v3;
	_ =	sdelay $0x4  }
0x1af: {  	[tilespmem:v3+s30+$0x0] =	vst.idx.add.f32.msk $0xffff, v2  }
0x1b0: {  	v3 =	vld [tilespmem:$0x2D0]  }
0x1b1: {  	v23 =	vld [tilespmem:$0x6D0];
	_ =	sdelay $0x4  }
0x1b2: {  	vm8 =	veq.s32 v3, v23;
	v3 =	vand.u32 $0xFFFFFFC0, v23  }
0x1b3: {  	v24 =	vsel vm8, $0x40, v1;
	v3 =	vadd.s32 v23, v3  }
0x1b4: {  	v3 =	vadd.s32 v24, v3;
	_ =	sdelay $0x4  }
0x1b5: {  	[tilespmem:v3+s30+$0x0] =	vst.idx.add.f32.msk $0xffff, v2  }
0x1b6: {  	v3 =	vld [tilespmem:$0x2E0]  }
0x1b7: {  	v25 =	vld [tilespmem:$0x6E0];
	_ =	sdelay $0x4  }
0x1b8: {  	vm9 =	veq.s32 v3, v25;
	v3 =	vand.u32 $0xFFFFFFC0, v25  }
0x1b9: {  	v26 =	vsel vm9, $0x40, v1;
	v3 =	vadd.s32 v25, v3  }
0x1ba: {  	v3 =	vadd.s32 v26, v3;
	_ =	sdelay $0x4  }
0x1bb: {  	[tilespmem:v3+s30+$0x0] =	vst.idx.add.f32.msk $0xffff, v2  }
0x1bc: {  	v3 =	vld [tilespmem:$0x2F0]  }
0x1bd: {  	v27 =	vld [tilespmem:$0x6F0];
	_ =	sdelay $0x4  }
0x1be: {  	vm10 =	veq.s32 v3, v27;
	v3 =	vand.u32 $0xFFFFFFC0, v27  }
0x1bf: {  	v28 =	vsel vm10, $0x40, v1;
	v3 =	vadd.s32 v27, v3  }
0x1c0: {  	v3 =	vadd.s32 v28, v3;
	_ =	sdelay $0x4  }
0x1c1: {  	[tilespmem:v3+s30+$0x0] =	vst.idx.add.f32.msk $0xffff, v2  }
0x1c2: {  	v3 =	vld [tilespmem:$0x300]  }
0x1c3: {  	v29 =	vld [tilespmem:$0x700];
	_ =	sdelay $0x4  }
0x1c4: {  	vm11 =	veq.s32 v3, v29;
	v3 =	vand.u32 $0xFFFFFFC0, v29  }
0x1c5: {  	v30 =	vsel vm11, $0x40, v1;
	v3 =	vadd.s32 v29, v3  }
0x1c6: {  	v3 =	vadd.s32 v30, v3;
	_ =	sdelay $0x4  }
0x1c7: {  	[tilespmem:v3+s30+$0x0] =	vst.idx.add.f32.msk $0xffff, v2  }
0x1c8: {  	v3 =	vld [tilespmem:$0x310]  }
0x1c9: {  	v31 =	vld [tilespmem:$0x710];
	_ =	sdelay $0x4  }
0x1ca: {  	vm12 =	veq.s32 v3, v31;
	v3 =	vand.u32 $0xFFFFFFC0, v31  }
0x1cb: {  	v32 =	vsel vm12, $0x40, v1;
	v3 =	vadd.s32 v31, v3  }
0x1cc: {  	v3 =	vadd.s32 v32, v3;
	_ =	sdelay $0x4  }
0x1cd: {  	[tilespmem:v3+s30+$0x0] =	vst.idx.add.f32.msk $0xffff, v2  }
0x1ce: {  	v3 =	vld [tilespmem:$0x320]  }
0x1cf: {  	v33 =	vld [tilespmem:$0x720];
	_ =	sdelay $0x4  }
0x1d0: {  	vm13 =	veq.s32 v3, v33;
	v3 =	vand.u32 $0xFFFFFFC0, v33  }
0x1d1: {  	v34 =	vsel vm13, $0x40, v1;
	v3 =	vadd.s32 v33, v3  }
0x1d2: {  	v3 =	vadd.s32 v34, v3;
	_ =	sdelay $0x4  }
0x1d3: {  	[tilespmem:v3+s30+$0x0] =	vst.idx.add.f32.msk $0xffff, v2  }
0x1d4: {  	v3 =	vld [tilespmem:$0x330]  }
0x1d5: {  	v35 =	vld [tilespmem:$0x730];
	_ =	sdelay $0x4  }
0x1d6: {  	vm14 =	veq.s32 v3, v35;
	v3 =	vand.u32 $0xFFFFFFC0, v35  }
0x1d7: {  	v36 =	vsel vm14, $0x40, v1;
	v3 =	vadd.s32 v35, v3  }
0x1d8: {  	v3 =	vadd.s32 v36, v3;
	_ =	sdelay $0x4  }
0x1d9: {  	[tilespmem:v3+s30+$0x0] =	vst.idx.add.f32.msk $0xffff, v2  }
0x1da: {  	v3 =	vld [tilespmem:$0x340]  }
0x1db: {  	v37 =	vld [tilespmem:$0x740];
	_ =	sdelay $0x4  }
0x1dc: {  	vm15 =	veq.s32 v3, v37;
	v3 =	vand.u32 $0xFFFFFFC0, v37  }
0x1dd: {  	v38 =	vsel vm15, $0x40, v1;
	v3 =	vadd.s32 v37, v3  }
0x1de: {  	v3 =	vadd.s32 v38, v3;
	_ =	sdelay $0x4  }
0x1df: {  	[tilespmem:v3+s30+$0x0] =	vst.idx.add.f32.msk $0xffff, v2  }
0x1e0: {  	v3 =	vld [tilespmem:$0x350]  }
0x1e1: {  	v39 =	vld [tilespmem:$0x750];
	_ =	sdelay $0x4  }
0x1e2: {  	vm4 =	veq.s32 v3, v39;
	v3 =	vand.u32 $0xFFFFFFC0, v39  }
0x1e3: {  	v40 =	vsel vm4, $0x40, v1;
	v3 =	vadd.s32 v39, v3  }
0x1e4: {  	v3 =	vadd.s32 v40, v3;
	_ =	sdelay $0x4  }
0x1e5: {  	[tilespmem:v3+s30+$0x0] =	vst.idx.add.f32.msk $0xffff, v2  }
0x1e6: {  	v3 =	vld [tilespmem:$0x360]  }
0x1e7: {  	v41 =	vld [tilespmem:$0x760];
	_ =	sdelay $0x4  }
0x1e8: {  	vm5 =	veq.s32 v3, v41;
	v3 =	vand.u32 $0xFFFFFFC0, v41  }
0x1e9: {  	v42 =	vsel vm5, $0x40, v1;
	v3 =	vadd.s32 v41, v3  }
0x1ea: {  	v3 =	vadd.s32 v42, v3;
	_ =	sdelay $0x4  }
0x1eb: {  	[tilespmem:v3+s30+$0x0] =	vst.idx.add.f32.msk $0xffff, v2  }
0x1ec: {  	v3 =	vld [tilespmem:$0x370]  }
0x1ed: {  	v43 =	vld [tilespmem:$0x770];
	_ =	sdelay $0x4  }
0x1ee: {  	vm6 =	veq.s32 v3, v43;
	v3 =	vand.u32 $0xFFFFFFC0, v43  }
0x1ef: {  	v44 =	vsel vm6, $0x40, v1;
	v3 =	vadd.s32 v43, v3  }
0x1f0: {  	v3 =	vadd.s32 v44, v3;
	_ =	sdelay $0x4  }
0x1f1: {  	[tilespmem:v3+s30+$0x0] =	vst.idx.add.f32.msk $0xffff, v2  }
0x1f2: {  	v3 =	vld [tilespmem:$0x380]  }
0x1f3: {  	v45 =	vld [tilespmem:$0x780];
	_ =	sdelay $0x4  }
0x1f4: {  	vm7 =	veq.s32 v3, v45;
	v3 =	vand.u32 $0xFFFFFFC0, v45  }
0x1f5: {  	v46 =	vsel vm7, $0x40, v1;
	v3 =	vadd.s32 v45, v3  }
0x1f6: {  	v3 =	vadd.s32 v46, v3;
	_ =	sdelay $0x4  }
0x1f7: {  	[tilespmem:v3+s30+$0x0] =	vst.idx.add.f32.msk $0xffff, v2  }
0x1f8: {  	v3 =	vld [tilespmem:$0x390]  }
0x1f9: {  	v47 =	vld [tilespmem:$0x790];
	_ =	sdelay $0x4  }
0x1fa: {  	vm8 =	veq.s32 v3, v47;
	v3 =	vand.u32 $0xFFFFFFC0, v47  }
0x1fb: {  	v48 =	vsel vm8, $0x40, v1;
	v3 =	vadd.s32 v47, v3  }
0x1fc: {  	v3 =	vadd.s32 v48, v3;
	_ =	sdelay $0x4  }
0x1fd: {  	[tilespmem:v3+s30+$0x0] =	vst.idx.add.f32.msk $0xffff, v2  }
0x1fe: {  	v3 =	vld [tilespmem:$0x3A0]  }
0x1ff: {  	v49 =	vld [tilespmem:$0x7A0];
	_ =	sdelay $0x4  }
0x200: {  	vm9 =	veq.s32 v3, v49;
	v3 =	vand.u32 $0xFFFFFFC0, v49  }
0x201: {  	v50 =	vsel vm9, $0x40, v1;
	v3 =	vadd.s32 v49, v3  }
0x202: {  	v3 =	vadd.s32 v50, v3;
	_ =	sdelay $0x4  }
0x203: {  	[tilespmem:v3+s30+$0x0] =	vst.idx.add.f32.msk $0xffff, v2  }
0x204: {  	v3 =	vld [tilespmem:$0x3B0]  }
0x205: {  	v51 =	vld [tilespmem:$0x7B0];
	_ =	sdelay $0x4  }
0x206: {  	vm10 =	veq.s32 v3, v51;
	v3 =	vand.u32 $0xFFFFFFC0, v51  }
0x207: {  	v52 =	vsel vm10, $0x40, v1;
	v3 =	vadd.s32 v51, v3  }
0x208: {  	v3 =	vadd.s32 v52, v3;
	_ =	sdelay $0x4  }
0x209: {  	[tilespmem:v3+s30+$0x0] =	vst.idx.add.f32.msk $0xffff, v2  }
0x20a: {  	v3 =	vld [tilespmem:$0x3C0]  }
0x20b: {  	v53 =	vld [tilespmem:$0x7C0];
	_ =	sdelay $0x4  }
0x20c: {  	vm11 =	veq.s32 v3, v53;
	v3 =	vand.u32 $0xFFFFFFC0, v53  }
0x20d: {  	v54 =	vsel vm11, $0x40, v1;
	v3 =	vadd.s32 v53, v3  }
0x20e: {  	v3 =	vadd.s32 v54, v3;
	_ =	sdelay $0x4  }
0x20f: {  	[tilespmem:v3+s30+$0x0] =	vst.idx.add.f32.msk $0xffff, v2  }
0x210: {  	v3 =	vld [tilespmem:$0x3D0]  }
0x211: {  	v55 =	vld [tilespmem:$0x7D0];
	_ =	sdelay $0x4  }
0x212: {  	vm12 =	veq.s32 v3, v55;
	v3 =	vand.u32 $0xFFFFFFC0, v55  }
0x213: {  	v56 =	vsel vm12, $0x40, v1;
	v3 =	vadd.s32 v55, v3  }
0x214: {  	v3 =	vadd.s32 v56, v3;
	_ =	sdelay $0x4  }
0x215: {  	[tilespmem:v3+s30+$0x0] =	vst.idx.add.f32.msk $0xffff, v2  }
0x216: {  	v3 =	vld [tilespmem:$0x3E0]  }
0x217: {  	v57 =	vld [tilespmem:$0x7E0];
	_ =	sdelay $0x4  }
0x218: {  	vm13 =	veq.s32 v3, v57;
	v3 =	vand.u32 $0xFFFFFFC0, v57  }
0x219: {  	v58 =	vsel vm13, $0x40, v1;
	v3 =	vadd.s32 v57, v3  }
0x21a: {  	v3 =	vadd.s32 v58, v3;
	_ =	sdelay $0x4  }
0x21b: {  	[tilespmem:v3+s30+$0x0] =	vst.idx.add.f32.msk $0xffff, v2  }
0x21c: {  	v3 =	vld [tilespmem:$0x3F0]  }
0x21d: {  	v59 =	vld [tilespmem:$0x7F0];
	_ =	sdelay $0x4  }
0x21e: {  	vm14 =	veq.s32 v3, v59;
	v3 =	vand.u32 $0xFFFFFFC0, v59  }
0x21f: {  	v60 =	vsel vm14, $0x40, v1;
	v3 =	vadd.s32 v59, v3  }
0x220: {  	v3 =	vadd.s32 v60, v3;
	_ =	sdelay $0x4  }
0x221: {  	[tilespmem:v3+s30+$0x0] =	vst.idx.add.f32.msk $0xffff, v2  }
0x222: {  	[hbm4b:s6+s2] =	stream.linear.scatter [tilespmem:s30], [sflag:$0x1], $0x80, $0x38;
	[tilespmem:$0x2100] =	vst v63  }
0x223: {  	s28 =	simm.s32 $0x880  }
0x224: {  	[hbm4b:s8+s2] =	stream.linear.scatter [tilespmem:s28], [sflag:$0x1], $0x80, $0x38;
	[tilespmem:$0x2100] =	vst v63  }
0x225: {  	s28 =	simm.s32 $0x900  }
0x226: {  	[hbm4b:s9+s2] =	stream.linear.scatter [tilespmem:s28], [sflag:$0x1], $0x80, $0x38;
	[tilespmem:$0x2100] =	vst v63  }
0x227: {  	s28 =	simm.s32 $0x980  }
0x228: {  	[hbm4b:s10+s2] =	stream.linear.scatter [tilespmem:s28], [sflag:$0x1], $0x80, $0x38;
	[tilespmem:$0x2100] =	vst v63  }
0x229: {  	s28 =	simm.s32 $0xA00  }
0x22a: {  	[hbm4b:s11+s2] =	stream.linear.scatter [tilespmem:s28], [sflag:$0x1], $0x80, $0x38;
	[tilespmem:$0x2100] =	vst v63  }
0x22b: {  	s28 =	simm.s32 $0xA80  }
0x22c: {  	[hbm4b:s12+s2] =	stream.linear.scatter [tilespmem:s28], [sflag:$0x1], $0x80, $0x38;
	[tilespmem:$0x2100] =	vst v63  }
0x22d: {  	s28 =	simm.s32 $0xB00  }
0x22e: {  	[hbm4b:s13+s2] =	stream.linear.scatter [tilespmem:s28], [sflag:$0x1], $0x80, $0x38;
	[tilespmem:$0x2100] =	vst v63  }
0x22f: {  	s28 =	simm.s32 $0xB80  }
0x230: {  	[hbm4b:s14+s2] =	stream.linear.scatter [tilespmem:s28], [sflag:$0x1], $0x80, $0x38;
	[tilespmem:$0x2100] =	vst v63  }
0x231: {  	s28 =	simm.s32 $0xC00  }
0x232: {  	[hbm4b:s15+s2] =	stream.linear.scatter [tilespmem:s28], [sflag:$0x1], $0x80, $0x38;
	[tilespmem:$0x2100] =	vst v63  }
0x233: {  	s28 =	simm.s32 $0xC80  }
0x234: {  	[hbm4b:s16+s2] =	stream.linear.scatter [tilespmem:s28], [sflag:$0x1], $0x80, $0x38;
	[tilespmem:$0x2100] =	vst v63  }
0x235: {  	s28 =	simm.s32 $0xD00  }
0x236: {  	[hbm4b:s17+s2] =	stream.linear.scatter [tilespmem:s28], [sflag:$0x1], $0x80, $0x38;
	[tilespmem:$0x2100] =	vst v63  }
0x237: {  	s28 =	simm.s32 $0xD80  }
0x238: {  	[hbm4b:s18+s2] =	stream.linear.scatter [tilespmem:s28], [sflag:$0x1], $0x80, $0x38;
	[tilespmem:$0x2100] =	vst v63  }
0x239: {  	s28 =	simm.s32 $0xE00  }
0x23a: {  	[hbm4b:s19+s2] =	stream.linear.scatter [tilespmem:s28], [sflag:$0x1], $0x80, $0x38;
	[tilespmem:$0x2100] =	vst v63  }
0x23b: {  	s28 =	simm.s32 $0xE80  }
0x23c: {  	[hbm4b:s20+s2] =	stream.linear.scatter [tilespmem:s28], [sflag:$0x1], $0x80, $0x38;
	[tilespmem:$0x2100] =	vst v63  }
0x23d: {  	s28 =	simm.s32 $0xF00  }
0x23e: {  	[hbm4b:s22+s2] =	stream.linear.scatter [tilespmem:s28], [sflag:$0x1], $0x80, $0x38;
	[tilespmem:$0x2100] =	vst v63  }
0x23f: {  	s28 =	simm.s32 $0xF80  }
0x240: {  	[hbm4b:s23+s2] =	stream.linear.scatter [tilespmem:s28], [sflag:$0x1], $0x80, $0x38;
	[tilespmem:$0x2100] =	vst v63  }
0x241: {  	_ =	swait.ge [sflag:s29], $0x80  }
0x242: {  	[sflag:s29] =	ssyncset.done $0x0  }
0x243: {  	[sflag:s29] =	ssyncadd.s32 $0xFFFFFF80  }
0x244: {  	_ =	swait.ge [sflag:s29], $0x80  }
0x245: {  	[sflag:s29] =	ssyncset.done $0x0  }
0x246: {  	[sflag:s29] =	ssyncadd.s32 $0xFFFFFF80  }
0x247: {  	_ =	swait.ge [sflag:s29], $0x80  }
0x248: {  	[sflag:s29] =	ssyncset.done $0x0  }
0x249: {  	[sflag:s29] =	ssyncadd.s32 $0xFFFFFF80  }
0x24a: {  	_ =	swait.ge [sflag:s29], $0x80  }
0x24b: {  	[sflag:s29] =	ssyncset.done $0x0  }
0x24c: {  	[sflag:s29] =	ssyncadd.s32 $0xFFFFFF80  }
0x24d: {  	_ =	swait.ge [sflag:s29], $0x80  }
0x24e: {  	[sflag:s29] =	ssyncset.done $0x0  }
0x24f: {  	[sflag:s29] =	ssyncadd.s32 $0xFFFFFF80  }
0x250: {  	_ =	swait.ge [sflag:s29], $0x80  }
0x251: {  	[sflag:s29] =	ssyncset.done $0x0  }
0x252: {  	[sflag:s29] =	ssyncadd.s32 $0xFFFFFF80  }
0x253: {  	_ =	swait.ge [sflag:s29], $0x80  }
0x254: {  	[sflag:s29] =	ssyncset.done $0x0  }
0x255: {  	[sflag:s29] =	ssyncadd.s32 $0xFFFFFF80  }
0x256: {  	_ =	swait.ge [sflag:s29], $0x80  }
0x257: {  	[sflag:s29] =	ssyncset.done $0x0  }
0x258: {  	[sflag:s29] =	ssyncadd.s32 $0xFFFFFF80  }
0x259: {  	_ =	swait.ge [sflag:s29], $0x80  }
0x25a: {  	[sflag:s29] =	ssyncset.done $0x0  }
0x25b: {  	[sflag:s29] =	ssyncadd.s32 $0xFFFFFF80  }
0x25c: {  	_ =	swait.ge [sflag:s29], $0x80  }
0x25d: {  	[sflag:s29] =	ssyncset.done $0x0  }
0x25e: {  	[sflag:s29] =	ssyncadd.s32 $0xFFFFFF80  }
0x25f: {  	_ =	swait.ge [sflag:s29], $0x80  }
0x260: {  	[sflag:s29] =	ssyncset.done $0x0  }
0x261: {  	[sflag:s29] =	ssyncadd.s32 $0xFFFFFF80  }
0x262: {  	_ =	swait.ge [sflag:s29], $0x80  }
0x263: {  	[sflag:s29] =	ssyncset.done $0x0  }
0x264: {  	[sflag:s29] =	ssyncadd.s32 $0xFFFFFF80  }
0x265: {  	_ =	swait.ge [sflag:s29], $0x80  }
0x266: {  	[sflag:s29] =	ssyncset.done $0x0  }
0x267: {  	[sflag:s29] =	ssyncadd.s32 $0xFFFFFF80  }
0x268: {  	_ =	swait.ge [sflag:s29], $0x80  }
0x269: {  	[sflag:s29] =	ssyncset.done $0x0  }
0x26a: {  	[sflag:s29] =	ssyncadd.s32 $0xFFFFFF80  }
0x26b: {  	_ =	swait.ge [sflag:s29], $0x80  }
0x26c: {  	[sflag:s29] =	ssyncset.done $0x0  }
0x26d: {  	[sflag:s29] =	ssyncadd.s32 $0xFFFFFF80  }
0x26e: {  	_ =	swait.ge [sflag:s29], $0x80  }
0x26f: {  	[sflag:s29] =	ssyncset.done $0x0  }
0x270: {  	[sflag:s29] =	ssyncadd.s32 $0xFFFFFF80  }
0x271: {  	s28 =	simm.s32 $0x1000;
	[bflag:$0x0] =	sbarrier.arrive $0xFFFF  }
0x272: {  	[tilespmem:s28], [sflag:$0x1] =	stream.linear.gather [hbm4b:s21+s2], $0x400, $0x38;
	[tilespmem:$0x2100] =	vst v63  }
0x273: {  	_ = 	snop  }
0x274: {  	[tilespmem:s0], [sflag:$0x1] =	stream.linear.gather [hbm4b:s26+s2], $0x400, $0x38;
	[tilespmem:$0x2100] =	vst v63  }
0x275: {  	_ =	swait.ge [sflag:s29], $0x400  }
0x276: {  	[sflag:s29] =	ssyncset.done $0x0  }
0x277: {  	[sflag:s29] =	ssyncadd.s32 $0xFFFFFC00  }
0x278: {  	v3 =	vld [tilespmem:$0x1000]  }
0x279: {  	v4 =	vld [tilespmem:$0x1040]  }
0x27a: {  	v5 =	vld [tilespmem:$0x1080]  }
0x27b: {  	v6 =	vld [tilespmem:$0x10C0]  }
0x27c: {  	v7 =	vld [tilespmem:$0x1100]  }
0x27d: {  	v8 =	vld [tilespmem:$0x1140]  }
0x27e: {  	v9 =	vld [tilespmem:$0x1180]  }
0x27f: {  	v10 =	vld [tilespmem:$0x11C0]  }
0x280: {  	v11 =	vld [tilespmem:$0x1200]  }
0x281: {  	v12 =	vld [tilespmem:$0x1240]  }
0x282: {  	v13 =	vld [tilespmem:$0x1280]  }
0x283: {  	v14 =	vld [tilespmem:$0x12C0]  }
0x284: {  	v15 =	vld [tilespmem:$0x1300]  }
0x285: {  	v16 =	vld [tilespmem:$0x1340]  }
0x286: {  	v17 =	vld [tilespmem:$0x1380]  }
0x287: {  	v18 =	vld [tilespmem:$0x13C0]  }
0x288: {  	v19 =	vld [tilespmem:$0x1010]  }
0x289: {  	v20 =	vld [tilespmem:$0x1050]  }
0x28a: {  	v21 =	vld [tilespmem:$0x1090]  }
0x28b: {  	v22 =	vld [tilespmem:$0x10D0]  }
0x28c: {  	v23 =	vld [tilespmem:$0x1110]  }
0x28d: {  	v24 =	vld [tilespmem:$0x1150]  }
0x28e: {  	v25 =	vld [tilespmem:$0x1190]  }
0x28f: {  	v26 =	vld [tilespmem:$0x11D0]  }
0x290: {  	v27 =	vld [tilespmem:$0x1210]  }
0x291: {  	v28 =	vld [tilespmem:$0x1250]  }
0x292: {  	v29 =	vld [tilespmem:$0x1290]  }
0x293: {  	v30 =	vld [tilespmem:$0x12D0]  }
0x294: {  	v31 =	vld [tilespmem:$0x1310]  }
0x295: {  	v32 =	vld [tilespmem:$0x1350]  }
0x296: {  	v33 =	vld [tilespmem:$0x1390]  }
0x297: {  	v34 =	vld [tilespmem:$0x13D0]  }
0x298: {  	v35 =	vld [tilespmem:$0x1020]  }
0x299: {  	v36 =	vld [tilespmem:$0x1060]  }
0x29a: {  	v37 =	vld [tilespmem:$0x10A0]  }
0x29b: {  	v38 =	vld [tilespmem:$0x10E0]  }
0x29c: {  	v39 =	vld [tilespmem:$0x1120]  }
0x29d: {  	v40 =	vld [tilespmem:$0x1160]  }
0x29e: {  	v41 =	vld [tilespmem:$0x11A0]  }
0x29f: {  	v42 =	vld [tilespmem:$0x11E0]  }
0x2a0: {  	v45 =	vld [tilespmem:$0x1220]  }
0x2a1: {  	v47 =	vld [tilespmem:$0x1260]  }
0x2a2: {  	v48 =	vld [tilespmem:$0x12A0]  }
0x2a3: {  	v50 =	vld [tilespmem:$0x12E0]  }
0x2a4: {  	v43 =	vld [tilespmem:$0x1320]  }
0x2a5: {  	v61 =	vld [tilespmem:$0x1360]  }
0x2a6: {  	v62 =	vld [tilespmem:$0x13A0]  }
0x2a7: {  	v63 =	vld [tilespmem:$0x13E0]  }
0x2a8: {  	v51 =	vld [tilespmem:$0x1030]  }
0x2a9: {  	v52 =	vld [tilespmem:$0x1070]  }
0x2aa: {  	v53 =	vld [tilespmem:$0x10B0]  }
0x2ab: {  	v54 =	vld [tilespmem:$0x10F0]  }
0x2ac: {  	v46 =	vld [tilespmem:$0x13B0]  }
0x2ad: {  	v55 =	vld [tilespmem:$0x1130]  }
0x2ae: {  	v56 =	vld [tilespmem:$0x1170]  }
0x2af: {  	v57 =	vld [tilespmem:$0x11B0]  }
0x2b0: {  	v58 =	vld [tilespmem:$0x11F0]  }
0x2b1: {  	[tilespmem:$0x1FFE0] =	vst v46;
	v46 =	vld [tilespmem:$0x13F0]  }
0x2b2: {  	v59 =	vld [tilespmem:$0x1230];
	[tilespmem:$0x1FFA0] =	vst v43  }
0x2b3: {  	v60 =	vld [tilespmem:$0x1270];
	[tilespmem:$0x1FFB0] =	vst v61  }
0x2b4: {  	v49 =	vld [tilespmem:$0x1370];
	[tilespmem:$0x1FFC0] =	vst v62  }
0x2b5: {  	[tilespmem:$0x1FFD0] =	vst v63;
	v61 =	vld [tilespmem:$0x12B0]  }
0x2b6: {  	v62 =	vld [tilespmem:$0x12F0];
	[tilespmem:$0x1FFF0] =	vst v46  }
0x2b7: {  	v63 =	vld [tilespmem:$0x1330];
	_ =	swait.ge [sflag:s29], $0x400  }
0x2b8: {  	[sflag:s29] =	ssyncset.done $0x0  }
0x2b9: {  	[sflag:s29] =	ssyncadd.s32 $0xFFFFFC00  }
0x2ba: {  	v43 =	vld [tilespmem:$0x1400]  }
0x2bb: {  	v3 =	vadd.f32 $0.0e+00, v3;
	v44 =	vld [tilespmem:$0x1440]  }
0x2bc: {  	v4 =	vadd.f32 $0.0e+00, v4;
	v46 =	vld [tilespmem:$0x1480]  }
0x2bd: {  	v3 =	vadd.f32 v5, v3;
	v5 =	vld [tilespmem:$0x14C0]  }
0x2be: {  	v4 =	vadd.f32 v6, v4;
	v6 =	vld [tilespmem:$0x1500]  }
0x2bf: {  	v3 =	vadd.f32 v7, v3;
	v7 =	vadd.f32 $0.0e+00, v19;
	v19 =	vld [tilespmem:$0x1540]  }
0x2c0: {  	v4 =	vadd.f32 v8, v4;
	v8 =	vadd.f32 $0.0e+00, v20;
	v20 =	vld [tilespmem:$0x1580]  }
0x2c1: {  	v3 =	vadd.f32 v9, v3;
	v9 =	vld [tilespmem:$0x15C0]  }
0x2c2: {  	v4 =	vadd.f32 v10, v4;
	v10 =	vld [tilespmem:$0x1600]  }
0x2c3: {  	v3 =	vadd.f32 v11, v3;
	v11 =	vld [tilespmem:$0x1640]  }
0x2c4: {  	v8 =	vadd.f32 v22, v8;
	v4 =	vadd.f32 v12, v4;
	v12 =	vld [tilespmem:$0x1680]  }
0x2c5: {  	v35 =	vadd.f32 $0.0e+00, v35;
	v36 =	vadd.f32 $0.0e+00, v36;
	v22 =	vld [tilespmem:$0x1450]  }
0x2c6: {  	v7 =	vadd.f32 v21, v7;
	v8 =	vadd.f32 v24, v8;
	v24 =	vld [tilespmem:$0x1490]  }
0x2c7: {  	v21 =	vadd.f32 v37, v35;
	v35 =	vld [tilespmem:$0x16D0]  }
0x2c8: {  	v7 =	vadd.f32 v23, v7;
	v23 =	vadd.f32 v38, v36;
	v36 =	vld [tilespmem:$0x1710]  }
0x2c9: {  	v37 =	vld [tilespmem:$0x1750]  }
0x2ca: {  	v38 =	vld [tilespmem:$0x1790]  }
0x2cb: {  	v21 =	vadd.f32 v39, v21;
	v39 =	vadd.f32 $0.0e+00, v51;
	v51 =	vld [tilespmem:$0x14A0]  }
0x2cc: {  	v3 =	vadd.f32 v13, v3;
	v13 =	vld [tilespmem:$0x16C0]  }
0x2cd: {  	v4 =	vadd.f32 v14, v4;
	v14 =	vld [tilespmem:$0x1700]  }
0x2ce: {  	v7 =	vadd.f32 v25, v7;
	v25 =	vld [tilespmem:$0x14D0]  }
0x2cf: {  	v8 =	vadd.f32 v26, v8;
	v26 =	vld [tilespmem:$0x1510]  }
0x2d0: {  	v23 =	vadd.f32 v40, v23;
	v21 =	vadd.f32 v41, v21;
	v41 =	vld [tilespmem:$0x1FFA0]  }
0x2d1: {  	v40 =	vadd.f32 $0.0e+00, v52;
	v52 =	vld [tilespmem:$0x1FFE0];
	v3 =	vadd.f32 v15, v3  }
0x2d2: {  	v7 =	vadd.f32 v27, v7;
	v15 =	vld [tilespmem:$0x1740];
	v4 =	vadd.f32 v16, v4  }
0x2d3: {  	v8 =	vadd.f32 v28, v8;
	v16 =	vld [tilespmem:$0x1780];
	v27 =	vadd.f32 v53, v39  }
0x2d4: {  	v28 =	vld [tilespmem:$0x1550];
	v23 =	vadd.f32 v42, v23;
	v21 =	vadd.f32 v45, v21  }
0x2d5: {  	v42 =	vld [tilespmem:$0x1FFB0];
	v3 =	vadd.f32 v17, v3;
	v7 =	vadd.f32 v29, v7  }
0x2d6: {  	v45 =	vld [tilespmem:$0x1FFC0];
	v4 =	vadd.f32 v18, v4;
	v8 =	vadd.f32 v30, v8  }
0x2d7: {  	v39 =	vld [tilespmem:$0x17D0];
	v29 =	vadd.f32 v54, v40;
	v27 =	vadd.f32 v55, v27  }
0x2d8: {  	v53 =	vld [tilespmem:$0x14E0];
	v23 =	vadd.f32 v47, v23;
	v21 =	vadd.f32 v48, v21  }
0x2d9: {  	v17 =	vld [tilespmem:$0x17C0];
	v7 =	vadd.f32 v31, v7;
	v8 =	vadd.f32 v32, v8  }
0x2da: {  	v18 =	vld [tilespmem:$0x1410];
	v29 =	vadd.f32 v56, v29;
	v27 =	vadd.f32 v57, v27  }
0x2db: {  	v30 =	vld [tilespmem:$0x1590];
	v23 =	vadd.f32 v50, v23;
	v21 =	vadd.f32 v41, v21  }
0x2dc: {  	v47 =	vld [tilespmem:$0x1FFD0];
	v3 =	vadd.f32 v43, v3;
	v4 =	vadd.f32 v44, v4  }
0x2dd: {  	v48 =	vld [tilespmem:$0x1420];
	v7 =	vadd.f32 v33, v7;
	v8 =	vadd.f32 v34, v8  }
0x2de: {  	v54 =	vld [tilespmem:$0x1FFF0];
	v29 =	vadd.f32 v58, v29;
	v27 =	vadd.f32 v59, v27  }
0x2df: {  	v55 =	vld [tilespmem:$0x1520];
	v23 =	vadd.f32 v42, v23;
	v21 =	vadd.f32 v45, v21  }
0x2e0: {  	v40 =	vld [tilespmem:$0x14F0];
	v3 =	vadd.f32 v46, v3;
	v4 =	vadd.f32 v5, v4  }
0x2e1: {  	v31 =	vld [tilespmem:$0x15D0];
	v29 =	vadd.f32 v60, v29;
	v27 =	vadd.f32 v61, v27  }
0x2e2: {  	v32 =	vld [tilespmem:$0x1610];
	v23 =	vadd.f32 v47, v23;
	v3 =	vadd.f32 v6, v3  }
0x2e3: {  	v50 =	vld [tilespmem:$0x1460];
	v56 =	vadd.f32 v18, v7;
	v4 =	vadd.f32 v19, v4  }
0x2e4: {  	v57 =	vld [tilespmem:$0x1560];
	v8 =	vadd.f32 v22, v8;
	v29 =	vadd.f32 v62, v29  }
0x2e5: {  	v41 =	vld [tilespmem:$0x1530];
	v27 =	vadd.f32 v63, v27;
	v3 =	vadd.f32 v20, v3  }
0x2e6: {  	v43 =	vld [tilespmem:$0x15B0];
	v6 =	vadd.f32 v24, v56;
	v4 =	vadd.f32 v9, v4  }
0x2e7: {  	v44 =	vld [tilespmem:$0x15F0];
	v8 =	vadd.f32 v25, v8;
	v29 =	vadd.f32 v49, v29  }
0x2e8: {  	v33 =	vld [tilespmem:$0x1650];
	v27 =	vadd.f32 v52, v27;
	v3 =	vadd.f32 v10, v3  }
0x2e9: {  	v34 =	vld [tilespmem:$0x1690];
	v6 =	vadd.f32 v26, v6;
	v4 =	vadd.f32 v11, v4  }
0x2ea: {  	v58 =	vld [tilespmem:$0x15A0];
	v8 =	vadd.f32 v28, v8;
	v29 =	vadd.f32 v54, v29  }
0x2eb: {  	v59 =	vld [tilespmem:$0x15E0];
	v3 =	vadd.f32 v12, v3;
	v6 =	vadd.f32 v30, v6  }
0x2ec: {  	v42 =	vld [tilespmem:$0x1570];
	v4 =	vadd.f32 v13, v4;
	v8 =	vadd.f32 v31, v8  }
0x2ed: {  	v46 =	vld [tilespmem:$0x1630];
	v3 =	vadd.f32 v14, v3;
	v6 =	vadd.f32 v32, v6  }
0x2ee: {  	v60 =	vld [tilespmem:$0x1620];
	v4 =	vadd.f32 v15, v4;
	v8 =	vadd.f32 v33, v8  }
0x2ef: {  	v33 =	vld [tilespmem:$0x1430];
	v3 =	vadd.f32 v16, v3;
	v6 =	vadd.f32 v34, v6  }
0x2f0: {  	v61 =	vld [tilespmem:$0x1660];
	v4 =	vadd.f32 v17, v4;
	v8 =	vadd.f32 v35, v8  }
0x2f1: {  	v34 =	vadd.f32 v48, v21;
	v35 =	vld [tilespmem:$0x1470];
	v6 =	vadd.f32 v36, v6  }
0x2f2: {  	v62 =	vld [tilespmem:$0x16A0];
	v8 =	vadd.f32 v37, v8;
	v36 =	vadd.f32 v50, v23  }
0x2f3: {  	v37 =	vld [tilespmem:$0x14B0];
	v20 =	vadd.f32 v51, v34;
	v3 =	vadd.f32 v4, v3  }
0x2f4: {  	v63 =	vld [tilespmem:$0x16E0];
	v17 =	vadd.f32 v33, v27;
	v6 =	vadd.f32 v38, v6  }
0x2f5: {  	v28 =	vld [tilespmem:$0x1720];
	v22 =	vadd.f32 v53, v36;
	v5 =	vadd.f32 v55, v20  }
0x2f6: {  	v52 =	vld [tilespmem:$0x1730];
	v8 =	vadd.f32 v39, v8;
	v21 =	vadd.f32 v35, v29  }
0x2f7: {  	v30 =	vld [tilespmem:$0x1760];
	v7 =	vadd.f32 v57, v22;
	v5 =	vadd.f32 v58, v5  }
0x2f8: {  	v31 =	vld [tilespmem:$0x17A0];
	v17 =	vadd.f32 v37, v17;
	v45 =	vadd.f32 v40, v21  }
0x2f9: {  	v48 =	vld [tilespmem:$0x1670];
	v6 =	vadd.f32 v8, v6;
	v7 =	vadd.f32 v59, v7  }
0x2fa: {  	v50 =	vld [tilespmem:$0x16B0];
	v47 =	vadd.f32 v41, v17;
	v49 =	vadd.f32 v42, v45  }
0x2fb: {  	v51 =	vld [tilespmem:$0x16F0];
	v5 =	vadd.f32 v60, v5;
	v7 =	vadd.f32 v61, v7  }
0x2fc: {  	v32 =	vld [tilespmem:$0x17E0];
	v9 =	vadd.f32 v43, v47;
	v10 =	vadd.f32 v44, v49  }
0x2fd: {  	v53 =	vld [tilespmem:$0x1770];
	v5 =	vadd.f32 v62, v5;
	v7 =	vadd.f32 v63, v7  }
0x2fe: {  	v54 =	vld [tilespmem:$0x17B0];
	v9 =	vadd.f32 v46, v9;
	v10 =	vadd.f32 v48, v10  }
0x2ff: {  	v55 =	vld [tilespmem:$0x17F0];
	v5 =	vadd.f32 v28, v5;
	v7 =	vadd.f32 v30, v7  }
0x300: {  	v9 =	vadd.f32 v50, v9;
	v10 =	vadd.f32 v51, v10  }
0x301: {  	vm15 =	vgt.f32 v3, $0.0e+00;
	v5 =	vadd.f32 v31, v5;
	v7 =	vadd.f32 v32, v7  }
0x302: {  	v3 =	vnsel vm15, $0x3F800000, v3;
	v9 =	vadd.f32 v52, v9;
	v10 =	vadd.f32 v53, v10  }
0x303: {  	(erf) = vrcp.f32 v3;
	v5 =	vadd.f32 v7, v5  }
0x304: {  	vm1 =	vgt.f32 v6, $0.0e+00;
	v3 =	vadd.f32 v54, v9;
	v56 =	vadd.f32 v55, v10  }
0x305: {  	v6 =	vnsel vm1, $0x3F800000, v6  }
0x306: {  	(erf) = vrcp.f32 v6;
	vm2 =	vgt.f32 v5, $0.0e+00;
	v3 =	vadd.f32 v56, v3  }
0x307: {  	v5 =	vnsel vm2, $0x3F800000, v5  }
0x308: {  	(erf) = vrcp.f32 v5;
	vm3 =	vgt.f32 v3, $0.0e+00  }
0x309: {  	v3 =	vnsel vm3, $0x3F800000, v3  }
0x30a: {  	(erf) = vrcp.f32 v3;
	_ =	sdelay $0x2  }
0x30b: {  	v3 =	vpop (erf)  }
0x30c: {  	v3 =	vmul.f32 v3, v4  }
0x30d: {  	v57 =	vpop (erf)  }
0x30e: {  	v4 =	vmul.f32 v57, v8;
	v3 =	vadd.f32 $0.0e+00, v3  }
0x30f: {  	v5 =	vpop (erf)  }
0x310: {  	v4 =	vnsel vm1, $0x0, v4;
	v3 =	vnsel vm15, $0x0, v3;
	v5 =	vmul.f32 v5, v7  }
0x311: {  	v58 =	vsel vm15, $0x3F800000, v0;
	v59 =	vsel vm1, $0x3F800000, v0;
	v3 =	vadd.f32 v4, v3;
	v60 =	vpop (erf)  }
0x312: {  	v6 =	vadd.f32 v59, v58;
	v5 =	vnsel vm2, $0x0, v5;
	v4 =	vmul.f32 v60, v56  }
0x313: {  	v61 =	vsel vm2, $0x3F800000, v0;
	v3 =	vadd.f32 v5, v3  }
0x314: {  	v62 =	vadd.f32 v61, v6;
	v4 =	vnsel vm3, $0x0, v4  }
0x315: {  	v63 =	vsel vm3, $0x3F800000, v0;
	v3 =	vadd.f32 v4, v3  }
0x316: {  	v4 =	vadd.f32 v63, v62  }
0x317: {  	[tilespmem:$0x1800] =	vst v3  }
.Ltmp3:
0x318: {  	[tilespmem:$0x1810] =	vst v4;
	(pc) =	sbr.rel .LBB2_4-.Ltmp3, $4  }
0x319: {  	[hbm4b:s24+s2] =	stream.linear.scatter [tilespmem:s3], [sflag:$0x2], $0x80, $0x38;
	[tilespmem:$0x2100] =	vst v63  }
0x31a: {  	_ =	swait.ge [sflag:s1], $0x80  }
0x31b: {  	[sflag:s1] =	ssyncset.done $0x0  }
0x31c: {  	[sflag:s1] =	ssyncadd.s32 $0xFFFFFF80  }
.LBB2_3:
0x31d: {  	[bflag:$0x0] =	sbarrier.arrive $0xFFFF  }
.LBB2_4:
.Ltmp4:
0x31e: {  	(pc) =	sbr.rel @p1 .LBB2_6-.Ltmp4, $2  }
0x31f: {  	_ =	sdelay $0x1  }
0x320: {  	[bflag:$0x0] =	sbarrier.arrive $0xFFFF;
	_ =	sdelay $0x1  }
0x321: {  	s28 =	simm.s32 $0x1880  }
0x322: {  	[tilespmem:s28], [sflag:$0x2] =	stream.linear.gather [hbm4b:s4+s2], $0x800, $0x38;
	[tilespmem:$0x2100] =	vst v63  }
0x323: {  	_ =	swait.ge [sflag:s1], $0x800  }
0x324: {  	[sflag:s1] =	ssyncset.done $0x0  }
0x325: {  	[sflag:s1] =	ssyncadd.s32 $0xFFFFF800  }
0x326: {  	v3 =	vld [tilespmem:$0x1880]  }
0x327: {  	v4 =	vld [tilespmem:$0x1890]  }
0x328: {  	v5 =	vld [tilespmem:$0x1900]  }
0x329: {  	v6 =	vld [tilespmem:$0x1910]  }
0x32a: {  	v7 =	vld [tilespmem:$0x1980]  }
0x32b: {  	v8 =	vld [tilespmem:$0x1990];
	v3 =	vadd.f32 $0.0e+00, v3  }
0x32c: {  	v9 =	vld [tilespmem:$0x1A00];
	v4 =	vadd.f32 $0.0e+00, v4  }
0x32d: {  	v39 =	vld [tilespmem:$0x1A10];
	v3 =	vadd.f32 v5, v3  }
0x32e: {  	v40 =	vld [tilespmem:$0x1A80];
	v4 =	vadd.f32 v6, v4  }
0x32f: {  	v41 =	vld [tilespmem:$0x1A90];
	v3 =	vadd.f32 v7, v3  }
0x330: {  	v42 =	vld [tilespmem:$0x1B00];
	v4 =	vadd.f32 v8, v4  }
0x331: {  	v43 =	vld [tilespmem:$0x1B10];
	v3 =	vadd.f32 v9, v3  }
0x332: {  	v44 =	vld [tilespmem:$0x1B80];
	v4 =	vadd.f32 v39, v4  }
0x333: {  	v45 =	vld [tilespmem:$0x1B90];
	v3 =	vadd.f32 v40, v3  }
0x334: {  	v46 =	vld [tilespmem:$0x1C00];
	v4 =	vadd.f32 v41, v4  }
0x335: {  	v47 =	vld [tilespmem:$0x1C10];
	v3 =	vadd.f32 v42, v3  }
0x336: {  	v48 =	vld [tilespmem:$0x1C80];
	v4 =	vadd.f32 v43, v4  }
0x337: {  	v49 =	vld [tilespmem:$0x1C90];
	v3 =	vadd.f32 v44, v3  }
0x338: {  	v50 =	vld [tilespmem:$0x1D00];
	v4 =	vadd.f32 v45, v4  }
0x339: {  	v51 =	vld [tilespmem:$0x1D10];
	v3 =	vadd.f32 v46, v3  }
0x33a: {  	v52 =	vld [tilespmem:$0x1D80];
	v4 =	vadd.f32 v47, v4  }
0x33b: {  	v53 =	vld [tilespmem:$0x1D90];
	v3 =	vadd.f32 v48, v3  }
0x33c: {  	v54 =	vld [tilespmem:$0x1E00];
	v4 =	vadd.f32 v49, v4  }
0x33d: {  	v55 =	vld [tilespmem:$0x1E10];
	v3 =	vadd.f32 v50, v3  }
0x33e: {  	v56 =	vld [tilespmem:$0x1E80];
	v4 =	vadd.f32 v51, v4  }
0x33f: {  	v57 =	vld [tilespmem:$0x1E90];
	v3 =	vadd.f32 v52, v3  }
0x340: {  	v58 =	vld [tilespmem:$0x1F00];
	v4 =	vadd.f32 v53, v4  }
0x341: {  	v59 =	vld [tilespmem:$0x1F10];
	v3 =	vadd.f32 v54, v3  }
0x342: {  	v60 =	vld [tilespmem:$0x1F80];
	v4 =	vadd.f32 v55, v4  }
0x343: {  	v61 =	vld [tilespmem:$0x1F90];
	v3 =	vadd.f32 v56, v3  }
0x344: {  	v62 =	vld [tilespmem:$0x2000];
	v4 =	vadd.f32 v57, v4  }
0x345: {  	v63 =	vld [tilespmem:$0x2010];
	v3 =	vadd.f32 v58, v3  }
0x346: {  	v4 =	vadd.f32 v59, v4  }
0x347: {  	v3 =	vadd.f32 v60, v3  }
0x348: {  	v4 =	vadd.f32 v61, v4  }
0x349: {  	v3 =	vadd.f32 v62, v3  }
0x34a: {  	v4 =	vadd.f32 v63, v4  }
0x34b: {  	(xrf2) =	vadd.scan.msk.f32 $0xffff, v3  }
0x34c: {  	(xrf2) =	vadd.scan.msk.f32 $0xffff, v4;
	_ =	sdelay $0x8  }
0x34d: {  	v3, _, _ =	vpop (xrf2)  }
0x34e: {  	v4, _, _ =	vpop (xrf2)  }
0x34f: {  	v4 =	vbroadcast v4, $0xF;
	_ =	sdelay $0x1  }
0x350: {  	(erf) = vrcp.f32 v4;
	_ =	sdelay $0x7  }
0x351: {  	v3 =	vbroadcast v3, $0xF  }
0x352: {  	v4 =	vpop (erf)  }
0x353: {  	v3 =	vmul.f32 v4, v3;
	_ =	sdelay $0x1  }
.Ltmp5:
0x354: {  	s28 =	rddreg [dreg:$0x2];
	[tilespmem:$0x2080] =	vst v3;
	(pc) =	sbr.rel .LBB2_6-.Ltmp5, $4  }
0x355: {  	[hbm4b:s28+s2] =	stream.linear.scatter [tilespmem:s31], [sflag:$0x2], $0x80, $0x38;
	[tilespmem:$0x2100] =	vst v63  }
0x356: {  	_ =	swait.ge [sflag:s1], $0x80  }
0x357: {  	[sflag:s1] =	ssyncset.done $0x0  }
0x358: {  	[sflag:s1] =	ssyncadd.s32 $0xFFFFFF80  }
.LBB2_7:
0x359: {  	_ =	sfence.sel $0x180000  }
0x35a: {  	[bflag:$0x0] =	sbarrier.arrive $0xFFFF  }
0x35b: {  	_ =	strace $0x90000047  }
0x35c: {  	s0 =	stileid.u32;
	[bflag:$0x2] =	sbarrier.arrive $0xFFFF  }
0x35d: {  	p0 =	sne.s32 s0, $0x0;
	s0 =	rddreg [dreg:$0x4]  }
0x35e: {  	s0 =	sadd.s32 @!p0 $0x100000, s0  }
0x35f: {  	[sflag:s0] =	ssyncadd.tile.s32 @!p0 $0x1;
	_ =	shalt  }
.Lfunc_end2:
_tile_overlayer_lowered:
.L_overlay_start_2:
0x360: {  	(tag) =	ssettag $0x2  }
0x361: {  	s0 =	rddreg [dreg:$0x0];
	s2 =	stileid.u32  }
0x362: {  	s1 =	rddreg [dreg:$0x1];
	p0 =	sne.s32 s2, $0x0  }
0x363: {  	s3 =	rddreg [dreg:$0x2];
	[bflag:$0x3] =	sbarrier.arrive $0xFFFF;
	s2 =	simm.s32 @!p0 $0x1C02  }
0x364: {  	[timem:s3], [sflag:s2] =	dma.local @!p0 [hbm:s0], s1  }
0x365: {  	s0 =	simm.s32 @!p0 $0x2  }
0x366: {  	_ =	swait.ge @!p0 [sflag:s0], s1  }
0x367: {  	s1 =	ssub.s32 @!p0 $0x0, s1;
	[sflag:s0] =	ssyncset.done @!p0 $0x0  }
0x368: {  	[sflag:s0] =	ssyncadd.s32 @!p0 s1  }
0x369: {  	[bflag:$0x3] =	sbarrier.arrive $0xFFFF  }
0x36a: {  	_ =	shalt  }

</sc_bundles>
